<compile_context>
chip_gen: v7x
topology: tpu7x:2x2x1
jax: 0.10.2.dev20260603
libtpu: 0.0.44.dev20260713+nightly
codegen_flags: <defaults>
</compile_context>

<pallas_src>
import functools
import jax
import jax.numpy as jnp
from jax import lax
from jax.experimental import pallas as pl
from jax.experimental.pallas import tpu as pltpu
from jax.experimental.pallas import tpu_sc as plsc

E = 5
H = 384
OUT = 256
B = 128
P = 10
T = 32
F = 15
PT = P * T
RF = P * F
TP = 32
NB = B // TP
TW = 16
NWU = B // TW


def _ln(x, g, b, eps=1e-5):
    m = x.mean(axis=-1, keepdims=True)
    v = ((x - m) ** 2).mean(axis=-1, keepdims=True)
    return (x - m) / jnp.sqrt(v + eps) * g + b


def _router_body(rf_ref, u_ref, rW1, rb1, rg1, rB1, rW2, rb2, rg2, rB2,
                 rW3, rb3, sc_ref):
    hp = jax.lax.Precision.DEFAULT
    h = jnp.dot(rf_ref[...], rW1[...], precision=hp,
                preferred_element_type=jnp.float32) + rb1[...]
    h = jax.nn.relu(_ln(h, rg1[...], rB1[...]))
    h = jnp.dot(h, rW2[...], precision=hp,
                preferred_element_type=jnp.float32) + rb2[...]
    h = jax.nn.relu(_ln(h, rg2[...], rB2[...]))
    logits = jnp.dot(h, rW3[...], precision=hp,
                     preferred_element_type=jnp.float32) + rb3[...]
    sc_ref[...] = (logits - jnp.log(-jnp.log(u_ref[...]))).T


def _sc_route(scoresT_hbm, idx_hbm, rwT_hbm, s_v, rw_v, idx_v):
    wid = lax.axis_index("s") * 2 + lax.axis_index("c")

    @pl.when(wid < NWU)
    def _():
        for e in range(E):
            pltpu.sync_copy(scoresT_hbm.at[e, pl.ds(wid * TW, TW)], s_v.at[e])
        m = s_v[0]
        bi = jnp.zeros((16,), jnp.int32)
        for e in range(1, E):
            v = s_v[e]
            upd = v > m
            m = jnp.where(upd, v, m)
            bi = jnp.where(upd, e, bi)
        idx_v[...] = bi
        for e in range(E):
            rw_v[e] = jnp.where(bi == e, 1.0, 0.0)
        pltpu.sync_copy(idx_v, idx_hbm.at[pl.ds(wid * TW, TW)])
        for e in range(E):
            pltpu.sync_copy(rw_v.at[e], rwT_hbm.at[e, pl.ds(wid * TW, TW)])


def _expert_body(rwb_ref, rwfull_ref, x_ref, eW1_ref, eb1_ref, eW2_ref,
                 eb2_ref, oW1_ref, ob1_ref, og_ref, oB_ref, oW2_ref, ob2_ref,
                 out_ref, pooled_s):
    i = pl.program_id(0)

    @pl.when(i < NB)
    def _dispatch():
        rwb = rwb_ref[0]
        for t in range(TP):
            w1 = rwb[t:t + 1, 0:1] * eW1_ref[0]
            b1 = rwb[t:t + 1, 0:1] * eb1_ref[0]
            for e in range(1, E):
                w1 = w1 + rwb[t:t + 1, e:e + 1] * eW1_ref[e]
                b1 = b1 + rwb[t:t + 1, e:e + 1] * eb1_ref[e]
            xb = x_ref[t].reshape(PT, F)
            h = jnp.dot(xb, w1, preferred_element_type=jnp.float32) + b1
            h = jax.nn.relu(h)
            pooled_s[i, t, :] = jnp.mean(h, axis=0)

    @pl.when(i == NB)
    def _combine():
        pooled = pooled_s[...].reshape(B, H)
        rw = rwfull_ref[...]
        z = jnp.dot(rw, eb2_ref[...], preferred_element_type=jnp.float32)
        for e in range(E):
            z = z + jnp.dot(pooled * rw[:, e:e + 1], eW2_ref[e],
                            preferred_element_type=jnp.float32)
        p1 = jnp.dot(z, oW1_ref[...], preferred_element_type=jnp.float32) + ob1_ref[...]
        p1 = jax.nn.relu(_ln(p1, og_ref[...], oB_ref[...]))
        out_ref[...] = jnp.dot(p1, oW2_ref[...],
                               preferred_element_type=jnp.float32) + ob2_ref[...]


def kernel(x, gumbel_u, rW1, rb1, rg1, rB1, rW2, rb2, rg2, rB2, rW3, rb3,
           eW1, eb1, eW2, eb2, oW1, ob1, og, oB, oW2, ob2):
    rf = x[:, :, 0, :].reshape(B, RF)
    eb1_r = eb1.reshape(E, 1, H)

    scores = pl.pallas_call(
        _router_body,
        out_shape=jax.ShapeDtypeStruct((E, B), jnp.float32),
    )(rf, gumbel_u, rW1, rb1, rg1, rB1, rW2, rb2, rg2, rB2, rW3, rb3)

    sc_route = functools.partial(
        pl.kernel,
        mesh=plsc.VectorSubcoreMesh(core_axis_name="c", subcore_axis_name="s"),
        out_type=[
            jax.ShapeDtypeStruct((B,), jnp.int32),
            jax.ShapeDtypeStruct((E, B), jnp.float32),
        ],
        scratch_types=[
            pltpu.VMEM((E, TW), jnp.float32),
            pltpu.VMEM((E, TW), jnp.float32),
            pltpu.VMEM((TW,), jnp.int32),
        ],
    )(_sc_route)
    idx, rwT = sc_route(scores)

    rw_flat = rwT.T.reshape(B * E)
    rw2 = rw_flat.reshape(B, E)
    rw3 = rw_flat.reshape(NB, TP, E)

    def const(*shape):
        zeros = (0,) * len(shape)
        return pl.BlockSpec(shape, lambda i, z=zeros: z)

    outputs = pl.pallas_call(
        _expert_body,
        grid=(NB + 1,),
        in_specs=[
            pl.BlockSpec((1, TP, E), lambda i: (jnp.clip(i, 0, NB - 1), 0, 0)),
            const(B, E),
            pl.BlockSpec((TP, P, T, F),
                         lambda i: (jnp.clip(i, 0, NB - 1), 0, 0, 0)),
            const(E, F, H), const(E, 1, H), const(E, H, H), const(E, H),
            const(H, H // 2), const(H // 2,), const(H // 2,), const(H // 2,),
            const(H // 2, OUT), const(OUT,),
        ],
        out_specs=const(B, OUT),
        out_shape=jax.ShapeDtypeStruct((B, OUT), jnp.float32),
        scratch_shapes=[pltpu.VMEM((NB, TP, H), jnp.float32)],
    )(rw3, rw2, x, eW1, eb1_r, eW2, eb2, oW1, ob1, og, oB, oW2, ob2)

    return (outputs, rw2, idx)

# --- scband reference (transcript-rebuilt; emitter-appended) ---
"""Pipeline reference for scband-tactic-expert-37529424233345 (READ-ONLY COPY).

The authoritative reference and input builder live on the scoring server;
editing this copy changes nothing except your own understanding.
"""

import jax, jax.numpy as jnp
import numpy as np

E = 5
H = 384
OUT = 256
TAU = 0.07


def _ln(x, g, b, eps=1e-5):
    m = x.mean(axis=-1, keepdims=True)
    v = x.var(axis=-1, keepdims=True)
    return (x - m) / jnp.sqrt(v + eps) * g + b


def setup_inputs(seed: int = 0) -> dict:
    key = jax.random.key(seed)
    ks = jax.random.split(key, 32)
    s = 0.02
    inp = {}
    inp['x'] = jax.random.normal(ks[0], (128, 10, 32, 15), jnp.float32)
    inp['gumbel_u'] = jax.random.uniform(ks[1], (128, 5), jnp.float32, minval=1e-6, maxval=1.0 - 1e-6)
    # router params (input_dim = 15*10 = 150)
    inp['rW1'] = jax.random.normal(ks[2], (150, H), jnp.float32) * s
    inp['rb1'] = jnp.zeros((H,), jnp.float32)
    inp['rg1'] = jnp.ones((H,), jnp.float32)
    inp['rB1'] = jnp.zeros((H,), jnp.float32)
    inp['rW2'] = jax.random.normal(ks[3], (H, H // 2), jnp.float32) * s
    inp['rb2'] = jnp.zeros((H // 2,), jnp.float32)
    inp['rg2'] = jnp.ones((H // 2,), jnp.float32)
    inp['rB2'] = jnp.zeros((H // 2,), jnp.float32)
    inp['rW3'] = jax.random.normal(ks[4], (H // 2, E), jnp.float32) * s
    inp['rb3'] = jnp.zeros((E,), jnp.float32)
    # expert (STEncoder) params: per-(player,timestep) MLP 15 -> H -> H
    inp['eW1'] = jax.random.normal(ks[5], (E, 15, H), jnp.float32) * s
    inp['eb1'] = jnp.zeros((E, H), jnp.float32)
    inp['eW2'] = jax.random.normal(ks[6], (E, H, H), jnp.float32) * s
    inp['eb2'] = jnp.zeros((E, H), jnp.float32)
    # output projection
    inp['oW1'] = jax.random.normal(ks[7], (H, H // 2), jnp.float32) * s
    inp['ob1'] = jnp.zeros((H // 2,), jnp.float32)
    inp['og'] = jnp.ones((H // 2,), jnp.float32)
    inp['oB'] = jnp.zeros((H // 2,), jnp.float32)
    inp['oW2'] = jax.random.normal(ks[8], (H // 2, OUT), jnp.float32) * s
    inp['ob2'] = jnp.zeros((OUT,), jnp.float32)
    return inp


def reference(x, gumbel_u, rW1, rb1, rg1, rB1, rW2, rb2, rg2, rB2, rW3, rb3,
              eW1, eb1, eW2, eb2, oW1, ob1, og, oB, oW2, ob2):
    B = x.shape[0]
    # routing features: x[:, :, 0, :] flattened -> [B, 150]
    rf = x[:, :, 0, :].reshape(B, -1)
    h = jax.nn.relu(_ln(rf @ rW1 + rb1, rg1, rB1))
    h = jax.nn.relu(_ln(h @ rW2 + rb2, rg2, rB2))
    logits = h @ rW3 + rb3
    # gumbel_softmax(hard=True) with straight-through estimator
    g = -jnp.log(-jnp.log(gumbel_u))
    y_soft = jax.nn.softmax((logits + g) / TAU, axis=-1)
    idx = jnp.argmax(y_soft, axis=-1)
    y_hard = jax.nn.one_hot(idx, E, dtype=y_soft.dtype)
    routing_weights = y_hard - jax.lax.stop_gradient(y_soft) + y_soft
    expert_index = jnp.argmax(routing_weights, axis=-1)
    # run every expert, pool over (players, time), project, then gather by routing index
    pooled = []
    for e in range(E):
        he = jax.nn.relu(jnp.einsum('bptf,fh->bpth', x, eW1[e]) + eb1[e])
        oe = jnp.einsum('bpth,hk->bptk', he, eW2[e]) + eb2[e]
        pooled.append(oe.mean(axis=(1, 2)))
    pooled = jnp.stack(pooled, axis=0)  # [E, B, H]
    p1 = jax.nn.relu(_ln(pooled @ oW1 + ob1, og, oB))
    oute = p1 @ oW2 + ob2  # [E, B, OUT]
    outputs = oute[expert_index, jnp.arange(B)]
    return (outputs, routing_weights, expert_index)

if __name__ == "__main__":
    import jax
    _d = setup_inputs()
    print(jax.jit(kernel)(*tuple(_d.values())))

</pallas_src>

<mosaic_0001>
#map = affine_map<(d0, d1) -> (0, 0)>
#map1 = affine_map<(d0, d1) -> (0)>
module attributes {stable_mosaic.version = 14 : i64} {
  func.func @_sc_route(%arg0: i32, %arg1: i32, %arg2: memref<5x128xf32, #tpu.memory_space<hbm>>, %arg3: memref<128xi32, #tpu.memory_space<hbm>>, %arg4: memref<5x128xf32, #tpu.memory_space<hbm>>, %arg5: memref<5x16xf32, #tpu.memory_space<vmem>>, %arg6: memref<5x16xf32, #tpu.memory_space<vmem>>, %arg7: memref<16xi32, #tpu.memory_space<vmem>>) attributes {dimension_semantics = [#tpu.dimension_semantics<core_parallel>, #tpu.dimension_semantics<subcore_parallel>], iteration_bounds = array<i64: 2, 16>, scalar_prefetch = 0 : i64, scratch_operands = 3 : i64, tpu.core_type = #tpu.core_type<sc_vector_subcore>, window_params = [{transform_indices = #map}, {transform_indices = #map1}, {transform_indices = #map}]} {
    %mul3A = arith.constant 2 : i32
    %mul3A_0 = arith.muli %arg1, %mul3A : i32
    %add3A = arith.addi %mul3A_0, %arg0 : i32
    %lt3A = arith.constant 8 : i32
    %lt3A_1 = arith.cmpi slt, %add3A, %lt3A : i32
    %convert_element_type3A = arith.extui %lt3A_1 : i1 to i32
    %cond3A = arith.constant 0 : i32
    %cond3A_2 = arith.cmpi ne, %convert_element_type3A, %cond3A : i32
    scf.if %cond3A_2 {
      %mul3A_3 = arith.constant 16 : i32
      %mul3A_4 = arith.muli %add3A, %mul3A_3 : i32
      %run_scoped3A = arith.constant 0 : i32
      %run_scoped3A_5 = arith.constant 0 : i32
      "tpu.region"() ({
        %run_scoped3A_158 = tpu.sem_alloc : memref<!tpu.dma_semaphore, #tpu.memory_space<semaphore_mem>>
        %dma_start3A = arith.constant 0 : i32
        %dma_start3A_159 = tpu.memref_slice %arg5[%run_scoped3A_5, %dma_start3A] : memref<5x16xf32, #tpu.memory_space<vmem>> -> memref<1x16xf32, #tpu.memory_space<vmem>>
        %dma_start3A_160 = tpu.memref_squeeze %dma_start3A_159 : memref<1x16xf32, #tpu.memory_space<vmem>> -> memref<16xf32, #tpu.memory_space<vmem>>
        %dma_start3A_161 = tpu.memref_slice %arg2[%run_scoped3A, %mul3A_4] : memref<5x128xf32, #tpu.memory_space<hbm>> -> memref<1x16xf32, #tpu.memory_space<hbm>>
        %dma_start3A_162 = tpu.memref_squeeze %dma_start3A_161 : memref<1x16xf32, #tpu.memory_space<hbm>> -> memref<16xf32, #tpu.memory_space<hbm>>
        %dma_start3A_163 = arith.constant 0 : i32
        %dma_start3A_164 = tpu.memref_slice %arg5[%run_scoped3A_5, %dma_start3A_163] : memref<5x16xf32, #tpu.memory_space<vmem>> -> memref<1x16xf32, #tpu.memory_space<vmem>>
        %dma_start3A_165 = tpu.memref_squeeze %dma_start3A_164 : memref<1x16xf32, #tpu.memory_space<vmem>> -> memref<16xf32, #tpu.memory_space<vmem>>
        %dma_start3A_166 = tpu.memref_slice %arg2[%run_scoped3A, %mul3A_4] : memref<5x128xf32, #tpu.memory_space<hbm>> -> memref<1x16xf32, #tpu.memory_space<hbm>>
        %dma_start3A_167 = tpu.memref_squeeze %dma_start3A_166 : memref<1x16xf32, #tpu.memory_space<hbm>> -> memref<16xf32, #tpu.memory_space<hbm>>
        tpu.enqueue_dma source(%dma_start3A_167 : memref<16xf32, #tpu.memory_space<hbm>>) target(%dma_start3A_165 : memref<16xf32, #tpu.memory_space<vmem>>) target_semaphore(%run_scoped3A_158 : memref<!tpu.dma_semaphore, #tpu.memory_space<semaphore_mem>>)
        %dma_wait3A = arith.constant 0 : i32
        %dma_wait3A_168 = tpu.memref_slice %arg5[%run_scoped3A_5, %dma_wait3A] : memref<5x16xf32, #tpu.memory_space<vmem>> -> memref<1x16xf32, #tpu.memory_space<vmem>>
        %dma_wait3A_169 = tpu.memref_squeeze %dma_wait3A_168 : memref<1x16xf32, #tpu.memory_space<vmem>> -> memref<16xf32, #tpu.memory_space<vmem>>
        %dma_wait3A_170 = tpu.memref_slice %arg2[%run_scoped3A, %mul3A_4] : memref<5x128xf32, #tpu.memory_space<hbm>> -> memref<1x16xf32, #tpu.memory_space<hbm>>
        %dma_wait3A_171 = tpu.memref_squeeze %dma_wait3A_170 : memref<1x16xf32, #tpu.memory_space<hbm>> -> memref<16xf32, #tpu.memory_space<hbm>>
        %dma_wait3A_172 = arith.constant 0 : i32
        %dma_wait3A_173 = tpu.memref_slice %arg5[%run_scoped3A_5, %dma_wait3A_172] : memref<5x16xf32, #tpu.memory_space<vmem>> -> memref<1x16xf32, #tpu.memory_space<vmem>>
        %dma_wait3A_174 = tpu.memref_squeeze %dma_wait3A_173 : memref<1x16xf32, #tpu.memory_space<vmem>> -> memref<16xf32, #tpu.memory_space<vmem>>
        %dma_wait3A_175 = tpu.memref_slice %arg2[%run_scoped3A, %mul3A_4] : memref<5x128xf32, #tpu.memory_space<hbm>> -> memref<1x16xf32, #tpu.memory_space<hbm>>
        %dma_wait3A_176 = tpu.memref_squeeze %dma_wait3A_175 : memref<1x16xf32, #tpu.memory_space<hbm>> -> memref<16xf32, #tpu.memory_space<hbm>>
        tpu.wait_dma2 semaphore(%run_scoped3A_158 : memref<!tpu.dma_semaphore, #tpu.memory_space<semaphore_mem>>) src(%dma_wait3A_176 : memref<16xf32, #tpu.memory_space<hbm>>) dst(%dma_wait3A_174 : memref<16xf32, #tpu.memory_space<vmem>>)
        tpu.yield
      }) : () -> ()
      %mul3A_6 = arith.constant 16 : i32
      %mul3A_7 = arith.muli %add3A, %mul3A_6 : i32
      %run_scoped3A_8 = arith.constant 1 : i32
      %run_scoped3A_9 = arith.constant 1 : i32
      "tpu.region"() ({
        %run_scoped3A_158 = tpu.sem_alloc : memref<!tpu.dma_semaphore, #tpu.memory_space<semaphore_mem>>
        %dma_start3A = arith.constant 0 : i32
        %dma_start3A_159 = tpu.memref_slice %arg5[%run_scoped3A_9, %dma_start3A] : memref<5x16xf32, #tpu.memory_space<vmem>> -> memref<1x16xf32, #tpu.memory_space<vmem>>
        %dma_start3A_160 = tpu.memref_squeeze %dma_start3A_159 : memref<1x16xf32, #tpu.memory_space<vmem>> -> memref<16xf32, #tpu.memory_space<vmem>>
        %dma_start3A_161 = tpu.memref_slice %arg2[%run_scoped3A_8, %mul3A_7] : memref<5x128xf32, #tpu.memory_space<hbm>> -> memref<1x16xf32, #tpu.memory_space<hbm>>
        %dma_start3A_162 = tpu.memref_squeeze %dma_start3A_161 : memref<1x16xf32, #tpu.memory_space<hbm>> -> memref<16xf32, #tpu.memory_space<hbm>>
        %dma_start3A_163 = arith.constant 0 : i32
        %dma_start3A_164 = tpu.memref_slice %arg5[%run_scoped3A_9, %dma_start3A_163] : memref<5x16xf32, #tpu.memory_space<vmem>> -> memref<1x16xf32, #tpu.memory_space<vmem>>
        %dma_start3A_165 = tpu.memref_squeeze %dma_start3A_164 : memref<1x16xf32, #tpu.memory_space<vmem>> -> memref<16xf32, #tpu.memory_space<vmem>>
        %dma_start3A_166 = tpu.memref_slice %arg2[%run_scoped3A_8, %mul3A_7] : memref<5x128xf32, #tpu.memory_space<hbm>> -> memref<1x16xf32, #tpu.memory_space<hbm>>
        %dma_start3A_167 = tpu.memref_squeeze %dma_start3A_166 : memref<1x16xf32, #tpu.memory_space<hbm>> -> memref<16xf32, #tpu.memory_space<hbm>>
        tpu.enqueue_dma source(%dma_start3A_167 : memref<16xf32, #tpu.memory_space<hbm>>) target(%dma_start3A_165 : memref<16xf32, #tpu.memory_space<vmem>>) target_semaphore(%run_scoped3A_158 : memref<!tpu.dma_semaphore, #tpu.memory_space<semaphore_mem>>)
        %dma_wait3A = arith.constant 0 : i32
        %dma_wait3A_168 = tpu.memref_slice %arg5[%run_scoped3A_9, %dma_wait3A] : memref<5x16xf32, #tpu.memory_space<vmem>> -> memref<1x16xf32, #tpu.memory_space<vmem>>
        %dma_wait3A_169 = tpu.memref_squeeze %dma_wait3A_168 : memref<1x16xf32, #tpu.memory_space<vmem>> -> memref<16xf32, #tpu.memory_space<vmem>>
        %dma_wait3A_170 = tpu.memref_slice %arg2[%run_scoped3A_8, %mul3A_7] : memref<5x128xf32, #tpu.memory_space<hbm>> -> memref<1x16xf32, #tpu.memory_space<hbm>>
        %dma_wait3A_171 = tpu.memref_squeeze %dma_wait3A_170 : memref<1x16xf32, #tpu.memory_space<hbm>> -> memref<16xf32, #tpu.memory_space<hbm>>
        %dma_wait3A_172 = arith.constant 0 : i32
        %dma_wait3A_173 = tpu.memref_slice %arg5[%run_scoped3A_9, %dma_wait3A_172] : memref<5x16xf32, #tpu.memory_space<vmem>> -> memref<1x16xf32, #tpu.memory_space<vmem>>
        %dma_wait3A_174 = tpu.memref_squeeze %dma_wait3A_173 : memref<1x16xf32, #tpu.memory_space<vmem>> -> memref<16xf32, #tpu.memory_space<vmem>>
        %dma_wait3A_175 = tpu.memref_slice %arg2[%run_scoped3A_8, %mul3A_7] : memref<5x128xf32, #tpu.memory_space<hbm>> -> memref<1x16xf32, #tpu.memory_space<hbm>>
        %dma_wait3A_176 = tpu.memref_squeeze %dma_wait3A_175 : memref<1x16xf32, #tpu.memory_space<hbm>> -> memref<16xf32, #tpu.memory_space<hbm>>
        tpu.wait_dma2 semaphore(%run_scoped3A_158 : memref<!tpu.dma_semaphore, #tpu.memory_space<semaphore_mem>>) src(%dma_wait3A_176 : memref<16xf32, #tpu.memory_space<hbm>>) dst(%dma_wait3A_174 : memref<16xf32, #tpu.memory_space<vmem>>)
        tpu.yield
      }) : () -> ()
      %mul3A_10 = arith.constant 16 : i32
      %mul3A_11 = arith.muli %add3A, %mul3A_10 : i32
      %run_scoped3A_12 = arith.constant 2 : i32
      %run_scoped3A_13 = arith.constant 2 : i32
      "tpu.region"() ({
        %run_scoped3A_158 = tpu.sem_alloc : memref<!tpu.dma_semaphore, #tpu.memory_space<semaphore_mem>>
        %dma_start3A = arith.constant 0 : i32
        %dma_start3A_159 = tpu.memref_slice %arg5[%run_scoped3A_13, %dma_start3A] : memref<5x16xf32, #tpu.memory_space<vmem>> -> memref<1x16xf32, #tpu.memory_space<vmem>>
        %dma_start3A_160 = tpu.memref_squeeze %dma_start3A_159 : memref<1x16xf32, #tpu.memory_space<vmem>> -> memref<16xf32, #tpu.memory_space<vmem>>
        %dma_start3A_161 = tpu.memref_slice %arg2[%run_scoped3A_12, %mul3A_11] : memref<5x128xf32, #tpu.memory_space<hbm>> -> memref<1x16xf32, #tpu.memory_space<hbm>>
        %dma_start3A_162 = tpu.memref_squeeze %dma_start3A_161 : memref<1x16xf32, #tpu.memory_space<hbm>> -> memref<16xf32, #tpu.memory_space<hbm>>
        %dma_start3A_163 = arith.constant 0 : i32
        %dma_start3A_164 = tpu.memref_slice %arg5[%run_scoped3A_13, %dma_start3A_163] : memref<5x16xf32, #tpu.memory_space<vmem>> -> memref<1x16xf32, #tpu.memory_space<vmem>>
        %dma_start3A_165 = tpu.memref_squeeze %dma_start3A_164 : memref<1x16xf32, #tpu.memory_space<vmem>> -> memref<16xf32, #tpu.memory_space<vmem>>
        %dma_start3A_166 = tpu.memref_slice %arg2[%run_scoped3A_12, %mul3A_11] : memref<5x128xf32, #tpu.memory_space<hbm>> -> memref<1x16xf32, #tpu.memory_space<hbm>>
        %dma_start3A_167 = tpu.memref_squeeze %dma_start3A_166 : memref<1x16xf32, #tpu.memory_space<hbm>> -> memref<16xf32, #tpu.memory_space<hbm>>
        tpu.enqueue_dma source(%dma_start3A_167 : memref<16xf32, #tpu.memory_space<hbm>>) target(%dma_start3A_165 : memref<16xf32, #tpu.memory_space<vmem>>) target_semaphore(%run_scoped3A_158 : memref<!tpu.dma_semaphore, #tpu.memory_space<semaphore_mem>>)
        %dma_wait3A = arith.constant 0 : i32
        %dma_wait3A_168 = tpu.memref_slice %arg5[%run_scoped3A_13, %dma_wait3A] : memref<5x16xf32, #tpu.memory_space<vmem>> -> memref<1x16xf32, #tpu.memory_space<vmem>>
        %dma_wait3A_169 = tpu.memref_squeeze %dma_wait3A_168 : memref<1x16xf32, #tpu.memory_space<vmem>> -> memref<16xf32, #tpu.memory_space<vmem>>
        %dma_wait3A_170 = tpu.memref_slice %arg2[%run_scoped3A_12, %mul3A_11] : memref<5x128xf32, #tpu.memory_space<hbm>> -> memref<1x16xf32, #tpu.memory_space<hbm>>
        %dma_wait3A_171 = tpu.memref_squeeze %dma_wait3A_170 : memref<1x16xf32, #tpu.memory_space<hbm>> -> memref<16xf32, #tpu.memory_space<hbm>>
        %dma_wait3A_172 = arith.constant 0 : i32
        %dma_wait3A_173 = tpu.memref_slice %arg5[%run_scoped3A_13, %dma_wait3A_172] : memref<5x16xf32, #tpu.memory_space<vmem>> -> memref<1x16xf32, #tpu.memory_space<vmem>>
        %dma_wait3A_174 = tpu.memref_squeeze %dma_wait3A_173 : memref<1x16xf32, #tpu.memory_space<vmem>> -> memref<16xf32, #tpu.memory_space<vmem>>
        %dma_wait3A_175 = tpu.memref_slice %arg2[%run_scoped3A_12, %mul3A_11] : memref<5x128xf32, #tpu.memory_space<hbm>> -> memref<1x16xf32, #tpu.memory_space<hbm>>
        %dma_wait3A_176 = tpu.memref_squeeze %dma_wait3A_175 : memref<1x16xf32, #tpu.memory_space<hbm>> -> memref<16xf32, #tpu.memory_space<hbm>>
        tpu.wait_dma2 semaphore(%run_scoped3A_158 : memref<!tpu.dma_semaphore, #tpu.memory_space<semaphore_mem>>) src(%dma_wait3A_176 : memref<16xf32, #tpu.memory_space<hbm>>) dst(%dma_wait3A_174 : memref<16xf32, #tpu.memory_space<vmem>>)
        tpu.yield
      }) : () -> ()
      %mul3A_14 = arith.constant 16 : i32
      %mul3A_15 = arith.muli %add3A, %mul3A_14 : i32
      %run_scoped3A_16 = arith.constant 3 : i32
      %run_scoped3A_17 = arith.constant 3 : i32
      "tpu.region"() ({
        %run_scoped3A_158 = tpu.sem_alloc : memref<!tpu.dma_semaphore, #tpu.memory_space<semaphore_mem>>
        %dma_start3A = arith.constant 0 : i32
        %dma_start3A_159 = tpu.memref_slice %arg5[%run_scoped3A_17, %dma_start3A] : memref<5x16xf32, #tpu.memory_space<vmem>> -> memref<1x16xf32, #tpu.memory_space<vmem>>
        %dma_start3A_160 = tpu.memref_squeeze %dma_start3A_159 : memref<1x16xf32, #tpu.memory_space<vmem>> -> memref<16xf32, #tpu.memory_space<vmem>>
        %dma_start3A_161 = tpu.memref_slice %arg2[%run_scoped3A_16, %mul3A_15] : memref<5x128xf32, #tpu.memory_space<hbm>> -> memref<1x16xf32, #tpu.memory_space<hbm>>
        %dma_start3A_162 = tpu.memref_squeeze %dma_start3A_161 : memref<1x16xf32, #tpu.memory_space<hbm>> -> memref<16xf32, #tpu.memory_space<hbm>>
        %dma_start3A_163 = arith.constant 0 : i32
        %dma_start3A_164 = tpu.memref_slice %arg5[%run_scoped3A_17, %dma_start3A_163] : memref<5x16xf32, #tpu.memory_space<vmem>> -> memref<1x16xf32, #tpu.memory_space<vmem>>
        %dma_start3A_165 = tpu.memref_squeeze %dma_start3A_164 : memref<1x16xf32, #tpu.memory_space<vmem>> -> memref<16xf32, #tpu.memory_space<vmem>>
        %dma_start3A_166 = tpu.memref_slice %arg2[%run_scoped3A_16, %mul3A_15] : memref<5x128xf32, #tpu.memory_space<hbm>> -> memref<1x16xf32, #tpu.memory_space<hbm>>
        %dma_start3A_167 = tpu.memref_squeeze %dma_start3A_166 : memref<1x16xf32, #tpu.memory_space<hbm>> -> memref<16xf32, #tpu.memory_space<hbm>>
        tpu.enqueue_dma source(%dma_start3A_167 : memref<16xf32, #tpu.memory_space<hbm>>) target(%dma_start3A_165 : memref<16xf32, #tpu.memory_space<vmem>>) target_semaphore(%run_scoped3A_158 : memref<!tpu.dma_semaphore, #tpu.memory_space<semaphore_mem>>)
        %dma_wait3A = arith.constant 0 : i32
        %dma_wait3A_168 = tpu.memref_slice %arg5[%run_scoped3A_17, %dma_wait3A] : memref<5x16xf32, #tpu.memory_space<vmem>> -> memref<1x16xf32, #tpu.memory_space<vmem>>
        %dma_wait3A_169 = tpu.memref_squeeze %dma_wait3A_168 : memref<1x16xf32, #tpu.memory_space<vmem>> -> memref<16xf32, #tpu.memory_space<vmem>>
        %dma_wait3A_170 = tpu.memref_slice %arg2[%run_scoped3A_16, %mul3A_15] : memref<5x128xf32, #tpu.memory_space<hbm>> -> memref<1x16xf32, #tpu.memory_space<hbm>>
        %dma_wait3A_171 = tpu.memref_squeeze %dma_wait3A_170 : memref<1x16xf32, #tpu.memory_space<hbm>> -> memref<16xf32, #tpu.memory_space<hbm>>
        %dma_wait3A_172 = arith.constant 0 : i32
        %dma_wait3A_173 = tpu.memref_slice %arg5[%run_scoped3A_17, %dma_wait3A_172] : memref<5x16xf32, #tpu.memory_space<vmem>> -> memref<1x16xf32, #tpu.memory_space<vmem>>
        %dma_wait3A_174 = tpu.memref_squeeze %dma_wait3A_173 : memref<1x16xf32, #tpu.memory_space<vmem>> -> memref<16xf32, #tpu.memory_space<vmem>>
        %dma_wait3A_175 = tpu.memref_slice %arg2[%run_scoped3A_16, %mul3A_15] : memref<5x128xf32, #tpu.memory_space<hbm>> -> memref<1x16xf32, #tpu.memory_space<hbm>>
        %dma_wait3A_176 = tpu.memref_squeeze %dma_wait3A_175 : memref<1x16xf32, #tpu.memory_space<hbm>> -> memref<16xf32, #tpu.memory_space<hbm>>
        tpu.wait_dma2 semaphore(%run_scoped3A_158 : memref<!tpu.dma_semaphore, #tpu.memory_space<semaphore_mem>>) src(%dma_wait3A_176 : memref<16xf32, #tpu.memory_space<hbm>>) dst(%dma_wait3A_174 : memref<16xf32, #tpu.memory_space<vmem>>)
        tpu.yield
      }) : () -> ()
      %mul3A_18 = arith.constant 16 : i32
      %mul3A_19 = arith.muli %add3A, %mul3A_18 : i32
      %run_scoped3A_20 = arith.constant 4 : i32
      %run_scoped3A_21 = arith.constant 4 : i32
      "tpu.region"() ({
        %run_scoped3A_158 = tpu.sem_alloc : memref<!tpu.dma_semaphore, #tpu.memory_space<semaphore_mem>>
        %dma_start3A = arith.constant 0 : i32
        %dma_start3A_159 = tpu.memref_slice %arg5[%run_scoped3A_21, %dma_start3A] : memref<5x16xf32, #tpu.memory_space<vmem>> -> memref<1x16xf32, #tpu.memory_space<vmem>>
        %dma_start3A_160 = tpu.memref_squeeze %dma_start3A_159 : memref<1x16xf32, #tpu.memory_space<vmem>> -> memref<16xf32, #tpu.memory_space<vmem>>
        %dma_start3A_161 = tpu.memref_slice %arg2[%run_scoped3A_20, %mul3A_19] : memref<5x128xf32, #tpu.memory_space<hbm>> -> memref<1x16xf32, #tpu.memory_space<hbm>>
        %dma_start3A_162 = tpu.memref_squeeze %dma_start3A_161 : memref<1x16xf32, #tpu.memory_space<hbm>> -> memref<16xf32, #tpu.memory_space<hbm>>
        %dma_start3A_163 = arith.constant 0 : i32
        %dma_start3A_164 = tpu.memref_slice %arg5[%run_scoped3A_21, %dma_start3A_163] : memref<5x16xf32, #tpu.memory_space<vmem>> -> memref<1x16xf32, #tpu.memory_space<vmem>>
        %dma_start3A_165 = tpu.memref_squeeze %dma_start3A_164 : memref<1x16xf32, #tpu.memory_space<vmem>> -> memref<16xf32, #tpu.memory_space<vmem>>
        %dma_start3A_166 = tpu.memref_slice %arg2[%run_scoped3A_20, %mul3A_19] : memref<5x128xf32, #tpu.memory_space<hbm>> -> memref<1x16xf32, #tpu.memory_space<hbm>>
        %dma_start3A_167 = tpu.memref_squeeze %dma_start3A_166 : memref<1x16xf32, #tpu.memory_space<hbm>> -> memref<16xf32, #tpu.memory_space<hbm>>
        tpu.enqueue_dma source(%dma_start3A_167 : memref<16xf32, #tpu.memory_space<hbm>>) target(%dma_start3A_165 : memref<16xf32, #tpu.memory_space<vmem>>) target_semaphore(%run_scoped3A_158 : memref<!tpu.dma_semaphore, #tpu.memory_space<semaphore_mem>>)
        %dma_wait3A = arith.constant 0 : i32
        %dma_wait3A_168 = tpu.memref_slice %arg5[%run_scoped3A_21, %dma_wait3A] : memref<5x16xf32, #tpu.memory_space<vmem>> -> memref<1x16xf32, #tpu.memory_space<vmem>>
        %dma_wait3A_169 = tpu.memref_squeeze %dma_wait3A_168 : memref<1x16xf32, #tpu.memory_space<vmem>> -> memref<16xf32, #tpu.memory_space<vmem>>
        %dma_wait3A_170 = tpu.memref_slice %arg2[%run_scoped3A_20, %mul3A_19] : memref<5x128xf32, #tpu.memory_space<hbm>> -> memref<1x16xf32, #tpu.memory_space<hbm>>
        %dma_wait3A_171 = tpu.memref_squeeze %dma_wait3A_170 : memref<1x16xf32, #tpu.memory_space<hbm>> -> memref<16xf32, #tpu.memory_space<hbm>>
        %dma_wait3A_172 = arith.constant 0 : i32
        %dma_wait3A_173 = tpu.memref_slice %arg5[%run_scoped3A_21, %dma_wait3A_172] : memref<5x16xf32, #tpu.memory_space<vmem>> -> memref<1x16xf32, #tpu.memory_space<vmem>>
        %dma_wait3A_174 = tpu.memref_squeeze %dma_wait3A_173 : memref<1x16xf32, #tpu.memory_space<vmem>> -> memref<16xf32, #tpu.memory_space<vmem>>
        %dma_wait3A_175 = tpu.memref_slice %arg2[%run_scoped3A_20, %mul3A_19] : memref<5x128xf32, #tpu.memory_space<hbm>> -> memref<1x16xf32, #tpu.memory_space<hbm>>
        %dma_wait3A_176 = tpu.memref_squeeze %dma_wait3A_175 : memref<1x16xf32, #tpu.memory_space<hbm>> -> memref<16xf32, #tpu.memory_space<hbm>>
        tpu.wait_dma2 semaphore(%run_scoped3A_158 : memref<!tpu.dma_semaphore, #tpu.memory_space<semaphore_mem>>) src(%dma_wait3A_176 : memref<16xf32, #tpu.memory_space<hbm>>) dst(%dma_wait3A_174 : memref<16xf32, #tpu.memory_space<vmem>>)
        tpu.yield
      }) : () -> ()
      %get3A = arith.constant 0 : i32
      %get3A_22 = arith.index_cast %get3A : i32 to index
      %get3A_23 = arith.constant 0 : index
      %get3A_24 = tpu.vector_load %arg5[%get3A_22, %get3A_23] {strides = array<i32>} : memref<5x16xf32, #tpu.memory_space<vmem>>, vector<1x16xf32>,
      %get3A_25 = vector.shape_cast %get3A_24 : vector<1x16xf32> to vector<16xf32>
      %broadcast_in_dim3A = arith.constant 0 : i32
      %broadcast_in_dim3A_26 = vector.broadcast %broadcast_in_dim3A : i32 to vector<16xi32>
      %get3A_27 = arith.constant 1 : i32
      %get3A_28 = arith.index_cast %get3A_27 : i32 to index
      %get3A_29 = arith.constant 0 : index
      %get3A_30 = tpu.vector_load %arg5[%get3A_28, %get3A_29] {strides = array<i32>} : memref<5x16xf32, #tpu.memory_space<vmem>>, vector<1x16xf32>,
      %get3A_31 = vector.shape_cast %get3A_30 : vector<1x16xf32> to vector<16xf32>
      %gt3A = arith.cmpf ogt, %get3A_31, %get3A_25 : vector<16xf32>
      %select_n3A = arith.select %gt3A, %get3A_31, %get3A_25 : vector<16xi1>, vector<16xf32>
      %jit3A = arith.constant 1 : i32
      %broadcast_in_dim3A_32 = vector.broadcast %jit3A : i32 to vector<16xi32>
      %select_n3A_33 = arith.select %gt3A, %broadcast_in_dim3A_32, %broadcast_in_dim3A_26 : vector<16xi1>, vector<16xi32>
      %get3A_34 = arith.constant 2 : i32
      %get3A_35 = arith.index_cast %get3A_34 : i32 to index
      %get3A_36 = arith.constant 0 : index
      %get3A_37 = tpu.vector_load %arg5[%get3A_35, %get3A_36] {strides = array<i32>} : memref<5x16xf32, #tpu.memory_space<vmem>>, vector<1x16xf32>,
      %get3A_38 = vector.shape_cast %get3A_37 : vector<1x16xf32> to vector<16xf32>
      %gt3A_39 = arith.cmpf ogt, %get3A_38, %select_n3A : vector<16xf32>
      %select_n3A_40 = arith.select %gt3A_39, %get3A_38, %select_n3A : vector<16xi1>, vector<16xf32>
      %jit3A_41 = arith.constant 2 : i32
      %broadcast_in_dim3A_42 = vector.broadcast %jit3A_41 : i32 to vector<16xi32>
      %select_n3A_43 = arith.select %gt3A_39, %broadcast_in_dim3A_42, %select_n3A_33 : vector<16xi1>, vector<16xi32>
      %get3A_44 = arith.constant 3 : i32
      %get3A_45 = arith.index_cast %get3A_44 : i32 to index
      %get3A_46 = arith.constant 0 : index
      %get3A_47 = tpu.vector_load %arg5[%get3A_45, %get3A_46] {strides = array<i32>} : memref<5x16xf32, #tpu.memory_space<vmem>>, vector<1x16xf32>,
      %get3A_48 = vector.shape_cast %get3A_47 : vector<1x16xf32> to vector<16xf32>
      %gt3A_49 = arith.cmpf ogt, %get3A_48, %select_n3A_40 : vector<16xf32>
      %select_n3A_50 = arith.select %gt3A_49, %get3A_48, %select_n3A_40 : vector<16xi1>, vector<16xf32>
      %jit3A_51 = arith.constant 3 : i32
      %broadcast_in_dim3A_52 = vector.broadcast %jit3A_51 : i32 to vector<16xi32>
      %select_n3A_53 = arith.select %gt3A_49, %broadcast_in_dim3A_52, %select_n3A_43 : vector<16xi1>, vector<16xi32>
      %get3A_54 = arith.constant 4 : i32
      %get3A_55 = arith.index_cast %get3A_54 : i32 to index
      %get3A_56 = arith.constant 0 : index
      %get3A_57 = tpu.vector_load %arg5[%get3A_55, %get3A_56] {strides = array<i32>} : memref<5x16xf32, #tpu.memory_space<vmem>>, vector<1x16xf32>,
      %get3A_58 = vector.shape_cast %get3A_57 : vector<1x16xf32> to vector<16xf32>
      %gt3A_59 = arith.cmpf ogt, %get3A_58, %select_n3A_50 : vector<16xf32>
      %select_n3A_60 = arith.select %gt3A_59, %get3A_58, %select_n3A_50 : vector<16xi1>, vector<16xf32>
      %jit3A_61 = arith.constant 4 : i32
      %broadcast_in_dim3A_62 = vector.broadcast %jit3A_61 : i32 to vector<16xi32>
      %select_n3A_63 = arith.select %gt3A_59, %broadcast_in_dim3A_62, %select_n3A_53 : vector<16xi1>, vector<16xi32>
      %swap3A = arith.constant 0 : index
      %swap3A_64 = tpu.vector_load %arg7[%swap3A] {strides = array<i32>} : memref<16xi32, #tpu.memory_space<vmem>>, vector<16xi32>,
      %swap3A_65 = vector.shape_cast %swap3A_64 : vector<16xi32> to vector<16xi32>
      %swap3A_66 = vector.shape_cast %select_n3A_63 : vector<16xi32> to vector<16xi32>
      tpu.vector_store %arg7[%swap3A], %swap3A_66 {strides = array<i32>} : memref<16xi32, #tpu.memory_space<vmem>>, vector<16xi32>,
      %eq3A = arith.constant 0 : i32
      %eq3A_67 = vector.broadcast %eq3A : i32 to vector<16xi32>
      %eq3A_68 = arith.cmpi eq, %select_n3A_63, %eq3A_67 : vector<16xi32>
      %jit3A_69 = arith.constant 1.000000e+00 : f32
      %jit3A_70 = arith.constant 0.000000e+00 : f32
      %broadcast_in_dim3A_71 = vector.broadcast %jit3A_69 : f32 to vector<16xf32>
      %broadcast_in_dim3A_72 = vector.broadcast %jit3A_70 : f32 to vector<16xf32>
      %select_n3A_73 = arith.select %eq3A_68, %broadcast_in_dim3A_71, %broadcast_in_dim3A_72 : vector<16xi1>, vector<16xf32>
      %swap3A_74 = arith.constant 0 : i32
      %swap3A_75 = arith.index_cast %swap3A_74 : i32 to index
      %swap3A_76 = arith.constant 0 : index
      %swap3A_77 = tpu.vector_load %arg6[%swap3A_75, %swap3A_76] {strides = array<i32>} : memref<5x16xf32, #tpu.memory_space<vmem>>, vector<1x16xf32>,
      %swap3A_78 = vector.shape_cast %swap3A_77 : vector<1x16xf32> to vector<16xf32>
      %swap3A_79 = vector.shape_cast %select_n3A_73 : vector<16xf32> to vector<1x16xf32>
      tpu.vector_store %arg6[%swap3A_75, %swap3A_76], %swap3A_79 {strides = array<i32>} : memref<5x16xf32, #tpu.memory_space<vmem>>, vector<1x16xf32>,
      %eq3A_80 = arith.constant 1 : i32
      %eq3A_81 = vector.broadcast %eq3A_80 : i32 to vector<16xi32>
      %eq3A_82 = arith.cmpi eq, %select_n3A_63, %eq3A_81 : vector<16xi32>
      %jit3A_83 = arith.constant 1.000000e+00 : f32
      %jit3A_84 = arith.constant 0.000000e+00 : f32
      %broadcast_in_dim3A_85 = vector.broadcast %jit3A_83 : f32 to vector<16xf32>
      %broadcast_in_dim3A_86 = vector.broadcast %jit3A_84 : f32 to vector<16xf32>
      %select_n3A_87 = arith.select %eq3A_82, %broadcast_in_dim3A_85, %broadcast_in_dim3A_86 : vector<16xi1>, vector<16xf32>
      %swap3A_88 = arith.constant 1 : i32
      %swap3A_89 = arith.index_cast %swap3A_88 : i32 to index
      %swap3A_90 = arith.constant 0 : index
      %swap3A_91 = tpu.vector_load %arg6[%swap3A_89, %swap3A_90] {strides = array<i32>} : memref<5x16xf32, #tpu.memory_space<vmem>>, vector<1x16xf32>,
      %swap3A_92 = vector.shape_cast %swap3A_91 : vector<1x16xf32> to vector<16xf32>
      %swap3A_93 = vector.shape_cast %select_n3A_87 : vector<16xf32> to vector<1x16xf32>
      tpu.vector_store %arg6[%swap3A_89, %swap3A_90], %swap3A_93 {strides = array<i32>} : memref<5x16xf32, #tpu.memory_space<vmem>>, vector<1x16xf32>,
      %eq3A_94 = arith.constant 2 : i32
      %eq3A_95 = vector.broadcast %eq3A_94 : i32 to vector<16xi32>
      %eq3A_96 = arith.cmpi eq, %select_n3A_63, %eq3A_95 : vector<16xi32>
      %jit3A_97 = arith.constant 1.000000e+00 : f32
      %jit3A_98 = arith.constant 0.000000e+00 : f32
      %broadcast_in_dim3A_99 = vector.broadcast %jit3A_97 : f32 to vector<16xf32>
      %broadcast_in_dim3A_100 = vector.broadcast %jit3A_98 : f32 to vector<16xf32>
      %select_n3A_101 = arith.select %eq3A_96, %broadcast_in_dim3A_99, %broadcast_in_dim3A_100 : vector<16xi1>, vector<16xf32>
      %swap3A_102 = arith.constant 2 : i32
      %swap3A_103 = arith.index_cast %swap3A_102 : i32 to index
      %swap3A_104 = arith.constant 0 : index
      %swap3A_105 = tpu.vector_load %arg6[%swap3A_103, %swap3A_104] {strides = array<i32>} : memref<5x16xf32, #tpu.memory_space<vmem>>, vector<1x16xf32>,
      %swap3A_106 = vector.shape_cast %swap3A_105 : vector<1x16xf32> to vector<16xf32>
      %swap3A_107 = vector.shape_cast %select_n3A_101 : vector<16xf32> to vector<1x16xf32>
      tpu.vector_store %arg6[%swap3A_103, %swap3A_104], %swap3A_107 {strides = array<i32>} : memref<5x16xf32, #tpu.memory_space<vmem>>, vector<1x16xf32>,
      %eq3A_108 = arith.constant 3 : i32
      %eq3A_109 = vector.broadcast %eq3A_108 : i32 to vector<16xi32>
      %eq3A_110 = arith.cmpi eq, %select_n3A_63, %eq3A_109 : vector<16xi32>
      %jit3A_111 = arith.constant 1.000000e+00 : f32
      %jit3A_112 = arith.constant 0.000000e+00 : f32
      %broadcast_in_dim3A_113 = vector.broadcast %jit3A_111 : f32 to vector<16xf32>
      %broadcast_in_dim3A_114 = vector.broadcast %jit3A_112 : f32 to vector<16xf32>
      %select_n3A_115 = arith.select %eq3A_110, %broadcast_in_dim3A_113, %broadcast_in_dim3A_114 : vector<16xi1>, vector<16xf32>
      %swap3A_116 = arith.constant 3 : i32
      %swap3A_117 = arith.index_cast %swap3A_116 : i32 to index
      %swap3A_118 = arith.constant 0 : index
      %swap3A_119 = tpu.vector_load %arg6[%swap3A_117, %swap3A_118] {strides = array<i32>} : memref<5x16xf32, #tpu.memory_space<vmem>>, vector<1x16xf32>,
      %swap3A_120 = vector.shape_cast %swap3A_119 : vector<1x16xf32> to vector<16xf32>
      %swap3A_121 = vector.shape_cast %select_n3A_115 : vector<16xf32> to vector<1x16xf32>
      tpu.vector_store %arg6[%swap3A_117, %swap3A_118], %swap3A_121 {strides = array<i32>} : memref<5x16xf32, #tpu.memory_space<vmem>>, vector<1x16xf32>,
      %eq3A_122 = arith.constant 4 : i32
      %eq3A_123 = vector.broadcast %eq3A_122 : i32 to vector<16xi32>
      %eq3A_124 = arith.cmpi eq, %select_n3A_63, %eq3A_123 : vector<16xi32>
      %jit3A_125 = arith.constant 1.000000e+00 : f32
      %jit3A_126 = arith.constant 0.000000e+00 : f32
      %broadcast_in_dim3A_127 = vector.broadcast %jit3A_125 : f32 to vector<16xf32>
      %broadcast_in_dim3A_128 = vector.broadcast %jit3A_126 : f32 to vector<16xf32>
      %select_n3A_129 = arith.select %eq3A_124, %broadcast_in_dim3A_127, %broadcast_in_dim3A_128 : vector<16xi1>, vector<16xf32>
      %swap3A_130 = arith.constant 4 : i32
      %swap3A_131 = arith.index_cast %swap3A_130 : i32 to index
      %swap3A_132 = arith.constant 0 : index
      %swap3A_133 = tpu.vector_load %arg6[%swap3A_131, %swap3A_132] {strides = array<i32>} : memref<5x16xf32, #tpu.memory_space<vmem>>, vector<1x16xf32>,
      %swap3A_134 = vector.shape_cast %swap3A_133 : vector<1x16xf32> to vector<16xf32>
      %swap3A_135 = vector.shape_cast %select_n3A_129 : vector<16xf32> to vector<1x16xf32>
      tpu.vector_store %arg6[%swap3A_131, %swap3A_132], %swap3A_135 {strides = array<i32>} : memref<5x16xf32, #tpu.memory_space<vmem>>, vector<1x16xf32>,
      %mul3A_136 = arith.constant 16 : i32
      %mul3A_137 = arith.muli %add3A, %mul3A_136 : i32
      "tpu.region"() ({
        %run_scoped3A_158 = tpu.sem_alloc : memref<!tpu.dma_semaphore, #tpu.memory_space<semaphore_mem>>
        %dma_start3A = tpu.memref_slice %arg3[%mul3A_137] : memref<128xi32, #tpu.memory_space<hbm>> -> memref<16xi32, #tpu.memory_space<hbm>>
        %dma_start3A_159 = tpu.memref_slice %arg3[%mul3A_137] : memref<128xi32, #tpu.memory_space<hbm>> -> memref<16xi32, #tpu.memory_space<hbm>>
        tpu.enqueue_dma source(%arg7 : memref<16xi32, #tpu.memory_space<vmem>>) target(%dma_start3A_159 : memref<16xi32, #tpu.memory_space<hbm>>) target_semaphore(%run_scoped3A_158 : memref<!tpu.dma_semaphore, #tpu.memory_space<semaphore_mem>>)
        %dma_wait3A = tpu.memref_slice %arg3[%mul3A_137] : memref<128xi32, #tpu.memory_space<hbm>> -> memref<16xi32, #tpu.memory_space<hbm>>
        %dma_wait3A_160 = tpu.memref_slice %arg3[%mul3A_137] : memref<128xi32, #tpu.memory_space<hbm>> -> memref<16xi32, #tpu.memory_space<hbm>>
        tpu.wait_dma2 semaphore(%run_scoped3A_158 : memref<!tpu.dma_semaphore, #tpu.memory_space<semaphore_mem>>) src(%arg7 : memref<16xi32, #tpu.memory_space<vmem>>) dst(%dma_wait3A_160 : memref<16xi32, #tpu.memory_space<hbm>>)
        tpu.yield
      }) : () -> ()
      %mul3A_138 = arith.constant 16 : i32
      %mul3A_139 = arith.muli %add3A, %mul3A_138 : i32
      %run_scoped3A_140 = arith.constant 0 : i32
      %run_scoped3A_141 = arith.constant 0 : i32
      "tpu.region"() ({
        %run_scoped3A_158 = tpu.sem_alloc : memref<!tpu.dma_semaphore, #tpu.memory_space<semaphore_mem>>
        %dma_start3A = arith.constant 0 : i32
        %dma_start3A_159 = tpu.memref_slice %arg6[%run_scoped3A_140, %dma_start3A] : memref<5x16xf32, #tpu.memory_space<vmem>> -> memref<1x16xf32, #tpu.memory_space<vmem>>
        %dma_start3A_160 = tpu.memref_squeeze %dma_start3A_159 : memref<1x16xf32, #tpu.memory_space<vmem>> -> memref<16xf32, #tpu.memory_space<vmem>>
        %dma_start3A_161 = tpu.memref_slice %arg4[%run_scoped3A_141, %mul3A_139] : memref<5x128xf32, #tpu.memory_space<hbm>> -> memref<1x16xf32, #tpu.memory_space<hbm>>
        %dma_start3A_162 = tpu.memref_squeeze %dma_start3A_161 : memref<1x16xf32, #tpu.memory_space<hbm>> -> memref<16xf32, #tpu.memory_space<hbm>>
        %dma_start3A_163 = tpu.memref_slice %arg4[%run_scoped3A_141, %mul3A_139] : memref<5x128xf32, #tpu.memory_space<hbm>> -> memref<1x16xf32, #tpu.memory_space<hbm>>
        %dma_start3A_164 = tpu.memref_squeeze %dma_start3A_163 : memref<1x16xf32, #tpu.memory_space<hbm>> -> memref<16xf32, #tpu.memory_space<hbm>>
        %dma_start3A_165 = arith.constant 0 : i32
        %dma_start3A_166 = tpu.memref_slice %arg6[%run_scoped3A_140, %dma_start3A_165] : memref<5x16xf32, #tpu.memory_space<vmem>> -> memref<1x16xf32, #tpu.memory_space<vmem>>
        %dma_start3A_167 = tpu.memref_squeeze %dma_start3A_166 : memref<1x16xf32, #tpu.memory_space<vmem>> -> memref<16xf32, #tpu.memory_space<vmem>>
        tpu.enqueue_dma source(%dma_start3A_167 : memref<16xf32, #tpu.memory_space<vmem>>) target(%dma_start3A_164 : memref<16xf32, #tpu.memory_space<hbm>>) target_semaphore(%run_scoped3A_158 : memref<!tpu.dma_semaphore, #tpu.memory_space<semaphore_mem>>)
        %dma_wait3A = arith.constant 0 : i32
        %dma_wait3A_168 = tpu.memref_slice %arg6[%run_scoped3A_140, %dma_wait3A] : memref<5x16xf32, #tpu.memory_space<vmem>> -> memref<1x16xf32, #tpu.memory_space<vmem>>
        %dma_wait3A_169 = tpu.memref_squeeze %dma_wait3A_168 : memref<1x16xf32, #tpu.memory_space<vmem>> -> memref<16xf32, #tpu.memory_space<vmem>>
        %dma_wait3A_170 = tpu.memref_slice %arg4[%run_scoped3A_141, %mul3A_139] : memref<5x128xf32, #tpu.memory_space<hbm>> -> memref<1x16xf32, #tpu.memory_space<hbm>>
        %dma_wait3A_171 = tpu.memref_squeeze %dma_wait3A_170 : memref<1x16xf32, #tpu.memory_space<hbm>> -> memref<16xf32, #tpu.memory_space<hbm>>
        %dma_wait3A_172 = tpu.memref_slice %arg4[%run_scoped3A_141, %mul3A_139] : memref<5x128xf32, #tpu.memory_space<hbm>> -> memref<1x16xf32, #tpu.memory_space<hbm>>
        %dma_wait3A_173 = tpu.memref_squeeze %dma_wait3A_172 : memref<1x16xf32, #tpu.memory_space<hbm>> -> memref<16xf32, #tpu.memory_space<hbm>>
        %dma_wait3A_174 = arith.constant 0 : i32
        %dma_wait3A_175 = tpu.memref_slice %arg6[%run_scoped3A_140, %dma_wait3A_174] : memref<5x16xf32, #tpu.memory_space<vmem>> -> memref<1x16xf32, #tpu.memory_space<vmem>>
        %dma_wait3A_176 = tpu.memref_squeeze %dma_wait3A_175 : memref<1x16xf32, #tpu.memory_space<vmem>> -> memref<16xf32, #tpu.memory_space<vmem>>
        tpu.wait_dma2 semaphore(%run_scoped3A_158 : memref<!tpu.dma_semaphore, #tpu.memory_space<semaphore_mem>>) src(%dma_wait3A_176 : memref<16xf32, #tpu.memory_space<vmem>>) dst(%dma_wait3A_173 : memref<16xf32, #tpu.memory_space<hbm>>)
        tpu.yield
      }) : () -> ()
      %mul3A_142 = arith.constant 16 : i32
      %mul3A_143 = arith.muli %add3A, %mul3A_142 : i32
      %run_scoped3A_144 = arith.constant 1 : i32
      %run_scoped3A_145 = arith.constant 1 : i32
      "tpu.region"() ({
        %run_scoped3A_158 = tpu.sem_alloc : memref<!tpu.dma_semaphore, #tpu.memory_space<semaphore_mem>>
        %dma_start3A = arith.constant 0 : i32
        %dma_start3A_159 = tpu.memref_slice %arg6[%run_scoped3A_144, %dma_start3A] : memref<5x16xf32, #tpu.memory_space<vmem>> -> memref<1x16xf32, #tpu.memory_space<vmem>>
        %dma_start3A_160 = tpu.memref_squeeze %dma_start3A_159 : memref<1x16xf32, #tpu.memory_space<vmem>> -> memref<16xf32, #tpu.memory_space<vmem>>
        %dma_start3A_161 = tpu.memref_slice %arg4[%run_scoped3A_145, %mul3A_143] : memref<5x128xf32, #tpu.memory_space<hbm>> -> memref<1x16xf32, #tpu.memory_space<hbm>>
        %dma_start3A_162 = tpu.memref_squeeze %dma_start3A_161 : memref<1x16xf32, #tpu.memory_space<hbm>> -> memref<16xf32, #tpu.memory_space<hbm>>
        %dma_start3A_163 = tpu.memref_slice %arg4[%run_scoped3A_145, %mul3A_143] : memref<5x128xf32, #tpu.memory_space<hbm>> -> memref<1x16xf32, #tpu.memory_space<hbm>>
        %dma_start3A_164 = tpu.memref_squeeze %dma_start3A_163 : memref<1x16xf32, #tpu.memory_space<hbm>> -> memref<16xf32, #tpu.memory_space<hbm>>
        %dma_start3A_165 = arith.constant 0 : i32
        %dma_start3A_166 = tpu.memref_slice %arg6[%run_scoped3A_144, %dma_start3A_165] : memref<5x16xf32, #tpu.memory_space<vmem>> -> memref<1x16xf32, #tpu.memory_space<vmem>>
        %dma_start3A_167 = tpu.memref_squeeze %dma_start3A_166 : memref<1x16xf32, #tpu.memory_space<vmem>> -> memref<16xf32, #tpu.memory_space<vmem>>
        tpu.enqueue_dma source(%dma_start3A_167 : memref<16xf32, #tpu.memory_space<vmem>>) target(%dma_start3A_164 : memref<16xf32, #tpu.memory_space<hbm>>) target_semaphore(%run_scoped3A_158 : memref<!tpu.dma_semaphore, #tpu.memory_space<semaphore_mem>>)
        %dma_wait3A = arith.constant 0 : i32
        %dma_wait3A_168 = tpu.memref_slice %arg6[%run_scoped3A_144, %dma_wait3A] : memref<5x16xf32, #tpu.memory_space<vmem>> -> memref<1x16xf32, #tpu.memory_space<vmem>>
        %dma_wait3A_169 = tpu.memref_squeeze %dma_wait3A_168 : memref<1x16xf32, #tpu.memory_space<vmem>> -> memref<16xf32, #tpu.memory_space<vmem>>
        %dma_wait3A_170 = tpu.memref_slice %arg4[%run_scoped3A_145, %mul3A_143] : memref<5x128xf32, #tpu.memory_space<hbm>> -> memref<1x16xf32, #tpu.memory_space<hbm>>
        %dma_wait3A_171 = tpu.memref_squeeze %dma_wait3A_170 : memref<1x16xf32, #tpu.memory_space<hbm>> -> memref<16xf32, #tpu.memory_space<hbm>>
        %dma_wait3A_172 = tpu.memref_slice %arg4[%run_scoped3A_145, %mul3A_143] : memref<5x128xf32, #tpu.memory_space<hbm>> -> memref<1x16xf32, #tpu.memory_space<hbm>>
        %dma_wait3A_173 = tpu.memref_squeeze %dma_wait3A_172 : memref<1x16xf32, #tpu.memory_space<hbm>> -> memref<16xf32, #tpu.memory_space<hbm>>
        %dma_wait3A_174 = arith.constant 0 : i32
        %dma_wait3A_175 = tpu.memref_slice %arg6[%run_scoped3A_144, %dma_wait3A_174] : memref<5x16xf32, #tpu.memory_space<vmem>> -> memref<1x16xf32, #tpu.memory_space<vmem>>
        %dma_wait3A_176 = tpu.memref_squeeze %dma_wait3A_175 : memref<1x16xf32, #tpu.memory_space<vmem>> -> memref<16xf32, #tpu.memory_space<vmem>>
        tpu.wait_dma2 semaphore(%run_scoped3A_158 : memref<!tpu.dma_semaphore, #tpu.memory_space<semaphore_mem>>) src(%dma_wait3A_176 : memref<16xf32, #tpu.memory_space<vmem>>) dst(%dma_wait3A_173 : memref<16xf32, #tpu.memory_space<hbm>>)
        tpu.yield
      }) : () -> ()
      %mul3A_146 = arith.constant 16 : i32
      %mul3A_147 = arith.muli %add3A, %mul3A_146 : i32
      %run_scoped3A_148 = arith.constant 2 : i32
      %run_scoped3A_149 = arith.constant 2 : i32
      "tpu.region"() ({
        %run_scoped3A_158 = tpu.sem_alloc : memref<!tpu.dma_semaphore, #tpu.memory_space<semaphore_mem>>
        %dma_start3A = arith.constant 0 : i32
        %dma_start3A_159 = tpu.memref_slice %arg6[%run_scoped3A_148, %dma_start3A] : memref<5x16xf32, #tpu.memory_space<vmem>> -> memref<1x16xf32, #tpu.memory_space<vmem>>
        %dma_start3A_160 = tpu.memref_squeeze %dma_start3A_159 : memref<1x16xf32, #tpu.memory_space<vmem>> -> memref<16xf32, #tpu.memory_space<vmem>>
        %dma_start3A_161 = tpu.memref_slice %arg4[%run_scoped3A_149, %mul3A_147] : memref<5x128xf32, #tpu.memory_space<hbm>> -> memref<1x16xf32, #tpu.memory_space<hbm>>
        %dma_start3A_162 = tpu.memref_squeeze %dma_start3A_161 : memref<1x16xf32, #tpu.memory_space<hbm>> -> memref<16xf32, #tpu.memory_space<hbm>>
        %dma_start3A_163 = tpu.memref_slice %arg4[%run_scoped3A_149, %mul3A_147] : memref<5x128xf32, #tpu.memory_space<hbm>> -> memref<1x16xf32, #tpu.memory_space<hbm>>
        %dma_start3A_164 = tpu.memref_squeeze %dma_start3A_163 : memref<1x16xf32, #tpu.memory_space<hbm>> -> memref<16xf32, #tpu.memory_space<hbm>>
        %dma_start3A_165 = arith.constant 0 : i32
        %dma_start3A_166 = tpu.memref_slice %arg6[%run_scoped3A_148, %dma_start3A_165] : memref<5x16xf32, #tpu.memory_space<vmem>> -> memref<1x16xf32, #tpu.memory_space<vmem>>
        %dma_start3A_167 = tpu.memref_squeeze %dma_start3A_166 : memref<1x16xf32, #tpu.memory_space<vmem>> -> memref<16xf32, #tpu.memory_space<vmem>>
        tpu.enqueue_dma source(%dma_start3A_167 : memref<16xf32, #tpu.memory_space<vmem>>) target(%dma_start3A_164 : memref<16xf32, #tpu.memory_space<hbm>>) target_semaphore(%run_scoped3A_158 : memref<!tpu.dma_semaphore, #tpu.memory_space<semaphore_mem>>)
        %dma_wait3A = arith.constant 0 : i32
        %dma_wait3A_168 = tpu.memref_slice %arg6[%run_scoped3A_148, %dma_wait3A] : memref<5x16xf32, #tpu.memory_space<vmem>> -> memref<1x16xf32, #tpu.memory_space<vmem>>
        %dma_wait3A_169 = tpu.memref_squeeze %dma_wait3A_168 : memref<1x16xf32, #tpu.memory_space<vmem>> -> memref<16xf32, #tpu.memory_space<vmem>>
        %dma_wait3A_170 = tpu.memref_slice %arg4[%run_scoped3A_149, %mul3A_147] : memref<5x128xf32, #tpu.memory_space<hbm>> -> memref<1x16xf32, #tpu.memory_space<hbm>>
        %dma_wait3A_171 = tpu.memref_squeeze %dma_wait3A_170 : memref<1x16xf32, #tpu.memory_space<hbm>> -> memref<16xf32, #tpu.memory_space<hbm>>
        %dma_wait3A_172 = tpu.memref_slice %arg4[%run_scoped3A_149, %mul3A_147] : memref<5x128xf32, #tpu.memory_space<hbm>> -> memref<1x16xf32, #tpu.memory_space<hbm>>
        %dma_wait3A_173 = tpu.memref_squeeze %dma_wait3A_172 : memref<1x16xf32, #tpu.memory_space<hbm>> -> memref<16xf32, #tpu.memory_space<hbm>>
        %dma_wait3A_174 = arith.constant 0 : i32
        %dma_wait3A_175 = tpu.memref_slice %arg6[%run_scoped3A_148, %dma_wait3A_174] : memref<5x16xf32, #tpu.memory_space<vmem>> -> memref<1x16xf32, #tpu.memory_space<vmem>>
        %dma_wait3A_176 = tpu.memref_squeeze %dma_wait3A_175 : memref<1x16xf32, #tpu.memory_space<vmem>> -> memref<16xf32, #tpu.memory_space<vmem>>
        tpu.wait_dma2 semaphore(%run_scoped3A_158 : memref<!tpu.dma_semaphore, #tpu.memory_space<semaphore_mem>>) src(%dma_wait3A_176 : memref<16xf32, #tpu.memory_space<vmem>>) dst(%dma_wait3A_173 : memref<16xf32, #tpu.memory_space<hbm>>)
        tpu.yield
      }) : () -> ()
      %mul3A_150 = arith.constant 16 : i32
      %mul3A_151 = arith.muli %add3A, %mul3A_150 : i32
      %run_scoped3A_152 = arith.constant 3 : i32
      %run_scoped3A_153 = arith.constant 3 : i32
      "tpu.region"() ({
        %run_scoped3A_158 = tpu.sem_alloc : memref<!tpu.dma_semaphore, #tpu.memory_space<semaphore_mem>>
        %dma_start3A = arith.constant 0 : i32
        %dma_start3A_159 = tpu.memref_slice %arg6[%run_scoped3A_152, %dma_start3A] : memref<5x16xf32, #tpu.memory_space<vmem>> -> memref<1x16xf32, #tpu.memory_space<vmem>>
        %dma_start3A_160 = tpu.memref_squeeze %dma_start3A_159 : memref<1x16xf32, #tpu.memory_space<vmem>> -> memref<16xf32, #tpu.memory_space<vmem>>
        %dma_start3A_161 = tpu.memref_slice %arg4[%run_scoped3A_153, %mul3A_151] : memref<5x128xf32, #tpu.memory_space<hbm>> -> memref<1x16xf32, #tpu.memory_space<hbm>>
        %dma_start3A_162 = tpu.memref_squeeze %dma_start3A_161 : memref<1x16xf32, #tpu.memory_space<hbm>> -> memref<16xf32, #tpu.memory_space<hbm>>
        %dma_start3A_163 = tpu.memref_slice %arg4[%run_scoped3A_153, %mul3A_151] : memref<5x128xf32, #tpu.memory_space<hbm>> -> memref<1x16xf32, #tpu.memory_space<hbm>>
        %dma_start3A_164 = tpu.memref_squeeze %dma_start3A_163 : memref<1x16xf32, #tpu.memory_space<hbm>> -> memref<16xf32, #tpu.memory_space<hbm>>
        %dma_start3A_165 = arith.constant 0 : i32
        %dma_start3A_166 = tpu.memref_slice %arg6[%run_scoped3A_152, %dma_start3A_165] : memref<5x16xf32, #tpu.memory_space<vmem>> -> memref<1x16xf32, #tpu.memory_space<vmem>>
        %dma_start3A_167 = tpu.memref_squeeze %dma_start3A_166 : memref<1x16xf32, #tpu.memory_space<vmem>> -> memref<16xf32, #tpu.memory_space<vmem>>
        tpu.enqueue_dma source(%dma_start3A_167 : memref<16xf32, #tpu.memory_space<vmem>>) target(%dma_start3A_164 : memref<16xf32, #tpu.memory_space<hbm>>) target_semaphore(%run_scoped3A_158 : memref<!tpu.dma_semaphore, #tpu.memory_space<semaphore_mem>>)
        %dma_wait3A = arith.constant 0 : i32
        %dma_wait3A_168 = tpu.memref_slice %arg6[%run_scoped3A_152, %dma_wait3A] : memref<5x16xf32, #tpu.memory_space<vmem>> -> memref<1x16xf32, #tpu.memory_space<vmem>>
        %dma_wait3A_169 = tpu.memref_squeeze %dma_wait3A_168 : memref<1x16xf32, #tpu.memory_space<vmem>> -> memref<16xf32, #tpu.memory_space<vmem>>
        %dma_wait3A_170 = tpu.memref_slice %arg4[%run_scoped3A_153, %mul3A_151] : memref<5x128xf32, #tpu.memory_space<hbm>> -> memref<1x16xf32, #tpu.memory_space<hbm>>
        %dma_wait3A_171 = tpu.memref_squeeze %dma_wait3A_170 : memref<1x16xf32, #tpu.memory_space<hbm>> -> memref<16xf32, #tpu.memory_space<hbm>>
        %dma_wait3A_172 = tpu.memref_slice %arg4[%run_scoped3A_153, %mul3A_151] : memref<5x128xf32, #tpu.memory_space<hbm>> -> memref<1x16xf32, #tpu.memory_space<hbm>>
        %dma_wait3A_173 = tpu.memref_squeeze %dma_wait3A_172 : memref<1x16xf32, #tpu.memory_space<hbm>> -> memref<16xf32, #tpu.memory_space<hbm>>
        %dma_wait3A_174 = arith.constant 0 : i32
        %dma_wait3A_175 = tpu.memref_slice %arg6[%run_scoped3A_152, %dma_wait3A_174] : memref<5x16xf32, #tpu.memory_space<vmem>> -> memref<1x16xf32, #tpu.memory_space<vmem>>
        %dma_wait3A_176 = tpu.memref_squeeze %dma_wait3A_175 : memref<1x16xf32, #tpu.memory_space<vmem>> -> memref<16xf32, #tpu.memory_space<vmem>>
        tpu.wait_dma2 semaphore(%run_scoped3A_158 : memref<!tpu.dma_semaphore, #tpu.memory_space<semaphore_mem>>) src(%dma_wait3A_176 : memref<16xf32, #tpu.memory_space<vmem>>) dst(%dma_wait3A_173 : memref<16xf32, #tpu.memory_space<hbm>>)
        tpu.yield
      }) : () -> ()
      %mul3A_154 = arith.constant 16 : i32
      %mul3A_155 = arith.muli %add3A, %mul3A_154 : i32
      %run_scoped3A_156 = arith.constant 4 : i32
      %run_scoped3A_157 = arith.constant 4 : i32
      "tpu.region"() ({
        %run_scoped3A_158 = tpu.sem_alloc : memref<!tpu.dma_semaphore, #tpu.memory_space<semaphore_mem>>
        %dma_start3A = arith.constant 0 : i32
        %dma_start3A_159 = tpu.memref_slice %arg6[%run_scoped3A_156, %dma_start3A] : memref<5x16xf32, #tpu.memory_space<vmem>> -> memref<1x16xf32, #tpu.memory_space<vmem>>
        %dma_start3A_160 = tpu.memref_squeeze %dma_start3A_159 : memref<1x16xf32, #tpu.memory_space<vmem>> -> memref<16xf32, #tpu.memory_space<vmem>>
        %dma_start3A_161 = tpu.memref_slice %arg4[%run_scoped3A_157, %mul3A_155] : memref<5x128xf32, #tpu.memory_space<hbm>> -> memref<1x16xf32, #tpu.memory_space<hbm>>
        %dma_start3A_162 = tpu.memref_squeeze %dma_start3A_161 : memref<1x16xf32, #tpu.memory_space<hbm>> -> memref<16xf32, #tpu.memory_space<hbm>>
        %dma_start3A_163 = tpu.memref_slice %arg4[%run_scoped3A_157, %mul3A_155] : memref<5x128xf32, #tpu.memory_space<hbm>> -> memref<1x16xf32, #tpu.memory_space<hbm>>
        %dma_start3A_164 = tpu.memref_squeeze %dma_start3A_163 : memref<1x16xf32, #tpu.memory_space<hbm>> -> memref<16xf32, #tpu.memory_space<hbm>>
        %dma_start3A_165 = arith.constant 0 : i32
        %dma_start3A_166 = tpu.memref_slice %arg6[%run_scoped3A_156, %dma_start3A_165] : memref<5x16xf32, #tpu.memory_space<vmem>> -> memref<1x16xf32, #tpu.memory_space<vmem>>
        %dma_start3A_167 = tpu.memref_squeeze %dma_start3A_166 : memref<1x16xf32, #tpu.memory_space<vmem>> -> memref<16xf32, #tpu.memory_space<vmem>>
        tpu.enqueue_dma source(%dma_start3A_167 : memref<16xf32, #tpu.memory_space<vmem>>) target(%dma_start3A_164 : memref<16xf32, #tpu.memory_space<hbm>>) target_semaphore(%run_scoped3A_158 : memref<!tpu.dma_semaphore, #tpu.memory_space<semaphore_mem>>)
        %dma_wait3A = arith.constant 0 : i32
        %dma_wait3A_168 = tpu.memref_slice %arg6[%run_scoped3A_156, %dma_wait3A] : memref<5x16xf32, #tpu.memory_space<vmem>> -> memref<1x16xf32, #tpu.memory_space<vmem>>
        %dma_wait3A_169 = tpu.memref_squeeze %dma_wait3A_168 : memref<1x16xf32, #tpu.memory_space<vmem>> -> memref<16xf32, #tpu.memory_space<vmem>>
        %dma_wait3A_170 = tpu.memref_slice %arg4[%run_scoped3A_157, %mul3A_155] : memref<5x128xf32, #tpu.memory_space<hbm>> -> memref<1x16xf32, #tpu.memory_space<hbm>>
        %dma_wait3A_171 = tpu.memref_squeeze %dma_wait3A_170 : memref<1x16xf32, #tpu.memory_space<hbm>> -> memref<16xf32, #tpu.memory_space<hbm>>
        %dma_wait3A_172 = tpu.memref_slice %arg4[%run_scoped3A_157, %mul3A_155] : memref<5x128xf32, #tpu.memory_space<hbm>> -> memref<1x16xf32, #tpu.memory_space<hbm>>
        %dma_wait3A_173 = tpu.memref_squeeze %dma_wait3A_172 : memref<1x16xf32, #tpu.memory_space<hbm>> -> memref<16xf32, #tpu.memory_space<hbm>>
        %dma_wait3A_174 = arith.constant 0 : i32
        %dma_wait3A_175 = tpu.memref_slice %arg6[%run_scoped3A_156, %dma_wait3A_174] : memref<5x16xf32, #tpu.memory_space<vmem>> -> memref<1x16xf32, #tpu.memory_space<vmem>>
        %dma_wait3A_176 = tpu.memref_squeeze %dma_wait3A_175 : memref<1x16xf32, #tpu.memory_space<vmem>> -> memref<16xf32, #tpu.memory_space<vmem>>
        tpu.wait_dma2 semaphore(%run_scoped3A_158 : memref<!tpu.dma_semaphore, #tpu.memory_space<semaphore_mem>>) src(%dma_wait3A_176 : memref<16xf32, #tpu.memory_space<vmem>>) dst(%dma_wait3A_173 : memref<16xf32, #tpu.memory_space<hbm>>)
        tpu.yield
      }) : () -> ()
    } else {
    }
    return
  }
}

module attributes {stable_mosaic.version = 14 : i64} {
  func.func @_router_body(%arg0: memref<128x150xf32, #tpu.memory_space<vmem>>, %arg1: memref<128x5xf32, #tpu.memory_space<vmem>>, %arg2: memref<150x384xf32, #tpu.memory_space<vmem>>, %arg3: memref<384xf32, #tpu.memory_space<vmem>>, %arg4: memref<384xf32, #tpu.memory_space<vmem>>, %arg5: memref<384xf32, #tpu.memory_space<vmem>>, %arg6: memref<384x192xf32, #tpu.memory_space<vmem>>, %arg7: memref<192xf32, #tpu.memory_space<vmem>>, %arg8: memref<192xf32, #tpu.memory_space<vmem>>, %arg9: memref<192xf32, #tpu.memory_space<vmem>>, %arg10: memref<192x5xf32, #tpu.memory_space<vmem>>, %arg11: memref<5xf32, #tpu.memory_space<vmem>>, %arg12: memref<5x128xf32, #tpu.memory_space<vmem>>) attributes {dimension_semantics = [], scalar_prefetch = 0 : i64, scratch_operands = 0 : i64, tpu.core_type = #tpu.core_type<tc>} {
    %get3A = arith.constant 0 : index
    %get3A_0 = arith.constant 0 : index
    %get3A_1 = vector.load %arg0[%get3A, %get3A_0] : memref<128x150xf32, #tpu.memory_space<vmem>>, vector<128x150xf32>
    %get3A_2 = arith.constant 0 : index
    %get3A_3 = arith.constant 0 : index
    %get3A_4 = vector.load %arg2[%get3A_2, %get3A_3] : memref<150x384xf32, #tpu.memory_space<vmem>>, vector<150x384xf32>
    %dot_general3A = arith.constant dense<0.000000e+00> : vector<128x384xf32>
    %dot_general3A_5 = tpu.matmul %get3A_1, %get3A_4, %dot_general3A {dimension_numbers = #tpu.dot_dimension_numbers<[1], [0], [0], [1], [0, 0, 1, 1], [], []>, transpose_lhs_hint = false} : vector<128x150xf32>, vector<150x384xf32>, vector<128x384xf32> -> vector<128x384xf32>
    %get3A_6 = arith.constant 0 : index
    %get3A_7 = vector.load %arg3[%get3A_6] : memref<384xf32, #tpu.memory_space<vmem>>, vector<384xf32>
    %broadcast_in_dim3A = vector.shape_cast %get3A_7 : vector<384xf32> to vector<1x384xf32>
    %add3A = vector.broadcast %broadcast_in_dim3A : vector<1x384xf32> to vector<128x384xf32>
    %add3A_8 = arith.addf %dot_general3A_5, %add3A : vector<128x384xf32>
    %get3A_9 = arith.constant 0 : index
    %get3A_10 = vector.load %arg4[%get3A_9] : memref<384xf32, #tpu.memory_space<vmem>>, vector<384xf32>
    %get3A_11 = arith.constant 0 : index
    %get3A_12 = vector.load %arg5[%get3A_11] : memref<384xf32, #tpu.memory_space<vmem>>, vector<384xf32>
    %reduce_sum3A = arith.constant dense<0.000000e+00> : vector<128xf32>
    %reduce_sum3A_13 = vector.multi_reduction <add>, %add3A_8, %reduce_sum3A [1] : vector<128x384xf32> to vector<128xf32>
    %broadcast_in_dim3A_14 = vector.shape_cast %reduce_sum3A_13 : vector<128xf32> to vector<128x1xf32>
    %div3A = arith.constant 3.840000e+02 : f32
    %div3A_15 = vector.broadcast %div3A : f32 to vector<128x1xf32>
    %div3A_16 = arith.divf %broadcast_in_dim3A_14, %div3A_15 : vector<128x1xf32>
    %jit3A = arith.constant 0 : i32
    %reduce_sum3A_17 = arith.constant dense<0.000000e+00> : vector<128xf32>
    %reduce_sum3A_18 = vector.multi_reduction <add>, %add3A_8, %reduce_sum3A_17 [1] : vector<128x384xf32> to vector<128xf32>
    %broadcast_in_dim3A_19 = vector.shape_cast %reduce_sum3A_18 : vector<128xf32> to vector<128x1xf32>
    %div3A_20 = arith.constant 3.840000e+02 : f32
    %div3A_21 = vector.broadcast %div3A_20 : f32 to vector<128x1xf32>
    %div3A_22 = arith.divf %broadcast_in_dim3A_19, %div3A_21 : vector<128x1xf32>
    %sub3A = vector.broadcast %div3A_22 : vector<128x1xf32> to vector<128x384xf32>
    %sub3A_23 = arith.subf %add3A_8, %sub3A : vector<128x384xf32>
    %square3A = arith.mulf %sub3A_23, %sub3A_23 : vector<128x384xf32>
    %convert_element_type3A = arith.sitofp %jit3A : i32 to f32
    %sub3A_24 = arith.constant 3.840000e+02 : f32
    %sub3A_25 = arith.subf %sub3A_24, %convert_element_type3A : f32
    %reduce_sum3A_26 = arith.constant dense<0.000000e+00> : vector<128xf32>
    %reduce_sum3A_27 = vector.multi_reduction <add>, %square3A, %reduce_sum3A_26 [1] : vector<128x384xf32> to vector<128xf32>
    %broadcast_in_dim3A_28 = vector.shape_cast %reduce_sum3A_27 : vector<128xf32> to vector<128x1xf32>
    %div3A_29 = vector.broadcast %sub3A_25 : f32 to vector<128x1xf32>
    %div3A_30 = arith.divf %broadcast_in_dim3A_28, %div3A_29 : vector<128x1xf32>
    %gt3A = arith.constant 0.000000e+00 : f32
    %gt3A_31 = arith.cmpf ogt, %sub3A_25, %gt3A : f32
    %jit3A_32 = arith.constant 0x7FC00000 : f32
    %broadcast_in_dim3A_33 = vector.broadcast %jit3A_32 : f32 to vector<128x1xf32>
    %select_n3A = arith.select %gt3A_31, %div3A_30, %broadcast_in_dim3A_33 : vector<128x1xf32>
    %sub3A_34 = vector.broadcast %div3A_16 : vector<128x1xf32> to vector<128x384xf32>
    %sub3A_35 = arith.subf %add3A_8, %sub3A_34 : vector<128x384xf32>
    %add3A_36 = arith.constant 9.99999974E-6 : f32
    %add3A_37 = vector.broadcast %add3A_36 : f32 to vector<128x1xf32>
    %add3A_38 = arith.addf %select_n3A, %add3A_37 : vector<128x1xf32>
    %sqrt3A = math.sqrt %add3A_38 : vector<128x1xf32>
    %div3A_39 = vector.broadcast %sqrt3A : vector<128x1xf32> to vector<128x384xf32>
    %div3A_40 = arith.divf %sub3A_35, %div3A_39 : vector<128x384xf32>
    %broadcast_in_dim3A_41 = vector.shape_cast %get3A_10 : vector<384xf32> to vector<1x384xf32>
    %mul3A = vector.broadcast %broadcast_in_dim3A_41 : vector<1x384xf32> to vector<128x384xf32>
    %mul3A_42 = arith.mulf %div3A_40, %mul3A : vector<128x384xf32>
    %broadcast_in_dim3A_43 = vector.shape_cast %get3A_12 : vector<384xf32> to vector<1x384xf32>
    %add3A_44 = vector.broadcast %broadcast_in_dim3A_43 : vector<1x384xf32> to vector<128x384xf32>
    %add3A_45 = arith.addf %mul3A_42, %add3A_44 : vector<128x384xf32>
    %max3A = arith.constant 0.000000e+00 : f32
    %max3A_46 = vector.broadcast %max3A : f32 to vector<128x384xf32>
    %max3A_47 = arith.maximumf %add3A_45, %max3A_46 : vector<128x384xf32>
    %get3A_48 = arith.constant 0 : index
    %get3A_49 = arith.constant 0 : index
    %get3A_50 = vector.load %arg6[%get3A_48, %get3A_49] : memref<384x192xf32, #tpu.memory_space<vmem>>, vector<384x192xf32>
    %dot_general3A_51 = arith.constant dense<0.000000e+00> : vector<128x192xf32>
    %dot_general3A_52 = tpu.matmul %max3A_47, %get3A_50, %dot_general3A_51 {dimension_numbers = #tpu.dot_dimension_numbers<[1], [0], [0], [1], [0, 0, 1, 1], [], []>, transpose_lhs_hint = false} : vector<128x384xf32>, vector<384x192xf32>, vector<128x192xf32> -> vector<128x192xf32>
    %get3A_53 = arith.constant 0 : index
    %get3A_54 = vector.load %arg7[%get3A_53] : memref<192xf32, #tpu.memory_space<vmem>>, vector<192xf32>
    %broadcast_in_dim3A_55 = vector.shape_cast %get3A_54 : vector<192xf32> to vector<1x192xf32>
    %add3A_56 = vector.broadcast %broadcast_in_dim3A_55 : vector<1x192xf32> to vector<128x192xf32>
    %add3A_57 = arith.addf %dot_general3A_52, %add3A_56 : vector<128x192xf32>
    %get3A_58 = arith.constant 0 : index
    %get3A_59 = vector.load %arg8[%get3A_58] : memref<192xf32, #tpu.memory_space<vmem>>, vector<192xf32>
    %get3A_60 = arith.constant 0 : index
    %get3A_61 = vector.load %arg9[%get3A_60] : memref<192xf32, #tpu.memory_space<vmem>>, vector<192xf32>
    %reduce_sum3A_62 = arith.constant dense<0.000000e+00> : vector<128xf32>
    %reduce_sum3A_63 = vector.multi_reduction <add>, %add3A_57, %reduce_sum3A_62 [1] : vector<128x192xf32> to vector<128xf32>
    %broadcast_in_dim3A_64 = vector.shape_cast %reduce_sum3A_63 : vector<128xf32> to vector<128x1xf32>
    %div3A_65 = arith.constant 1.920000e+02 : f32
    %div3A_66 = vector.broadcast %div3A_65 : f32 to vector<128x1xf32>
    %div3A_67 = arith.divf %broadcast_in_dim3A_64, %div3A_66 : vector<128x1xf32>
    %jit3A_68 = arith.constant 0 : i32
    %reduce_sum3A_69 = arith.constant dense<0.000000e+00> : vector<128xf32>
    %reduce_sum3A_70 = vector.multi_reduction <add>, %add3A_57, %reduce_sum3A_69 [1] : vector<128x192xf32> to vector<128xf32>
    %broadcast_in_dim3A_71 = vector.shape_cast %reduce_sum3A_70 : vector<128xf32> to vector<128x1xf32>
    %div3A_72 = arith.constant 1.920000e+02 : f32
    %div3A_73 = vector.broadcast %div3A_72 : f32 to vector<128x1xf32>
    %div3A_74 = arith.divf %broadcast_in_dim3A_71, %div3A_73 : vector<128x1xf32>
    %sub3A_75 = vector.broadcast %div3A_74 : vector<128x1xf32> to vector<128x192xf32>
    %sub3A_76 = arith.subf %add3A_57, %sub3A_75 : vector<128x192xf32>
    %square3A_77 = arith.mulf %sub3A_76, %sub3A_76 : vector<128x192xf32>
    %convert_element_type3A_78 = arith.sitofp %jit3A_68 : i32 to f32
    %sub3A_79 = arith.constant 1.920000e+02 : f32
    %sub3A_80 = arith.subf %sub3A_79, %convert_element_type3A_78 : f32
    %reduce_sum3A_81 = arith.constant dense<0.000000e+00> : vector<128xf32>
    %reduce_sum3A_82 = vector.multi_reduction <add>, %square3A_77, %reduce_sum3A_81 [1] : vector<128x192xf32> to vector<128xf32>
    %broadcast_in_dim3A_83 = vector.shape_cast %reduce_sum3A_82 : vector<128xf32> to vector<128x1xf32>
    %div3A_84 = vector.broadcast %sub3A_80 : f32 to vector<128x1xf32>
    %div3A_85 = arith.divf %broadcast_in_dim3A_83, %div3A_84 : vector<128x1xf32>
    %gt3A_86 = arith.constant 0.000000e+00 : f32
    %gt3A_87 = arith.cmpf ogt, %sub3A_80, %gt3A_86 : f32
    %jit3A_88 = arith.constant 0x7FC00000 : f32
    %broadcast_in_dim3A_89 = vector.broadcast %jit3A_88 : f32 to vector<128x1xf32>
    %select_n3A_90 = arith.select %gt3A_87, %div3A_85, %broadcast_in_dim3A_89 : vector<128x1xf32>
    %sub3A_91 = vector.broadcast %div3A_67 : vector<128x1xf32> to vector<128x192xf32>
    %sub3A_92 = arith.subf %add3A_57, %sub3A_91 : vector<128x192xf32>
    %add3A_93 = arith.constant 9.99999974E-6 : f32
    %add3A_94 = vector.broadcast %add3A_93 : f32 to vector<128x1xf32>
    %add3A_95 = arith.addf %select_n3A_90, %add3A_94 : vector<128x1xf32>
    %sqrt3A_96 = math.sqrt %add3A_95 : vector<128x1xf32>
    %div3A_97 = vector.broadcast %sqrt3A_96 : vector<128x1xf32> to vector<128x192xf32>
    %div3A_98 = arith.divf %sub3A_92, %div3A_97 : vector<128x192xf32>
    %broadcast_in_dim3A_99 = vector.shape_cast %get3A_59 : vector<192xf32> to vector<1x192xf32>
    %mul3A_100 = vector.broadcast %broadcast_in_dim3A_99 : vector<1x192xf32> to vector<128x192xf32>
    %mul3A_101 = arith.mulf %div3A_98, %mul3A_100 : vector<128x192xf32>
    %broadcast_in_dim3A_102 = vector.shape_cast %get3A_61 : vector<192xf32> to vector<1x192xf32>
    %add3A_103 = vector.broadcast %broadcast_in_dim3A_102 : vector<1x192xf32> to vector<128x192xf32>
    %add3A_104 = arith.addf %mul3A_101, %add3A_103 : vector<128x192xf32>
    %max3A_105 = arith.constant 0.000000e+00 : f32
    %max3A_106 = vector.broadcast %max3A_105 : f32 to vector<128x192xf32>
    %max3A_107 = arith.maximumf %add3A_104, %max3A_106 : vector<128x192xf32>
    %get3A_108 = arith.constant 0 : index
    %get3A_109 = arith.constant 0 : index
    %get3A_110 = vector.load %arg10[%get3A_108, %get3A_109] : memref<192x5xf32, #tpu.memory_space<vmem>>, vector<192x5xf32>
    %dot_general3A_111 = arith.constant dense<0.000000e+00> : vector<128x5xf32>
    %dot_general3A_112 = tpu.matmul %max3A_107, %get3A_110, %dot_general3A_111 {dimension_numbers = #tpu.dot_dimension_numbers<[1], [0], [0], [1], [0, 0, 1, 1], [], []>, transpose_lhs_hint = false} : vector<128x192xf32>, vector<192x5xf32>, vector<128x5xf32> -> vector<128x5xf32>
    %get3A_113 = arith.constant 0 : index
    %get3A_114 = vector.load %arg11[%get3A_113] : memref<5xf32, #tpu.memory_space<vmem>>, vector<5xf32>
    %broadcast_in_dim3A_115 = vector.shape_cast %get3A_114 : vector<5xf32> to vector<1x5xf32>
    %add3A_116 = vector.broadcast %broadcast_in_dim3A_115 : vector<1x5xf32> to vector<128x5xf32>
    %add3A_117 = arith.addf %dot_general3A_112, %add3A_116 : vector<128x5xf32>
    %get3A_118 = arith.constant 0 : index
    %get3A_119 = arith.constant 0 : index
    %get3A_120 = vector.load %arg1[%get3A_118, %get3A_119] : memref<128x5xf32, #tpu.memory_space<vmem>>, vector<128x5xf32>
    %log3A = math.log %get3A_120 : vector<128x5xf32>
    %neg3A = arith.constant 0.000000e+00 : f32
    %neg3A_121 = vector.broadcast %neg3A : f32 to vector<128x5xf32>
    %neg3A_122 = arith.subf %neg3A_121, %log3A : vector<128x5xf32>
    %log3A_123 = math.log %neg3A_122 : vector<128x5xf32>
    %sub3A_124 = arith.subf %add3A_117, %log3A_123 : vector<128x5xf32>
    %transpose3A = tpu.transpose %sub3A_124, [1, 0] : vector<128x5xf32> -> vector<5x128xf32>
    %swap3A = arith.constant 0 : index
    %swap3A_125 = arith.constant 0 : index
    %swap3A_126 = vector.load %arg12[%swap3A, %swap3A_125] : memref<5x128xf32, #tpu.memory_space<vmem>>, vector<5x128xf32>
    tpu.vector_store %arg12[%swap3A, %swap3A_125], %transpose3A {strides = array<i32>} : memref<5x128xf32, #tpu.memory_space<vmem>>, vector<5x128xf32>,
    return
  }
}

module attributes {stable_mosaic.version = 14 : i64} {
  func.func @_expert_body(%arg0: i32, %arg1: memref<1x32x5xf32, #tpu.memory_space<vmem>>, %arg2: memref<128x5xf32, #tpu.memory_space<vmem>>, %arg3: memref<32x10x32x15xf32, #tpu.memory_space<vmem>>, %arg4: memref<5x15x384xf32, #tpu.memory_space<vmem>>, %arg5: memref<5x1x384xf32, #tpu.memory_space<vmem>>, %arg6: memref<5x384x384xf32, #tpu.memory_space<vmem>>, %arg7: memref<5x384xf32, #tpu.memory_space<vmem>>, %arg8: memref<384x192xf32, #tpu.memory_space<vmem>>, %arg9: memref<192xf32, #tpu.memory_space<vmem>>, %arg10: memref<192xf32, #tpu.memory_space<vmem>>, %arg11: memref<192xf32, #tpu.memory_space<vmem>>, %arg12: memref<192x256xf32, #tpu.memory_space<vmem>>, %arg13: memref<256xf32, #tpu.memory_space<vmem>>, %arg14: memref<128x256xf32, #tpu.memory_space<vmem>>, %arg15: memref<4x32x384xf32, #tpu.memory_space<vmem>>) attributes {dimension_semantics = [#tpu.dimension_semantics<arbitrary>], iteration_bounds = array<i64: 5>, scalar_prefetch = 0 : i64, scratch_operands = 1 : i64, tpu.core_type = #tpu.core_type<tc>, window_params = [{transform_indices = @transform_0, window_bounds = array<i64: 1, 32, 5>}, {pipeline_mode = #tpu.pipeline_mode<synchronous>, transform_indices = @transform_1, window_bounds = array<i64: 128, 5>}, {transform_indices = @transform_2, window_bounds = array<i64: 32, 10, 32, 15>}, {pipeline_mode = #tpu.pipeline_mode<synchronous>, transform_indices = @transform_3, window_bounds = array<i64: 5, 15, 384>}, {pipeline_mode = #tpu.pipeline_mode<synchronous>, transform_indices = @transform_4, window_bounds = array<i64: 5, 1, 384>}, {pipeline_mode = #tpu.pipeline_mode<synchronous>, transform_indices = @transform_5, window_bounds = array<i64: 5, 384, 384>}, {pipeline_mode = #tpu.pipeline_mode<synchronous>, transform_indices = @transform_6, window_bounds = array<i64: 5, 384>}, {pipeline_mode = #tpu.pipeline_mode<synchronous>, transform_indices = @transform_7, window_bounds = array<i64: 384, 192>}, {pipeline_mode = #tpu.pipeline_mode<synchronous>, transform_indices = @transform_8, window_bounds = array<i64: 192>}, {pipeline_mode = #tpu.pipeline_mode<synchronous>, transform_indices = @transform_9, window_bounds = array<i64: 192>}, {pipeline_mode = #tpu.pipeline_mode<synchronous>, transform_indices = @transform_10, window_bounds = array<i64: 192>}, {pipeline_mode = #tpu.pipeline_mode<synchronous>, transform_indices = @transform_11, window_bounds = array<i64: 192, 256>}, {pipeline_mode = #tpu.pipeline_mode<synchronous>, transform_indices = @transform_12, window_bounds = array<i64: 256>}, {pipeline_mode = #tpu.pipeline_mode<synchronous>, transform_indices = @transform_13, window_bounds = array<i64: 128, 256>}]} {
    %lt3A = arith.constant 4 : i32
    %lt3A_0 = arith.cmpi slt, %arg0, %lt3A : i32
    %convert_element_type3A = arith.extui %lt3A_0 : i1 to i32
    %cond3A = arith.constant 0 : i32
    %cond3A_1 = arith.cmpi ne, %convert_element_type3A, %cond3A : i32
    scf.if %cond3A_1 {
      %get3A = arith.constant 0 : index
      %get3A_6 = arith.constant 0 : index
      %get3A_7 = arith.constant 0 : index
      %get3A_8 = vector.load %arg1[%get3A, %get3A_6, %get3A_7] : memref<1x32x5xf32, #tpu.memory_space<vmem>>, vector<1x32x5xf32>
      %get3A_9 = vector.shape_cast %get3A_8 : vector<1x32x5xf32> to vector<32x5xf32>
      %slice3A = vector.extract_strided_slice %get3A_9 {offsets = [0, 0], sizes = [1, 1], strides = [1, 1]} : vector<32x5xf32> to vector<1x1xf32>
      %get3A_10 = arith.constant 0 : index
      %get3A_11 = arith.constant 0 : index
      %get3A_12 = arith.constant 0 : index
      %get3A_13 = vector.load %arg4[%get3A_10, %get3A_11, %get3A_12] : memref<5x15x384xf32, #tpu.memory_space<vmem>>, vector<1x15x384xf32>
      %get3A_14 = vector.shape_cast %get3A_13 : vector<1x15x384xf32> to vector<15x384xf32>
      %mul3A = vector.broadcast %slice3A : vector<1x1xf32> to vector<15x384xf32>
      %mul3A_15 = arith.mulf %mul3A, %get3A_14 : vector<15x384xf32>
      %slice3A_16 = vector.extract_strided_slice %get3A_9 {offsets = [0, 0], sizes = [1, 1], strides = [1, 1]} : vector<32x5xf32> to vector<1x1xf32>
      %get3A_17 = arith.constant 0 : index
      %get3A_18 = arith.constant 0 : index
      %get3A_19 = arith.constant 0 : index
      %get3A_20 = vector.load %arg5[%get3A_17, %get3A_18, %get3A_19] : memref<5x1x384xf32, #tpu.memory_space<vmem>>, vector<1x1x384xf32>
      %get3A_21 = vector.shape_cast %get3A_20 : vector<1x1x384xf32> to vector<1x384xf32>
      %mul3A_22 = vector.broadcast %slice3A_16 : vector<1x1xf32> to vector<1x384xf32>
      %mul3A_23 = arith.mulf %mul3A_22, %get3A_21 : vector<1x384xf32>
      %slice3A_24 = vector.extract_strided_slice %get3A_9 {offsets = [0, 1], sizes = [1, 1], strides = [1, 1]} : vector<32x5xf32> to vector<1x1xf32>
      %get3A_25 = arith.constant 1 : index
      %get3A_26 = arith.constant 0 : index
      %get3A_27 = arith.constant 0 : index
      %get3A_28 = vector.load %arg4[%get3A_25, %get3A_26, %get3A_27] : memref<5x15x384xf32, #tpu.memory_space<vmem>>, vector<1x15x384xf32>
      %get3A_29 = vector.shape_cast %get3A_28 : vector<1x15x384xf32> to vector<15x384xf32>
      %mul3A_30 = vector.broadcast %slice3A_24 : vector<1x1xf32> to vector<15x384xf32>
      %mul3A_31 = arith.mulf %mul3A_30, %get3A_29 : vector<15x384xf32>
      %add3A = arith.addf %mul3A_15, %mul3A_31 : vector<15x384xf32>
      %slice3A_32 = vector.extract_strided_slice %get3A_9 {offsets = [0, 1], sizes = [1, 1], strides = [1, 1]} : vector<32x5xf32> to vector<1x1xf32>
      %get3A_33 = arith.constant 1 : index
      %get3A_34 = arith.constant 0 : index
      %get3A_35 = arith.constant 0 : index
      %get3A_36 = vector.load %arg5[%get3A_33, %get3A_34, %get3A_35] : memref<5x1x384xf32, #tpu.memory_space<vmem>>, vector<1x1x384xf32>
      %get3A_37 = vector.shape_cast %get3A_36 : vector<1x1x384xf32> to vector<1x384xf32>
      %mul3A_38 = vector.broadcast %slice3A_32 : vector<1x1xf32> to vector<1x384xf32>
      %mul3A_39 = arith.mulf %mul3A_38, %get3A_37 : vector<1x384xf32>
      %add3A_40 = arith.addf %mul3A_23, %mul3A_39 : vector<1x384xf32>
      %slice3A_41 = vector.extract_strided_slice %get3A_9 {offsets = [0, 2], sizes = [1, 1], strides = [1, 1]} : vector<32x5xf32> to vector<1x1xf32>
      %get3A_42 = arith.constant 2 : index
      %get3A_43 = arith.constant 0 : index
      %get3A_44 = arith.constant 0 : index
      %get3A_45 = vector.load %arg4[%get3A_42, %get3A_43, %get3A_44] : memref<5x15x384xf32, #tpu.memory_space<vmem>>, vector<1x15x384xf32>
      %get3A_46 = vector.shape_cast %get3A_45 : vector<1x15x384xf32> to vector<15x384xf32>
      %mul3A_47 = vector.broadcast %slice3A_41 : vector<1x1xf32> to vector<15x384xf32>
      %mul3A_48 = arith.mulf %mul3A_47, %get3A_46 : vector<15x384xf32>
      %add3A_49 = arith.addf %add3A, %mul3A_48 : vector<15x384xf32>
      %slice3A_50 = vector.extract_strided_slice %get3A_9 {offsets = [0, 2], sizes = [1, 1], strides = [1, 1]} : vector<32x5xf32> to vector<1x1xf32>
      %get3A_51 = arith.constant 2 : index
      %get3A_52 = arith.constant 0 : index
      %get3A_53 = arith.constant 0 : index
      %get3A_54 = vector.load %arg5[%get3A_51, %get3A_52, %get3A_53] : memref<5x1x384xf32, #tpu.memory_space<vmem>>, vector<1x1x384xf32>
      %get3A_55 = vector.shape_cast %get3A_54 : vector<1x1x384xf32> to vector<1x384xf32>
      %mul3A_56 = vector.broadcast %slice3A_50 : vector<1x1xf32> to vector<1x384xf32>
      %mul3A_57 = arith.mulf %mul3A_56, %get3A_55 : vector<1x384xf32>
      %add3A_58 = arith.addf %add3A_40, %mul3A_57 : vector<1x384xf32>
      %slice3A_59 = vector.extract_strided_slice %get3A_9 {offsets = [0, 3], sizes = [1, 1], strides = [1, 1]} : vector<32x5xf32> to vector<1x1xf32>
      %get3A_60 = arith.constant 3 : index
      %get3A_61 = arith.constant 0 : index
      %get3A_62 = arith.constant 0 : index
      %get3A_63 = vector.load %arg4[%get3A_60, %get3A_61, %get3A_62] : memref<5x15x384xf32, #tpu.memory_space<vmem>>, vector<1x15x384xf32>
      %get3A_64 = vector.shape_cast %get3A_63 : vector<1x15x384xf32> to vector<15x384xf32>
      %mul3A_65 = vector.broadcast %slice3A_59 : vector<1x1xf32> to vector<15x384xf32>
      %mul3A_66 = arith.mulf %mul3A_65, %get3A_64 : vector<15x384xf32>
      %add3A_67 = arith.addf %add3A_49, %mul3A_66 : vector<15x384xf32>
      %slice3A_68 = vector.extract_strided_slice %get3A_9 {offsets = [0, 3], sizes = [1, 1], strides = [1, 1]} : vector<32x5xf32> to vector<1x1xf32>
      %get3A_69 = arith.constant 3 : index
      %get3A_70 = arith.constant 0 : index
      %get3A_71 = arith.constant 0 : index
      %get3A_72 = vector.load %arg5[%get3A_69, %get3A_70, %get3A_71] : memref<5x1x384xf32, #tpu.memory_space<vmem>>, vector<1x1x384xf32>
      %get3A_73 = vector.shape_cast %get3A_72 : vector<1x1x384xf32> to vector<1x384xf32>
      %mul3A_74 = vector.broadcast %slice3A_68 : vector<1x1xf32> to vector<1x384xf32>
      %mul3A_75 = arith.mulf %mul3A_74, %get3A_73 : vector<1x384xf32>
      %add3A_76 = arith.addf %add3A_58, %mul3A_75 : vector<1x384xf32>
      %slice3A_77 = vector.extract_strided_slice %get3A_9 {offsets = [0, 4], sizes = [1, 1], strides = [1, 1]} : vector<32x5xf32> to vector<1x1xf32>
      %get3A_78 = arith.constant 4 : index
      %get3A_79 = arith.constant 0 : index
      %get3A_80 = arith.constant 0 : index
      %get3A_81 = vector.load %arg4[%get3A_78, %get3A_79, %get3A_80] : memref<5x15x384xf32, #tpu.memory_space<vmem>>, vector<1x15x384xf32>
      %get3A_82 = vector.shape_cast %get3A_81 : vector<1x15x384xf32> to vector<15x384xf32>
      %mul3A_83 = vector.broadcast %slice3A_77 : vector<1x1xf32> to vector<15x384xf32>
      %mul3A_84 = arith.mulf %mul3A_83, %get3A_82 : vector<15x384xf32>
      %add3A_85 = arith.addf %add3A_67, %mul3A_84 : vector<15x384xf32>
      %slice3A_86 = vector.extract_strided_slice %get3A_9 {offsets = [0, 4], sizes = [1, 1], strides = [1, 1]} : vector<32x5xf32> to vector<1x1xf32>
      %get3A_87 = arith.constant 4 : index
      %get3A_88 = arith.constant 0 : index
      %get3A_89 = arith.constant 0 : index
      %get3A_90 = vector.load %arg5[%get3A_87, %get3A_88, %get3A_89] : memref<5x1x384xf32, #tpu.memory_space<vmem>>, vector<1x1x384xf32>
      %get3A_91 = vector.shape_cast %get3A_90 : vector<1x1x384xf32> to vector<1x384xf32>
      %mul3A_92 = vector.broadcast %slice3A_86 : vector<1x1xf32> to vector<1x384xf32>
      %mul3A_93 = arith.mulf %mul3A_92, %get3A_91 : vector<1x384xf32>
      %add3A_94 = arith.addf %add3A_76, %mul3A_93 : vector<1x384xf32>
      %get3A_95 = arith.constant 0 : index
      %get3A_96 = arith.constant 0 : index
      %get3A_97 = arith.constant 0 : index
      %get3A_98 = arith.constant 0 : index
      %get3A_99 = vector.load %arg3[%get3A_95, %get3A_96, %get3A_97, %get3A_98] : memref<32x10x32x15xf32, #tpu.memory_space<vmem>>, vector<1x10x32x15xf32>
      %get3A_100 = vector.shape_cast %get3A_99 : vector<1x10x32x15xf32> to vector<10x32x15xf32>
      %reshape3A = vector.shape_cast %get3A_100 : vector<10x32x15xf32> to vector<320x15xf32>
      %dot_general3A = arith.constant dense<0.000000e+00> : vector<320x384xf32>
      %dot_general3A_101 = tpu.matmul %reshape3A, %add3A_85, %dot_general3A {dimension_numbers = #tpu.dot_dimension_numbers<[1], [0], [0], [1], [0, 0, 1, 1], [], []>, transpose_lhs_hint = false} : vector<320x15xf32>, vector<15x384xf32>, vector<320x384xf32> -> vector<320x384xf32>
      %add3A_102 = vector.broadcast %add3A_94 : vector<1x384xf32> to vector<320x384xf32>
      %add3A_103 = arith.addf %dot_general3A_101, %add3A_102 : vector<320x384xf32>
      %max3A = arith.constant 0.000000e+00 : f32
      %max3A_104 = vector.broadcast %max3A : f32 to vector<320x384xf32>
      %max3A_105 = arith.maximumf %add3A_103, %max3A_104 : vector<320x384xf32>
      %reduce_sum3A = arith.constant dense<0.000000e+00> : vector<384xf32>
      %reduce_sum3A_106 = vector.multi_reduction <add>, %max3A_105, %reduce_sum3A [0] : vector<320x384xf32> to vector<384xf32>
      %div3A = arith.constant 3.200000e+02 : f32
      %div3A_107 = vector.broadcast %div3A : f32 to vector<384xf32>
      %div3A_108 = arith.divf %reduce_sum3A_106, %div3A_107 : vector<384xf32>
      %swap3A = arith.index_cast %arg0 : i32 to index
      %swap3A_109 = arith.constant 0 : index
      %swap3A_110 = arith.constant 0 : index
      %swap3A_111 = vector.load %arg15[%swap3A, %swap3A_109, %swap3A_110] : memref<4x32x384xf32, #tpu.memory_space<vmem>>, vector<1x1x384xf32>
      %swap3A_112 = vector.shape_cast %swap3A_111 : vector<1x1x384xf32> to vector<384xf32>
      %swap3A_113 = vector.shape_cast %div3A_108 : vector<384xf32> to vector<1x1x384xf32>
      tpu.vector_store %arg15[%swap3A, %swap3A_109, %swap3A_110], %swap3A_113 {strides = array<i32>} : memref<4x32x384xf32, #tpu.memory_space<vmem>>, vector<1x1x384xf32>,
      %slice3A_114 = vector.extract_strided_slice %get3A_9 {offsets = [1, 0], sizes = [1, 1], strides = [1, 1]} : vector<32x5xf32> to vector<1x1xf32>
      %get3A_115 = arith.constant 0 : index
      %get3A_116 = arith.constant 0 : index
      %get3A_117 = arith.constant 0 : index
      %get3A_118 = vector.load %arg4[%get3A_115, %get3A_116, %get3A_117] : memref<5x15x384xf32, #tpu.memory_space<vmem>>, vector<1x15x384xf32>
      %get3A_119 = vector.shape_cast %get3A_118 : vector<1x15x384xf32> to vector<15x384xf32>
      %mul3A_120 = vector.broadcast %slice3A_114 : vector<1x1xf32> to vector<15x384xf32>
      %mul3A_121 = arith.mulf %mul3A_120, %get3A_119 : vector<15x384xf32>
      %slice3A_122 = vector.extract_strided_slice %get3A_9 {offsets = [1, 0], sizes = [1, 1], strides = [1, 1]} : vector<32x5xf32> to vector<1x1xf32>
      %get3A_123 = arith.constant 0 : index
      %get3A_124 = arith.constant 0 : index
      %get3A_125 = arith.constant 0 : index
      %get3A_126 = vector.load %arg5[%get3A_123, %get3A_124, %get3A_125] : memref<5x1x384xf32, #tpu.memory_space<vmem>>, vector<1x1x384xf32>
      %get3A_127 = vector.shape_cast %get3A_126 : vector<1x1x384xf32> to vector<1x384xf32>
      %mul3A_128 = vector.broadcast %slice3A_122 : vector<1x1xf32> to vector<1x384xf32>
      %mul3A_129 = arith.mulf %mul3A_128, %get3A_127 : vector<1x384xf32>
      %slice3A_130 = vector.extract_strided_slice %get3A_9 {offsets = [1, 1], sizes = [1, 1], strides = [1, 1]} : vector<32x5xf32> to vector<1x1xf32>
      %get3A_131 = arith.constant 1 : index
      %get3A_132 = arith.constant 0 : index
      %get3A_133 = arith.constant 0 : index
      %get3A_134 = vector.load %arg4[%get3A_131, %get3A_132, %get3A_133] : memref<5x15x384xf32, #tpu.memory_space<vmem>>, vector<1x15x384xf32>
      %get3A_135 = vector.shape_cast %get3A_134 : vector<1x15x384xf32> to vector<15x384xf32>
      %mul3A_136 = vector.broadcast %slice3A_130 : vector<1x1xf32> to vector<15x384xf32>
      %mul3A_137 = arith.mulf %mul3A_136, %get3A_135 : vector<15x384xf32>
      %add3A_138 = arith.addf %mul3A_121, %mul3A_137 : vector<15x384xf32>
      %slice3A_139 = vector.extract_strided_slice %get3A_9 {offsets = [1, 1], sizes = [1, 1], strides = [1, 1]} : vector<32x5xf32> to vector<1x1xf32>
      %get3A_140 = arith.constant 1 : index
      %get3A_141 = arith.constant 0 : index
      %get3A_142 = arith.constant 0 : index
      %get3A_143 = vector.load %arg5[%get3A_140, %get3A_141, %get3A_142] : memref<5x1x384xf32, #tpu.memory_space<vmem>>, vector<1x1x384xf32>
      %get3A_144 = vector.shape_cast %get3A_143 : vector<1x1x384xf32> to vector<1x384xf32>
      %mul3A_145 = vector.broadcast %slice3A_139 : vector<1x1xf32> to vector<1x384xf32>
      %mul3A_146 = arith.mulf %mul3A_145, %get3A_144 : vector<1x384xf32>
      %add3A_147 = arith.addf %mul3A_129, %mul3A_146 : vector<1x384xf32>
      %slice3A_148 = vector.extract_strided_slice %get3A_9 {offsets = [1, 2], sizes = [1, 1], strides = [1, 1]} : vector<32x5xf32> to vector<1x1xf32>
      %get3A_149 = arith.constant 2 : index
      %get3A_150 = arith.constant 0 : index
      %get3A_151 = arith.constant 0 : index
      %get3A_152 = vector.load %arg4[%get3A_149, %get3A_150, %get3A_151] : memref<5x15x384xf32, #tpu.memory_space<vmem>>, vector<1x15x384xf32>
      %get3A_153 = vector.shape_cast %get3A_152 : vector<1x15x384xf32> to vector<15x384xf32>
      %mul3A_154 = vector.broadcast %slice3A_148 : vector<1x1xf32> to vector<15x384xf32>
      %mul3A_155 = arith.mulf %mul3A_154, %get3A_153 : vector<15x384xf32>
      %add3A_156 = arith.addf %add3A_138, %mul3A_155 : vector<15x384xf32>
      %slice3A_157 = vector.extract_strided_slice %get3A_9 {offsets = [1, 2], sizes = [1, 1], strides = [1, 1]} : vector<32x5xf32> to vector<1x1xf32>
      %get3A_158 = arith.constant 2 : index
      %get3A_159 = arith.constant 0 : index
      %get3A_160 = arith.constant 0 : index
      %get3A_161 = vector.load %arg5[%get3A_158, %get3A_159, %get3A_160] : memref<5x1x384xf32, #tpu.memory_space<vmem>>, vector<1x1x384xf32>
      %get3A_162 = vector.shape_cast %get3A_161 : vector<1x1x384xf32> to vector<1x384xf32>
      %mul3A_163 = vector.broadcast %slice3A_157 : vector<1x1xf32> to vector<1x384xf32>
      %mul3A_164 = arith.mulf %mul3A_163, %get3A_162 : vector<1x384xf32>
      %add3A_165 = arith.addf %add3A_147, %mul3A_164 : vector<1x384xf32>
      %slice3A_166 = vector.extract_strided_slice %get3A_9 {offsets = [1, 3], sizes = [1, 1], strides = [1, 1]} : vector<32x5xf32> to vector<1x1xf32>
      %get3A_167 = arith.constant 3 : index
      %get3A_168 = arith.constant 0 : index
      %get3A_169 = arith.constant 0 : index
      %get3A_170 = vector.load %arg4[%get3A_167, %get3A_168, %get3A_169] : memref<5x15x384xf32, #tpu.memory_space<vmem>>, vector<1x15x384xf32>
      %get3A_171 = vector.shape_cast %get3A_170 : vector<1x15x384xf32> to vector<15x384xf32>
      %mul3A_172 = vector.broadcast %slice3A_166 : vector<1x1xf32> to vector<15x384xf32>
      %mul3A_173 = arith.mulf %mul3A_172, %get3A_171 : vector<15x384xf32>
      %add3A_174 = arith.addf %add3A_156, %mul3A_173 : vector<15x384xf32>
      %slice3A_175 = vector.extract_strided_slice %get3A_9 {offsets = [1, 3], sizes = [1, 1], strides = [1, 1]} : vector<32x5xf32> to vector<1x1xf32>
      %get3A_176 = arith.constant 3 : index
      %get3A_177 = arith.constant 0 : index
      %get3A_178 = arith.constant 0 : index
      %get3A_179 = vector.load %arg5[%get3A_176, %get3A_177, %get3A_178] : memref<5x1x384xf32, #tpu.memory_space<vmem>>, vector<1x1x384xf32>
      %get3A_180 = vector.shape_cast %get3A_179 : vector<1x1x384xf32> to vector<1x384xf32>
      %mul3A_181 = vector.broadcast %slice3A_175 : vector<1x1xf32> to vector<1x384xf32>
      %mul3A_182 = arith.mulf %mul3A_181, %get3A_180 : vector<1x384xf32>
      %add3A_183 = arith.addf %add3A_165, %mul3A_182 : vector<1x384xf32>
      %slice3A_184 = vector.extract_strided_slice %get3A_9 {offsets = [1, 4], sizes = [1, 1], strides = [1, 1]} : vector<32x5xf32> to vector<1x1xf32>
      %get3A_185 = arith.constant 4 : index
      %get3A_186 = arith.constant 0 : index
      %get3A_187 = arith.constant 0 : index
      %get3A_188 = vector.load %arg4[%get3A_185, %get3A_186, %get3A_187] : memref<5x15x384xf32, #tpu.memory_space<vmem>>, vector<1x15x384xf32>
      %get3A_189 = vector.shape_cast %get3A_188 : vector<1x15x384xf32> to vector<15x384xf32>
      %mul3A_190 = vector.broadcast %slice3A_184 : vector<1x1xf32> to vector<15x384xf32>
      %mul3A_191 = arith.mulf %mul3A_190, %get3A_189 : vector<15x384xf32>
      %add3A_192 = arith.addf %add3A_174, %mul3A_191 : vector<15x384xf32>
      %slice3A_193 = vector.extract_strided_slice %get3A_9 {offsets = [1, 4], sizes = [1, 1], strides = [1, 1]} : vector<32x5xf32> to vector<1x1xf32>
      %get3A_194 = arith.constant 4 : index
      %get3A_195 = arith.constant 0 : index
      %get3A_196 = arith.constant 0 : index
      %get3A_197 = vector.load %arg5[%get3A_194, %get3A_195, %get3A_196] : memref<5x1x384xf32, #tpu.memory_space<vmem>>, vector<1x1x384xf32>
      %get3A_198 = vector.shape_cast %get3A_197 : vector<1x1x384xf32> to vector<1x384xf32>
      %mul3A_199 = vector.broadcast %slice3A_193 : vector<1x1xf32> to vector<1x384xf32>
      %mul3A_200 = arith.mulf %mul3A_199, %get3A_198 : vector<1x384xf32>
      %add3A_201 = arith.addf %add3A_183, %mul3A_200 : vector<1x384xf32>
      %get3A_202 = arith.constant 1 : index
      %get3A_203 = arith.constant 0 : index
      %get3A_204 = arith.constant 0 : index
      %get3A_205 = arith.constant 0 : index
      %get3A_206 = vector.load %arg3[%get3A_202, %get3A_203, %get3A_204, %get3A_205] : memref<32x10x32x15xf32, #tpu.memory_space<vmem>>, vector<1x10x32x15xf32>
      %get3A_207 = vector.shape_cast %get3A_206 : vector<1x10x32x15xf32> to vector<10x32x15xf32>
      %reshape3A_208 = vector.shape_cast %get3A_207 : vector<10x32x15xf32> to vector<320x15xf32>
      %dot_general3A_209 = arith.constant dense<0.000000e+00> : vector<320x384xf32>
      %dot_general3A_210 = tpu.matmul %reshape3A_208, %add3A_192, %dot_general3A_209 {dimension_numbers = #tpu.dot_dimension_numbers<[1], [0], [0], [1], [0, 0, 1, 1], [], []>, transpose_lhs_hint = false} : vector<320x15xf32>, vector<15x384xf32>, vector<320x384xf32> -> vector<320x384xf32>
      %add3A_211 = vector.broadcast %add3A_201 : vector<1x384xf32> to vector<320x384xf32>
      %add3A_212 = arith.addf %dot_general3A_210, %add3A_211 : vector<320x384xf32>
      %max3A_213 = arith.constant 0.000000e+00 : f32
      %max3A_214 = vector.broadcast %max3A_213 : f32 to vector<320x384xf32>
      %max3A_215 = arith.maximumf %add3A_212, %max3A_214 : vector<320x384xf32>
      %reduce_sum3A_216 = arith.constant dense<0.000000e+00> : vector<384xf32>
      %reduce_sum3A_217 = vector.multi_reduction <add>, %max3A_215, %reduce_sum3A_216 [0] : vector<320x384xf32> to vector<384xf32>
      %div3A_218 = arith.constant 3.200000e+02 : f32
      %div3A_219 = vector.broadcast %div3A_218 : f32 to vector<384xf32>
      %div3A_220 = arith.divf %reduce_sum3A_217, %div3A_219 : vector<384xf32>
      %swap3A_221 = arith.index_cast %arg0 : i32 to index
      %swap3A_222 = arith.constant 1 : index
      %swap3A_223 = arith.constant 0 : index
      %swap3A_224 = vector.load %arg15[%swap3A_221, %swap3A_222, %swap3A_223] : memref<4x32x384xf32, #tpu.memory_space<vmem>>, vector<1x1x384xf32>
      %swap3A_225 = vector.shape_cast %swap3A_224 : vector<1x1x384xf32> to vector<384xf32>
      %swap3A_226 = vector.shape_cast %div3A_220 : vector<384xf32> to vector<1x1x384xf32>
      tpu.vector_store %arg15[%swap3A_221, %swap3A_222, %swap3A_223], %swap3A_226 {strides = array<i32>} : memref<4x32x384xf32, #tpu.memory_space<vmem>>, vector<1x1x384xf32>,
      %slice3A_227 = vector.extract_strided_slice %get3A_9 {offsets = [2, 0], sizes = [1, 1], strides = [1, 1]} : vector<32x5xf32> to vector<1x1xf32>
      %get3A_228 = arith.constant 0 : index
      %get3A_229 = arith.constant 0 : index
      %get3A_230 = arith.constant 0 : index
      %get3A_231 = vector.load %arg4[%get3A_228, %get3A_229, %get3A_230] : memref<5x15x384xf32, #tpu.memory_space<vmem>>, vector<1x15x384xf32>
      %get3A_232 = vector.shape_cast %get3A_231 : vector<1x15x384xf32> to vector<15x384xf32>
      %mul3A_233 = vector.broadcast %slice3A_227 : vector<1x1xf32> to vector<15x384xf32>
      %mul3A_234 = arith.mulf %mul3A_233, %get3A_232 : vector<15x384xf32>
      %slice3A_235 = vector.extract_strided_slice %get3A_9 {offsets = [2, 0], sizes = [1, 1], strides = [1, 1]} : vector<32x5xf32> to vector<1x1xf32>
      %get3A_236 = arith.constant 0 : index
      %get3A_237 = arith.constant 0 : index
      %get3A_238 = arith.constant 0 : index
      %get3A_239 = vector.load %arg5[%get3A_236, %get3A_237, %get3A_238] : memref<5x1x384xf32, #tpu.memory_space<vmem>>, vector<1x1x384xf32>
      %get3A_240 = vector.shape_cast %get3A_239 : vector<1x1x384xf32> to vector<1x384xf32>
      %mul3A_241 = vector.broadcast %slice3A_235 : vector<1x1xf32> to vector<1x384xf32>
      %mul3A_242 = arith.mulf %mul3A_241, %get3A_240 : vector<1x384xf32>
      %slice3A_243 = vector.extract_strided_slice %get3A_9 {offsets = [2, 1], sizes = [1, 1], strides = [1, 1]} : vector<32x5xf32> to vector<1x1xf32>
      %get3A_244 = arith.constant 1 : index
      %get3A_245 = arith.constant 0 : index
      %get3A_246 = arith.constant 0 : index
      %get3A_247 = vector.load %arg4[%get3A_244, %get3A_245, %get3A_246] : memref<5x15x384xf32, #tpu.memory_space<vmem>>, vector<1x15x384xf32>
      %get3A_248 = vector.shape_cast %get3A_247 : vector<1x15x384xf32> to vector<15x384xf32>
      %mul3A_249 = vector.broadcast %slice3A_243 : vector<1x1xf32> to vector<15x384xf32>
      %mul3A_250 = arith.mulf %mul3A_249, %get3A_248 : vector<15x384xf32>
      %add3A_251 = arith.addf %mul3A_234, %mul3A_250 : vector<15x384xf32>
      %slice3A_252 = vector.extract_strided_slice %get3A_9 {offsets = [2, 1], sizes = [1, 1], strides = [1, 1]} : vector<32x5xf32> to vector<1x1xf32>
      %get3A_253 = arith.constant 1 : index
      %get3A_254 = arith.constant 0 : index
      %get3A_255 = arith.constant 0 : index
      %get3A_256 = vector.load %arg5[%get3A_253, %get3A_254, %get3A_255] : memref<5x1x384xf32, #tpu.memory_space<vmem>>, vector<1x1x384xf32>
      %get3A_257 = vector.shape_cast %get3A_256 : vector<1x1x384xf32> to vector<1x384xf32>
      %mul3A_258 = vector.broadcast %slice3A_252 : vector<1x1xf32> to vector<1x384xf32>
      %mul3A_259 = arith.mulf %mul3A_258, %get3A_257 : vector<1x384xf32>
      %add3A_260 = arith.addf %mul3A_242, %mul3A_259 : vector<1x384xf32>
      %slice3A_261 = vector.extract_strided_slice %get3A_9 {offsets = [2, 2], sizes = [1, 1], strides = [1, 1]} : vector<32x5xf32> to vector<1x1xf32>
      %get3A_262 = arith.constant 2 : index
      %get3A_263 = arith.constant 0 : index
      %get3A_264 = arith.constant 0 : index
      %get3A_265 = vector.load %arg4[%get3A_262, %get3A_263, %get3A_264] : memref<5x15x384xf32, #tpu.memory_space<vmem>>, vector<1x15x384xf32>
      %get3A_266 = vector.shape_cast %get3A_265 : vector<1x15x384xf32> to vector<15x384xf32>
      %mul3A_267 = vector.broadcast %slice3A_261 : vector<1x1xf32> to vector<15x384xf32>
      %mul3A_268 = arith.mulf %mul3A_267, %get3A_266 : vector<15x384xf32>
      %add3A_269 = arith.addf %add3A_251, %mul3A_268 : vector<15x384xf32>
      %slice3A_270 = vector.extract_strided_slice %get3A_9 {offsets = [2, 2], sizes = [1, 1], strides = [1, 1]} : vector<32x5xf32> to vector<1x1xf32>
      %get3A_271 = arith.constant 2 : index
      %get3A_272 = arith.constant 0 : index
      %get3A_273 = arith.constant 0 : index
      %get3A_274 = vector.load %arg5[%get3A_271, %get3A_272, %get3A_273] : memref<5x1x384xf32, #tpu.memory_space<vmem>>, vector<1x1x384xf32>
      %get3A_275 = vector.shape_cast %get3A_274 : vector<1x1x384xf32> to vector<1x384xf32>
      %mul3A_276 = vector.broadcast %slice3A_270 : vector<1x1xf32> to vector<1x384xf32>
      %mul3A_277 = arith.mulf %mul3A_276, %get3A_275 : vector<1x384xf32>
      %add3A_278 = arith.addf %add3A_260, %mul3A_277 : vector<1x384xf32>
      %slice3A_279 = vector.extract_strided_slice %get3A_9 {offsets = [2, 3], sizes = [1, 1], strides = [1, 1]} : vector<32x5xf32> to vector<1x1xf32>
      %get3A_280 = arith.constant 3 : index
      %get3A_281 = arith.constant 0 : index
      %get3A_282 = arith.constant 0 : index
      %get3A_283 = vector.load %arg4[%get3A_280, %get3A_281, %get3A_282] : memref<5x15x384xf32, #tpu.memory_space<vmem>>, vector<1x15x384xf32>
      %get3A_284 = vector.shape_cast %get3A_283 : vector<1x15x384xf32> to vector<15x384xf32>
      %mul3A_285 = vector.broadcast %slice3A_279 : vector<1x1xf32> to vector<15x384xf32>
      %mul3A_286 = arith.mulf %mul3A_285, %get3A_284 : vector<15x384xf32>
      %add3A_287 = arith.addf %add3A_269, %mul3A_286 : vector<15x384xf32>
      %slice3A_288 = vector.extract_strided_slice %get3A_9 {offsets = [2, 3], sizes = [1, 1], strides = [1, 1]} : vector<32x5xf32> to vector<1x1xf32>
      %get3A_289 = arith.constant 3 : index
      %get3A_290 = arith.constant 0 : index
      %get3A_291 = arith.constant 0 : index
      %get3A_292 = vector.load %arg5[%get3A_289, %get3A_290, %get3A_291] : memref<5x1x384xf32, #tpu.memory_space<vmem>>, vector<1x1x384xf32>
      %get3A_293 = vector.shape_cast %get3A_292 : vector<1x1x384xf32> to vector<1x384xf32>
      %mul3A_294 = vector.broadcast %slice3A_288 : vector<1x1xf32> to vector<1x384xf32>
      %mul3A_295 = arith.mulf %mul3A_294, %get3A_293 : vector<1x384xf32>
      %add3A_296 = arith.addf %add3A_278, %mul3A_295 : vector<1x384xf32>
      %slice3A_297 = vector.extract_strided_slice %get3A_9 {offsets = [2, 4], sizes = [1, 1], strides = [1, 1]} : vector<32x5xf32> to vector<1x1xf32>
      %get3A_298 = arith.constant 4 : index
      %get3A_299 = arith.constant 0 : index
      %get3A_300 = arith.constant 0 : index
      %get3A_301 = vector.load %arg4[%get3A_298, %get3A_299, %get3A_300] : memref<5x15x384xf32, #tpu.memory_space<vmem>>, vector<1x15x384xf32>
      %get3A_302 = vector.shape_cast %get3A_301 : vector<1x15x384xf32> to vector<15x384xf32>
      %mul3A_303 = vector.broadcast %slice3A_297 : vector<1x1xf32> to vector<15x384xf32>
      %mul3A_304 = arith.mulf %mul3A_303, %get3A_302 : vector<15x384xf32>
      %add3A_305 = arith.addf %add3A_287, %mul3A_304 : vector<15x384xf32>
      %slice3A_306 = vector.extract_strided_slice %get3A_9 {offsets = [2, 4], sizes = [1, 1], strides = [1, 1]} : vector<32x5xf32> to vector<1x1xf32>
      %get3A_307 = arith.constant 4 : index
      %get3A_308 = arith.constant 0 : index
      %get3A_309 = arith.constant 0 : index
      %get3A_310 = vector.load %arg5[%get3A_307, %get3A_308, %get3A_309] : memref<5x1x384xf32, #tpu.memory_space<vmem>>, vector<1x1x384xf32>
      %get3A_311 = vector.shape_cast %get3A_310 : vector<1x1x384xf32> to vector<1x384xf32>
      %mul3A_312 = vector.broadcast %slice3A_306 : vector<1x1xf32> to vector<1x384xf32>
      %mul3A_313 = arith.mulf %mul3A_312, %get3A_311 : vector<1x384xf32>
      %add3A_314 = arith.addf %add3A_296, %mul3A_313 : vector<1x384xf32>
      %get3A_315 = arith.constant 2 : index
      %get3A_316 = arith.constant 0 : index
      %get3A_317 = arith.constant 0 : index
      %get3A_318 = arith.constant 0 : index
      %get3A_319 = vector.load %arg3[%get3A_315, %get3A_316, %get3A_317, %get3A_318] : memref<32x10x32x15xf32, #tpu.memory_space<vmem>>, vector<1x10x32x15xf32>
      %get3A_320 = vector.shape_cast %get3A_319 : vector<1x10x32x15xf32> to vector<10x32x15xf32>
      %reshape3A_321 = vector.shape_cast %get3A_320 : vector<10x32x15xf32> to vector<320x15xf32>
      %dot_general3A_322 = arith.constant dense<0.000000e+00> : vector<320x384xf32>
      %dot_general3A_323 = tpu.matmul %reshape3A_321, %add3A_305, %dot_general3A_322 {dimension_numbers = #tpu.dot_dimension_numbers<[1], [0], [0], [1], [0, 0, 1, 1], [], []>, transpose_lhs_hint = false} : vector<320x15xf32>, vector<15x384xf32>, vector<320x384xf32> -> vector<320x384xf32>
      %add3A_324 = vector.broadcast %add3A_314 : vector<1x384xf32> to vector<320x384xf32>
      %add3A_325 = arith.addf %dot_general3A_323, %add3A_324 : vector<320x384xf32>
      %max3A_326 = arith.constant 0.000000e+00 : f32
      %max3A_327 = vector.broadcast %max3A_326 : f32 to vector<320x384xf32>
      %max3A_328 = arith.maximumf %add3A_325, %max3A_327 : vector<320x384xf32>
      %reduce_sum3A_329 = arith.constant dense<0.000000e+00> : vector<384xf32>
      %reduce_sum3A_330 = vector.multi_reduction <add>, %max3A_328, %reduce_sum3A_329 [0] : vector<320x384xf32> to vector<384xf32>
      %div3A_331 = arith.constant 3.200000e+02 : f32
      %div3A_332 = vector.broadcast %div3A_331 : f32 to vector<384xf32>
      %div3A_333 = arith.divf %reduce_sum3A_330, %div3A_332 : vector<384xf32>
      %swap3A_334 = arith.index_cast %arg0 : i32 to index
      %swap3A_335 = arith.constant 2 : index
      %swap3A_336 = arith.constant 0 : index
      %swap3A_337 = vector.load %arg15[%swap3A_334, %swap3A_335, %swap3A_336] : memref<4x32x384xf32, #tpu.memory_space<vmem>>, vector<1x1x384xf32>
      %swap3A_338 = vector.shape_cast %swap3A_337 : vector<1x1x384xf32> to vector<384xf32>
      %swap3A_339 = vector.shape_cast %div3A_333 : vector<384xf32> to vector<1x1x384xf32>
      tpu.vector_store %arg15[%swap3A_334, %swap3A_335, %swap3A_336], %swap3A_339 {strides = array<i32>} : memref<4x32x384xf32, #tpu.memory_space<vmem>>, vector<1x1x384xf32>,
      %slice3A_340 = vector.extract_strided_slice %get3A_9 {offsets = [3, 0], sizes = [1, 1], strides = [1, 1]} : vector<32x5xf32> to vector<1x1xf32>
      %get3A_341 = arith.constant 0 : index
      %get3A_342 = arith.constant 0 : index
      %get3A_343 = arith.constant 0 : index
      %get3A_344 = vector.load %arg4[%get3A_341, %get3A_342, %get3A_343] : memref<5x15x384xf32, #tpu.memory_space<vmem>>, vector<1x15x384xf32>
      %get3A_345 = vector.shape_cast %get3A_344 : vector<1x15x384xf32> to vector<15x384xf32>
      %mul3A_346 = vector.broadcast %slice3A_340 : vector<1x1xf32> to vector<15x384xf32>
      %mul3A_347 = arith.mulf %mul3A_346, %get3A_345 : vector<15x384xf32>
      %slice3A_348 = vector.extract_strided_slice %get3A_9 {offsets = [3, 0], sizes = [1, 1], strides = [1, 1]} : vector<32x5xf32> to vector<1x1xf32>
      %get3A_349 = arith.constant 0 : index
      %get3A_350 = arith.constant 0 : index
      %get3A_351 = arith.constant 0 : index
      %get3A_352 = vector.load %arg5[%get3A_349, %get3A_350, %get3A_351] : memref<5x1x384xf32, #tpu.memory_space<vmem>>, vector<1x1x384xf32>
      %get3A_353 = vector.shape_cast %get3A_352 : vector<1x1x384xf32> to vector<1x384xf32>
      %mul3A_354 = vector.broadcast %slice3A_348 : vector<1x1xf32> to vector<1x384xf32>
      %mul3A_355 = arith.mulf %mul3A_354, %get3A_353 : vector<1x384xf32>
      %slice3A_356 = vector.extract_strided_slice %get3A_9 {offsets = [3, 1], sizes = [1, 1], strides = [1, 1]} : vector<32x5xf32> to vector<1x1xf32>
      %get3A_357 = arith.constant 1 : index
      %get3A_358 = arith.constant 0 : index
      %get3A_359 = arith.constant 0 : index
      %get3A_360 = vector.load %arg4[%get3A_357, %get3A_358, %get3A_359] : memref<5x15x384xf32, #tpu.memory_space<vmem>>, vector<1x15x384xf32>
      %get3A_361 = vector.shape_cast %get3A_360 : vector<1x15x384xf32> to vector<15x384xf32>
      %mul3A_362 = vector.broadcast %slice3A_356 : vector<1x1xf32> to vector<15x384xf32>
      %mul3A_363 = arith.mulf %mul3A_362, %get3A_361 : vector<15x384xf32>
      %add3A_364 = arith.addf %mul3A_347, %mul3A_363 : vector<15x384xf32>
      %slice3A_365 = vector.extract_strided_slice %get3A_9 {offsets = [3, 1], sizes = [1, 1], strides = [1, 1]} : vector<32x5xf32> to vector<1x1xf32>
      %get3A_366 = arith.constant 1 : index
      %get3A_367 = arith.constant 0 : index
      %get3A_368 = arith.constant 0 : index
      %get3A_369 = vector.load %arg5[%get3A_366, %get3A_367, %get3A_368] : memref<5x1x384xf32, #tpu.memory_space<vmem>>, vector<1x1x384xf32>
      %get3A_370 = vector.shape_cast %get3A_369 : vector<1x1x384xf32> to vector<1x384xf32>
      %mul3A_371 = vector.broadcast %slice3A_365 : vector<1x1xf32> to vector<1x384xf32>
      %mul3A_372 = arith.mulf %mul3A_371, %get3A_370 : vector<1x384xf32>
      %add3A_373 = arith.addf %mul3A_355, %mul3A_372 : vector<1x384xf32>
      %slice3A_374 = vector.extract_strided_slice %get3A_9 {offsets = [3, 2], sizes = [1, 1], strides = [1, 1]} : vector<32x5xf32> to vector<1x1xf32>
      %get3A_375 = arith.constant 2 : index
      %get3A_376 = arith.constant 0 : index
      %get3A_377 = arith.constant 0 : index
      %get3A_378 = vector.load %arg4[%get3A_375, %get3A_376, %get3A_377] : memref<5x15x384xf32, #tpu.memory_space<vmem>>, vector<1x15x384xf32>
      %get3A_379 = vector.shape_cast %get3A_378 : vector<1x15x384xf32> to vector<15x384xf32>
      %mul3A_380 = vector.broadcast %slice3A_374 : vector<1x1xf32> to vector<15x384xf32>
      %mul3A_381 = arith.mulf %mul3A_380, %get3A_379 : vector<15x384xf32>
      %add3A_382 = arith.addf %add3A_364, %mul3A_381 : vector<15x384xf32>
      %slice3A_383 = vector.extract_strided_slice %get3A_9 {offsets = [3, 2], sizes = [1, 1], strides = [1, 1]} : vector<32x5xf32> to vector<1x1xf32>
      %get3A_384 = arith.constant 2 : index
      %get3A_385 = arith.constant 0 : index
      %get3A_386 = arith.constant 0 : index
      %get3A_387 = vector.load %arg5[%get3A_384, %get3A_385, %get3A_386] : memref<5x1x384xf32, #tpu.memory_space<vmem>>, vector<1x1x384xf32>
      %get3A_388 = vector.shape_cast %get3A_387 : vector<1x1x384xf32> to vector<1x384xf32>
      %mul3A_389 = vector.broadcast %slice3A_383 : vector<1x1xf32> to vector<1x384xf32>
      %mul3A_390 = arith.mulf %mul3A_389, %get3A_388 : vector<1x384xf32>
      %add3A_391 = arith.addf %add3A_373, %mul3A_390 : vector<1x384xf32>
      %slice3A_392 = vector.extract_strided_slice %get3A_9 {offsets = [3, 3], sizes = [1, 1], strides = [1, 1]} : vector<32x5xf32> to vector<1x1xf32>
      %get3A_393 = arith.constant 3 : index
      %get3A_394 = arith.constant 0 : index
      %get3A_395 = arith.constant 0 : index
      %get3A_396 = vector.load %arg4[%get3A_393, %get3A_394, %get3A_395] : memref<5x15x384xf32, #tpu.memory_space<vmem>>, vector<1x15x384xf32>
      %get3A_397 = vector.shape_cast %get3A_396 : vector<1x15x384xf32> to vector<15x384xf32>
      %mul3A_398 = vector.broadcast %slice3A_392 : vector<1x1xf32> to vector<15x384xf32>
      %mul3A_399 = arith.mulf %mul3A_398, %get3A_397 : vector<15x384xf32>
      %add3A_400 = arith.addf %add3A_382, %mul3A_399 : vector<15x384xf32>
      %slice3A_401 = vector.extract_strided_slice %get3A_9 {offsets = [3, 3], sizes = [1, 1], strides = [1, 1]} : vector<32x5xf32> to vector<1x1xf32>
      %get3A_402 = arith.constant 3 : index
      %get3A_403 = arith.constant 0 : index
      %get3A_404 = arith.constant 0 : index
      %get3A_405 = vector.load %arg5[%get3A_402, %get3A_403, %get3A_404] : memref<5x1x384xf32, #tpu.memory_space<vmem>>, vector<1x1x384xf32>
      %get3A_406 = vector.shape_cast %get3A_405 : vector<1x1x384xf32> to vector<1x384xf32>
      %mul3A_407 = vector.broadcast %slice3A_401 : vector<1x1xf32> to vector<1x384xf32>
      %mul3A_408 = arith.mulf %mul3A_407, %get3A_406 : vector<1x384xf32>
      %add3A_409 = arith.addf %add3A_391, %mul3A_408 : vector<1x384xf32>
      %slice3A_410 = vector.extract_strided_slice %get3A_9 {offsets = [3, 4], sizes = [1, 1], strides = [1, 1]} : vector<32x5xf32> to vector<1x1xf32>
      %get3A_411 = arith.constant 4 : index
      %get3A_412 = arith.constant 0 : index
      %get3A_413 = arith.constant 0 : index
      %get3A_414 = vector.load %arg4[%get3A_411, %get3A_412, %get3A_413] : memref<5x15x384xf32, #tpu.memory_space<vmem>>, vector<1x15x384xf32>
      %get3A_415 = vector.shape_cast %get3A_414 : vector<1x15x384xf32> to vector<15x384xf32>
      %mul3A_416 = vector.broadcast %slice3A_410 : vector<1x1xf32> to vector<15x384xf32>
      %mul3A_417 = arith.mulf %mul3A_416, %get3A_415 : vector<15x384xf32>
      %add3A_418 = arith.addf %add3A_400, %mul3A_417 : vector<15x384xf32>
      %slice3A_419 = vector.extract_strided_slice %get3A_9 {offsets = [3, 4], sizes = [1, 1], strides = [1, 1]} : vector<32x5xf32> to vector<1x1xf32>
      %get3A_420 = arith.constant 4 : index
      %get3A_421 = arith.constant 0 : index
      %get3A_422 = arith.constant 0 : index
      %get3A_423 = vector.load %arg5[%get3A_420, %get3A_421, %get3A_422] : memref<5x1x384xf32, #tpu.memory_space<vmem>>, vector<1x1x384xf32>
      %get3A_424 = vector.shape_cast %get3A_423 : vector<1x1x384xf32> to vector<1x384xf32>
      %mul3A_425 = vector.broadcast %slice3A_419 : vector<1x1xf32> to vector<1x384xf32>
      %mul3A_426 = arith.mulf %mul3A_425, %get3A_424 : vector<1x384xf32>
      %add3A_427 = arith.addf %add3A_409, %mul3A_426 : vector<1x384xf32>
      %get3A_428 = arith.constant 3 : index
      %get3A_429 = arith.constant 0 : index
      %get3A_430 = arith.constant 0 : index
      %get3A_431 = arith.constant 0 : index
      %get3A_432 = vector.load %arg3[%get3A_428, %get3A_429, %get3A_430, %get3A_431] : memref<32x10x32x15xf32, #tpu.memory_space<vmem>>, vector<1x10x32x15xf32>
      %get3A_433 = vector.shape_cast %get3A_432 : vector<1x10x32x15xf32> to vector<10x32x15xf32>
      %reshape3A_434 = vector.shape_cast %get3A_433 : vector<10x32x15xf32> to vector<320x15xf32>
      %dot_general3A_435 = arith.constant dense<0.000000e+00> : vector<320x384xf32>
      %dot_general3A_436 = tpu.matmul %reshape3A_434, %add3A_418, %dot_general3A_435 {dimension_numbers = #tpu.dot_dimension_numbers<[1], [0], [0], [1], [0, 0, 1, 1], [], []>, transpose_lhs_hint = false} : vector<320x15xf32>, vector<15x384xf32>, vector<320x384xf32> -> vector<320x384xf32>
      %add3A_437 = vector.broadcast %add3A_427 : vector<1x384xf32> to vector<320x384xf32>
      %add3A_438 = arith.addf %dot_general3A_436, %add3A_437 : vector<320x384xf32>
      %max3A_439 = arith.constant 0.000000e+00 : f32
      %max3A_440 = vector.broadcast %max3A_439 : f32 to vector<320x384xf32>
      %max3A_441 = arith.maximumf %add3A_438, %max3A_440 : vector<320x384xf32>
      %reduce_sum3A_442 = arith.constant dense<0.000000e+00> : vector<384xf32>
      %reduce_sum3A_443 = vector.multi_reduction <add>, %max3A_441, %reduce_sum3A_442 [0] : vector<320x384xf32> to vector<384xf32>
      %div3A_444 = arith.constant 3.200000e+02 : f32
      %div3A_445 = vector.broadcast %div3A_444 : f32 to vector<384xf32>
      %div3A_446 = arith.divf %reduce_sum3A_443, %div3A_445 : vector<384xf32>
      %swap3A_447 = arith.index_cast %arg0 : i32 to index
      %swap3A_448 = arith.constant 3 : index
      %swap3A_449 = arith.constant 0 : index
      %swap3A_450 = vector.load %arg15[%swap3A_447, %swap3A_448, %swap3A_449] : memref<4x32x384xf32, #tpu.memory_space<vmem>>, vector<1x1x384xf32>
      %swap3A_451 = vector.shape_cast %swap3A_450 : vector<1x1x384xf32> to vector<384xf32>
      %swap3A_452 = vector.shape_cast %div3A_446 : vector<384xf32> to vector<1x1x384xf32>
      tpu.vector_store %arg15[%swap3A_447, %swap3A_448, %swap3A_449], %swap3A_452 {strides = array<i32>} : memref<4x32x384xf32, #tpu.memory_space<vmem>>, vector<1x1x384xf32>,
      %slice3A_453 = vector.extract_strided_slice %get3A_9 {offsets = [4, 0], sizes = [1, 1], strides = [1, 1]} : vector<32x5xf32> to vector<1x1xf32>
      %get3A_454 = arith.constant 0 : index
      %get3A_455 = arith.constant 0 : index
      %get3A_456 = arith.constant 0 : index
      %get3A_457 = vector.load %arg4[%get3A_454, %get3A_455, %get3A_456] : memref<5x15x384xf32, #tpu.memory_space<vmem>>, vector<1x15x384xf32>
      %get3A_458 = vector.shape_cast %get3A_457 : vector<1x15x384xf32> to vector<15x384xf32>
      %mul3A_459 = vector.broadcast %slice3A_453 : vector<1x1xf32> to vector<15x384xf32>
      %mul3A_460 = arith.mulf %mul3A_459, %get3A_458 : vector<15x384xf32>
      %slice3A_461 = vector.extract_strided_slice %get3A_9 {offsets = [4, 0], sizes = [1, 1], strides = [1, 1]} : vector<32x5xf32> to vector<1x1xf32>
      %get3A_462 = arith.constant 0 : index
      %get3A_463 = arith.constant 0 : index
      %get3A_464 = arith.constant 0 : index
      %get3A_465 = vector.load %arg5[%get3A_462, %get3A_463, %get3A_464] : memref<5x1x384xf32, #tpu.memory_space<vmem>>, vector<1x1x384xf32>
      %get3A_466 = vector.shape_cast %get3A_465 : vector<1x1x384xf32> to vector<1x384xf32>
      %mul3A_467 = vector.broadcast %slice3A_461 : vector<1x1xf32> to vector<1x384xf32>
      %mul3A_468 = arith.mulf %mul3A_467, %get3A_466 : vector<1x384xf32>
      %slice3A_469 = vector.extract_strided_slice %get3A_9 {offsets = [4, 1], sizes = [1, 1], strides = [1, 1]} : vector<32x5xf32> to vector<1x1xf32>
      %get3A_470 = arith.constant 1 : index
      %get3A_471 = arith.constant 0 : index
      %get3A_472 = arith.constant 0 : index
      %get3A_473 = vector.load %arg4[%get3A_470, %get3A_471, %get3A_472] : memref<5x15x384xf32, #tpu.memory_space<vmem>>, vector<1x15x384xf32>
      %get3A_474 = vector.shape_cast %get3A_473 : vector<1x15x384xf32> to vector<15x384xf32>
      %mul3A_475 = vector.broadcast %slice3A_469 : vector<1x1xf32> to vector<15x384xf32>
      %mul3A_476 = arith.mulf %mul3A_475, %get3A_474 : vector<15x384xf32>
      %add3A_477 = arith.addf %mul3A_460, %mul3A_476 : vector<15x384xf32>
      %slice3A_478 = vector.extract_strided_slice %get3A_9 {offsets = [4, 1], sizes = [1, 1], strides = [1, 1]} : vector<32x5xf32> to vector<1x1xf32>
      %get3A_479 = arith.constant 1 : index
      %get3A_480 = arith.constant 0 : index
      %get3A_481 = arith.constant 0 : index
      %get3A_482 = vector.load %arg5[%get3A_479, %get3A_480, %get3A_481] : memref<5x1x384xf32, #tpu.memory_space<vmem>>, vector<1x1x384xf32>
      %get3A_483 = vector.shape_cast %get3A_482 : vector<1x1x384xf32> to vector<1x384xf32>
      %mul3A_484 = vector.broadcast %slice3A_478 : vector<1x1xf32> to vector<1x384xf32>
      %mul3A_485 = arith.mulf %mul3A_484, %get3A_483 : vector<1x384xf32>
      %add3A_486 = arith.addf %mul3A_468, %mul3A_485 : vector<1x384xf32>
      %slice3A_487 = vector.extract_strided_slice %get3A_9 {offsets = [4, 2], sizes = [1, 1], strides = [1, 1]} : vector<32x5xf32> to vector<1x1xf32>
      %get3A_488 = arith.constant 2 : index
      %get3A_489 = arith.constant 0 : index
      %get3A_490 = arith.constant 0 : index
      %get3A_491 = vector.load %arg4[%get3A_488, %get3A_489, %get3A_490] : memref<5x15x384xf32, #tpu.memory_space<vmem>>, vector<1x15x384xf32>
      %get3A_492 = vector.shape_cast %get3A_491 : vector<1x15x384xf32> to vector<15x384xf32>
      %mul3A_493 = vector.broadcast %slice3A_487 : vector<1x1xf32> to vector<15x384xf32>
      %mul3A_494 = arith.mulf %mul3A_493, %get3A_492 : vector<15x384xf32>
      %add3A_495 = arith.addf %add3A_477, %mul3A_494 : vector<15x384xf32>
      %slice3A_496 = vector.extract_strided_slice %get3A_9 {offsets = [4, 2], sizes = [1, 1], strides = [1, 1]} : vector<32x5xf32> to vector<1x1xf32>
      %get3A_497 = arith.constant 2 : index
      %get3A_498 = arith.constant 0 : index
      %get3A_499 = arith.constant 0 : index
      %get3A_500 = vector.load %arg5[%get3A_497, %get3A_498, %get3A_499] : memref<5x1x384xf32, #tpu.memory_space<vmem>>, vector<1x1x384xf32>
      %get3A_501 = vector.shape_cast %get3A_500 : vector<1x1x384xf32> to vector<1x384xf32>
      %mul3A_502 = vector.broadcast %slice3A_496 : vector<1x1xf32> to vector<1x384xf32>
      %mul3A_503 = arith.mulf %mul3A_502, %get3A_501 : vector<1x384xf32>
      %add3A_504 = arith.addf %add3A_486, %mul3A_503 : vector<1x384xf32>
      %slice3A_505 = vector.extract_strided_slice %get3A_9 {offsets = [4, 3], sizes = [1, 1], strides = [1, 1]} : vector<32x5xf32> to vector<1x1xf32>
      %get3A_506 = arith.constant 3 : index
      %get3A_507 = arith.constant 0 : index
      %get3A_508 = arith.constant 0 : index
      %get3A_509 = vector.load %arg4[%get3A_506, %get3A_507, %get3A_508] : memref<5x15x384xf32, #tpu.memory_space<vmem>>, vector<1x15x384xf32>
      %get3A_510 = vector.shape_cast %get3A_509 : vector<1x15x384xf32> to vector<15x384xf32>
      %mul3A_511 = vector.broadcast %slice3A_505 : vector<1x1xf32> to vector<15x384xf32>
      %mul3A_512 = arith.mulf %mul3A_511, %get3A_510 : vector<15x384xf32>
      %add3A_513 = arith.addf %add3A_495, %mul3A_512 : vector<15x384xf32>
      %slice3A_514 = vector.extract_strided_slice %get3A_9 {offsets = [4, 3], sizes = [1, 1], strides = [1, 1]} : vector<32x5xf32> to vector<1x1xf32>
      %get3A_515 = arith.constant 3 : index
      %get3A_516 = arith.constant 0 : index
      %get3A_517 = arith.constant 0 : index
      %get3A_518 = vector.load %arg5[%get3A_515, %get3A_516, %get3A_517] : memref<5x1x384xf32, #tpu.memory_space<vmem>>, vector<1x1x384xf32>
      %get3A_519 = vector.shape_cast %get3A_518 : vector<1x1x384xf32> to vector<1x384xf32>
      %mul3A_520 = vector.broadcast %slice3A_514 : vector<1x1xf32> to vector<1x384xf32>
      %mul3A_521 = arith.mulf %mul3A_520, %get3A_519 : vector<1x384xf32>
      %add3A_522 = arith.addf %add3A_504, %mul3A_521 : vector<1x384xf32>
      %slice3A_523 = vector.extract_strided_slice %get3A_9 {offsets = [4, 4], sizes = [1, 1], strides = [1, 1]} : vector<32x5xf32> to vector<1x1xf32>
      %get3A_524 = arith.constant 4 : index
      %get3A_525 = arith.constant 0 : index
      %get3A_526 = arith.constant 0 : index
      %get3A_527 = vector.load %arg4[%get3A_524, %get3A_525, %get3A_526] : memref<5x15x384xf32, #tpu.memory_space<vmem>>, vector<1x15x384xf32>
      %get3A_528 = vector.shape_cast %get3A_527 : vector<1x15x384xf32> to vector<15x384xf32>
      %mul3A_529 = vector.broadcast %slice3A_523 : vector<1x1xf32> to vector<15x384xf32>
      %mul3A_530 = arith.mulf %mul3A_529, %get3A_528 : vector<15x384xf32>
      %add3A_531 = arith.addf %add3A_513, %mul3A_530 : vector<15x384xf32>
      %slice3A_532 = vector.extract_strided_slice %get3A_9 {offsets = [4, 4], sizes = [1, 1], strides = [1, 1]} : vector<32x5xf32> to vector<1x1xf32>
      %get3A_533 = arith.constant 4 : index
      %get3A_534 = arith.constant 0 : index
      %get3A_535 = arith.constant 0 : index
      %get3A_536 = vector.load %arg5[%get3A_533, %get3A_534, %get3A_535] : memref<5x1x384xf32, #tpu.memory_space<vmem>>, vector<1x1x384xf32>
      %get3A_537 = vector.shape_cast %get3A_536 : vector<1x1x384xf32> to vector<1x384xf32>
      %mul3A_538 = vector.broadcast %slice3A_532 : vector<1x1xf32> to vector<1x384xf32>
      %mul3A_539 = arith.mulf %mul3A_538, %get3A_537 : vector<1x384xf32>
      %add3A_540 = arith.addf %add3A_522, %mul3A_539 : vector<1x384xf32>
      %get3A_541 = arith.constant 4 : index
      %get3A_542 = arith.constant 0 : index
      %get3A_543 = arith.constant 0 : index
      %get3A_544 = arith.constant 0 : index
      %get3A_545 = vector.load %arg3[%get3A_541, %get3A_542, %get3A_543, %get3A_544] : memref<32x10x32x15xf32, #tpu.memory_space<vmem>>, vector<1x10x32x15xf32>
      %get3A_546 = vector.shape_cast %get3A_545 : vector<1x10x32x15xf32> to vector<10x32x15xf32>
      %reshape3A_547 = vector.shape_cast %get3A_546 : vector<10x32x15xf32> to vector<320x15xf32>
      %dot_general3A_548 = arith.constant dense<0.000000e+00> : vector<320x384xf32>
      %dot_general3A_549 = tpu.matmul %reshape3A_547, %add3A_531, %dot_general3A_548 {dimension_numbers = #tpu.dot_dimension_numbers<[1], [0], [0], [1], [0, 0, 1, 1], [], []>, transpose_lhs_hint = false} : vector<320x15xf32>, vector<15x384xf32>, vector<320x384xf32> -> vector<320x384xf32>
      %add3A_550 = vector.broadcast %add3A_540 : vector<1x384xf32> to vector<320x384xf32>
      %add3A_551 = arith.addf %dot_general3A_549, %add3A_550 : vector<320x384xf32>
      %max3A_552 = arith.constant 0.000000e+00 : f32
      %max3A_553 = vector.broadcast %max3A_552 : f32 to vector<320x384xf32>
      %max3A_554 = arith.maximumf %add3A_551, %max3A_553 : vector<320x384xf32>
      %reduce_sum3A_555 = arith.constant dense<0.000000e+00> : vector<384xf32>
      %reduce_sum3A_556 = vector.multi_reduction <add>, %max3A_554, %reduce_sum3A_555 [0] : vector<320x384xf32> to vector<384xf32>
      %div3A_557 = arith.constant 3.200000e+02 : f32
      %div3A_558 = vector.broadcast %div3A_557 : f32 to vector<384xf32>
      %div3A_559 = arith.divf %reduce_sum3A_556, %div3A_558 : vector<384xf32>
      %swap3A_560 = arith.index_cast %arg0 : i32 to index
      %swap3A_561 = arith.constant 4 : index
      %swap3A_562 = arith.constant 0 : index
      %swap3A_563 = vector.load %arg15[%swap3A_560, %swap3A_561, %swap3A_562] : memref<4x32x384xf32, #tpu.memory_space<vmem>>, vector<1x1x384xf32>
      %swap3A_564 = vector.shape_cast %swap3A_563 : vector<1x1x384xf32> to vector<384xf32>
      %swap3A_565 = vector.shape_cast %div3A_559 : vector<384xf32> to vector<1x1x384xf32>
      tpu.vector_store %arg15[%swap3A_560, %swap3A_561, %swap3A_562], %swap3A_565 {strides = array<i32>} : memref<4x32x384xf32, #tpu.memory_space<vmem>>, vector<1x1x384xf32>,
      %slice3A_566 = vector.extract_strided_slice %get3A_9 {offsets = [5, 0], sizes = [1, 1], strides = [1, 1]} : vector<32x5xf32> to vector<1x1xf32>
      %get3A_567 = arith.constant 0 : index
      %get3A_568 = arith.constant 0 : index
      %get3A_569 = arith.constant 0 : index
      %get3A_570 = vector.load %arg4[%get3A_567, %get3A_568, %get3A_569] : memref<5x15x384xf32, #tpu.memory_space<vmem>>, vector<1x15x384xf32>
      %get3A_571 = vector.shape_cast %get3A_570 : vector<1x15x384xf32> to vector<15x384xf32>
      %mul3A_572 = vector.broadcast %slice3A_566 : vector<1x1xf32> to vector<15x384xf32>
      %mul3A_573 = arith.mulf %mul3A_572, %get3A_571 : vector<15x384xf32>
      %slice3A_574 = vector.extract_strided_slice %get3A_9 {offsets = [5, 0], sizes = [1, 1], strides = [1, 1]} : vector<32x5xf32> to vector<1x1xf32>
      %get3A_575 = arith.constant 0 : index
      %get3A_576 = arith.constant 0 : index
      %get3A_577 = arith.constant 0 : index
      %get3A_578 = vector.load %arg5[%get3A_575, %get3A_576, %get3A_577] : memref<5x1x384xf32, #tpu.memory_space<vmem>>, vector<1x1x384xf32>
      %get3A_579 = vector.shape_cast %get3A_578 : vector<1x1x384xf32> to vector<1x384xf32>
      %mul3A_580 = vector.broadcast %slice3A_574 : vector<1x1xf32> to vector<1x384xf32>
      %mul3A_581 = arith.mulf %mul3A_580, %get3A_579 : vector<1x384xf32>
      %slice3A_582 = vector.extract_strided_slice %get3A_9 {offsets = [5, 1], sizes = [1, 1], strides = [1, 1]} : vector<32x5xf32> to vector<1x1xf32>
      %get3A_583 = arith.constant 1 : index
      %get3A_584 = arith.constant 0 : index
      %get3A_585 = arith.constant 0 : index
      %get3A_586 = vector.load %arg4[%get3A_583, %get3A_584, %get3A_585] : memref<5x15x384xf32, #tpu.memory_space<vmem>>, vector<1x15x384xf32>
      %get3A_587 = vector.shape_cast %get3A_586 : vector<1x15x384xf32> to vector<15x384xf32>
      %mul3A_588 = vector.broadcast %slice3A_582 : vector<1x1xf32> to vector<15x384xf32>
      %mul3A_589 = arith.mulf %mul3A_588, %get3A_587 : vector<15x384xf32>
      %add3A_590 = arith.addf %mul3A_573, %mul3A_589 : vector<15x384xf32>
      %slice3A_591 = vector.extract_strided_slice %get3A_9 {offsets = [5, 1], sizes = [1, 1], strides = [1, 1]} : vector<32x5xf32> to vector<1x1xf32>
      %get3A_592 = arith.constant 1 : index
      %get3A_593 = arith.constant 0 : index
      %get3A_594 = arith.constant 0 : index
      %get3A_595 = vector.load %arg5[%get3A_592, %get3A_593, %get3A_594] : memref<5x1x384xf32, #tpu.memory_space<vmem>>, vector<1x1x384xf32>
      %get3A_596 = vector.shape_cast %get3A_595 : vector<1x1x384xf32> to vector<1x384xf32>
      %mul3A_597 = vector.broadcast %slice3A_591 : vector<1x1xf32> to vector<1x384xf32>
      %mul3A_598 = arith.mulf %mul3A_597, %get3A_596 : vector<1x384xf32>
      %add3A_599 = arith.addf %mul3A_581, %mul3A_598 : vector<1x384xf32>
      %slice3A_600 = vector.extract_strided_slice %get3A_9 {offsets = [5, 2], sizes = [1, 1], strides = [1, 1]} : vector<32x5xf32> to vector<1x1xf32>
      %get3A_601 = arith.constant 2 : index
      %get3A_602 = arith.constant 0 : index
      %get3A_603 = arith.constant 0 : index
      %get3A_604 = vector.load %arg4[%get3A_601, %get3A_602, %get3A_603] : memref<5x15x384xf32, #tpu.memory_space<vmem>>, vector<1x15x384xf32>
      %get3A_605 = vector.shape_cast %get3A_604 : vector<1x15x384xf32> to vector<15x384xf32>
      %mul3A_606 = vector.broadcast %slice3A_600 : vector<1x1xf32> to vector<15x384xf32>
      %mul3A_607 = arith.mulf %mul3A_606, %get3A_605 : vector<15x384xf32>
      %add3A_608 = arith.addf %add3A_590, %mul3A_607 : vector<15x384xf32>
      %slice3A_609 = vector.extract_strided_slice %get3A_9 {offsets = [5, 2], sizes = [1, 1], strides = [1, 1]} : vector<32x5xf32> to vector<1x1xf32>
      %get3A_610 = arith.constant 2 : index
      %get3A_611 = arith.constant 0 : index
      %get3A_612 = arith.constant 0 : index
      %get3A_613 = vector.load %arg5[%get3A_610, %get3A_611, %get3A_612] : memref<5x1x384xf32, #tpu.memory_space<vmem>>, vector<1x1x384xf32>
      %get3A_614 = vector.shape_cast %get3A_613 : vector<1x1x384xf32> to vector<1x384xf32>
      %mul3A_615 = vector.broadcast %slice3A_609 : vector<1x1xf32> to vector<1x384xf32>
      %mul3A_616 = arith.mulf %mul3A_615, %get3A_614 : vector<1x384xf32>
      %add3A_617 = arith.addf %add3A_599, %mul3A_616 : vector<1x384xf32>
      %slice3A_618 = vector.extract_strided_slice %get3A_9 {offsets = [5, 3], sizes = [1, 1], strides = [1, 1]} : vector<32x5xf32> to vector<1x1xf32>
      %get3A_619 = arith.constant 3 : index
      %get3A_620 = arith.constant 0 : index
      %get3A_621 = arith.constant 0 : index
      %get3A_622 = vector.load %arg4[%get3A_619, %get3A_620, %get3A_621] : memref<5x15x384xf32, #tpu.memory_space<vmem>>, vector<1x15x384xf32>
      %get3A_623 = vector.shape_cast %get3A_622 : vector<1x15x384xf32> to vector<15x384xf32>
      %mul3A_624 = vector.broadcast %slice3A_618 : vector<1x1xf32> to vector<15x384xf32>
      %mul3A_625 = arith.mulf %mul3A_624, %get3A_623 : vector<15x384xf32>
      %add3A_626 = arith.addf %add3A_608, %mul3A_625 : vector<15x384xf32>
      %slice3A_627 = vector.extract_strided_slice %get3A_9 {offsets = [5, 3], sizes = [1, 1], strides = [1, 1]} : vector<32x5xf32> to vector<1x1xf32>
      %get3A_628 = arith.constant 3 : index
      %get3A_629 = arith.constant 0 : index
      %get3A_630 = arith.constant 0 : index
      %get3A_631 = vector.load %arg5[%get3A_628, %get3A_629, %get3A_630] : memref<5x1x384xf32, #tpu.memory_space<vmem>>, vector<1x1x384xf32>
      %get3A_632 = vector.shape_cast %get3A_631 : vector<1x1x384xf32> to vector<1x384xf32>
      %mul3A_633 = vector.broadcast %slice3A_627 : vector<1x1xf32> to vector<1x384xf32>
      %mul3A_634 = arith.mulf %mul3A_633, %get3A_632 : vector<1x384xf32>
      %add3A_635 = arith.addf %add3A_617, %mul3A_634 : vector<1x384xf32>
      %slice3A_636 = vector.extract_strided_slice %get3A_9 {offsets = [5, 4], sizes = [1, 1], strides = [1, 1]} : vector<32x5xf32> to vector<1x1xf32>
      %get3A_637 = arith.constant 4 : index
      %get3A_638 = arith.constant 0 : index
      %get3A_639 = arith.constant 0 : index
      %get3A_640 = vector.load %arg4[%get3A_637, %get3A_638, %get3A_639] : memref<5x15x384xf32, #tpu.memory_space<vmem>>, vector<1x15x384xf32>
      %get3A_641 = vector.shape_cast %get3A_640 : vector<1x15x384xf32> to vector<15x384xf32>
      %mul3A_642 = vector.broadcast %slice3A_636 : vector<1x1xf32> to vector<15x384xf32>
      %mul3A_643 = arith.mulf %mul3A_642, %get3A_641 : vector<15x384xf32>
      %add3A_644 = arith.addf %add3A_626, %mul3A_643 : vector<15x384xf32>
      %slice3A_645 = vector.extract_strided_slice %get3A_9 {offsets = [5, 4], sizes = [1, 1], strides = [1, 1]} : vector<32x5xf32> to vector<1x1xf32>
      %get3A_646 = arith.constant 4 : index
      %get3A_647 = arith.constant 0 : index
      %get3A_648 = arith.constant 0 : index
      %get3A_649 = vector.load %arg5[%get3A_646, %get3A_647, %get3A_648] : memref<5x1x384xf32, #tpu.memory_space<vmem>>, vector<1x1x384xf32>
      %get3A_650 = vector.shape_cast %get3A_649 : vector<1x1x384xf32> to vector<1x384xf32>
      %mul3A_651 = vector.broadcast %slice3A_645 : vector<1x1xf32> to vector<1x384xf32>
      %mul3A_652 = arith.mulf %mul3A_651, %get3A_650 : vector<1x384xf32>
      %add3A_653 = arith.addf %add3A_635, %mul3A_652 : vector<1x384xf32>
      %get3A_654 = arith.constant 5 : index
      %get3A_655 = arith.constant 0 : index
      %get3A_656 = arith.constant 0 : index
      %get3A_657 = arith.constant 0 : index
      %get3A_658 = vector.load %arg3[%get3A_654, %get3A_655, %get3A_656, %get3A_657] : memref<32x10x32x15xf32, #tpu.memory_space<vmem>>, vector<1x10x32x15xf32>
      %get3A_659 = vector.shape_cast %get3A_658 : vector<1x10x32x15xf32> to vector<10x32x15xf32>
      %reshape3A_660 = vector.shape_cast %get3A_659 : vector<10x32x15xf32> to vector<320x15xf32>
      %dot_general3A_661 = arith.constant dense<0.000000e+00> : vector<320x384xf32>
      %dot_general3A_662 = tpu.matmul %reshape3A_660, %add3A_644, %dot_general3A_661 {dimension_numbers = #tpu.dot_dimension_numbers<[1], [0], [0], [1], [0, 0, 1, 1], [], []>, transpose_lhs_hint = false} : vector<320x15xf32>, vector<15x384xf32>, vector<320x384xf32> -> vector<320x384xf32>
      %add3A_663 = vector.broadcast %add3A_653 : vector<1x384xf32> to vector<320x384xf32>
      %add3A_664 = arith.addf %dot_general3A_662, %add3A_663 : vector<320x384xf32>
      %max3A_665 = arith.constant 0.000000e+00 : f32
      %max3A_666 = vector.broadcast %max3A_665 : f32 to vector<320x384xf32>
      %max3A_667 = arith.maximumf %add3A_664, %max3A_666 : vector<320x384xf32>
      %reduce_sum3A_668 = arith.constant dense<0.000000e+00> : vector<384xf32>
      %reduce_sum3A_669 = vector.multi_reduction <add>, %max3A_667, %reduce_sum3A_668 [0] : vector<320x384xf32> to vector<384xf32>
      %div3A_670 = arith.constant 3.200000e+02 : f32
      %div3A_671 = vector.broadcast %div3A_670 : f32 to vector<384xf32>
      %div3A_672 = arith.divf %reduce_sum3A_669, %div3A_671 : vector<384xf32>
      %swap3A_673 = arith.index_cast %arg0 : i32 to index
      %swap3A_674 = arith.constant 5 : index
      %swap3A_675 = arith.constant 0 : index
      %swap3A_676 = vector.load %arg15[%swap3A_673, %swap3A_674, %swap3A_675] : memref<4x32x384xf32, #tpu.memory_space<vmem>>, vector<1x1x384xf32>
      %swap3A_677 = vector.shape_cast %swap3A_676 : vector<1x1x384xf32> to vector<384xf32>
      %swap3A_678 = vector.shape_cast %div3A_672 : vector<384xf32> to vector<1x1x384xf32>
      tpu.vector_store %arg15[%swap3A_673, %swap3A_674, %swap3A_675], %swap3A_678 {strides = array<i32>} : memref<4x32x384xf32, #tpu.memory_space<vmem>>, vector<1x1x384xf32>,
      %slice3A_679 = vector.extract_strided_slice %get3A_9 {offsets = [6, 0], sizes = [1, 1], strides = [1, 1]} : vector<32x5xf32> to vector<1x1xf32>
      %get3A_680 = arith.constant 0 : index
      %get3A_681 = arith.constant 0 : index
      %get3A_682 = arith.constant 0 : index
      %get3A_683 = vector.load %arg4[%get3A_680, %get3A_681, %get3A_682] : memref<5x15x384xf32, #tpu.memory_space<vmem>>, vector<1x15x384xf32>
      %get3A_684 = vector.shape_cast %get3A_683 : vector<1x15x384xf32> to vector<15x384xf32>
      %mul3A_685 = vector.broadcast %slice3A_679 : vector<1x1xf32> to vector<15x384xf32>
      %mul3A_686 = arith.mulf %mul3A_685, %get3A_684 : vector<15x384xf32>
      %slice3A_687 = vector.extract_strided_slice %get3A_9 {offsets = [6, 0], sizes = [1, 1], strides = [1, 1]} : vector<32x5xf32> to vector<1x1xf32>
      %get3A_688 = arith.constant 0 : index
      %get3A_689 = arith.constant 0 : index
      %get3A_690 = arith.constant 0 : index
      %get3A_691 = vector.load %arg5[%get3A_688, %get3A_689, %get3A_690] : memref<5x1x384xf32, #tpu.memory_space<vmem>>, vector<1x1x384xf32>
      %get3A_692 = vector.shape_cast %get3A_691 : vector<1x1x384xf32> to vector<1x384xf32>
      %mul3A_693 = vector.broadcast %slice3A_687 : vector<1x1xf32> to vector<1x384xf32>
      %mul3A_694 = arith.mulf %mul3A_693, %get3A_692 : vector<1x384xf32>
      %slice3A_695 = vector.extract_strided_slice %get3A_9 {offsets = [6, 1], sizes = [1, 1], strides = [1, 1]} : vector<32x5xf32> to vector<1x1xf32>
      %get3A_696 = arith.constant 1 : index
      %get3A_697 = arith.constant 0 : index
      %get3A_698 = arith.constant 0 : index
      %get3A_699 = vector.load %arg4[%get3A_696, %get3A_697, %get3A_698] : memref<5x15x384xf32, #tpu.memory_space<vmem>>, vector<1x15x384xf32>
      %get3A_700 = vector.shape_cast %get3A_699 : vector<1x15x384xf32> to vector<15x384xf32>
      %mul3A_701 = vector.broadcast %slice3A_695 : vector<1x1xf32> to vector<15x384xf32>
      %mul3A_702 = arith.mulf %mul3A_701, %get3A_700 : vector<15x384xf32>
      %add3A_703 = arith.addf %mul3A_686, %mul3A_702 : vector<15x384xf32>
      %slice3A_704 = vector.extract_strided_slice %get3A_9 {offsets = [6, 1], sizes = [1, 1], strides = [1, 1]} : vector<32x5xf32> to vector<1x1xf32>
      %get3A_705 = arith.constant 1 : index
      %get3A_706 = arith.constant 0 : index
      %get3A_707 = arith.constant 0 : index
      %get3A_708 = vector.load %arg5[%get3A_705, %get3A_706, %get3A_707] : memref<5x1x384xf32, #tpu.memory_space<vmem>>, vector<1x1x384xf32>
      %get3A_709 = vector.shape_cast %get3A_708 : vector<1x1x384xf32> to vector<1x384xf32>
      %mul3A_710 = vector.broadcast %slice3A_704 : vector<1x1xf32> to vector<1x384xf32>
      %mul3A_711 = arith.mulf %mul3A_710, %get3A_709 : vector<1x384xf32>
      %add3A_712 = arith.addf %mul3A_694, %mul3A_711 : vector<1x384xf32>
      %slice3A_713 = vector.extract_strided_slice %get3A_9 {offsets = [6, 2], sizes = [1, 1], strides = [1, 1]} : vector<32x5xf32> to vector<1x1xf32>
      %get3A_714 = arith.constant 2 : index
      %get3A_715 = arith.constant 0 : index
      %get3A_716 = arith.constant 0 : index
      %get3A_717 = vector.load %arg4[%get3A_714, %get3A_715, %get3A_716] : memref<5x15x384xf32, #tpu.memory_space<vmem>>, vector<1x15x384xf32>
      %get3A_718 = vector.shape_cast %get3A_717 : vector<1x15x384xf32> to vector<15x384xf32>
      %mul3A_719 = vector.broadcast %slice3A_713 : vector<1x1xf32> to vector<15x384xf32>
      %mul3A_720 = arith.mulf %mul3A_719, %get3A_718 : vector<15x384xf32>
      %add3A_721 = arith.addf %add3A_703, %mul3A_720 : vector<15x384xf32>
      %slice3A_722 = vector.extract_strided_slice %get3A_9 {offsets = [6, 2], sizes = [1, 1], strides = [1, 1]} : vector<32x5xf32> to vector<1x1xf32>
      %get3A_723 = arith.constant 2 : index
      %get3A_724 = arith.constant 0 : index
      %get3A_725 = arith.constant 0 : index
      %get3A_726 = vector.load %arg5[%get3A_723, %get3A_724, %get3A_725] : memref<5x1x384xf32, #tpu.memory_space<vmem>>, vector<1x1x384xf32>
      %get3A_727 = vector.shape_cast %get3A_726 : vector<1x1x384xf32> to vector<1x384xf32>
      %mul3A_728 = vector.broadcast %slice3A_722 : vector<1x1xf32> to vector<1x384xf32>
      %mul3A_729 = arith.mulf %mul3A_728, %get3A_727 : vector<1x384xf32>
      %add3A_730 = arith.addf %add3A_712, %mul3A_729 : vector<1x384xf32>
      %slice3A_731 = vector.extract_strided_slice %get3A_9 {offsets = [6, 3], sizes = [1, 1], strides = [1, 1]} : vector<32x5xf32> to vector<1x1xf32>
      %get3A_732 = arith.constant 3 : index
      %get3A_733 = arith.constant 0 : index
      %get3A_734 = arith.constant 0 : index
      %get3A_735 = vector.load %arg4[%get3A_732, %get3A_733, %get3A_734] : memref<5x15x384xf32, #tpu.memory_space<vmem>>, vector<1x15x384xf32>
      %get3A_736 = vector.shape_cast %get3A_735 : vector<1x15x384xf32> to vector<15x384xf32>
      %mul3A_737 = vector.broadcast %slice3A_731 : vector<1x1xf32> to vector<15x384xf32>
      %mul3A_738 = arith.mulf %mul3A_737, %get3A_736 : vector<15x384xf32>
      %add3A_739 = arith.addf %add3A_721, %mul3A_738 : vector<15x384xf32>
      %slice3A_740 = vector.extract_strided_slice %get3A_9 {offsets = [6, 3], sizes = [1, 1], strides = [1, 1]} : vector<32x5xf32> to vector<1x1xf32>
      %get3A_741 = arith.constant 3 : index
      %get3A_742 = arith.constant 0 : index
      %get3A_743 = arith.constant 0 : index
      %get3A_744 = vector.load %arg5[%get3A_741, %get3A_742, %get3A_743] : memref<5x1x384xf32, #tpu.memory_space<vmem>>, vector<1x1x384xf32>
      %get3A_745 = vector.shape_cast %get3A_744 : vector<1x1x384xf32> to vector<1x384xf32>
      %mul3A_746 = vector.broadcast %slice3A_740 : vector<1x1xf32> to vector<1x384xf32>
      %mul3A_747 = arith.mulf %mul3A_746, %get3A_745 : vector<1x384xf32>
      %add3A_748 = arith.addf %add3A_730, %mul3A_747 : vector<1x384xf32>
      %slice3A_749 = vector.extract_strided_slice %get3A_9 {offsets = [6, 4], sizes = [1, 1], strides = [1, 1]} : vector<32x5xf32> to vector<1x1xf32>
      %get3A_750 = arith.constant 4 : index
      %get3A_751 = arith.constant 0 : index
      %get3A_752 = arith.constant 0 : index
      %get3A_753 = vector.load %arg4[%get3A_750, %get3A_751, %get3A_752] : memref<5x15x384xf32, #tpu.memory_space<vmem>>, vector<1x15x384xf32>
      %get3A_754 = vector.shape_cast %get3A_753 : vector<1x15x384xf32> to vector<15x384xf32>
      %mul3A_755 = vector.broadcast %slice3A_749 : vector<1x1xf32> to vector<15x384xf32>
      %mul3A_756 = arith.mulf %mul3A_755, %get3A_754 : vector<15x384xf32>
      %add3A_757 = arith.addf %add3A_739, %mul3A_756 : vector<15x384xf32>
      %slice3A_758 = vector.extract_strided_slice %get3A_9 {offsets = [6, 4], sizes = [1, 1], strides = [1, 1]} : vector<32x5xf32> to vector<1x1xf32>
      %get3A_759 = arith.constant 4 : index
      %get3A_760 = arith.constant 0 : index
      %get3A_761 = arith.constant 0 : index
      %get3A_762 = vector.load %arg5[%get3A_759, %get3A_760, %get3A_761] : memref<5x1x384xf32, #tpu.memory_space<vmem>>, vector<1x1x384xf32>
      %get3A_763 = vector.shape_cast %get3A_762 : vector<1x1x384xf32> to vector<1x384xf32>
      %mul3A_764 = vector.broadcast %slice3A_758 : vector<1x1xf32> to vector<1x384xf32>
      %mul3A_765 = arith.mulf %mul3A_764, %get3A_763 : vector<1x384xf32>
      %add3A_766 = arith.addf %add3A_748, %mul3A_765 : vector<1x384xf32>
      %get3A_767 = arith.constant 6 : index
      %get3A_768 = arith.constant 0 : index
      %get3A_769 = arith.constant 0 : index
      %get3A_770 = arith.constant 0 : index
      %get3A_771 = vector.load %arg3[%get3A_767, %get3A_768, %get3A_769, %get3A_770] : memref<32x10x32x15xf32, #tpu.memory_space<vmem>>, vector<1x10x32x15xf32>
      %get3A_772 = vector.shape_cast %get3A_771 : vector<1x10x32x15xf32> to vector<10x32x15xf32>
      %reshape3A_773 = vector.shape_cast %get3A_772 : vector<10x32x15xf32> to vector<320x15xf32>
      %dot_general3A_774 = arith.constant dense<0.000000e+00> : vector<320x384xf32>
      %dot_general3A_775 = tpu.matmul %reshape3A_773, %add3A_757, %dot_general3A_774 {dimension_numbers = #tpu.dot_dimension_numbers<[1], [0], [0], [1], [0, 0, 1, 1], [], []>, transpose_lhs_hint = false} : vector<320x15xf32>, vector<15x384xf32>, vector<320x384xf32> -> vector<320x384xf32>
      %add3A_776 = vector.broadcast %add3A_766 : vector<1x384xf32> to vector<320x384xf32>
      %add3A_777 = arith.addf %dot_general3A_775, %add3A_776 : vector<320x384xf32>
      %max3A_778 = arith.constant 0.000000e+00 : f32
      %max3A_779 = vector.broadcast %max3A_778 : f32 to vector<320x384xf32>
      %max3A_780 = arith.maximumf %add3A_777, %max3A_779 : vector<320x384xf32>
      %reduce_sum3A_781 = arith.constant dense<0.000000e+00> : vector<384xf32>
      %reduce_sum3A_782 = vector.multi_reduction <add>, %max3A_780, %reduce_sum3A_781 [0] : vector<320x384xf32> to vector<384xf32>
      %div3A_783 = arith.constant 3.200000e+02 : f32
      %div3A_784 = vector.broadcast %div3A_783 : f32 to vector<384xf32>
      %div3A_785 = arith.divf %reduce_sum3A_782, %div3A_784 : vector<384xf32>
      %swap3A_786 = arith.index_cast %arg0 : i32 to index
      %swap3A_787 = arith.constant 6 : index
      %swap3A_788 = arith.constant 0 : index
      %swap3A_789 = vector.load %arg15[%swap3A_786, %swap3A_787, %swap3A_788] : memref<4x32x384xf32, #tpu.memory_space<vmem>>, vector<1x1x384xf32>
      %swap3A_790 = vector.shape_cast %swap3A_789 : vector<1x1x384xf32> to vector<384xf32>
      %swap3A_791 = vector.shape_cast %div3A_785 : vector<384xf32> to vector<1x1x384xf32>
      tpu.vector_store %arg15[%swap3A_786, %swap3A_787, %swap3A_788], %swap3A_791 {strides = array<i32>} : memref<4x32x384xf32, #tpu.memory_space<vmem>>, vector<1x1x384xf32>,
      %slice3A_792 = vector.extract_strided_slice %get3A_9 {offsets = [7, 0], sizes = [1, 1], strides = [1, 1]} : vector<32x5xf32> to vector<1x1xf32>
      %get3A_793 = arith.constant 0 : index
      %get3A_794 = arith.constant 0 : index
      %get3A_795 = arith.constant 0 : index
      %get3A_796 = vector.load %arg4[%get3A_793, %get3A_794, %get3A_795] : memref<5x15x384xf32, #tpu.memory_space<vmem>>, vector<1x15x384xf32>
      %get3A_797 = vector.shape_cast %get3A_796 : vector<1x15x384xf32> to vector<15x384xf32>
      %mul3A_798 = vector.broadcast %slice3A_792 : vector<1x1xf32> to vector<15x384xf32>
      %mul3A_799 = arith.mulf %mul3A_798, %get3A_797 : vector<15x384xf32>
      %slice3A_800 = vector.extract_strided_slice %get3A_9 {offsets = [7, 0], sizes = [1, 1], strides = [1, 1]} : vector<32x5xf32> to vector<1x1xf32>
      %get3A_801 = arith.constant 0 : index
      %get3A_802 = arith.constant 0 : index
      %get3A_803 = arith.constant 0 : index
      %get3A_804 = vector.load %arg5[%get3A_801, %get3A_802, %get3A_803] : memref<5x1x384xf32, #tpu.memory_space<vmem>>, vector<1x1x384xf32>
      %get3A_805 = vector.shape_cast %get3A_804 : vector<1x1x384xf32> to vector<1x384xf32>
      %mul3A_806 = vector.broadcast %slice3A_800 : vector<1x1xf32> to vector<1x384xf32>
      %mul3A_807 = arith.mulf %mul3A_806, %get3A_805 : vector<1x384xf32>
      %slice3A_808 = vector.extract_strided_slice %get3A_9 {offsets = [7, 1], sizes = [1, 1], strides = [1, 1]} : vector<32x5xf32> to vector<1x1xf32>
      %get3A_809 = arith.constant 1 : index
      %get3A_810 = arith.constant 0 : index
      %get3A_811 = arith.constant 0 : index
      %get3A_812 = vector.load %arg4[%get3A_809, %get3A_810, %get3A_811] : memref<5x15x384xf32, #tpu.memory_space<vmem>>, vector<1x15x384xf32>
      %get3A_813 = vector.shape_cast %get3A_812 : vector<1x15x384xf32> to vector<15x384xf32>
      %mul3A_814 = vector.broadcast %slice3A_808 : vector<1x1xf32> to vector<15x384xf32>
      %mul3A_815 = arith.mulf %mul3A_814, %get3A_813 : vector<15x384xf32>
      %add3A_816 = arith.addf %mul3A_799, %mul3A_815 : vector<15x384xf32>
      %slice3A_817 = vector.extract_strided_slice %get3A_9 {offsets = [7, 1], sizes = [1, 1], strides = [1, 1]} : vector<32x5xf32> to vector<1x1xf32>
      %get3A_818 = arith.constant 1 : index
      %get3A_819 = arith.constant 0 : index
      %get3A_820 = arith.constant 0 : index
      %get3A_821 = vector.load %arg5[%get3A_818, %get3A_819, %get3A_820] : memref<5x1x384xf32, #tpu.memory_space<vmem>>, vector<1x1x384xf32>
      %get3A_822 = vector.shape_cast %get3A_821 : vector<1x1x384xf32> to vector<1x384xf32>
      %mul3A_823 = vector.broadcast %slice3A_817 : vector<1x1xf32> to vector<1x384xf32>
      %mul3A_824 = arith.mulf %mul3A_823, %get3A_822 : vector<1x384xf32>
      %add3A_825 = arith.addf %mul3A_807, %mul3A_824 : vector<1x384xf32>
      %slice3A_826 = vector.extract_strided_slice %get3A_9 {offsets = [7, 2], sizes = [1, 1], strides = [1, 1]} : vector<32x5xf32> to vector<1x1xf32>
      %get3A_827 = arith.constant 2 : index
      %get3A_828 = arith.constant 0 : index
      %get3A_829 = arith.constant 0 : index
      %get3A_830 = vector.load %arg4[%get3A_827, %get3A_828, %get3A_829] : memref<5x15x384xf32, #tpu.memory_space<vmem>>, vector<1x15x384xf32>
      %get3A_831 = vector.shape_cast %get3A_830 : vector<1x15x384xf32> to vector<15x384xf32>
      %mul3A_832 = vector.broadcast %slice3A_826 : vector<1x1xf32> to vector<15x384xf32>
      %mul3A_833 = arith.mulf %mul3A_832, %get3A_831 : vector<15x384xf32>
      %add3A_834 = arith.addf %add3A_816, %mul3A_833 : vector<15x384xf32>
      %slice3A_835 = vector.extract_strided_slice %get3A_9 {offsets = [7, 2], sizes = [1, 1], strides = [1, 1]} : vector<32x5xf32> to vector<1x1xf32>
      %get3A_836 = arith.constant 2 : index
      %get3A_837 = arith.constant 0 : index
      %get3A_838 = arith.constant 0 : index
      %get3A_839 = vector.load %arg5[%get3A_836, %get3A_837, %get3A_838] : memref<5x1x384xf32, #tpu.memory_space<vmem>>, vector<1x1x384xf32>
      %get3A_840 = vector.shape_cast %get3A_839 : vector<1x1x384xf32> to vector<1x384xf32>
      %mul3A_841 = vector.broadcast %slice3A_835 : vector<1x1xf32> to vector<1x384xf32>
      %mul3A_842 = arith.mulf %mul3A_841, %get3A_840 : vector<1x384xf32>
      %add3A_843 = arith.addf %add3A_825, %mul3A_842 : vector<1x384xf32>
      %slice3A_844 = vector.extract_strided_slice %get3A_9 {offsets = [7, 3], sizes = [1, 1], strides = [1, 1]} : vector<32x5xf32> to vector<1x1xf32>
      %get3A_845 = arith.constant 3 : index
      %get3A_846 = arith.constant 0 : index
      %get3A_847 = arith.constant 0 : index
      %get3A_848 = vector.load %arg4[%get3A_845, %get3A_846, %get3A_847] : memref<5x15x384xf32, #tpu.memory_space<vmem>>, vector<1x15x384xf32>
      %get3A_849 = vector.shape_cast %get3A_848 : vector<1x15x384xf32> to vector<15x384xf32>
      %mul3A_850 = vector.broadcast %slice3A_844 : vector<1x1xf32> to vector<15x384xf32>
      %mul3A_851 = arith.mulf %mul3A_850, %get3A_849 : vector<15x384xf32>
      %add3A_852 = arith.addf %add3A_834, %mul3A_851 : vector<15x384xf32>
      %slice3A_853 = vector.extract_strided_slice %get3A_9 {offsets = [7, 3], sizes = [1, 1], strides = [1, 1]} : vector<32x5xf32> to vector<1x1xf32>
      %get3A_854 = arith.constant 3 : index
      %get3A_855 = arith.constant 0 : index
      %get3A_856 = arith.constant 0 : index
      %get3A_857 = vector.load %arg5[%get3A_854, %get3A_855, %get3A_856] : memref<5x1x384xf32, #tpu.memory_space<vmem>>, vector<1x1x384xf32>
      %get3A_858 = vector.shape_cast %get3A_857 : vector<1x1x384xf32> to vector<1x384xf32>
      %mul3A_859 = vector.broadcast %slice3A_853 : vector<1x1xf32> to vector<1x384xf32>
      %mul3A_860 = arith.mulf %mul3A_859, %get3A_858 : vector<1x384xf32>
      %add3A_861 = arith.addf %add3A_843, %mul3A_860 : vector<1x384xf32>
      %slice3A_862 = vector.extract_strided_slice %get3A_9 {offsets = [7, 4], sizes = [1, 1], strides = [1, 1]} : vector<32x5xf32> to vector<1x1xf32>
      %get3A_863 = arith.constant 4 : index
      %get3A_864 = arith.constant 0 : index
      %get3A_865 = arith.constant 0 : index
      %get3A_866 = vector.load %arg4[%get3A_863, %get3A_864, %get3A_865] : memref<5x15x384xf32, #tpu.memory_space<vmem>>, vector<1x15x384xf32>
      %get3A_867 = vector.shape_cast %get3A_866 : vector<1x15x384xf32> to vector<15x384xf32>
      %mul3A_868 = vector.broadcast %slice3A_862 : vector<1x1xf32> to vector<15x384xf32>
      %mul3A_869 = arith.mulf %mul3A_868, %get3A_867 : vector<15x384xf32>
      %add3A_870 = arith.addf %add3A_852, %mul3A_869 : vector<15x384xf32>
      %slice3A_871 = vector.extract_strided_slice %get3A_9 {offsets = [7, 4], sizes = [1, 1], strides = [1, 1]} : vector<32x5xf32> to vector<1x1xf32>
      %get3A_872 = arith.constant 4 : index
      %get3A_873 = arith.constant 0 : index
      %get3A_874 = arith.constant 0 : index
      %get3A_875 = vector.load %arg5[%get3A_872, %get3A_873, %get3A_874] : memref<5x1x384xf32, #tpu.memory_space<vmem>>, vector<1x1x384xf32>
      %get3A_876 = vector.shape_cast %get3A_875 : vector<1x1x384xf32> to vector<1x384xf32>
      %mul3A_877 = vector.broadcast %slice3A_871 : vector<1x1xf32> to vector<1x384xf32>
      %mul3A_878 = arith.mulf %mul3A_877, %get3A_876 : vector<1x384xf32>
      %add3A_879 = arith.addf %add3A_861, %mul3A_878 : vector<1x384xf32>
      %get3A_880 = arith.constant 7 : index
      %get3A_881 = arith.constant 0 : index
      %get3A_882 = arith.constant 0 : index
      %get3A_883 = arith.constant 0 : index
      %get3A_884 = vector.load %arg3[%get3A_880, %get3A_881, %get3A_882, %get3A_883] : memref<32x10x32x15xf32, #tpu.memory_space<vmem>>, vector<1x10x32x15xf32>
      %get3A_885 = vector.shape_cast %get3A_884 : vector<1x10x32x15xf32> to vector<10x32x15xf32>
      %reshape3A_886 = vector.shape_cast %get3A_885 : vector<10x32x15xf32> to vector<320x15xf32>
      %dot_general3A_887 = arith.constant dense<0.000000e+00> : vector<320x384xf32>
      %dot_general3A_888 = tpu.matmul %reshape3A_886, %add3A_870, %dot_general3A_887 {dimension_numbers = #tpu.dot_dimension_numbers<[1], [0], [0], [1], [0, 0, 1, 1], [], []>, transpose_lhs_hint = false} : vector<320x15xf32>, vector<15x384xf32>, vector<320x384xf32> -> vector<320x384xf32>
      %add3A_889 = vector.broadcast %add3A_879 : vector<1x384xf32> to vector<320x384xf32>
      %add3A_890 = arith.addf %dot_general3A_888, %add3A_889 : vector<320x384xf32>
      %max3A_891 = arith.constant 0.000000e+00 : f32
      %max3A_892 = vector.broadcast %max3A_891 : f32 to vector<320x384xf32>
      %max3A_893 = arith.maximumf %add3A_890, %max3A_892 : vector<320x384xf32>
      %reduce_sum3A_894 = arith.constant dense<0.000000e+00> : vector<384xf32>
      %reduce_sum3A_895 = vector.multi_reduction <add>, %max3A_893, %reduce_sum3A_894 [0] : vector<320x384xf32> to vector<384xf32>
      %div3A_896 = arith.constant 3.200000e+02 : f32
      %div3A_897 = vector.broadcast %div3A_896 : f32 to vector<384xf32>
      %div3A_898 = arith.divf %reduce_sum3A_895, %div3A_897 : vector<384xf32>
      %swap3A_899 = arith.index_cast %arg0 : i32 to index
      %swap3A_900 = arith.constant 7 : index
      %swap3A_901 = arith.constant 0 : index
      %swap3A_902 = vector.load %arg15[%swap3A_899, %swap3A_900, %swap3A_901] : memref<4x32x384xf32, #tpu.memory_space<vmem>>, vector<1x1x384xf32>
      %swap3A_903 = vector.shape_cast %swap3A_902 : vector<1x1x384xf32> to vector<384xf32>
      %swap3A_904 = vector.shape_cast %div3A_898 : vector<384xf32> to vector<1x1x384xf32>
      tpu.vector_store %arg15[%swap3A_899, %swap3A_900, %swap3A_901], %swap3A_904 {strides = array<i32>} : memref<4x32x384xf32, #tpu.memory_space<vmem>>, vector<1x1x384xf32>,
      %slice3A_905 = vector.extract_strided_slice %get3A_9 {offsets = [8, 0], sizes = [1, 1], strides = [1, 1]} : vector<32x5xf32> to vector<1x1xf32>
      %get3A_906 = arith.constant 0 : index
      %get3A_907 = arith.constant 0 : index
      %get3A_908 = arith.constant 0 : index
      %get3A_909 = vector.load %arg4[%get3A_906, %get3A_907, %get3A_908] : memref<5x15x384xf32, #tpu.memory_space<vmem>>, vector<1x15x384xf32>
      %get3A_910 = vector.shape_cast %get3A_909 : vector<1x15x384xf32> to vector<15x384xf32>
      %mul3A_911 = vector.broadcast %slice3A_905 : vector<1x1xf32> to vector<15x384xf32>
      %mul3A_912 = arith.mulf %mul3A_911, %get3A_910 : vector<15x384xf32>
      %slice3A_913 = vector.extract_strided_slice %get3A_9 {offsets = [8, 0], sizes = [1, 1], strides = [1, 1]} : vector<32x5xf32> to vector<1x1xf32>
      %get3A_914 = arith.constant 0 : index
      %get3A_915 = arith.constant 0 : index
      %get3A_916 = arith.constant 0 : index
      %get3A_917 = vector.load %arg5[%get3A_914, %get3A_915, %get3A_916] : memref<5x1x384xf32, #tpu.memory_space<vmem>>, vector<1x1x384xf32>
      %get3A_918 = vector.shape_cast %get3A_917 : vector<1x1x384xf32> to vector<1x384xf32>
      %mul3A_919 = vector.broadcast %slice3A_913 : vector<1x1xf32> to vector<1x384xf32>
      %mul3A_920 = arith.mulf %mul3A_919, %get3A_918 : vector<1x384xf32>
      %slice3A_921 = vector.extract_strided_slice %get3A_9 {offsets = [8, 1], sizes = [1, 1], strides = [1, 1]} : vector<32x5xf32> to vector<1x1xf32>
      %get3A_922 = arith.constant 1 : index
      %get3A_923 = arith.constant 0 : index
      %get3A_924 = arith.constant 0 : index
      %get3A_925 = vector.load %arg4[%get3A_922, %get3A_923, %get3A_924] : memref<5x15x384xf32, #tpu.memory_space<vmem>>, vector<1x15x384xf32>
      %get3A_926 = vector.shape_cast %get3A_925 : vector<1x15x384xf32> to vector<15x384xf32>
      %mul3A_927 = vector.broadcast %slice3A_921 : vector<1x1xf32> to vector<15x384xf32>
      %mul3A_928 = arith.mulf %mul3A_927, %get3A_926 : vector<15x384xf32>
      %add3A_929 = arith.addf %mul3A_912, %mul3A_928 : vector<15x384xf32>
      %slice3A_930 = vector.extract_strided_slice %get3A_9 {offsets = [8, 1], sizes = [1, 1], strides = [1, 1]} : vector<32x5xf32> to vector<1x1xf32>
      %get3A_931 = arith.constant 1 : index
      %get3A_932 = arith.constant 0 : index
      %get3A_933 = arith.constant 0 : index
      %get3A_934 = vector.load %arg5[%get3A_931, %get3A_932, %get3A_933] : memref<5x1x384xf32, #tpu.memory_space<vmem>>, vector<1x1x384xf32>
      %get3A_935 = vector.shape_cast %get3A_934 : vector<1x1x384xf32> to vector<1x384xf32>
      %mul3A_936 = vector.broadcast %slice3A_930 : vector<1x1xf32> to vector<1x384xf32>
      %mul3A_937 = arith.mulf %mul3A_936, %get3A_935 : vector<1x384xf32>
      %add3A_938 = arith.addf %mul3A_920, %mul3A_937 : vector<1x384xf32>
      %slice3A_939 = vector.extract_strided_slice %get3A_9 {offsets = [8, 2], sizes = [1, 1], strides = [1, 1]} : vector<32x5xf32> to vector<1x1xf32>
      %get3A_940 = arith.constant 2 : index
      %get3A_941 = arith.constant 0 : index
      %get3A_942 = arith.constant 0 : index
      %get3A_943 = vector.load %arg4[%get3A_940, %get3A_941, %get3A_942] : memref<5x15x384xf32, #tpu.memory_space<vmem>>, vector<1x15x384xf32>
      %get3A_944 = vector.shape_cast %get3A_943 : vector<1x15x384xf32> to vector<15x384xf32>
      %mul3A_945 = vector.broadcast %slice3A_939 : vector<1x1xf32> to vector<15x384xf32>
      %mul3A_946 = arith.mulf %mul3A_945, %get3A_944 : vector<15x384xf32>
      %add3A_947 = arith.addf %add3A_929, %mul3A_946 : vector<15x384xf32>
      %slice3A_948 = vector.extract_strided_slice %get3A_9 {offsets = [8, 2], sizes = [1, 1], strides = [1, 1]} : vector<32x5xf32> to vector<1x1xf32>
      %get3A_949 = arith.constant 2 : index
      %get3A_950 = arith.constant 0 : index
      %get3A_951 = arith.constant 0 : index
      %get3A_952 = vector.load %arg5[%get3A_949, %get3A_950, %get3A_951] : memref<5x1x384xf32, #tpu.memory_space<vmem>>, vector<1x1x384xf32>
      %get3A_953 = vector.shape_cast %get3A_952 : vector<1x1x384xf32> to vector<1x384xf32>
      %mul3A_954 = vector.broadcast %slice3A_948 : vector<1x1xf32> to vector<1x384xf32>
      %mul3A_955 = arith.mulf %mul3A_954, %get3A_953 : vector<1x384xf32>
      %add3A_956 = arith.addf %add3A_938, %mul3A_955 : vector<1x384xf32>
      %slice3A_957 = vector.extract_strided_slice %get3A_9 {offsets = [8, 3], sizes = [1, 1], strides = [1, 1]} : vector<32x5xf32> to vector<1x1xf32>
      %get3A_958 = arith.constant 3 : index
      %get3A_959 = arith.constant 0 : index
      %get3A_960 = arith.constant 0 : index
      %get3A_961 = vector.load %arg4[%get3A_958, %get3A_959, %get3A_960] : memref<5x15x384xf32, #tpu.memory_space<vmem>>, vector<1x15x384xf32>
      %get3A_962 = vector.shape_cast %get3A_961 : vector<1x15x384xf32> to vector<15x384xf32>
      %mul3A_963 = vector.broadcast %slice3A_957 : vector<1x1xf32> to vector<15x384xf32>
      %mul3A_964 = arith.mulf %mul3A_963, %get3A_962 : vector<15x384xf32>
      %add3A_965 = arith.addf %add3A_947, %mul3A_964 : vector<15x384xf32>
      %slice3A_966 = vector.extract_strided_slice %get3A_9 {offsets = [8, 3], sizes = [1, 1], strides = [1, 1]} : vector<32x5xf32> to vector<1x1xf32>
      %get3A_967 = arith.constant 3 : index
      %get3A_968 = arith.constant 0 : index
      %get3A_969 = arith.constant 0 : index
      %get3A_970 = vector.load %arg5[%get3A_967, %get3A_968, %get3A_969] : memref<5x1x384xf32, #tpu.memory_space<vmem>>, vector<1x1x384xf32>
      %get3A_971 = vector.shape_cast %get3A_970 : vector<1x1x384xf32> to vector<1x384xf32>
      %mul3A_972 = vector.broadcast %slice3A_966 : vector<1x1xf32> to vector<1x384xf32>
      %mul3A_973 = arith.mulf %mul3A_972, %get3A_971 : vector<1x384xf32>
      %add3A_974 = arith.addf %add3A_956, %mul3A_973 : vector<1x384xf32>
      %slice3A_975 = vector.extract_strided_slice %get3A_9 {offsets = [8, 4], sizes = [1, 1], strides = [1, 1]} : vector<32x5xf32> to vector<1x1xf32>
      %get3A_976 = arith.constant 4 : index
      %get3A_977 = arith.constant 0 : index
      %get3A_978 = arith.constant 0 : index
      %get3A_979 = vector.load %arg4[%get3A_976, %get3A_977, %get3A_978] : memref<5x15x384xf32, #tpu.memory_space<vmem>>, vector<1x15x384xf32>
      %get3A_980 = vector.shape_cast %get3A_979 : vector<1x15x384xf32> to vector<15x384xf32>
      %mul3A_981 = vector.broadcast %slice3A_975 : vector<1x1xf32> to vector<15x384xf32>
      %mul3A_982 = arith.mulf %mul3A_981, %get3A_980 : vector<15x384xf32>
      %add3A_983 = arith.addf %add3A_965, %mul3A_982 : vector<15x384xf32>
      %slice3A_984 = vector.extract_strided_slice %get3A_9 {offsets = [8, 4], sizes = [1, 1], strides = [1, 1]} : vector<32x5xf32> to vector<1x1xf32>
      %get3A_985 = arith.constant 4 : index
      %get3A_986 = arith.constant 0 : index
      %get3A_987 = arith.constant 0 : index
      %get3A_988 = vector.load %arg5[%get3A_985, %get3A_986, %get3A_987] : memref<5x1x384xf32, #tpu.memory_space<vmem>>, vector<1x1x384xf32>
      %get3A_989 = vector.shape_cast %get3A_988 : vector<1x1x384xf32> to vector<1x384xf32>
      %mul3A_990 = vector.broadcast %slice3A_984 : vector<1x1xf32> to vector<1x384xf32>
      %mul3A_991 = arith.mulf %mul3A_990, %get3A_989 : vector<1x384xf32>
      %add3A_992 = arith.addf %add3A_974, %mul3A_991 : vector<1x384xf32>
      %get3A_993 = arith.constant 8 : index
      %get3A_994 = arith.constant 0 : index
      %get3A_995 = arith.constant 0 : index
      %get3A_996 = arith.constant 0 : index
      %get3A_997 = vector.load %arg3[%get3A_993, %get3A_994, %get3A_995, %get3A_996] : memref<32x10x32x15xf32, #tpu.memory_space<vmem>>, vector<1x10x32x15xf32>
      %get3A_998 = vector.shape_cast %get3A_997 : vector<1x10x32x15xf32> to vector<10x32x15xf32>
      %reshape3A_999 = vector.shape_cast %get3A_998 : vector<10x32x15xf32> to vector<320x15xf32>
      %dot_general3A_1000 = arith.constant dense<0.000000e+00> : vector<320x384xf32>
      %dot_general3A_1001 = tpu.matmul %reshape3A_999, %add3A_983, %dot_general3A_1000 {dimension_numbers = #tpu.dot_dimension_numbers<[1], [0], [0], [1], [0, 0, 1, 1], [], []>, transpose_lhs_hint = false} : vector<320x15xf32>, vector<15x384xf32>, vector<320x384xf32> -> vector<320x384xf32>
      %add3A_1002 = vector.broadcast %add3A_992 : vector<1x384xf32> to vector<320x384xf32>
      %add3A_1003 = arith.addf %dot_general3A_1001, %add3A_1002 : vector<320x384xf32>
      %max3A_1004 = arith.constant 0.000000e+00 : f32
      %max3A_1005 = vector.broadcast %max3A_1004 : f32 to vector<320x384xf32>
      %max3A_1006 = arith.maximumf %add3A_1003, %max3A_1005 : vector<320x384xf32>
      %reduce_sum3A_1007 = arith.constant dense<0.000000e+00> : vector<384xf32>
      %reduce_sum3A_1008 = vector.multi_reduction <add>, %max3A_1006, %reduce_sum3A_1007 [0] : vector<320x384xf32> to vector<384xf32>
      %div3A_1009 = arith.constant 3.200000e+02 : f32
      %div3A_1010 = vector.broadcast %div3A_1009 : f32 to vector<384xf32>
      %div3A_1011 = arith.divf %reduce_sum3A_1008, %div3A_1010 : vector<384xf32>
      %swap3A_1012 = arith.index_cast %arg0 : i32 to index
      %swap3A_1013 = arith.constant 8 : index
      %swap3A_1014 = arith.constant 0 : index
      %swap3A_1015 = vector.load %arg15[%swap3A_1012, %swap3A_1013, %swap3A_1014] : memref<4x32x384xf32, #tpu.memory_space<vmem>>, vector<1x1x384xf32>
      %swap3A_1016 = vector.shape_cast %swap3A_1015 : vector<1x1x384xf32> to vector<384xf32>
      %swap3A_1017 = vector.shape_cast %div3A_1011 : vector<384xf32> to vector<1x1x384xf32>
      tpu.vector_store %arg15[%swap3A_1012, %swap3A_1013, %swap3A_1014], %swap3A_1017 {strides = array<i32>} : memref<4x32x384xf32, #tpu.memory_space<vmem>>, vector<1x1x384xf32>,
      %slice3A_1018 = vector.extract_strided_slice %get3A_9 {offsets = [9, 0], sizes = [1, 1], strides = [1, 1]} : vector<32x5xf32> to vector<1x1xf32>
      %get3A_1019 = arith.constant 0 : index
      %get3A_1020 = arith.constant 0 : index
      %get3A_1021 = arith.constant 0 : index
      %get3A_1022 = vector.load %arg4[%get3A_1019, %get3A_1020, %get3A_1021] : memref<5x15x384xf32, #tpu.memory_space<vmem>>, vector<1x15x384xf32>
      %get3A_1023 = vector.shape_cast %get3A_1022 : vector<1x15x384xf32> to vector<15x384xf32>
      %mul3A_1024 = vector.broadcast %slice3A_1018 : vector<1x1xf32> to vector<15x384xf32>
      %mul3A_1025 = arith.mulf %mul3A_1024, %get3A_1023 : vector<15x384xf32>
      %slice3A_1026 = vector.extract_strided_slice %get3A_9 {offsets = [9, 0], sizes = [1, 1], strides = [1, 1]} : vector<32x5xf32> to vector<1x1xf32>
      %get3A_1027 = arith.constant 0 : index
      %get3A_1028 = arith.constant 0 : index
      %get3A_1029 = arith.constant 0 : index
      %get3A_1030 = vector.load %arg5[%get3A_1027, %get3A_1028, %get3A_1029] : memref<5x1x384xf32, #tpu.memory_space<vmem>>, vector<1x1x384xf32>
      %get3A_1031 = vector.shape_cast %get3A_1030 : vector<1x1x384xf32> to vector<1x384xf32>
      %mul3A_1032 = vector.broadcast %slice3A_1026 : vector<1x1xf32> to vector<1x384xf32>
      %mul3A_1033 = arith.mulf %mul3A_1032, %get3A_1031 : vector<1x384xf32>
      %slice3A_1034 = vector.extract_strided_slice %get3A_9 {offsets = [9, 1], sizes = [1, 1], strides = [1, 1]} : vector<32x5xf32> to vector<1x1xf32>
      %get3A_1035 = arith.constant 1 : index
      %get3A_1036 = arith.constant 0 : index
      %get3A_1037 = arith.constant 0 : index
      %get3A_1038 = vector.load %arg4[%get3A_1035, %get3A_1036, %get3A_1037] : memref<5x15x384xf32, #tpu.memory_space<vmem>>, vector<1x15x384xf32>
      %get3A_1039 = vector.shape_cast %get3A_1038 : vector<1x15x384xf32> to vector<15x384xf32>
      %mul3A_1040 = vector.broadcast %slice3A_1034 : vector<1x1xf32> to vector<15x384xf32>
      %mul3A_1041 = arith.mulf %mul3A_1040, %get3A_1039 : vector<15x384xf32>
      %add3A_1042 = arith.addf %mul3A_1025, %mul3A_1041 : vector<15x384xf32>
      %slice3A_1043 = vector.extract_strided_slice %get3A_9 {offsets = [9, 1], sizes = [1, 1], strides = [1, 1]} : vector<32x5xf32> to vector<1x1xf32>
      %get3A_1044 = arith.constant 1 : index
      %get3A_1045 = arith.constant 0 : index
      %get3A_1046 = arith.constant 0 : index
      %get3A_1047 = vector.load %arg5[%get3A_1044, %get3A_1045, %get3A_1046] : memref<5x1x384xf32, #tpu.memory_space<vmem>>, vector<1x1x384xf32>
      %get3A_1048 = vector.shape_cast %get3A_1047 : vector<1x1x384xf32> to vector<1x384xf32>
      %mul3A_1049 = vector.broadcast %slice3A_1043 : vector<1x1xf32> to vector<1x384xf32>
      %mul3A_1050 = arith.mulf %mul3A_1049, %get3A_1048 : vector<1x384xf32>
      %add3A_1051 = arith.addf %mul3A_1033, %mul3A_1050 : vector<1x384xf32>
      %slice3A_1052 = vector.extract_strided_slice %get3A_9 {offsets = [9, 2], sizes = [1, 1], strides = [1, 1]} : vector<32x5xf32> to vector<1x1xf32>
      %get3A_1053 = arith.constant 2 : index
      %get3A_1054 = arith.constant 0 : index
      %get3A_1055 = arith.constant 0 : index
      %get3A_1056 = vector.load %arg4[%get3A_1053, %get3A_1054, %get3A_1055] : memref<5x15x384xf32, #tpu.memory_space<vmem>>, vector<1x15x384xf32>
      %get3A_1057 = vector.shape_cast %get3A_1056 : vector<1x15x384xf32> to vector<15x384xf32>
      %mul3A_1058 = vector.broadcast %slice3A_1052 : vector<1x1xf32> to vector<15x384xf32>
      %mul3A_1059 = arith.mulf %mul3A_1058, %get3A_1057 : vector<15x384xf32>
      %add3A_1060 = arith.addf %add3A_1042, %mul3A_1059 : vector<15x384xf32>
      %slice3A_1061 = vector.extract_strided_slice %get3A_9 {offsets = [9, 2], sizes = [1, 1], strides = [1, 1]} : vector<32x5xf32> to vector<1x1xf32>
      %get3A_1062 = arith.constant 2 : index
      %get3A_1063 = arith.constant 0 : index
      %get3A_1064 = arith.constant 0 : index
      %get3A_1065 = vector.load %arg5[%get3A_1062, %get3A_1063, %get3A_1064] : memref<5x1x384xf32, #tpu.memory_space<vmem>>, vector<1x1x384xf32>
      %get3A_1066 = vector.shape_cast %get3A_1065 : vector<1x1x384xf32> to vector<1x384xf32>
      %mul3A_1067 = vector.broadcast %slice3A_1061 : vector<1x1xf32> to vector<1x384xf32>
      %mul3A_1068 = arith.mulf %mul3A_1067, %get3A_1066 : vector<1x384xf32>
      %add3A_1069 = arith.addf %add3A_1051, %mul3A_1068 : vector<1x384xf32>
      %slice3A_1070 = vector.extract_strided_slice %get3A_9 {offsets = [9, 3], sizes = [1, 1], strides = [1, 1]} : vector<32x5xf32> to vector<1x1xf32>
      %get3A_1071 = arith.constant 3 : index
      %get3A_1072 = arith.constant 0 : index
      %get3A_1073 = arith.constant 0 : index
      %get3A_1074 = vector.load %arg4[%get3A_1071, %get3A_1072, %get3A_1073] : memref<5x15x384xf32, #tpu.memory_space<vmem>>, vector<1x15x384xf32>
      %get3A_1075 = vector.shape_cast %get3A_1074 : vector<1x15x384xf32> to vector<15x384xf32>
      %mul3A_1076 = vector.broadcast %slice3A_1070 : vector<1x1xf32> to vector<15x384xf32>
      %mul3A_1077 = arith.mulf %mul3A_1076, %get3A_1075 : vector<15x384xf32>
      %add3A_1078 = arith.addf %add3A_1060, %mul3A_1077 : vector<15x384xf32>
      %slice3A_1079 = vector.extract_strided_slice %get3A_9 {offsets = [9, 3], sizes = [1, 1], strides = [1, 1]} : vector<32x5xf32> to vector<1x1xf32>
      %get3A_1080 = arith.constant 3 : index
      %get3A_1081 = arith.constant 0 : index
      %get3A_1082 = arith.constant 0 : index
      %get3A_1083 = vector.load %arg5[%get3A_1080, %get3A_1081, %get3A_1082] : memref<5x1x384xf32, #tpu.memory_space<vmem>>, vector<1x1x384xf32>
      %get3A_1084 = vector.shape_cast %get3A_1083 : vector<1x1x384xf32> to vector<1x384xf32>
      %mul3A_1085 = vector.broadcast %slice3A_1079 : vector<1x1xf32> to vector<1x384xf32>
      %mul3A_1086 = arith.mulf %mul3A_1085, %get3A_1084 : vector<1x384xf32>
      %add3A_1087 = arith.addf %add3A_1069, %mul3A_1086 : vector<1x384xf32>
      %slice3A_1088 = vector.extract_strided_slice %get3A_9 {offsets = [9, 4], sizes = [1, 1], strides = [1, 1]} : vector<32x5xf32> to vector<1x1xf32>
      %get3A_1089 = arith.constant 4 : index
      %get3A_1090 = arith.constant 0 : index
      %get3A_1091 = arith.constant 0 : index
      %get3A_1092 = vector.load %arg4[%get3A_1089, %get3A_1090, %get3A_1091] : memref<5x15x384xf32, #tpu.memory_space<vmem>>, vector<1x15x384xf32>
      %get3A_1093 = vector.shape_cast %get3A_1092 : vector<1x15x384xf32> to vector<15x384xf32>
      %mul3A_1094 = vector.broadcast %slice3A_1088 : vector<1x1xf32> to vector<15x384xf32>
      %mul3A_1095 = arith.mulf %mul3A_1094, %get3A_1093 : vector<15x384xf32>
      %add3A_1096 = arith.addf %add3A_1078, %mul3A_1095 : vector<15x384xf32>
      %slice3A_1097 = vector.extract_strided_slice %get3A_9 {offsets = [9, 4], sizes = [1, 1], strides = [1, 1]} : vector<32x5xf32> to vector<1x1xf32>
      %get3A_1098 = arith.constant 4 : index
      %get3A_1099 = arith.constant 0 : index
      %get3A_1100 = arith.constant 0 : index
      %get3A_1101 = vector.load %arg5[%get3A_1098, %get3A_1099, %get3A_1100] : memref<5x1x384xf32, #tpu.memory_space<vmem>>, vector<1x1x384xf32>
      %get3A_1102 = vector.shape_cast %get3A_1101 : vector<1x1x384xf32> to vector<1x384xf32>
      %mul3A_1103 = vector.broadcast %slice3A_1097 : vector<1x1xf32> to vector<1x384xf32>
      %mul3A_1104 = arith.mulf %mul3A_1103, %get3A_1102 : vector<1x384xf32>
      %add3A_1105 = arith.addf %add3A_1087, %mul3A_1104 : vector<1x384xf32>
      %get3A_1106 = arith.constant 9 : index
      %get3A_1107 = arith.constant 0 : index
      %get3A_1108 = arith.constant 0 : index
      %get3A_1109 = arith.constant 0 : index
      %get3A_1110 = vector.load %arg3[%get3A_1106, %get3A_1107, %get3A_1108, %get3A_1109] : memref<32x10x32x15xf32, #tpu.memory_space<vmem>>, vector<1x10x32x15xf32>
      %get3A_1111 = vector.shape_cast %get3A_1110 : vector<1x10x32x15xf32> to vector<10x32x15xf32>
      %reshape3A_1112 = vector.shape_cast %get3A_1111 : vector<10x32x15xf32> to vector<320x15xf32>
      %dot_general3A_1113 = arith.constant dense<0.000000e+00> : vector<320x384xf32>
      %dot_general3A_1114 = tpu.matmul %reshape3A_1112, %add3A_1096, %dot_general3A_1113 {dimension_numbers = #tpu.dot_dimension_numbers<[1], [0], [0], [1], [0, 0, 1, 1], [], []>, transpose_lhs_hint = false} : vector<320x15xf32>, vector<15x384xf32>, vector<320x384xf32> -> vector<320x384xf32>
      %add3A_1115 = vector.broadcast %add3A_1105 : vector<1x384xf32> to vector<320x384xf32>
      %add3A_1116 = arith.addf %dot_general3A_1114, %add3A_1115 : vector<320x384xf32>
      %max3A_1117 = arith.constant 0.000000e+00 : f32
      %max3A_1118 = vector.broadcast %max3A_1117 : f32 to vector<320x384xf32>
      %max3A_1119 = arith.maximumf %add3A_1116, %max3A_1118 : vector<320x384xf32>
      %reduce_sum3A_1120 = arith.constant dense<0.000000e+00> : vector<384xf32>
      %reduce_sum3A_1121 = vector.multi_reduction <add>, %max3A_1119, %reduce_sum3A_1120 [0] : vector<320x384xf32> to vector<384xf32>
      %div3A_1122 = arith.constant 3.200000e+02 : f32
      %div3A_1123 = vector.broadcast %div3A_1122 : f32 to vector<384xf32>
      %div3A_1124 = arith.divf %reduce_sum3A_1121, %div3A_1123 : vector<384xf32>
      %swap3A_1125 = arith.index_cast %arg0 : i32 to index
      %swap3A_1126 = arith.constant 9 : index
      %swap3A_1127 = arith.constant 0 : index
      %swap3A_1128 = vector.load %arg15[%swap3A_1125, %swap3A_1126, %swap3A_1127] : memref<4x32x384xf32, #tpu.memory_space<vmem>>, vector<1x1x384xf32>
      %swap3A_1129 = vector.shape_cast %swap3A_1128 : vector<1x1x384xf32> to vector<384xf32>
      %swap3A_1130 = vector.shape_cast %div3A_1124 : vector<384xf32> to vector<1x1x384xf32>
      tpu.vector_store %arg15[%swap3A_1125, %swap3A_1126, %swap3A_1127], %swap3A_1130 {strides = array<i32>} : memref<4x32x384xf32, #tpu.memory_space<vmem>>, vector<1x1x384xf32>,
      %slice3A_1131 = vector.extract_strided_slice %get3A_9 {offsets = [10, 0], sizes = [1, 1], strides = [1, 1]} : vector<32x5xf32> to vector<1x1xf32>
      %get3A_1132 = arith.constant 0 : index
      %get3A_1133 = arith.constant 0 : index
      %get3A_1134 = arith.constant 0 : index
      %get3A_1135 = vector.load %arg4[%get3A_1132, %get3A_1133, %get3A_1134] : memref<5x15x384xf32, #tpu.memory_space<vmem>>, vector<1x15x384xf32>
      %get3A_1136 = vector.shape_cast %get3A_1135 : vector<1x15x384xf32> to vector<15x384xf32>
      %mul3A_1137 = vector.broadcast %slice3A_1131 : vector<1x1xf32> to vector<15x384xf32>
      %mul3A_1138 = arith.mulf %mul3A_1137, %get3A_1136 : vector<15x384xf32>
      %slice3A_1139 = vector.extract_strided_slice %get3A_9 {offsets = [10, 0], sizes = [1, 1], strides = [1, 1]} : vector<32x5xf32> to vector<1x1xf32>
      %get3A_1140 = arith.constant 0 : index
      %get3A_1141 = arith.constant 0 : index
      %get3A_1142 = arith.constant 0 : index
      %get3A_1143 = vector.load %arg5[%get3A_1140, %get3A_1141, %get3A_1142] : memref<5x1x384xf32, #tpu.memory_space<vmem>>, vector<1x1x384xf32>
      %get3A_1144 = vector.shape_cast %get3A_1143 : vector<1x1x384xf32> to vector<1x384xf32>
      %mul3A_1145 = vector.broadcast %slice3A_1139 : vector<1x1xf32> to vector<1x384xf32>
      %mul3A_1146 = arith.mulf %mul3A_1145, %get3A_1144 : vector<1x384xf32>
      %slice3A_1147 = vector.extract_strided_slice %get3A_9 {offsets = [10, 1], sizes = [1, 1], strides = [1, 1]} : vector<32x5xf32> to vector<1x1xf32>
      %get3A_1148 = arith.constant 1 : index
      %get3A_1149 = arith.constant 0 : index
      %get3A_1150 = arith.constant 0 : index
      %get3A_1151 = vector.load %arg4[%get3A_1148, %get3A_1149, %get3A_1150] : memref<5x15x384xf32, #tpu.memory_space<vmem>>, vector<1x15x384xf32>
      %get3A_1152 = vector.shape_cast %get3A_1151 : vector<1x15x384xf32> to vector<15x384xf32>
      %mul3A_1153 = vector.broadcast %slice3A_1147 : vector<1x1xf32> to vector<15x384xf32>
      %mul3A_1154 = arith.mulf %mul3A_1153, %get3A_1152 : vector<15x384xf32>
      %add3A_1155 = arith.addf %mul3A_1138, %mul3A_1154 : vector<15x384xf32>
      %slice3A_1156 = vector.extract_strided_slice %get3A_9 {offsets = [10, 1], sizes = [1, 1], strides = [1, 1]} : vector<32x5xf32> to vector<1x1xf32>
      %get3A_1157 = arith.constant 1 : index
      %get3A_1158 = arith.constant 0 : index
      %get3A_1159 = arith.constant 0 : index
      %get3A_1160 = vector.load %arg5[%get3A_1157, %get3A_1158, %get3A_1159] : memref<5x1x384xf32, #tpu.memory_space<vmem>>, vector<1x1x384xf32>
      %get3A_1161 = vector.shape_cast %get3A_1160 : vector<1x1x384xf32> to vector<1x384xf32>
      %mul3A_1162 = vector.broadcast %slice3A_1156 : vector<1x1xf32> to vector<1x384xf32>
      %mul3A_1163 = arith.mulf %mul3A_1162, %get3A_1161 : vector<1x384xf32>
      %add3A_1164 = arith.addf %mul3A_1146, %mul3A_1163 : vector<1x384xf32>
      %slice3A_1165 = vector.extract_strided_slice %get3A_9 {offsets = [10, 2], sizes = [1, 1], strides = [1, 1]} : vector<32x5xf32> to vector<1x1xf32>
      %get3A_1166 = arith.constant 2 : index
      %get3A_1167 = arith.constant 0 : index
      %get3A_1168 = arith.constant 0 : index
      %get3A_1169 = vector.load %arg4[%get3A_1166, %get3A_1167, %get3A_1168] : memref<5x15x384xf32, #tpu.memory_space<vmem>>, vector<1x15x384xf32>
      %get3A_1170 = vector.shape_cast %get3A_1169 : vector<1x15x384xf32> to vector<15x384xf32>
      %mul3A_1171 = vector.broadcast %slice3A_1165 : vector<1x1xf32> to vector<15x384xf32>
      %mul3A_1172 = arith.mulf %mul3A_1171, %get3A_1170 : vector<15x384xf32>
      %add3A_1173 = arith.addf %add3A_1155, %mul3A_1172 : vector<15x384xf32>
      %slice3A_1174 = vector.extract_strided_slice %get3A_9 {offsets = [10, 2], sizes = [1, 1], strides = [1, 1]} : vector<32x5xf32> to vector<1x1xf32>
      %get3A_1175 = arith.constant 2 : index
      %get3A_1176 = arith.constant 0 : index
      %get3A_1177 = arith.constant 0 : index
      %get3A_1178 = vector.load %arg5[%get3A_1175, %get3A_1176, %get3A_1177] : memref<5x1x384xf32, #tpu.memory_space<vmem>>, vector<1x1x384xf32>
      %get3A_1179 = vector.shape_cast %get3A_1178 : vector<1x1x384xf32> to vector<1x384xf32>
      %mul3A_1180 = vector.broadcast %slice3A_1174 : vector<1x1xf32> to vector<1x384xf32>
      %mul3A_1181 = arith.mulf %mul3A_1180, %get3A_1179 : vector<1x384xf32>
      %add3A_1182 = arith.addf %add3A_1164, %mul3A_1181 : vector<1x384xf32>
      %slice3A_1183 = vector.extract_strided_slice %get3A_9 {offsets = [10, 3], sizes = [1, 1], strides = [1, 1]} : vector<32x5xf32> to vector<1x1xf32>
      %get3A_1184 = arith.constant 3 : index
      %get3A_1185 = arith.constant 0 : index
      %get3A_1186 = arith.constant 0 : index
      %get3A_1187 = vector.load %arg4[%get3A_1184, %get3A_1185, %get3A_1186] : memref<5x15x384xf32, #tpu.memory_space<vmem>>, vector<1x15x384xf32>
      %get3A_1188 = vector.shape_cast %get3A_1187 : vector<1x15x384xf32> to vector<15x384xf32>
      %mul3A_1189 = vector.broadcast %slice3A_1183 : vector<1x1xf32> to vector<15x384xf32>
      %mul3A_1190 = arith.mulf %mul3A_1189, %get3A_1188 : vector<15x384xf32>
      %add3A_1191 = arith.addf %add3A_1173, %mul3A_1190 : vector<15x384xf32>
      %slice3A_1192 = vector.extract_strided_slice %get3A_9 {offsets = [10, 3], sizes = [1, 1], strides = [1, 1]} : vector<32x5xf32> to vector<1x1xf32>
      %get3A_1193 = arith.constant 3 : index
      %get3A_1194 = arith.constant 0 : index
      %get3A_1195 = arith.constant 0 : index
      %get3A_1196 = vector.load %arg5[%get3A_1193, %get3A_1194, %get3A_1195] : memref<5x1x384xf32, #tpu.memory_space<vmem>>, vector<1x1x384xf32>
      %get3A_1197 = vector.shape_cast %get3A_1196 : vector<1x1x384xf32> to vector<1x384xf32>
      %mul3A_1198 = vector.broadcast %slice3A_1192 : vector<1x1xf32> to vector<1x384xf32>
      %mul3A_1199 = arith.mulf %mul3A_1198, %get3A_1197 : vector<1x384xf32>
      %add3A_1200 = arith.addf %add3A_1182, %mul3A_1199 : vector<1x384xf32>
      %slice3A_1201 = vector.extract_strided_slice %get3A_9 {offsets = [10, 4], sizes = [1, 1], strides = [1, 1]} : vector<32x5xf32> to vector<1x1xf32>
      %get3A_1202 = arith.constant 4 : index
      %get3A_1203 = arith.constant 0 : index
      %get3A_1204 = arith.constant 0 : index
      %get3A_1205 = vector.load %arg4[%get3A_1202, %get3A_1203, %get3A_1204] : memref<5x15x384xf32, #tpu.memory_space<vmem>>, vector<1x15x384xf32>
      %get3A_1206 = vector.shape_cast %get3A_1205 : vector<1x15x384xf32> to vector<15x384xf32>
      %mul3A_1207 = vector.broadcast %slice3A_1201 : vector<1x1xf32> to vector<15x384xf32>
      %mul3A_1208 = arith.mulf %mul3A_1207, %get3A_1206 : vector<15x384xf32>
      %add3A_1209 = arith.addf %add3A_1191, %mul3A_1208 : vector<15x384xf32>
      %slice3A_1210 = vector.extract_strided_slice %get3A_9 {offsets = [10, 4], sizes = [1, 1], strides = [1, 1]} : vector<32x5xf32> to vector<1x1xf32>
      %get3A_1211 = arith.constant 4 : index
      %get3A_1212 = arith.constant 0 : index
      %get3A_1213 = arith.constant 0 : index
      %get3A_1214 = vector.load %arg5[%get3A_1211, %get3A_1212, %get3A_1213] : memref<5x1x384xf32, #tpu.memory_space<vmem>>, vector<1x1x384xf32>
      %get3A_1215 = vector.shape_cast %get3A_1214 : vector<1x1x384xf32> to vector<1x384xf32>
      %mul3A_1216 = vector.broadcast %slice3A_1210 : vector<1x1xf32> to vector<1x384xf32>
      %mul3A_1217 = arith.mulf %mul3A_1216, %get3A_1215 : vector<1x384xf32>
      %add3A_1218 = arith.addf %add3A_1200, %mul3A_1217 : vector<1x384xf32>
      %get3A_1219 = arith.constant 10 : index
      %get3A_1220 = arith.constant 0 : index
      %get3A_1221 = arith.constant 0 : index
      %get3A_1222 = arith.constant 0 : index
      %get3A_1223 = vector.load %arg3[%get3A_1219, %get3A_1220, %get3A_1221, %get3A_1222] : memref<32x10x32x15xf32, #tpu.memory_space<vmem>>, vector<1x10x32x15xf32>
      %get3A_1224 = vector.shape_cast %get3A_1223 : vector<1x10x32x15xf32> to vector<10x32x15xf32>
      %reshape3A_1225 = vector.shape_cast %get3A_1224 : vector<10x32x15xf32> to vector<320x15xf32>
      %dot_general3A_1226 = arith.constant dense<0.000000e+00> : vector<320x384xf32>
      %dot_general3A_1227 = tpu.matmul %reshape3A_1225, %add3A_1209, %dot_general3A_1226 {dimension_numbers = #tpu.dot_dimension_numbers<[1], [0], [0], [1], [0, 0, 1, 1], [], []>, transpose_lhs_hint = false} : vector<320x15xf32>, vector<15x384xf32>, vector<320x384xf32> -> vector<320x384xf32>
      %add3A_1228 = vector.broadcast %add3A_1218 : vector<1x384xf32> to vector<320x384xf32>
      %add3A_1229 = arith.addf %dot_general3A_1227, %add3A_1228 : vector<320x384xf32>
      %max3A_1230 = arith.constant 0.000000e+00 : f32
      %max3A_1231 = vector.broadcast %max3A_1230 : f32 to vector<320x384xf32>
      %max3A_1232 = arith.maximumf %add3A_1229, %max3A_1231 : vector<320x384xf32>
      %reduce_sum3A_1233 = arith.constant dense<0.000000e+00> : vector<384xf32>
      %reduce_sum3A_1234 = vector.multi_reduction <add>, %max3A_1232, %reduce_sum3A_1233 [0] : vector<320x384xf32> to vector<384xf32>
      %div3A_1235 = arith.constant 3.200000e+02 : f32
      %div3A_1236 = vector.broadcast %div3A_1235 : f32 to vector<384xf32>
      %div3A_1237 = arith.divf %reduce_sum3A_1234, %div3A_1236 : vector<384xf32>
      %swap3A_1238 = arith.index_cast %arg0 : i32 to index
      %swap3A_1239 = arith.constant 10 : index
      %swap3A_1240 = arith.constant 0 : index
      %swap3A_1241 = vector.load %arg15[%swap3A_1238, %swap3A_1239, %swap3A_1240] : memref<4x32x384xf32, #tpu.memory_space<vmem>>, vector<1x1x384xf32>
      %swap3A_1242 = vector.shape_cast %swap3A_1241 : vector<1x1x384xf32> to vector<384xf32>
      %swap3A_1243 = vector.shape_cast %div3A_1237 : vector<384xf32> to vector<1x1x384xf32>
      tpu.vector_store %arg15[%swap3A_1238, %swap3A_1239, %swap3A_1240], %swap3A_1243 {strides = array<i32>} : memref<4x32x384xf32, #tpu.memory_space<vmem>>, vector<1x1x384xf32>,
      %slice3A_1244 = vector.extract_strided_slice %get3A_9 {offsets = [11, 0], sizes = [1, 1], strides = [1, 1]} : vector<32x5xf32> to vector<1x1xf32>
      %get3A_1245 = arith.constant 0 : index
      %get3A_1246 = arith.constant 0 : index
      %get3A_1247 = arith.constant 0 : index
      %get3A_1248 = vector.load %arg4[%get3A_1245, %get3A_1246, %get3A_1247] : memref<5x15x384xf32, #tpu.memory_space<vmem>>, vector<1x15x384xf32>
      %get3A_1249 = vector.shape_cast %get3A_1248 : vector<1x15x384xf32> to vector<15x384xf32>
      %mul3A_1250 = vector.broadcast %slice3A_1244 : vector<1x1xf32> to vector<15x384xf32>
      %mul3A_1251 = arith.mulf %mul3A_1250, %get3A_1249 : vector<15x384xf32>
      %slice3A_1252 = vector.extract_strided_slice %get3A_9 {offsets = [11, 0], sizes = [1, 1], strides = [1, 1]} : vector<32x5xf32> to vector<1x1xf32>
      %get3A_1253 = arith.constant 0 : index
      %get3A_1254 = arith.constant 0 : index
      %get3A_1255 = arith.constant 0 : index
      %get3A_1256 = vector.load %arg5[%get3A_1253, %get3A_1254, %get3A_1255] : memref<5x1x384xf32, #tpu.memory_space<vmem>>, vector<1x1x384xf32>
      %get3A_1257 = vector.shape_cast %get3A_1256 : vector<1x1x384xf32> to vector<1x384xf32>
      %mul3A_1258 = vector.broadcast %slice3A_1252 : vector<1x1xf32> to vector<1x384xf32>
      %mul3A_1259 = arith.mulf %mul3A_1258, %get3A_1257 : vector<1x384xf32>
      %slice3A_1260 = vector.extract_strided_slice %get3A_9 {offsets = [11, 1], sizes = [1, 1], strides = [1, 1]} : vector<32x5xf32> to vector<1x1xf32>
      %get3A_1261 = arith.constant 1 : index
      %get3A_1262 = arith.constant 0 : index
      %get3A_1263 = arith.constant 0 : index
      %get3A_1264 = vector.load %arg4[%get3A_1261, %get3A_1262, %get3A_1263] : memref<5x15x384xf32, #tpu.memory_space<vmem>>, vector<1x15x384xf32>
      %get3A_1265 = vector.shape_cast %get3A_1264 : vector<1x15x384xf32> to vector<15x384xf32>
      %mul3A_1266 = vector.broadcast %slice3A_1260 : vector<1x1xf32> to vector<15x384xf32>
      %mul3A_1267 = arith.mulf %mul3A_1266, %get3A_1265 : vector<15x384xf32>
      %add3A_1268 = arith.addf %mul3A_1251, %mul3A_1267 : vector<15x384xf32>
      %slice3A_1269 = vector.extract_strided_slice %get3A_9 {offsets = [11, 1], sizes = [1, 1], strides = [1, 1]} : vector<32x5xf32> to vector<1x1xf32>
      %get3A_1270 = arith.constant 1 : index
      %get3A_1271 = arith.constant 0 : index
      %get3A_1272 = arith.constant 0 : index
      %get3A_1273 = vector.load %arg5[%get3A_1270, %get3A_1271, %get3A_1272] : memref<5x1x384xf32, #tpu.memory_space<vmem>>, vector<1x1x384xf32>
      %get3A_1274 = vector.shape_cast %get3A_1273 : vector<1x1x384xf32> to vector<1x384xf32>
      %mul3A_1275 = vector.broadcast %slice3A_1269 : vector<1x1xf32> to vector<1x384xf32>
      %mul3A_1276 = arith.mulf %mul3A_1275, %get3A_1274 : vector<1x384xf32>
      %add3A_1277 = arith.addf %mul3A_1259, %mul3A_1276 : vector<1x384xf32>
      %slice3A_1278 = vector.extract_strided_slice %get3A_9 {offsets = [11, 2], sizes = [1, 1], strides = [1, 1]} : vector<32x5xf32> to vector<1x1xf32>
      %get3A_1279 = arith.constant 2 : index
      %get3A_1280 = arith.constant 0 : index
      %get3A_1281 = arith.constant 0 : index
      %get3A_1282 = vector.load %arg4[%get3A_1279, %get3A_1280, %get3A_1281] : memref<5x15x384xf32, #tpu.memory_space<vmem>>, vector<1x15x384xf32>
      %get3A_1283 = vector.shape_cast %get3A_1282 : vector<1x15x384xf32> to vector<15x384xf32>
      %mul3A_1284 = vector.broadcast %slice3A_1278 : vector<1x1xf32> to vector<15x384xf32>
      %mul3A_1285 = arith.mulf %mul3A_1284, %get3A_1283 : vector<15x384xf32>
      %add3A_1286 = arith.addf %add3A_1268, %mul3A_1285 : vector<15x384xf32>
      %slice3A_1287 = vector.extract_strided_slice %get3A_9 {offsets = [11, 2], sizes = [1, 1], strides = [1, 1]} : vector<32x5xf32> to vector<1x1xf32>
      %get3A_1288 = arith.constant 2 : index
      %get3A_1289 = arith.constant 0 : index
      %get3A_1290 = arith.constant 0 : index
      %get3A_1291 = vector.load %arg5[%get3A_1288, %get3A_1289, %get3A_1290] : memref<5x1x384xf32, #tpu.memory_space<vmem>>, vector<1x1x384xf32>
      %get3A_1292 = vector.shape_cast %get3A_1291 : vector<1x1x384xf32> to vector<1x384xf32>
      %mul3A_1293 = vector.broadcast %slice3A_1287 : vector<1x1xf32> to vector<1x384xf32>
      %mul3A_1294 = arith.mulf %mul3A_1293, %get3A_1292 : vector<1x384xf32>
      %add3A_1295 = arith.addf %add3A_1277, %mul3A_1294 : vector<1x384xf32>
      %slice3A_1296 = vector.extract_strided_slice %get3A_9 {offsets = [11, 3], sizes = [1, 1], strides = [1, 1]} : vector<32x5xf32> to vector<1x1xf32>
      %get3A_1297 = arith.constant 3 : index
      %get3A_1298 = arith.constant 0 : index
      %get3A_1299 = arith.constant 0 : index
      %get3A_1300 = vector.load %arg4[%get3A_1297, %get3A_1298, %get3A_1299] : memref<5x15x384xf32, #tpu.memory_space<vmem>>, vector<1x15x384xf32>
      %get3A_1301 = vector.shape_cast %get3A_1300 : vector<1x15x384xf32> to vector<15x384xf32>
      %mul3A_1302 = vector.broadcast %slice3A_1296 : vector<1x1xf32> to vector<15x384xf32>
      %mul3A_1303 = arith.mulf %mul3A_1302, %get3A_1301 : vector<15x384xf32>
      %add3A_1304 = arith.addf %add3A_1286, %mul3A_1303 : vector<15x384xf32>
      %slice3A_1305 = vector.extract_strided_slice %get3A_9 {offsets = [11, 3], sizes = [1, 1], strides = [1, 1]} : vector<32x5xf32> to vector<1x1xf32>
      %get3A_1306 = arith.constant 3 : index
      %get3A_1307 = arith.constant 0 : index
      %get3A_1308 = arith.constant 0 : index
      %get3A_1309 = vector.load %arg5[%get3A_1306, %get3A_1307, %get3A_1308] : memref<5x1x384xf32, #tpu.memory_space<vmem>>, vector<1x1x384xf32>
      %get3A_1310 = vector.shape_cast %get3A_1309 : vector<1x1x384xf32> to vector<1x384xf32>
      %mul3A_1311 = vector.broadcast %slice3A_1305 : vector<1x1xf32> to vector<1x384xf32>
      %mul3A_1312 = arith.mulf %mul3A_1311, %get3A_1310 : vector<1x384xf32>
      %add3A_1313 = arith.addf %add3A_1295, %mul3A_1312 : vector<1x384xf32>
      %slice3A_1314 = vector.extract_strided_slice %get3A_9 {offsets = [11, 4], sizes = [1, 1], strides = [1, 1]} : vector<32x5xf32> to vector<1x1xf32>
      %get3A_1315 = arith.constant 4 : index
      %get3A_1316 = arith.constant 0 : index
      %get3A_1317 = arith.constant 0 : index
      %get3A_1318 = vector.load %arg4[%get3A_1315, %get3A_1316, %get3A_1317] : memref<5x15x384xf32, #tpu.memory_space<vmem>>, vector<1x15x384xf32>
      %get3A_1319 = vector.shape_cast %get3A_1318 : vector<1x15x384xf32> to vector<15x384xf32>
      %mul3A_1320 = vector.broadcast %slice3A_1314 : vector<1x1xf32> to vector<15x384xf32>
      %mul3A_1321 = arith.mulf %mul3A_1320, %get3A_1319 : vector<15x384xf32>
      %add3A_1322 = arith.addf %add3A_1304, %mul3A_1321 : vector<15x384xf32>
      %slice3A_1323 = vector.extract_strided_slice %get3A_9 {offsets = [11, 4], sizes = [1, 1], strides = [1, 1]} : vector<32x5xf32> to vector<1x1xf32>
      %get3A_1324 = arith.constant 4 : index
      %get3A_1325 = arith.constant 0 : index
      %get3A_1326 = arith.constant 0 : index
      %get3A_1327 = vector.load %arg5[%get3A_1324, %get3A_1325, %get3A_1326] : memref<5x1x384xf32, #tpu.memory_space<vmem>>, vector<1x1x384xf32>
      %get3A_1328 = vector.shape_cast %get3A_1327 : vector<1x1x384xf32> to vector<1x384xf32>
      %mul3A_1329 = vector.broadcast %slice3A_1323 : vector<1x1xf32> to vector<1x384xf32>
      %mul3A_1330 = arith.mulf %mul3A_1329, %get3A_1328 : vector<1x384xf32>
      %add3A_1331 = arith.addf %add3A_1313, %mul3A_1330 : vector<1x384xf32>
      %get3A_1332 = arith.constant 11 : index
      %get3A_1333 = arith.constant 0 : index
      %get3A_1334 = arith.constant 0 : index
      %get3A_1335 = arith.constant 0 : index
      %get3A_1336 = vector.load %arg3[%get3A_1332, %get3A_1333, %get3A_1334, %get3A_1335] : memref<32x10x32x15xf32, #tpu.memory_space<vmem>>, vector<1x10x32x15xf32>
      %get3A_1337 = vector.shape_cast %get3A_1336 : vector<1x10x32x15xf32> to vector<10x32x15xf32>
      %reshape3A_1338 = vector.shape_cast %get3A_1337 : vector<10x32x15xf32> to vector<320x15xf32>
      %dot_general3A_1339 = arith.constant dense<0.000000e+00> : vector<320x384xf32>
      %dot_general3A_1340 = tpu.matmul %reshape3A_1338, %add3A_1322, %dot_general3A_1339 {dimension_numbers = #tpu.dot_dimension_numbers<[1], [0], [0], [1], [0, 0, 1, 1], [], []>, transpose_lhs_hint = false} : vector<320x15xf32>, vector<15x384xf32>, vector<320x384xf32> -> vector<320x384xf32>
      %add3A_1341 = vector.broadcast %add3A_1331 : vector<1x384xf32> to vector<320x384xf32>
      %add3A_1342 = arith.addf %dot_general3A_1340, %add3A_1341 : vector<320x384xf32>
      %max3A_1343 = arith.constant 0.000000e+00 : f32
      %max3A_1344 = vector.broadcast %max3A_1343 : f32 to vector<320x384xf32>
      %max3A_1345 = arith.maximumf %add3A_1342, %max3A_1344 : vector<320x384xf32>
      %reduce_sum3A_1346 = arith.constant dense<0.000000e+00> : vector<384xf32>
      %reduce_sum3A_1347 = vector.multi_reduction <add>, %max3A_1345, %reduce_sum3A_1346 [0] : vector<320x384xf32> to vector<384xf32>
      %div3A_1348 = arith.constant 3.200000e+02 : f32
      %div3A_1349 = vector.broadcast %div3A_1348 : f32 to vector<384xf32>
      %div3A_1350 = arith.divf %reduce_sum3A_1347, %div3A_1349 : vector<384xf32>
      %swap3A_1351 = arith.index_cast %arg0 : i32 to index
      %swap3A_1352 = arith.constant 11 : index
      %swap3A_1353 = arith.constant 0 : index
      %swap3A_1354 = vector.load %arg15[%swap3A_1351, %swap3A_1352, %swap3A_1353] : memref<4x32x384xf32, #tpu.memory_space<vmem>>, vector<1x1x384xf32>
      %swap3A_1355 = vector.shape_cast %swap3A_1354 : vector<1x1x384xf32> to vector<384xf32>
      %swap3A_1356 = vector.shape_cast %div3A_1350 : vector<384xf32> to vector<1x1x384xf32>
      tpu.vector_store %arg15[%swap3A_1351, %swap3A_1352, %swap3A_1353], %swap3A_1356 {strides = array<i32>} : memref<4x32x384xf32, #tpu.memory_space<vmem>>, vector<1x1x384xf32>,
      %slice3A_1357 = vector.extract_strided_slice %get3A_9 {offsets = [12, 0], sizes = [1, 1], strides = [1, 1]} : vector<32x5xf32> to vector<1x1xf32>
      %get3A_1358 = arith.constant 0 : index
      %get3A_1359 = arith.constant 0 : index
      %get3A_1360 = arith.constant 0 : index
      %get3A_1361 = vector.load %arg4[%get3A_1358, %get3A_1359, %get3A_1360] : memref<5x15x384xf32, #tpu.memory_space<vmem>>, vector<1x15x384xf32>
      %get3A_1362 = vector.shape_cast %get3A_1361 : vector<1x15x384xf32> to vector<15x384xf32>
      %mul3A_1363 = vector.broadcast %slice3A_1357 : vector<1x1xf32> to vector<15x384xf32>
      %mul3A_1364 = arith.mulf %mul3A_1363, %get3A_1362 : vector<15x384xf32>
      %slice3A_1365 = vector.extract_strided_slice %get3A_9 {offsets = [12, 0], sizes = [1, 1], strides = [1, 1]} : vector<32x5xf32> to vector<1x1xf32>
      %get3A_1366 = arith.constant 0 : index
      %get3A_1367 = arith.constant 0 : index
      %get3A_1368 = arith.constant 0 : index
      %get3A_1369 = vector.load %arg5[%get3A_1366, %get3A_1367, %get3A_1368] : memref<5x1x384xf32, #tpu.memory_space<vmem>>, vector<1x1x384xf32>
      %get3A_1370 = vector.shape_cast %get3A_1369 : vector<1x1x384xf32> to vector<1x384xf32>
      %mul3A_1371 = vector.broadcast %slice3A_1365 : vector<1x1xf32> to vector<1x384xf32>
      %mul3A_1372 = arith.mulf %mul3A_1371, %get3A_1370 : vector<1x384xf32>
      %slice3A_1373 = vector.extract_strided_slice %get3A_9 {offsets = [12, 1], sizes = [1, 1], strides = [1, 1]} : vector<32x5xf32> to vector<1x1xf32>
      %get3A_1374 = arith.constant 1 : index
      %get3A_1375 = arith.constant 0 : index
      %get3A_1376 = arith.constant 0 : index
      %get3A_1377 = vector.load %arg4[%get3A_1374, %get3A_1375, %get3A_1376] : memref<5x15x384xf32, #tpu.memory_space<vmem>>, vector<1x15x384xf32>
      %get3A_1378 = vector.shape_cast %get3A_1377 : vector<1x15x384xf32> to vector<15x384xf32>
      %mul3A_1379 = vector.broadcast %slice3A_1373 : vector<1x1xf32> to vector<15x384xf32>
      %mul3A_1380 = arith.mulf %mul3A_1379, %get3A_1378 : vector<15x384xf32>
      %add3A_1381 = arith.addf %mul3A_1364, %mul3A_1380 : vector<15x384xf32>
      %slice3A_1382 = vector.extract_strided_slice %get3A_9 {offsets = [12, 1], sizes = [1, 1], strides = [1, 1]} : vector<32x5xf32> to vector<1x1xf32>
      %get3A_1383 = arith.constant 1 : index
      %get3A_1384 = arith.constant 0 : index
      %get3A_1385 = arith.constant 0 : index
      %get3A_1386 = vector.load %arg5[%get3A_1383, %get3A_1384, %get3A_1385] : memref<5x1x384xf32, #tpu.memory_space<vmem>>, vector<1x1x384xf32>
      %get3A_1387 = vector.shape_cast %get3A_1386 : vector<1x1x384xf32> to vector<1x384xf32>
      %mul3A_1388 = vector.broadcast %slice3A_1382 : vector<1x1xf32> to vector<1x384xf32>
      %mul3A_1389 = arith.mulf %mul3A_1388, %get3A_1387 : vector<1x384xf32>
      %add3A_1390 = arith.addf %mul3A_1372, %mul3A_1389 : vector<1x384xf32>
      %slice3A_1391 = vector.extract_strided_slice %get3A_9 {offsets = [12, 2], sizes = [1, 1], strides = [1, 1]} : vector<32x5xf32> to vector<1x1xf32>
      %get3A_1392 = arith.constant 2 : index
      %get3A_1393 = arith.constant 0 : index
      %get3A_1394 = arith.constant 0 : index
      %get3A_1395 = vector.load %arg4[%get3A_1392, %get3A_1393, %get3A_1394] : memref<5x15x384xf32, #tpu.memory_space<vmem>>, vector<1x15x384xf32>
      %get3A_1396 = vector.shape_cast %get3A_1395 : vector<1x15x384xf32> to vector<15x384xf32>
      %mul3A_1397 = vector.broadcast %slice3A_1391 : vector<1x1xf32> to vector<15x384xf32>
      %mul3A_1398 = arith.mulf %mul3A_1397, %get3A_1396 : vector<15x384xf32>
      %add3A_1399 = arith.addf %add3A_1381, %mul3A_1398 : vector<15x384xf32>
      %slice3A_1400 = vector.extract_strided_slice %get3A_9 {offsets = [12, 2], sizes = [1, 1], strides = [1, 1]} : vector<32x5xf32> to vector<1x1xf32>
      %get3A_1401 = arith.constant 2 : index
      %get3A_1402 = arith.constant 0 : index
      %get3A_1403 = arith.constant 0 : index
      %get3A_1404 = vector.load %arg5[%get3A_1401, %get3A_1402, %get3A_1403] : memref<5x1x384xf32, #tpu.memory_space<vmem>>, vector<1x1x384xf32>
      %get3A_1405 = vector.shape_cast %get3A_1404 : vector<1x1x384xf32> to vector<1x384xf32>
      %mul3A_1406 = vector.broadcast %slice3A_1400 : vector<1x1xf32> to vector<1x384xf32>
      %mul3A_1407 = arith.mulf %mul3A_1406, %get3A_1405 : vector<1x384xf32>
      %add3A_1408 = arith.addf %add3A_1390, %mul3A_1407 : vector<1x384xf32>
      %slice3A_1409 = vector.extract_strided_slice %get3A_9 {offsets = [12, 3], sizes = [1, 1], strides = [1, 1]} : vector<32x5xf32> to vector<1x1xf32>
      %get3A_1410 = arith.constant 3 : index
      %get3A_1411 = arith.constant 0 : index
      %get3A_1412 = arith.constant 0 : index
      %get3A_1413 = vector.load %arg4[%get3A_1410, %get3A_1411, %get3A_1412] : memref<5x15x384xf32, #tpu.memory_space<vmem>>, vector<1x15x384xf32>
      %get3A_1414 = vector.shape_cast %get3A_1413 : vector<1x15x384xf32> to vector<15x384xf32>
      %mul3A_1415 = vector.broadcast %slice3A_1409 : vector<1x1xf32> to vector<15x384xf32>
      %mul3A_1416 = arith.mulf %mul3A_1415, %get3A_1414 : vector<15x384xf32>
      %add3A_1417 = arith.addf %add3A_1399, %mul3A_1416 : vector<15x384xf32>
      %slice3A_1418 = vector.extract_strided_slice %get3A_9 {offsets = [12, 3], sizes = [1, 1], strides = [1, 1]} : vector<32x5xf32> to vector<1x1xf32>
      %get3A_1419 = arith.constant 3 : index
      %get3A_1420 = arith.constant 0 : index
      %get3A_1421 = arith.constant 0 : index
      %get3A_1422 = vector.load %arg5[%get3A_1419, %get3A_1420, %get3A_1421] : memref<5x1x384xf32, #tpu.memory_space<vmem>>, vector<1x1x384xf32>
      %get3A_1423 = vector.shape_cast %get3A_1422 : vector<1x1x384xf32> to vector<1x384xf32>
      %mul3A_1424 = vector.broadcast %slice3A_1418 : vector<1x1xf32> to vector<1x384xf32>
      %mul3A_1425 = arith.mulf %mul3A_1424, %get3A_1423 : vector<1x384xf32>
      %add3A_1426 = arith.addf %add3A_1408, %mul3A_1425 : vector<1x384xf32>
      %slice3A_1427 = vector.extract_strided_slice %get3A_9 {offsets = [12, 4], sizes = [1, 1], strides = [1, 1]} : vector<32x5xf32> to vector<1x1xf32>
      %get3A_1428 = arith.constant 4 : index
      %get3A_1429 = arith.constant 0 : index
      %get3A_1430 = arith.constant 0 : index
      %get3A_1431 = vector.load %arg4[%get3A_1428, %get3A_1429, %get3A_1430] : memref<5x15x384xf32, #tpu.memory_space<vmem>>, vector<1x15x384xf32>
      %get3A_1432 = vector.shape_cast %get3A_1431 : vector<1x15x384xf32> to vector<15x384xf32>
      %mul3A_1433 = vector.broadcast %slice3A_1427 : vector<1x1xf32> to vector<15x384xf32>
      %mul3A_1434 = arith.mulf %mul3A_1433, %get3A_1432 : vector<15x384xf32>
      %add3A_1435 = arith.addf %add3A_1417, %mul3A_1434 : vector<15x384xf32>
      %slice3A_1436 = vector.extract_strided_slice %get3A_9 {offsets = [12, 4], sizes = [1, 1], strides = [1, 1]} : vector<32x5xf32> to vector<1x1xf32>
      %get3A_1437 = arith.constant 4 : index
      %get3A_1438 = arith.constant 0 : index
      %get3A_1439 = arith.constant 0 : index
      %get3A_1440 = vector.load %arg5[%get3A_1437, %get3A_1438, %get3A_1439] : memref<5x1x384xf32, #tpu.memory_space<vmem>>, vector<1x1x384xf32>
      %get3A_1441 = vector.shape_cast %get3A_1440 : vector<1x1x384xf32> to vector<1x384xf32>
      %mul3A_1442 = vector.broadcast %slice3A_1436 : vector<1x1xf32> to vector<1x384xf32>
      %mul3A_1443 = arith.mulf %mul3A_1442, %get3A_1441 : vector<1x384xf32>
      %add3A_1444 = arith.addf %add3A_1426, %mul3A_1443 : vector<1x384xf32>
      %get3A_1445 = arith.constant 12 : index
      %get3A_1446 = arith.constant 0 : index
      %get3A_1447 = arith.constant 0 : index
      %get3A_1448 = arith.constant 0 : index
      %get3A_1449 = vector.load %arg3[%get3A_1445, %get3A_1446, %get3A_1447, %get3A_1448] : memref<32x10x32x15xf32, #tpu.memory_space<vmem>>, vector<1x10x32x15xf32>
      %get3A_1450 = vector.shape_cast %get3A_1449 : vector<1x10x32x15xf32> to vector<10x32x15xf32>
      %reshape3A_1451 = vector.shape_cast %get3A_1450 : vector<10x32x15xf32> to vector<320x15xf32>
      %dot_general3A_1452 = arith.constant dense<0.000000e+00> : vector<320x384xf32>
      %dot_general3A_1453 = tpu.matmul %reshape3A_1451, %add3A_1435, %dot_general3A_1452 {dimension_numbers = #tpu.dot_dimension_numbers<[1], [0], [0], [1], [0, 0, 1, 1], [], []>, transpose_lhs_hint = false} : vector<320x15xf32>, vector<15x384xf32>, vector<320x384xf32> -> vector<320x384xf32>
      %add3A_1454 = vector.broadcast %add3A_1444 : vector<1x384xf32> to vector<320x384xf32>
      %add3A_1455 = arith.addf %dot_general3A_1453, %add3A_1454 : vector<320x384xf32>
      %max3A_1456 = arith.constant 0.000000e+00 : f32
      %max3A_1457 = vector.broadcast %max3A_1456 : f32 to vector<320x384xf32>
      %max3A_1458 = arith.maximumf %add3A_1455, %max3A_1457 : vector<320x384xf32>
      %reduce_sum3A_1459 = arith.constant dense<0.000000e+00> : vector<384xf32>
      %reduce_sum3A_1460 = vector.multi_reduction <add>, %max3A_1458, %reduce_sum3A_1459 [0] : vector<320x384xf32> to vector<384xf32>
      %div3A_1461 = arith.constant 3.200000e+02 : f32
      %div3A_1462 = vector.broadcast %div3A_1461 : f32 to vector<384xf32>
      %div3A_1463 = arith.divf %reduce_sum3A_1460, %div3A_1462 : vector<384xf32>
      %swap3A_1464 = arith.index_cast %arg0 : i32 to index
      %swap3A_1465 = arith.constant 12 : index
      %swap3A_1466 = arith.constant 0 : index
      %swap3A_1467 = vector.load %arg15[%swap3A_1464, %swap3A_1465, %swap3A_1466] : memref<4x32x384xf32, #tpu.memory_space<vmem>>, vector<1x1x384xf32>
      %swap3A_1468 = vector.shape_cast %swap3A_1467 : vector<1x1x384xf32> to vector<384xf32>
      %swap3A_1469 = vector.shape_cast %div3A_1463 : vector<384xf32> to vector<1x1x384xf32>
      tpu.vector_store %arg15[%swap3A_1464, %swap3A_1465, %swap3A_1466], %swap3A_1469 {strides = array<i32>} : memref<4x32x384xf32, #tpu.memory_space<vmem>>, vector<1x1x384xf32>,
      %slice3A_1470 = vector.extract_strided_slice %get3A_9 {offsets = [13, 0], sizes = [1, 1], strides = [1, 1]} : vector<32x5xf32> to vector<1x1xf32>
      %get3A_1471 = arith.constant 0 : index
      %get3A_1472 = arith.constant 0 : index
      %get3A_1473 = arith.constant 0 : index
      %get3A_1474 = vector.load %arg4[%get3A_1471, %get3A_1472, %get3A_1473] : memref<5x15x384xf32, #tpu.memory_space<vmem>>, vector<1x15x384xf32>
      %get3A_1475 = vector.shape_cast %get3A_1474 : vector<1x15x384xf32> to vector<15x384xf32>
      %mul3A_1476 = vector.broadcast %slice3A_1470 : vector<1x1xf32> to vector<15x384xf32>
      %mul3A_1477 = arith.mulf %mul3A_1476, %get3A_1475 : vector<15x384xf32>
      %slice3A_1478 = vector.extract_strided_slice %get3A_9 {offsets = [13, 0], sizes = [1, 1], strides = [1, 1]} : vector<32x5xf32> to vector<1x1xf32>
      %get3A_1479 = arith.constant 0 : index
      %get3A_1480 = arith.constant 0 : index
      %get3A_1481 = arith.constant 0 : index
      %get3A_1482 = vector.load %arg5[%get3A_1479, %get3A_1480, %get3A_1481] : memref<5x1x384xf32, #tpu.memory_space<vmem>>, vector<1x1x384xf32>
      %get3A_1483 = vector.shape_cast %get3A_1482 : vector<1x1x384xf32> to vector<1x384xf32>
      %mul3A_1484 = vector.broadcast %slice3A_1478 : vector<1x1xf32> to vector<1x384xf32>
      %mul3A_1485 = arith.mulf %mul3A_1484, %get3A_1483 : vector<1x384xf32>
      %slice3A_1486 = vector.extract_strided_slice %get3A_9 {offsets = [13, 1], sizes = [1, 1], strides = [1, 1]} : vector<32x5xf32> to vector<1x1xf32>
      %get3A_1487 = arith.constant 1 : index
      %get3A_1488 = arith.constant 0 : index
      %get3A_1489 = arith.constant 0 : index
      %get3A_1490 = vector.load %arg4[%get3A_1487, %get3A_1488, %get3A_1489] : memref<5x15x384xf32, #tpu.memory_space<vmem>>, vector<1x15x384xf32>
      %get3A_1491 = vector.shape_cast %get3A_1490 : vector<1x15x384xf32> to vector<15x384xf32>
      %mul3A_1492 = vector.broadcast %slice3A_1486 : vector<1x1xf32> to vector<15x384xf32>
      %mul3A_1493 = arith.mulf %mul3A_1492, %get3A_1491 : vector<15x384xf32>
      %add3A_1494 = arith.addf %mul3A_1477, %mul3A_1493 : vector<15x384xf32>
      %slice3A_1495 = vector.extract_strided_slice %get3A_9 {offsets = [13, 1], sizes = [1, 1], strides = [1, 1]} : vector<32x5xf32> to vector<1x1xf32>
      %get3A_1496 = arith.constant 1 : index
      %get3A_1497 = arith.constant 0 : index
      %get3A_1498 = arith.constant 0 : index
      %get3A_1499 = vector.load %arg5[%get3A_1496, %get3A_1497, %get3A_1498] : memref<5x1x384xf32, #tpu.memory_space<vmem>>, vector<1x1x384xf32>
      %get3A_1500 = vector.shape_cast %get3A_1499 : vector<1x1x384xf32> to vector<1x384xf32>
      %mul3A_1501 = vector.broadcast %slice3A_1495 : vector<1x1xf32> to vector<1x384xf32>
      %mul3A_1502 = arith.mulf %mul3A_1501, %get3A_1500 : vector<1x384xf32>
      %add3A_1503 = arith.addf %mul3A_1485, %mul3A_1502 : vector<1x384xf32>
      %slice3A_1504 = vector.extract_strided_slice %get3A_9 {offsets = [13, 2], sizes = [1, 1], strides = [1, 1]} : vector<32x5xf32> to vector<1x1xf32>
      %get3A_1505 = arith.constant 2 : index
      %get3A_1506 = arith.constant 0 : index
      %get3A_1507 = arith.constant 0 : index
      %get3A_1508 = vector.load %arg4[%get3A_1505, %get3A_1506, %get3A_1507] : memref<5x15x384xf32, #tpu.memory_space<vmem>>, vector<1x15x384xf32>
      %get3A_1509 = vector.shape_cast %get3A_1508 : vector<1x15x384xf32> to vector<15x384xf32>
      %mul3A_1510 = vector.broadcast %slice3A_1504 : vector<1x1xf32> to vector<15x384xf32>
      %mul3A_1511 = arith.mulf %mul3A_1510, %get3A_1509 : vector<15x384xf32>
      %add3A_1512 = arith.addf %add3A_1494, %mul3A_1511 : vector<15x384xf32>
      %slice3A_1513 = vector.extract_strided_slice %get3A_9 {offsets = [13, 2], sizes = [1, 1], strides = [1, 1]} : vector<32x5xf32> to vector<1x1xf32>
      %get3A_1514 = arith.constant 2 : index
      %get3A_1515 = arith.constant 0 : index
      %get3A_1516 = arith.constant 0 : index
      %get3A_1517 = vector.load %arg5[%get3A_1514, %get3A_1515, %get3A_1516] : memref<5x1x384xf32, #tpu.memory_space<vmem>>, vector<1x1x384xf32>
      %get3A_1518 = vector.shape_cast %get3A_1517 : vector<1x1x384xf32> to vector<1x384xf32>
      %mul3A_1519 = vector.broadcast %slice3A_1513 : vector<1x1xf32> to vector<1x384xf32>
      %mul3A_1520 = arith.mulf %mul3A_1519, %get3A_1518 : vector<1x384xf32>
      %add3A_1521 = arith.addf %add3A_1503, %mul3A_1520 : vector<1x384xf32>
      %slice3A_1522 = vector.extract_strided_slice %get3A_9 {offsets = [13, 3], sizes = [1, 1], strides = [1, 1]} : vector<32x5xf32> to vector<1x1xf32>
      %get3A_1523 = arith.constant 3 : index
      %get3A_1524 = arith.constant 0 : index
      %get3A_1525 = arith.constant 0 : index
      %get3A_1526 = vector.load %arg4[%get3A_1523, %get3A_1524, %get3A_1525] : memref<5x15x384xf32, #tpu.memory_space<vmem>>, vector<1x15x384xf32>
      %get3A_1527 = vector.shape_cast %get3A_1526 : vector<1x15x384xf32> to vector<15x384xf32>
      %mul3A_1528 = vector.broadcast %slice3A_1522 : vector<1x1xf32> to vector<15x384xf32>
      %mul3A_1529 = arith.mulf %mul3A_1528, %get3A_1527 : vector<15x384xf32>
      %add3A_1530 = arith.addf %add3A_1512, %mul3A_1529 : vector<15x384xf32>
      %slice3A_1531 = vector.extract_strided_slice %get3A_9 {offsets = [13, 3], sizes = [1, 1], strides = [1, 1]} : vector<32x5xf32> to vector<1x1xf32>
      %get3A_1532 = arith.constant 3 : index
      %get3A_1533 = arith.constant 0 : index
      %get3A_1534 = arith.constant 0 : index
      %get3A_1535 = vector.load %arg5[%get3A_1532, %get3A_1533, %get3A_1534] : memref<5x1x384xf32, #tpu.memory_space<vmem>>, vector<1x1x384xf32>
      %get3A_1536 = vector.shape_cast %get3A_1535 : vector<1x1x384xf32> to vector<1x384xf32>
      %mul3A_1537 = vector.broadcast %slice3A_1531 : vector<1x1xf32> to vector<1x384xf32>
      %mul3A_1538 = arith.mulf %mul3A_1537, %get3A_1536 : vector<1x384xf32>
      %add3A_1539 = arith.addf %add3A_1521, %mul3A_1538 : vector<1x384xf32>
      %slice3A_1540 = vector.extract_strided_slice %get3A_9 {offsets = [13, 4], sizes = [1, 1], strides = [1, 1]} : vector<32x5xf32> to vector<1x1xf32>
      %get3A_1541 = arith.constant 4 : index
      %get3A_1542 = arith.constant 0 : index
      %get3A_1543 = arith.constant 0 : index
      %get3A_1544 = vector.load %arg4[%get3A_1541, %get3A_1542, %get3A_1543] : memref<5x15x384xf32, #tpu.memory_space<vmem>>, vector<1x15x384xf32>
      %get3A_1545 = vector.shape_cast %get3A_1544 : vector<1x15x384xf32> to vector<15x384xf32>
      %mul3A_1546 = vector.broadcast %slice3A_1540 : vector<1x1xf32> to vector<15x384xf32>
      %mul3A_1547 = arith.mulf %mul3A_1546, %get3A_1545 : vector<15x384xf32>
      %add3A_1548 = arith.addf %add3A_1530, %mul3A_1547 : vector<15x384xf32>
      %slice3A_1549 = vector.extract_strided_slice %get3A_9 {offsets = [13, 4], sizes = [1, 1], strides = [1, 1]} : vector<32x5xf32> to vector<1x1xf32>
      %get3A_1550 = arith.constant 4 : index
      %get3A_1551 = arith.constant 0 : index
      %get3A_1552 = arith.constant 0 : index
      %get3A_1553 = vector.load %arg5[%get3A_1550, %get3A_1551, %get3A_1552] : memref<5x1x384xf32, #tpu.memory_space<vmem>>, vector<1x1x384xf32>
      %get3A_1554 = vector.shape_cast %get3A_1553 : vector<1x1x384xf32> to vector<1x384xf32>
      %mul3A_1555 = vector.broadcast %slice3A_1549 : vector<1x1xf32> to vector<1x384xf32>
      %mul3A_1556 = arith.mulf %mul3A_1555, %get3A_1554 : vector<1x384xf32>
      %add3A_1557 = arith.addf %add3A_1539, %mul3A_1556 : vector<1x384xf32>
      %get3A_1558 = arith.constant 13 : index
      %get3A_1559 = arith.constant 0 : index
      %get3A_1560 = arith.constant 0 : index
      %get3A_1561 = arith.constant 0 : index
      %get3A_1562 = vector.load %arg3[%get3A_1558, %get3A_1559, %get3A_1560, %get3A_1561] : memref<32x10x32x15xf32, #tpu.memory_space<vmem>>, vector<1x10x32x15xf32>
      %get3A_1563 = vector.shape_cast %get3A_1562 : vector<1x10x32x15xf32> to vector<10x32x15xf32>
      %reshape3A_1564 = vector.shape_cast %get3A_1563 : vector<10x32x15xf32> to vector<320x15xf32>
      %dot_general3A_1565 = arith.constant dense<0.000000e+00> : vector<320x384xf32>
      %dot_general3A_1566 = tpu.matmul %reshape3A_1564, %add3A_1548, %dot_general3A_1565 {dimension_numbers = #tpu.dot_dimension_numbers<[1], [0], [0], [1], [0, 0, 1, 1], [], []>, transpose_lhs_hint = false} : vector<320x15xf32>, vector<15x384xf32>, vector<320x384xf32> -> vector<320x384xf32>
      %add3A_1567 = vector.broadcast %add3A_1557 : vector<1x384xf32> to vector<320x384xf32>
      %add3A_1568 = arith.addf %dot_general3A_1566, %add3A_1567 : vector<320x384xf32>
      %max3A_1569 = arith.constant 0.000000e+00 : f32
      %max3A_1570 = vector.broadcast %max3A_1569 : f32 to vector<320x384xf32>
      %max3A_1571 = arith.maximumf %add3A_1568, %max3A_1570 : vector<320x384xf32>
      %reduce_sum3A_1572 = arith.constant dense<0.000000e+00> : vector<384xf32>
      %reduce_sum3A_1573 = vector.multi_reduction <add>, %max3A_1571, %reduce_sum3A_1572 [0] : vector<320x384xf32> to vector<384xf32>
      %div3A_1574 = arith.constant 3.200000e+02 : f32
      %div3A_1575 = vector.broadcast %div3A_1574 : f32 to vector<384xf32>
      %div3A_1576 = arith.divf %reduce_sum3A_1573, %div3A_1575 : vector<384xf32>
      %swap3A_1577 = arith.index_cast %arg0 : i32 to index
      %swap3A_1578 = arith.constant 13 : index
      %swap3A_1579 = arith.constant 0 : index
      %swap3A_1580 = vector.load %arg15[%swap3A_1577, %swap3A_1578, %swap3A_1579] : memref<4x32x384xf32, #tpu.memory_space<vmem>>, vector<1x1x384xf32>
      %swap3A_1581 = vector.shape_cast %swap3A_1580 : vector<1x1x384xf32> to vector<384xf32>
      %swap3A_1582 = vector.shape_cast %div3A_1576 : vector<384xf32> to vector<1x1x384xf32>
      tpu.vector_store %arg15[%swap3A_1577, %swap3A_1578, %swap3A_1579], %swap3A_1582 {strides = array<i32>} : memref<4x32x384xf32, #tpu.memory_space<vmem>>, vector<1x1x384xf32>,
      %slice3A_1583 = vector.extract_strided_slice %get3A_9 {offsets = [14, 0], sizes = [1, 1], strides = [1, 1]} : vector<32x5xf32> to vector<1x1xf32>
      %get3A_1584 = arith.constant 0 : index
      %get3A_1585 = arith.constant 0 : index
      %get3A_1586 = arith.constant 0 : index
      %get3A_1587 = vector.load %arg4[%get3A_1584, %get3A_1585, %get3A_1586] : memref<5x15x384xf32, #tpu.memory_space<vmem>>, vector<1x15x384xf32>
      %get3A_1588 = vector.shape_cast %get3A_1587 : vector<1x15x384xf32> to vector<15x384xf32>
      %mul3A_1589 = vector.broadcast %slice3A_1583 : vector<1x1xf32> to vector<15x384xf32>
      %mul3A_1590 = arith.mulf %mul3A_1589, %get3A_1588 : vector<15x384xf32>
      %slice3A_1591 = vector.extract_strided_slice %get3A_9 {offsets = [14, 0], sizes = [1, 1], strides = [1, 1]} : vector<32x5xf32> to vector<1x1xf32>
      %get3A_1592 = arith.constant 0 : index
      %get3A_1593 = arith.constant 0 : index
      %get3A_1594 = arith.constant 0 : index
      %get3A_1595 = vector.load %arg5[%get3A_1592, %get3A_1593, %get3A_1594] : memref<5x1x384xf32, #tpu.memory_space<vmem>>, vector<1x1x384xf32>
      %get3A_1596 = vector.shape_cast %get3A_1595 : vector<1x1x384xf32> to vector<1x384xf32>
      %mul3A_1597 = vector.broadcast %slice3A_1591 : vector<1x1xf32> to vector<1x384xf32>
      %mul3A_1598 = arith.mulf %mul3A_1597, %get3A_1596 : vector<1x384xf32>
      %slice3A_1599 = vector.extract_strided_slice %get3A_9 {offsets = [14, 1], sizes = [1, 1], strides = [1, 1]} : vector<32x5xf32> to vector<1x1xf32>
      %get3A_1600 = arith.constant 1 : index
      %get3A_1601 = arith.constant 0 : index
      %get3A_1602 = arith.constant 0 : index
      %get3A_1603 = vector.load %arg4[%get3A_1600, %get3A_1601, %get3A_1602] : memref<5x15x384xf32, #tpu.memory_space<vmem>>, vector<1x15x384xf32>
      %get3A_1604 = vector.shape_cast %get3A_1603 : vector<1x15x384xf32> to vector<15x384xf32>
      %mul3A_1605 = vector.broadcast %slice3A_1599 : vector<1x1xf32> to vector<15x384xf32>
      %mul3A_1606 = arith.mulf %mul3A_1605, %get3A_1604 : vector<15x384xf32>
      %add3A_1607 = arith.addf %mul3A_1590, %mul3A_1606 : vector<15x384xf32>
      %slice3A_1608 = vector.extract_strided_slice %get3A_9 {offsets = [14, 1], sizes = [1, 1], strides = [1, 1]} : vector<32x5xf32> to vector<1x1xf32>
      %get3A_1609 = arith.constant 1 : index
      %get3A_1610 = arith.constant 0 : index
      %get3A_1611 = arith.constant 0 : index
      %get3A_1612 = vector.load %arg5[%get3A_1609, %get3A_1610, %get3A_1611] : memref<5x1x384xf32, #tpu.memory_space<vmem>>, vector<1x1x384xf32>
      %get3A_1613 = vector.shape_cast %get3A_1612 : vector<1x1x384xf32> to vector<1x384xf32>
      %mul3A_1614 = vector.broadcast %slice3A_1608 : vector<1x1xf32> to vector<1x384xf32>
      %mul3A_1615 = arith.mulf %mul3A_1614, %get3A_1613 : vector<1x384xf32>
      %add3A_1616 = arith.addf %mul3A_1598, %mul3A_1615 : vector<1x384xf32>
      %slice3A_1617 = vector.extract_strided_slice %get3A_9 {offsets = [14, 2], sizes = [1, 1], strides = [1, 1]} : vector<32x5xf32> to vector<1x1xf32>
      %get3A_1618 = arith.constant 2 : index
      %get3A_1619 = arith.constant 0 : index
      %get3A_1620 = arith.constant 0 : index
      %get3A_1621 = vector.load %arg4[%get3A_1618, %get3A_1619, %get3A_1620] : memref<5x15x384xf32, #tpu.memory_space<vmem>>, vector<1x15x384xf32>
      %get3A_1622 = vector.shape_cast %get3A_1621 : vector<1x15x384xf32> to vector<15x384xf32>
      %mul3A_1623 = vector.broadcast %slice3A_1617 : vector<1x1xf32> to vector<15x384xf32>
      %mul3A_1624 = arith.mulf %mul3A_1623, %get3A_1622 : vector<15x384xf32>
      %add3A_1625 = arith.addf %add3A_1607, %mul3A_1624 : vector<15x384xf32>
      %slice3A_1626 = vector.extract_strided_slice %get3A_9 {offsets = [14, 2], sizes = [1, 1], strides = [1, 1]} : vector<32x5xf32> to vector<1x1xf32>
      %get3A_1627 = arith.constant 2 : index
      %get3A_1628 = arith.constant 0 : index
      %get3A_1629 = arith.constant 0 : index
      %get3A_1630 = vector.load %arg5[%get3A_1627, %get3A_1628, %get3A_1629] : memref<5x1x384xf32, #tpu.memory_space<vmem>>, vector<1x1x384xf32>
      %get3A_1631 = vector.shape_cast %get3A_1630 : vector<1x1x384xf32> to vector<1x384xf32>
      %mul3A_1632 = vector.broadcast %slice3A_1626 : vector<1x1xf32> to vector<1x384xf32>
      %mul3A_1633 = arith.mulf %mul3A_1632, %get3A_1631 : vector<1x384xf32>
      %add3A_1634 = arith.addf %add3A_1616, %mul3A_1633 : vector<1x384xf32>
      %slice3A_1635 = vector.extract_strided_slice %get3A_9 {offsets = [14, 3], sizes = [1, 1], strides = [1, 1]} : vector<32x5xf32> to vector<1x1xf32>
      %get3A_1636 = arith.constant 3 : index
      %get3A_1637 = arith.constant 0 : index
      %get3A_1638 = arith.constant 0 : index
      %get3A_1639 = vector.load %arg4[%get3A_1636, %get3A_1637, %get3A_1638] : memref<5x15x384xf32, #tpu.memory_space<vmem>>, vector<1x15x384xf32>
      %get3A_1640 = vector.shape_cast %get3A_1639 : vector<1x15x384xf32> to vector<15x384xf32>
      %mul3A_1641 = vector.broadcast %slice3A_1635 : vector<1x1xf32> to vector<15x384xf32>
      %mul3A_1642 = arith.mulf %mul3A_1641, %get3A_1640 : vector<15x384xf32>
      %add3A_1643 = arith.addf %add3A_1625, %mul3A_1642 : vector<15x384xf32>
      %slice3A_1644 = vector.extract_strided_slice %get3A_9 {offsets = [14, 3], sizes = [1, 1], strides = [1, 1]} : vector<32x5xf32> to vector<1x1xf32>
      %get3A_1645 = arith.constant 3 : index
      %get3A_1646 = arith.constant 0 : index
      %get3A_1647 = arith.constant 0 : index
      %get3A_1648 = vector.load %arg5[%get3A_1645, %get3A_1646, %get3A_1647] : memref<5x1x384xf32, #tpu.memory_space<vmem>>, vector<1x1x384xf32>
      %get3A_1649 = vector.shape_cast %get3A_1648 : vector<1x1x384xf32> to vector<1x384xf32>
      %mul3A_1650 = vector.broadcast %slice3A_1644 : vector<1x1xf32> to vector<1x384xf32>
      %mul3A_1651 = arith.mulf %mul3A_1650, %get3A_1649 : vector<1x384xf32>
      %add3A_1652 = arith.addf %add3A_1634, %mul3A_1651 : vector<1x384xf32>
      %slice3A_1653 = vector.extract_strided_slice %get3A_9 {offsets = [14, 4], sizes = [1, 1], strides = [1, 1]} : vector<32x5xf32> to vector<1x1xf32>
      %get3A_1654 = arith.constant 4 : index
      %get3A_1655 = arith.constant 0 : index
      %get3A_1656 = arith.constant 0 : index
      %get3A_1657 = vector.load %arg4[%get3A_1654, %get3A_1655, %get3A_1656] : memref<5x15x384xf32, #tpu.memory_space<vmem>>, vector<1x15x384xf32>
      %get3A_1658 = vector.shape_cast %get3A_1657 : vector<1x15x384xf32> to vector<15x384xf32>
      %mul3A_1659 = vector.broadcast %slice3A_1653 : vector<1x1xf32> to vector<15x384xf32>
      %mul3A_1660 = arith.mulf %mul3A_1659, %get3A_1658 : vector<15x384xf32>
      %add3A_1661 = arith.addf %add3A_1643, %mul3A_1660 : vector<15x384xf32>
      %slice3A_1662 = vector.extract_strided_slice %get3A_9 {offsets = [14, 4], sizes = [1, 1], strides = [1, 1]} : vector<32x5xf32> to vector<1x1xf32>
      %get3A_1663 = arith.constant 4 : index
      %get3A_1664 = arith.constant 0 : index
      %get3A_1665 = arith.constant 0 : index
      %get3A_1666 = vector.load %arg5[%get3A_1663, %get3A_1664, %get3A_1665] : memref<5x1x384xf32, #tpu.memory_space<vmem>>, vector<1x1x384xf32>
      %get3A_1667 = vector.shape_cast %get3A_1666 : vector<1x1x384xf32> to vector<1x384xf32>
      %mul3A_1668 = vector.broadcast %slice3A_1662 : vector<1x1xf32> to vector<1x384xf32>
      %mul3A_1669 = arith.mulf %mul3A_1668, %get3A_1667 : vector<1x384xf32>
      %add3A_1670 = arith.addf %add3A_1652, %mul3A_1669 : vector<1x384xf32>
      %get3A_1671 = arith.constant 14 : index
      %get3A_1672 = arith.constant 0 : index
      %get3A_1673 = arith.constant 0 : index
      %get3A_1674 = arith.constant 0 : index
      %get3A_1675 = vector.load %arg3[%get3A_1671, %get3A_1672, %get3A_1673, %get3A_1674] : memref<32x10x32x15xf32, #tpu.memory_space<vmem>>, vector<1x10x32x15xf32>
      %get3A_1676 = vector.shape_cast %get3A_1675 : vector<1x10x32x15xf32> to vector<10x32x15xf32>
      %reshape3A_1677 = vector.shape_cast %get3A_1676 : vector<10x32x15xf32> to vector<320x15xf32>
      %dot_general3A_1678 = arith.constant dense<0.000000e+00> : vector<320x384xf32>
      %dot_general3A_1679 = tpu.matmul %reshape3A_1677, %add3A_1661, %dot_general3A_1678 {dimension_numbers = #tpu.dot_dimension_numbers<[1], [0], [0], [1], [0, 0, 1, 1], [], []>, transpose_lhs_hint = false} : vector<320x15xf32>, vector<15x384xf32>, vector<320x384xf32> -> vector<320x384xf32>
      %add3A_1680 = vector.broadcast %add3A_1670 : vector<1x384xf32> to vector<320x384xf32>
      %add3A_1681 = arith.addf %dot_general3A_1679, %add3A_1680 : vector<320x384xf32>
      %max3A_1682 = arith.constant 0.000000e+00 : f32
      %max3A_1683 = vector.broadcast %max3A_1682 : f32 to vector<320x384xf32>
      %max3A_1684 = arith.maximumf %add3A_1681, %max3A_1683 : vector<320x384xf32>
      %reduce_sum3A_1685 = arith.constant dense<0.000000e+00> : vector<384xf32>
      %reduce_sum3A_1686 = vector.multi_reduction <add>, %max3A_1684, %reduce_sum3A_1685 [0] : vector<320x384xf32> to vector<384xf32>
      %div3A_1687 = arith.constant 3.200000e+02 : f32
      %div3A_1688 = vector.broadcast %div3A_1687 : f32 to vector<384xf32>
      %div3A_1689 = arith.divf %reduce_sum3A_1686, %div3A_1688 : vector<384xf32>
      %swap3A_1690 = arith.index_cast %arg0 : i32 to index
      %swap3A_1691 = arith.constant 14 : index
      %swap3A_1692 = arith.constant 0 : index
      %swap3A_1693 = vector.load %arg15[%swap3A_1690, %swap3A_1691, %swap3A_1692] : memref<4x32x384xf32, #tpu.memory_space<vmem>>, vector<1x1x384xf32>
      %swap3A_1694 = vector.shape_cast %swap3A_1693 : vector<1x1x384xf32> to vector<384xf32>
      %swap3A_1695 = vector.shape_cast %div3A_1689 : vector<384xf32> to vector<1x1x384xf32>
      tpu.vector_store %arg15[%swap3A_1690, %swap3A_1691, %swap3A_1692], %swap3A_1695 {strides = array<i32>} : memref<4x32x384xf32, #tpu.memory_space<vmem>>, vector<1x1x384xf32>,
      %slice3A_1696 = vector.extract_strided_slice %get3A_9 {offsets = [15, 0], sizes = [1, 1], strides = [1, 1]} : vector<32x5xf32> to vector<1x1xf32>
      %get3A_1697 = arith.constant 0 : index
      %get3A_1698 = arith.constant 0 : index
      %get3A_1699 = arith.constant 0 : index
      %get3A_1700 = vector.load %arg4[%get3A_1697, %get3A_1698, %get3A_1699] : memref<5x15x384xf32, #tpu.memory_space<vmem>>, vector<1x15x384xf32>
      %get3A_1701 = vector.shape_cast %get3A_1700 : vector<1x15x384xf32> to vector<15x384xf32>
      %mul3A_1702 = vector.broadcast %slice3A_1696 : vector<1x1xf32> to vector<15x384xf32>
      %mul3A_1703 = arith.mulf %mul3A_1702, %get3A_1701 : vector<15x384xf32>
      %slice3A_1704 = vector.extract_strided_slice %get3A_9 {offsets = [15, 0], sizes = [1, 1], strides = [1, 1]} : vector<32x5xf32> to vector<1x1xf32>
      %get3A_1705 = arith.constant 0 : index
      %get3A_1706 = arith.constant 0 : index
      %get3A_1707 = arith.constant 0 : index
      %get3A_1708 = vector.load %arg5[%get3A_1705, %get3A_1706, %get3A_1707] : memref<5x1x384xf32, #tpu.memory_space<vmem>>, vector<1x1x384xf32>
      %get3A_1709 = vector.shape_cast %get3A_1708 : vector<1x1x384xf32> to vector<1x384xf32>
      %mul3A_1710 = vector.broadcast %slice3A_1704 : vector<1x1xf32> to vector<1x384xf32>
      %mul3A_1711 = arith.mulf %mul3A_1710, %get3A_1709 : vector<1x384xf32>
      %slice3A_1712 = vector.extract_strided_slice %get3A_9 {offsets = [15, 1], sizes = [1, 1], strides = [1, 1]} : vector<32x5xf32> to vector<1x1xf32>
      %get3A_1713 = arith.constant 1 : index
      %get3A_1714 = arith.constant 0 : index
      %get3A_1715 = arith.constant 0 : index
      %get3A_1716 = vector.load %arg4[%get3A_1713, %get3A_1714, %get3A_1715] : memref<5x15x384xf32, #tpu.memory_space<vmem>>, vector<1x15x384xf32>
      %get3A_1717 = vector.shape_cast %get3A_1716 : vector<1x15x384xf32> to vector<15x384xf32>
      %mul3A_1718 = vector.broadcast %slice3A_1712 : vector<1x1xf32> to vector<15x384xf32>
      %mul3A_1719 = arith.mulf %mul3A_1718, %get3A_1717 : vector<15x384xf32>
      %add3A_1720 = arith.addf %mul3A_1703, %mul3A_1719 : vector<15x384xf32>
      %slice3A_1721 = vector.extract_strided_slice %get3A_9 {offsets = [15, 1], sizes = [1, 1], strides = [1, 1]} : vector<32x5xf32> to vector<1x1xf32>
      %get3A_1722 = arith.constant 1 : index
      %get3A_1723 = arith.constant 0 : index
      %get3A_1724 = arith.constant 0 : index
      %get3A_1725 = vector.load %arg5[%get3A_1722, %get3A_1723, %get3A_1724] : memref<5x1x384xf32, #tpu.memory_space<vmem>>, vector<1x1x384xf32>
      %get3A_1726 = vector.shape_cast %get3A_1725 : vector<1x1x384xf32> to vector<1x384xf32>
      %mul3A_1727 = vector.broadcast %slice3A_1721 : vector<1x1xf32> to vector<1x384xf32>
      %mul3A_1728 = arith.mulf %mul3A_1727, %get3A_1726 : vector<1x384xf32>
      %add3A_1729 = arith.addf %mul3A_1711, %mul3A_1728 : vector<1x384xf32>
      %slice3A_1730 = vector.extract_strided_slice %get3A_9 {offsets = [15, 2], sizes = [1, 1], strides = [1, 1]} : vector<32x5xf32> to vector<1x1xf32>
      %get3A_1731 = arith.constant 2 : index
      %get3A_1732 = arith.constant 0 : index
      %get3A_1733 = arith.constant 0 : index
      %get3A_1734 = vector.load %arg4[%get3A_1731, %get3A_1732, %get3A_1733] : memref<5x15x384xf32, #tpu.memory_space<vmem>>, vector<1x15x384xf32>
      %get3A_1735 = vector.shape_cast %get3A_1734 : vector<1x15x384xf32> to vector<15x384xf32>
      %mul3A_1736 = vector.broadcast %slice3A_1730 : vector<1x1xf32> to vector<15x384xf32>
      %mul3A_1737 = arith.mulf %mul3A_1736, %get3A_1735 : vector<15x384xf32>
      %add3A_1738 = arith.addf %add3A_1720, %mul3A_1737 : vector<15x384xf32>
      %slice3A_1739 = vector.extract_strided_slice %get3A_9 {offsets = [15, 2], sizes = [1, 1], strides = [1, 1]} : vector<32x5xf32> to vector<1x1xf32>
      %get3A_1740 = arith.constant 2 : index
      %get3A_1741 = arith.constant 0 : index
      %get3A_1742 = arith.constant 0 : index
      %get3A_1743 = vector.load %arg5[%get3A_1740, %get3A_1741, %get3A_1742] : memref<5x1x384xf32, #tpu.memory_space<vmem>>, vector<1x1x384xf32>
      %get3A_1744 = vector.shape_cast %get3A_1743 : vector<1x1x384xf32> to vector<1x384xf32>
      %mul3A_1745 = vector.broadcast %slice3A_1739 : vector<1x1xf32> to vector<1x384xf32>
      %mul3A_1746 = arith.mulf %mul3A_1745, %get3A_1744 : vector<1x384xf32>
      %add3A_1747 = arith.addf %add3A_1729, %mul3A_1746 : vector<1x384xf32>
      %slice3A_1748 = vector.extract_strided_slice %get3A_9 {offsets = [15, 3], sizes = [1, 1], strides = [1, 1]} : vector<32x5xf32> to vector<1x1xf32>
      %get3A_1749 = arith.constant 3 : index
      %get3A_1750 = arith.constant 0 : index
      %get3A_1751 = arith.constant 0 : index
      %get3A_1752 = vector.load %arg4[%get3A_1749, %get3A_1750, %get3A_1751] : memref<5x15x384xf32, #tpu.memory_space<vmem>>, vector<1x15x384xf32>
      %get3A_1753 = vector.shape_cast %get3A_1752 : vector<1x15x384xf32> to vector<15x384xf32>
      %mul3A_1754 = vector.broadcast %slice3A_1748 : vector<1x1xf32> to vector<15x384xf32>
      %mul3A_1755 = arith.mulf %mul3A_1754, %get3A_1753 : vector<15x384xf32>
      %add3A_1756 = arith.addf %add3A_1738, %mul3A_1755 : vector<15x384xf32>
      %slice3A_1757 = vector.extract_strided_slice %get3A_9 {offsets = [15, 3], sizes = [1, 1], strides = [1, 1]} : vector<32x5xf32> to vector<1x1xf32>
      %get3A_1758 = arith.constant 3 : index
      %get3A_1759 = arith.constant 0 : index
      %get3A_1760 = arith.constant 0 : index
      %get3A_1761 = vector.load %arg5[%get3A_1758, %get3A_1759, %get3A_1760] : memref<5x1x384xf32, #tpu.memory_space<vmem>>, vector<1x1x384xf32>
      %get3A_1762 = vector.shape_cast %get3A_1761 : vector<1x1x384xf32> to vector<1x384xf32>
      %mul3A_1763 = vector.broadcast %slice3A_1757 : vector<1x1xf32> to vector<1x384xf32>
      %mul3A_1764 = arith.mulf %mul3A_1763, %get3A_1762 : vector<1x384xf32>
      %add3A_1765 = arith.addf %add3A_1747, %mul3A_1764 : vector<1x384xf32>
      %slice3A_1766 = vector.extract_strided_slice %get3A_9 {offsets = [15, 4], sizes = [1, 1], strides = [1, 1]} : vector<32x5xf32> to vector<1x1xf32>
      %get3A_1767 = arith.constant 4 : index
      %get3A_1768 = arith.constant 0 : index
      %get3A_1769 = arith.constant 0 : index
      %get3A_1770 = vector.load %arg4[%get3A_1767, %get3A_1768, %get3A_1769] : memref<5x15x384xf32, #tpu.memory_space<vmem>>, vector<1x15x384xf32>
      %get3A_1771 = vector.shape_cast %get3A_1770 : vector<1x15x384xf32> to vector<15x384xf32>
      %mul3A_1772 = vector.broadcast %slice3A_1766 : vector<1x1xf32> to vector<15x384xf32>
      %mul3A_1773 = arith.mulf %mul3A_1772, %get3A_1771 : vector<15x384xf32>
      %add3A_1774 = arith.addf %add3A_1756, %mul3A_1773 : vector<15x384xf32>
      %slice3A_1775 = vector.extract_strided_slice %get3A_9 {offsets = [15, 4], sizes = [1, 1], strides = [1, 1]} : vector<32x5xf32> to vector<1x1xf32>
      %get3A_1776 = arith.constant 4 : index
      %get3A_1777 = arith.constant 0 : index
      %get3A_1778 = arith.constant 0 : index
      %get3A_1779 = vector.load %arg5[%get3A_1776, %get3A_1777, %get3A_1778] : memref<5x1x384xf32, #tpu.memory_space<vmem>>, vector<1x1x384xf32>
      %get3A_1780 = vector.shape_cast %get3A_1779 : vector<1x1x384xf32> to vector<1x384xf32>
      %mul3A_1781 = vector.broadcast %slice3A_1775 : vector<1x1xf32> to vector<1x384xf32>
      %mul3A_1782 = arith.mulf %mul3A_1781, %get3A_1780 : vector<1x384xf32>
      %add3A_1783 = arith.addf %add3A_1765, %mul3A_1782 : vector<1x384xf32>
      %get3A_1784 = arith.constant 15 : index
      %get3A_1785 = arith.constant 0 : index
      %get3A_1786 = arith.constant 0 : index
      %get3A_1787 = arith.constant 0 : index
      %get3A_1788 = vector.load %arg3[%get3A_1784, %get3A_1785, %get3A_1786, %get3A_1787] : memref<32x10x32x15xf32, #tpu.memory_space<vmem>>, vector<1x10x32x15xf32>
      %get3A_1789 = vector.shape_cast %get3A_1788 : vector<1x10x32x15xf32> to vector<10x32x15xf32>
      %reshape3A_1790 = vector.shape_cast %get3A_1789 : vector<10x32x15xf32> to vector<320x15xf32>
      %dot_general3A_1791 = arith.constant dense<0.000000e+00> : vector<320x384xf32>
      %dot_general3A_1792 = tpu.matmul %reshape3A_1790, %add3A_1774, %dot_general3A_1791 {dimension_numbers = #tpu.dot_dimension_numbers<[1], [0], [0], [1], [0, 0, 1, 1], [], []>, transpose_lhs_hint = false} : vector<320x15xf32>, vector<15x384xf32>, vector<320x384xf32> -> vector<320x384xf32>
      %add3A_1793 = vector.broadcast %add3A_1783 : vector<1x384xf32> to vector<320x384xf32>
      %add3A_1794 = arith.addf %dot_general3A_1792, %add3A_1793 : vector<320x384xf32>
      %max3A_1795 = arith.constant 0.000000e+00 : f32
      %max3A_1796 = vector.broadcast %max3A_1795 : f32 to vector<320x384xf32>
      %max3A_1797 = arith.maximumf %add3A_1794, %max3A_1796 : vector<320x384xf32>
      %reduce_sum3A_1798 = arith.constant dense<0.000000e+00> : vector<384xf32>
      %reduce_sum3A_1799 = vector.multi_reduction <add>, %max3A_1797, %reduce_sum3A_1798 [0] : vector<320x384xf32> to vector<384xf32>
      %div3A_1800 = arith.constant 3.200000e+02 : f32
      %div3A_1801 = vector.broadcast %div3A_1800 : f32 to vector<384xf32>
      %div3A_1802 = arith.divf %reduce_sum3A_1799, %div3A_1801 : vector<384xf32>
      %swap3A_1803 = arith.index_cast %arg0 : i32 to index
      %swap3A_1804 = arith.constant 15 : index
      %swap3A_1805 = arith.constant 0 : index
      %swap3A_1806 = vector.load %arg15[%swap3A_1803, %swap3A_1804, %swap3A_1805] : memref<4x32x384xf32, #tpu.memory_space<vmem>>, vector<1x1x384xf32>
      %swap3A_1807 = vector.shape_cast %swap3A_1806 : vector<1x1x384xf32> to vector<384xf32>
      %swap3A_1808 = vector.shape_cast %div3A_1802 : vector<384xf32> to vector<1x1x384xf32>
      tpu.vector_store %arg15[%swap3A_1803, %swap3A_1804, %swap3A_1805], %swap3A_1808 {strides = array<i32>} : memref<4x32x384xf32, #tpu.memory_space<vmem>>, vector<1x1x384xf32>,
      %slice3A_1809 = vector.extract_strided_slice %get3A_9 {offsets = [16, 0], sizes = [1, 1], strides = [1, 1]} : vector<32x5xf32> to vector<1x1xf32>
      %get3A_1810 = arith.constant 0 : index
      %get3A_1811 = arith.constant 0 : index
      %get3A_1812 = arith.constant 0 : index
      %get3A_1813 = vector.load %arg4[%get3A_1810, %get3A_1811, %get3A_1812] : memref<5x15x384xf32, #tpu.memory_space<vmem>>, vector<1x15x384xf32>
      %get3A_1814 = vector.shape_cast %get3A_1813 : vector<1x15x384xf32> to vector<15x384xf32>
      %mul3A_1815 = vector.broadcast %slice3A_1809 : vector<1x1xf32> to vector<15x384xf32>
      %mul3A_1816 = arith.mulf %mul3A_1815, %get3A_1814 : vector<15x384xf32>
      %slice3A_1817 = vector.extract_strided_slice %get3A_9 {offsets = [16, 0], sizes = [1, 1], strides = [1, 1]} : vector<32x5xf32> to vector<1x1xf32>
      %get3A_1818 = arith.constant 0 : index
      %get3A_1819 = arith.constant 0 : index
      %get3A_1820 = arith.constant 0 : index
      %get3A_1821 = vector.load %arg5[%get3A_1818, %get3A_1819, %get3A_1820] : memref<5x1x384xf32, #tpu.memory_space<vmem>>, vector<1x1x384xf32>
      %get3A_1822 = vector.shape_cast %get3A_1821 : vector<1x1x384xf32> to vector<1x384xf32>
      %mul3A_1823 = vector.broadcast %slice3A_1817 : vector<1x1xf32> to vector<1x384xf32>
      %mul3A_1824 = arith.mulf %mul3A_1823, %get3A_1822 : vector<1x384xf32>
      %slice3A_1825 = vector.extract_strided_slice %get3A_9 {offsets = [16, 1], sizes = [1, 1], strides = [1, 1]} : vector<32x5xf32> to vector<1x1xf32>
      %get3A_1826 = arith.constant 1 : index
      %get3A_1827 = arith.constant 0 : index
      %get3A_1828 = arith.constant 0 : index
      %get3A_1829 = vector.load %arg4[%get3A_1826, %get3A_1827, %get3A_1828] : memref<5x15x384xf32, #tpu.memory_space<vmem>>, vector<1x15x384xf32>
      %get3A_1830 = vector.shape_cast %get3A_1829 : vector<1x15x384xf32> to vector<15x384xf32>
      %mul3A_1831 = vector.broadcast %slice3A_1825 : vector<1x1xf32> to vector<15x384xf32>
      %mul3A_1832 = arith.mulf %mul3A_1831, %get3A_1830 : vector<15x384xf32>
      %add3A_1833 = arith.addf %mul3A_1816, %mul3A_1832 : vector<15x384xf32>
      %slice3A_1834 = vector.extract_strided_slice %get3A_9 {offsets = [16, 1], sizes = [1, 1], strides = [1, 1]} : vector<32x5xf32> to vector<1x1xf32>
      %get3A_1835 = arith.constant 1 : index
      %get3A_1836 = arith.constant 0 : index
      %get3A_1837 = arith.constant 0 : index
      %get3A_1838 = vector.load %arg5[%get3A_1835, %get3A_1836, %get3A_1837] : memref<5x1x384xf32, #tpu.memory_space<vmem>>, vector<1x1x384xf32>
      %get3A_1839 = vector.shape_cast %get3A_1838 : vector<1x1x384xf32> to vector<1x384xf32>
      %mul3A_1840 = vector.broadcast %slice3A_1834 : vector<1x1xf32> to vector<1x384xf32>
      %mul3A_1841 = arith.mulf %mul3A_1840, %get3A_1839 : vector<1x384xf32>
      %add3A_1842 = arith.addf %mul3A_1824, %mul3A_1841 : vector<1x384xf32>
      %slice3A_1843 = vector.extract_strided_slice %get3A_9 {offsets = [16, 2], sizes = [1, 1], strides = [1, 1]} : vector<32x5xf32> to vector<1x1xf32>
      %get3A_1844 = arith.constant 2 : index
      %get3A_1845 = arith.constant 0 : index
      %get3A_1846 = arith.constant 0 : index
      %get3A_1847 = vector.load %arg4[%get3A_1844, %get3A_1845, %get3A_1846] : memref<5x15x384xf32, #tpu.memory_space<vmem>>, vector<1x15x384xf32>
      %get3A_1848 = vector.shape_cast %get3A_1847 : vector<1x15x384xf32> to vector<15x384xf32>
      %mul3A_1849 = vector.broadcast %slice3A_1843 : vector<1x1xf32> to vector<15x384xf32>
      %mul3A_1850 = arith.mulf %mul3A_1849, %get3A_1848 : vector<15x384xf32>
      %add3A_1851 = arith.addf %add3A_1833, %mul3A_1850 : vector<15x384xf32>
      %slice3A_1852 = vector.extract_strided_slice %get3A_9 {offsets = [16, 2], sizes = [1, 1], strides = [1, 1]} : vector<32x5xf32> to vector<1x1xf32>
      %get3A_1853 = arith.constant 2 : index
      %get3A_1854 = arith.constant 0 : index
      %get3A_1855 = arith.constant 0 : index
      %get3A_1856 = vector.load %arg5[%get3A_1853, %get3A_1854, %get3A_1855] : memref<5x1x384xf32, #tpu.memory_space<vmem>>, vector<1x1x384xf32>
      %get3A_1857 = vector.shape_cast %get3A_1856 : vector<1x1x384xf32> to vector<1x384xf32>
      %mul3A_1858 = vector.broadcast %slice3A_1852 : vector<1x1xf32> to vector<1x384xf32>
      %mul3A_1859 = arith.mulf %mul3A_1858, %get3A_1857 : vector<1x384xf32>
      %add3A_1860 = arith.addf %add3A_1842, %mul3A_1859 : vector<1x384xf32>
      %slice3A_1861 = vector.extract_strided_slice %get3A_9 {offsets = [16, 3], sizes = [1, 1], strides = [1, 1]} : vector<32x5xf32> to vector<1x1xf32>
      %get3A_1862 = arith.constant 3 : index
      %get3A_1863 = arith.constant 0 : index
      %get3A_1864 = arith.constant 0 : index
      %get3A_1865 = vector.load %arg4[%get3A_1862, %get3A_1863, %get3A_1864] : memref<5x15x384xf32, #tpu.memory_space<vmem>>, vector<1x15x384xf32>
      %get3A_1866 = vector.shape_cast %get3A_1865 : vector<1x15x384xf32> to vector<15x384xf32>
      %mul3A_1867 = vector.broadcast %slice3A_1861 : vector<1x1xf32> to vector<15x384xf32>
      %mul3A_1868 = arith.mulf %mul3A_1867, %get3A_1866 : vector<15x384xf32>
      %add3A_1869 = arith.addf %add3A_1851, %mul3A_1868 : vector<15x384xf32>
      %slice3A_1870 = vector.extract_strided_slice %get3A_9 {offsets = [16, 3], sizes = [1, 1], strides = [1, 1]} : vector<32x5xf32> to vector<1x1xf32>
      %get3A_1871 = arith.constant 3 : index
      %get3A_1872 = arith.constant 0 : index
      %get3A_1873 = arith.constant 0 : index
      %get3A_1874 = vector.load %arg5[%get3A_1871, %get3A_1872, %get3A_1873] : memref<5x1x384xf32, #tpu.memory_space<vmem>>, vector<1x1x384xf32>
      %get3A_1875 = vector.shape_cast %get3A_1874 : vector<1x1x384xf32> to vector<1x384xf32>
      %mul3A_1876 = vector.broadcast %slice3A_1870 : vector<1x1xf32> to vector<1x384xf32>
      %mul3A_1877 = arith.mulf %mul3A_1876, %get3A_1875 : vector<1x384xf32>
      %add3A_1878 = arith.addf %add3A_1860, %mul3A_1877 : vector<1x384xf32>
      %slice3A_1879 = vector.extract_strided_slice %get3A_9 {offsets = [16, 4], sizes = [1, 1], strides = [1, 1]} : vector<32x5xf32> to vector<1x1xf32>
      %get3A_1880 = arith.constant 4 : index
      %get3A_1881 = arith.constant 0 : index
      %get3A_1882 = arith.constant 0 : index
      %get3A_1883 = vector.load %arg4[%get3A_1880, %get3A_1881, %get3A_1882] : memref<5x15x384xf32, #tpu.memory_space<vmem>>, vector<1x15x384xf32>
      %get3A_1884 = vector.shape_cast %get3A_1883 : vector<1x15x384xf32> to vector<15x384xf32>
      %mul3A_1885 = vector.broadcast %slice3A_1879 : vector<1x1xf32> to vector<15x384xf32>
      %mul3A_1886 = arith.mulf %mul3A_1885, %get3A_1884 : vector<15x384xf32>
      %add3A_1887 = arith.addf %add3A_1869, %mul3A_1886 : vector<15x384xf32>
      %slice3A_1888 = vector.extract_strided_slice %get3A_9 {offsets = [16, 4], sizes = [1, 1], strides = [1, 1]} : vector<32x5xf32> to vector<1x1xf32>
      %get3A_1889 = arith.constant 4 : index
      %get3A_1890 = arith.constant 0 : index
      %get3A_1891 = arith.constant 0 : index
      %get3A_1892 = vector.load %arg5[%get3A_1889, %get3A_1890, %get3A_1891] : memref<5x1x384xf32, #tpu.memory_space<vmem>>, vector<1x1x384xf32>
      %get3A_1893 = vector.shape_cast %get3A_1892 : vector<1x1x384xf32> to vector<1x384xf32>
      %mul3A_1894 = vector.broadcast %slice3A_1888 : vector<1x1xf32> to vector<1x384xf32>
      %mul3A_1895 = arith.mulf %mul3A_1894, %get3A_1893 : vector<1x384xf32>
      %add3A_1896 = arith.addf %add3A_1878, %mul3A_1895 : vector<1x384xf32>
      %get3A_1897 = arith.constant 16 : index
      %get3A_1898 = arith.constant 0 : index
      %get3A_1899 = arith.constant 0 : index
      %get3A_1900 = arith.constant 0 : index
      %get3A_1901 = vector.load %arg3[%get3A_1897, %get3A_1898, %get3A_1899, %get3A_1900] : memref<32x10x32x15xf32, #tpu.memory_space<vmem>>, vector<1x10x32x15xf32>
      %get3A_1902 = vector.shape_cast %get3A_1901 : vector<1x10x32x15xf32> to vector<10x32x15xf32>
      %reshape3A_1903 = vector.shape_cast %get3A_1902 : vector<10x32x15xf32> to vector<320x15xf32>
      %dot_general3A_1904 = arith.constant dense<0.000000e+00> : vector<320x384xf32>
      %dot_general3A_1905 = tpu.matmul %reshape3A_1903, %add3A_1887, %dot_general3A_1904 {dimension_numbers = #tpu.dot_dimension_numbers<[1], [0], [0], [1], [0, 0, 1, 1], [], []>, transpose_lhs_hint = false} : vector<320x15xf32>, vector<15x384xf32>, vector<320x384xf32> -> vector<320x384xf32>
      %add3A_1906 = vector.broadcast %add3A_1896 : vector<1x384xf32> to vector<320x384xf32>
      %add3A_1907 = arith.addf %dot_general3A_1905, %add3A_1906 : vector<320x384xf32>
      %max3A_1908 = arith.constant 0.000000e+00 : f32
      %max3A_1909 = vector.broadcast %max3A_1908 : f32 to vector<320x384xf32>
      %max3A_1910 = arith.maximumf %add3A_1907, %max3A_1909 : vector<320x384xf32>
      %reduce_sum3A_1911 = arith.constant dense<0.000000e+00> : vector<384xf32>
      %reduce_sum3A_1912 = vector.multi_reduction <add>, %max3A_1910, %reduce_sum3A_1911 [0] : vector<320x384xf32> to vector<384xf32>
      %div3A_1913 = arith.constant 3.200000e+02 : f32
      %div3A_1914 = vector.broadcast %div3A_1913 : f32 to vector<384xf32>
      %div3A_1915 = arith.divf %reduce_sum3A_1912, %div3A_1914 : vector<384xf32>
      %swap3A_1916 = arith.index_cast %arg0 : i32 to index
      %swap3A_1917 = arith.constant 16 : index
      %swap3A_1918 = arith.constant 0 : index
      %swap3A_1919 = vector.load %arg15[%swap3A_1916, %swap3A_1917, %swap3A_1918] : memref<4x32x384xf32, #tpu.memory_space<vmem>>, vector<1x1x384xf32>
      %swap3A_1920 = vector.shape_cast %swap3A_1919 : vector<1x1x384xf32> to vector<384xf32>
      %swap3A_1921 = vector.shape_cast %div3A_1915 : vector<384xf32> to vector<1x1x384xf32>
      tpu.vector_store %arg15[%swap3A_1916, %swap3A_1917, %swap3A_1918], %swap3A_1921 {strides = array<i32>} : memref<4x32x384xf32, #tpu.memory_space<vmem>>, vector<1x1x384xf32>,
      %slice3A_1922 = vector.extract_strided_slice %get3A_9 {offsets = [17, 0], sizes = [1, 1], strides = [1, 1]} : vector<32x5xf32> to vector<1x1xf32>
      %get3A_1923 = arith.constant 0 : index
      %get3A_1924 = arith.constant 0 : index
      %get3A_1925 = arith.constant 0 : index
      %get3A_1926 = vector.load %arg4[%get3A_1923, %get3A_1924, %get3A_1925] : memref<5x15x384xf32, #tpu.memory_space<vmem>>, vector<1x15x384xf32>
      %get3A_1927 = vector.shape_cast %get3A_1926 : vector<1x15x384xf32> to vector<15x384xf32>
      %mul3A_1928 = vector.broadcast %slice3A_1922 : vector<1x1xf32> to vector<15x384xf32>
      %mul3A_1929 = arith.mulf %mul3A_1928, %get3A_1927 : vector<15x384xf32>
      %slice3A_1930 = vector.extract_strided_slice %get3A_9 {offsets = [17, 0], sizes = [1, 1], strides = [1, 1]} : vector<32x5xf32> to vector<1x1xf32>
      %get3A_1931 = arith.constant 0 : index
      %get3A_1932 = arith.constant 0 : index
      %get3A_1933 = arith.constant 0 : index
      %get3A_1934 = vector.load %arg5[%get3A_1931, %get3A_1932, %get3A_1933] : memref<5x1x384xf32, #tpu.memory_space<vmem>>, vector<1x1x384xf32>
      %get3A_1935 = vector.shape_cast %get3A_1934 : vector<1x1x384xf32> to vector<1x384xf32>
      %mul3A_1936 = vector.broadcast %slice3A_1930 : vector<1x1xf32> to vector<1x384xf32>
      %mul3A_1937 = arith.mulf %mul3A_1936, %get3A_1935 : vector<1x384xf32>
      %slice3A_1938 = vector.extract_strided_slice %get3A_9 {offsets = [17, 1], sizes = [1, 1], strides = [1, 1]} : vector<32x5xf32> to vector<1x1xf32>
      %get3A_1939 = arith.constant 1 : index
      %get3A_1940 = arith.constant 0 : index
      %get3A_1941 = arith.constant 0 : index
      %get3A_1942 = vector.load %arg4[%get3A_1939, %get3A_1940, %get3A_1941] : memref<5x15x384xf32, #tpu.memory_space<vmem>>, vector<1x15x384xf32>
      %get3A_1943 = vector.shape_cast %get3A_1942 : vector<1x15x384xf32> to vector<15x384xf32>
      %mul3A_1944 = vector.broadcast %slice3A_1938 : vector<1x1xf32> to vector<15x384xf32>
      %mul3A_1945 = arith.mulf %mul3A_1944, %get3A_1943 : vector<15x384xf32>
      %add3A_1946 = arith.addf %mul3A_1929, %mul3A_1945 : vector<15x384xf32>
      %slice3A_1947 = vector.extract_strided_slice %get3A_9 {offsets = [17, 1], sizes = [1, 1], strides = [1, 1]} : vector<32x5xf32> to vector<1x1xf32>
      %get3A_1948 = arith.constant 1 : index
      %get3A_1949 = arith.constant 0 : index
      %get3A_1950 = arith.constant 0 : index
      %get3A_1951 = vector.load %arg5[%get3A_1948, %get3A_1949, %get3A_1950] : memref<5x1x384xf32, #tpu.memory_space<vmem>>, vector<1x1x384xf32>
      %get3A_1952 = vector.shape_cast %get3A_1951 : vector<1x1x384xf32> to vector<1x384xf32>
      %mul3A_1953 = vector.broadcast %slice3A_1947 : vector<1x1xf32> to vector<1x384xf32>
      %mul3A_1954 = arith.mulf %mul3A_1953, %get3A_1952 : vector<1x384xf32>
      %add3A_1955 = arith.addf %mul3A_1937, %mul3A_1954 : vector<1x384xf32>
      %slice3A_1956 = vector.extract_strided_slice %get3A_9 {offsets = [17, 2], sizes = [1, 1], strides = [1, 1]} : vector<32x5xf32> to vector<1x1xf32>
      %get3A_1957 = arith.constant 2 : index
      %get3A_1958 = arith.constant 0 : index
      %get3A_1959 = arith.constant 0 : index
      %get3A_1960 = vector.load %arg4[%get3A_1957, %get3A_1958, %get3A_1959] : memref<5x15x384xf32, #tpu.memory_space<vmem>>, vector<1x15x384xf32>
      %get3A_1961 = vector.shape_cast %get3A_1960 : vector<1x15x384xf32> to vector<15x384xf32>
      %mul3A_1962 = vector.broadcast %slice3A_1956 : vector<1x1xf32> to vector<15x384xf32>
      %mul3A_1963 = arith.mulf %mul3A_1962, %get3A_1961 : vector<15x384xf32>
      %add3A_1964 = arith.addf %add3A_1946, %mul3A_1963 : vector<15x384xf32>
      %slice3A_1965 = vector.extract_strided_slice %get3A_9 {offsets = [17, 2], sizes = [1, 1], strides = [1, 1]} : vector<32x5xf32> to vector<1x1xf32>
      %get3A_1966 = arith.constant 2 : index
      %get3A_1967 = arith.constant 0 : index
      %get3A_1968 = arith.constant 0 : index
      %get3A_1969 = vector.load %arg5[%get3A_1966, %get3A_1967, %get3A_1968] : memref<5x1x384xf32, #tpu.memory_space<vmem>>, vector<1x1x384xf32>
      %get3A_1970 = vector.shape_cast %get3A_1969 : vector<1x1x384xf32> to vector<1x384xf32>
      %mul3A_1971 = vector.broadcast %slice3A_1965 : vector<1x1xf32> to vector<1x384xf32>
      %mul3A_1972 = arith.mulf %mul3A_1971, %get3A_1970 : vector<1x384xf32>
      %add3A_1973 = arith.addf %add3A_1955, %mul3A_1972 : vector<1x384xf32>
      %slice3A_1974 = vector.extract_strided_slice %get3A_9 {offsets = [17, 3], sizes = [1, 1], strides = [1, 1]} : vector<32x5xf32> to vector<1x1xf32>
      %get3A_1975 = arith.constant 3 : index
      %get3A_1976 = arith.constant 0 : index
      %get3A_1977 = arith.constant 0 : index
      %get3A_1978 = vector.load %arg4[%get3A_1975, %get3A_1976, %get3A_1977] : memref<5x15x384xf32, #tpu.memory_space<vmem>>, vector<1x15x384xf32>
      %get3A_1979 = vector.shape_cast %get3A_1978 : vector<1x15x384xf32> to vector<15x384xf32>
      %mul3A_1980 = vector.broadcast %slice3A_1974 : vector<1x1xf32> to vector<15x384xf32>
      %mul3A_1981 = arith.mulf %mul3A_1980, %get3A_1979 : vector<15x384xf32>
      %add3A_1982 = arith.addf %add3A_1964, %mul3A_1981 : vector<15x384xf32>
      %slice3A_1983 = vector.extract_strided_slice %get3A_9 {offsets = [17, 3], sizes = [1, 1], strides = [1, 1]} : vector<32x5xf32> to vector<1x1xf32>
      %get3A_1984 = arith.constant 3 : index
      %get3A_1985 = arith.constant 0 : index
      %get3A_1986 = arith.constant 0 : index
      %get3A_1987 = vector.load %arg5[%get3A_1984, %get3A_1985, %get3A_1986] : memref<5x1x384xf32, #tpu.memory_space<vmem>>, vector<1x1x384xf32>
      %get3A_1988 = vector.shape_cast %get3A_1987 : vector<1x1x384xf32> to vector<1x384xf32>
      %mul3A_1989 = vector.broadcast %slice3A_1983 : vector<1x1xf32> to vector<1x384xf32>
      %mul3A_1990 = arith.mulf %mul3A_1989, %get3A_1988 : vector<1x384xf32>
      %add3A_1991 = arith.addf %add3A_1973, %mul3A_1990 : vector<1x384xf32>
      %slice3A_1992 = vector.extract_strided_slice %get3A_9 {offsets = [17, 4], sizes = [1, 1], strides = [1, 1]} : vector<32x5xf32> to vector<1x1xf32>
      %get3A_1993 = arith.constant 4 : index
      %get3A_1994 = arith.constant 0 : index
      %get3A_1995 = arith.constant 0 : index
      %get3A_1996 = vector.load %arg4[%get3A_1993, %get3A_1994, %get3A_1995] : memref<5x15x384xf32, #tpu.memory_space<vmem>>, vector<1x15x384xf32>
      %get3A_1997 = vector.shape_cast %get3A_1996 : vector<1x15x384xf32> to vector<15x384xf32>
      %mul3A_1998 = vector.broadcast %slice3A_1992 : vector<1x1xf32> to vector<15x384xf32>
      %mul3A_1999 = arith.mulf %mul3A_1998, %get3A_1997 : vector<15x384xf32>
      %add3A_2000 = arith.addf %add3A_1982, %mul3A_1999 : vector<15x384xf32>
      %slice3A_2001 = vector.extract_strided_slice %get3A_9 {offsets = [17, 4], sizes = [1, 1], strides = [1, 1]} : vector<32x5xf32> to vector<1x1xf32>
      %get3A_2002 = arith.constant 4 : index
      %get3A_2003 = arith.constant 0 : index
      %get3A_2004 = arith.constant 0 : index
      %get3A_2005 = vector.load %arg5[%get3A_2002, %get3A_2003, %get3A_2004] : memref<5x1x384xf32, #tpu.memory_space<vmem>>, vector<1x1x384xf32>
      %get3A_2006 = vector.shape_cast %get3A_2005 : vector<1x1x384xf32> to vector<1x384xf32>
      %mul3A_2007 = vector.broadcast %slice3A_2001 : vector<1x1xf32> to vector<1x384xf32>
      %mul3A_2008 = arith.mulf %mul3A_2007, %get3A_2006 : vector<1x384xf32>
      %add3A_2009 = arith.addf %add3A_1991, %mul3A_2008 : vector<1x384xf32>
      %get3A_2010 = arith.constant 17 : index
      %get3A_2011 = arith.constant 0 : index
      %get3A_2012 = arith.constant 0 : index
      %get3A_2013 = arith.constant 0 : index
      %get3A_2014 = vector.load %arg3[%get3A_2010, %get3A_2011, %get3A_2012, %get3A_2013] : memref<32x10x32x15xf32, #tpu.memory_space<vmem>>, vector<1x10x32x15xf32>
      %get3A_2015 = vector.shape_cast %get3A_2014 : vector<1x10x32x15xf32> to vector<10x32x15xf32>
      %reshape3A_2016 = vector.shape_cast %get3A_2015 : vector<10x32x15xf32> to vector<320x15xf32>
      %dot_general3A_2017 = arith.constant dense<0.000000e+00> : vector<320x384xf32>
      %dot_general3A_2018 = tpu.matmul %reshape3A_2016, %add3A_2000, %dot_general3A_2017 {dimension_numbers = #tpu.dot_dimension_numbers<[1], [0], [0], [1], [0, 0, 1, 1], [], []>, transpose_lhs_hint = false} : vector<320x15xf32>, vector<15x384xf32>, vector<320x384xf32> -> vector<320x384xf32>
      %add3A_2019 = vector.broadcast %add3A_2009 : vector<1x384xf32> to vector<320x384xf32>
      %add3A_2020 = arith.addf %dot_general3A_2018, %add3A_2019 : vector<320x384xf32>
      %max3A_2021 = arith.constant 0.000000e+00 : f32
      %max3A_2022 = vector.broadcast %max3A_2021 : f32 to vector<320x384xf32>
      %max3A_2023 = arith.maximumf %add3A_2020, %max3A_2022 : vector<320x384xf32>
      %reduce_sum3A_2024 = arith.constant dense<0.000000e+00> : vector<384xf32>
      %reduce_sum3A_2025 = vector.multi_reduction <add>, %max3A_2023, %reduce_sum3A_2024 [0] : vector<320x384xf32> to vector<384xf32>
      %div3A_2026 = arith.constant 3.200000e+02 : f32
      %div3A_2027 = vector.broadcast %div3A_2026 : f32 to vector<384xf32>
      %div3A_2028 = arith.divf %reduce_sum3A_2025, %div3A_2027 : vector<384xf32>
      %swap3A_2029 = arith.index_cast %arg0 : i32 to index
      %swap3A_2030 = arith.constant 17 : index
      %swap3A_2031 = arith.constant 0 : index
      %swap3A_2032 = vector.load %arg15[%swap3A_2029, %swap3A_2030, %swap3A_2031] : memref<4x32x384xf32, #tpu.memory_space<vmem>>, vector<1x1x384xf32>
      %swap3A_2033 = vector.shape_cast %swap3A_2032 : vector<1x1x384xf32> to vector<384xf32>
      %swap3A_2034 = vector.shape_cast %div3A_2028 : vector<384xf32> to vector<1x1x384xf32>
      tpu.vector_store %arg15[%swap3A_2029, %swap3A_2030, %swap3A_2031], %swap3A_2034 {strides = array<i32>} : memref<4x32x384xf32, #tpu.memory_space<vmem>>, vector<1x1x384xf32>,
      %slice3A_2035 = vector.extract_strided_slice %get3A_9 {offsets = [18, 0], sizes = [1, 1], strides = [1, 1]} : vector<32x5xf32> to vector<1x1xf32>
      %get3A_2036 = arith.constant 0 : index
      %get3A_2037 = arith.constant 0 : index
      %get3A_2038 = arith.constant 0 : index
      %get3A_2039 = vector.load %arg4[%get3A_2036, %get3A_2037, %get3A_2038] : memref<5x15x384xf32, #tpu.memory_space<vmem>>, vector<1x15x384xf32>
      %get3A_2040 = vector.shape_cast %get3A_2039 : vector<1x15x384xf32> to vector<15x384xf32>
      %mul3A_2041 = vector.broadcast %slice3A_2035 : vector<1x1xf32> to vector<15x384xf32>
      %mul3A_2042 = arith.mulf %mul3A_2041, %get3A_2040 : vector<15x384xf32>
      %slice3A_2043 = vector.extract_strided_slice %get3A_9 {offsets = [18, 0], sizes = [1, 1], strides = [1, 1]} : vector<32x5xf32> to vector<1x1xf32>
      %get3A_2044 = arith.constant 0 : index
      %get3A_2045 = arith.constant 0 : index
      %get3A_2046 = arith.constant 0 : index
      %get3A_2047 = vector.load %arg5[%get3A_2044, %get3A_2045, %get3A_2046] : memref<5x1x384xf32, #tpu.memory_space<vmem>>, vector<1x1x384xf32>
      %get3A_2048 = vector.shape_cast %get3A_2047 : vector<1x1x384xf32> to vector<1x384xf32>
      %mul3A_2049 = vector.broadcast %slice3A_2043 : vector<1x1xf32> to vector<1x384xf32>
      %mul3A_2050 = arith.mulf %mul3A_2049, %get3A_2048 : vector<1x384xf32>
      %slice3A_2051 = vector.extract_strided_slice %get3A_9 {offsets = [18, 1], sizes = [1, 1], strides = [1, 1]} : vector<32x5xf32> to vector<1x1xf32>
      %get3A_2052 = arith.constant 1 : index
      %get3A_2053 = arith.constant 0 : index
      %get3A_2054 = arith.constant 0 : index
      %get3A_2055 = vector.load %arg4[%get3A_2052, %get3A_2053, %get3A_2054] : memref<5x15x384xf32, #tpu.memory_space<vmem>>, vector<1x15x384xf32>
      %get3A_2056 = vector.shape_cast %get3A_2055 : vector<1x15x384xf32> to vector<15x384xf32>
      %mul3A_2057 = vector.broadcast %slice3A_2051 : vector<1x1xf32> to vector<15x384xf32>
      %mul3A_2058 = arith.mulf %mul3A_2057, %get3A_2056 : vector<15x384xf32>
      %add3A_2059 = arith.addf %mul3A_2042, %mul3A_2058 : vector<15x384xf32>
      %slice3A_2060 = vector.extract_strided_slice %get3A_9 {offsets = [18, 1], sizes = [1, 1], strides = [1, 1]} : vector<32x5xf32> to vector<1x1xf32>
      %get3A_2061 = arith.constant 1 : index
      %get3A_2062 = arith.constant 0 : index
      %get3A_2063 = arith.constant 0 : index
      %get3A_2064 = vector.load %arg5[%get3A_2061, %get3A_2062, %get3A_2063] : memref<5x1x384xf32, #tpu.memory_space<vmem>>, vector<1x1x384xf32>
      %get3A_2065 = vector.shape_cast %get3A_2064 : vector<1x1x384xf32> to vector<1x384xf32>
      %mul3A_2066 = vector.broadcast %slice3A_2060 : vector<1x1xf32> to vector<1x384xf32>
      %mul3A_2067 = arith.mulf %mul3A_2066, %get3A_2065 : vector<1x384xf32>
      %add3A_2068 = arith.addf %mul3A_2050, %mul3A_2067 : vector<1x384xf32>
      %slice3A_2069 = vector.extract_strided_slice %get3A_9 {offsets = [18, 2], sizes = [1, 1], strides = [1, 1]} : vector<32x5xf32> to vector<1x1xf32>
      %get3A_2070 = arith.constant 2 : index
      %get3A_2071 = arith.constant 0 : index
      %get3A_2072 = arith.constant 0 : index
      %get3A_2073 = vector.load %arg4[%get3A_2070, %get3A_2071, %get3A_2072] : memref<5x15x384xf32, #tpu.memory_space<vmem>>, vector<1x15x384xf32>
      %get3A_2074 = vector.shape_cast %get3A_2073 : vector<1x15x384xf32> to vector<15x384xf32>
      %mul3A_2075 = vector.broadcast %slice3A_2069 : vector<1x1xf32> to vector<15x384xf32>
      %mul3A_2076 = arith.mulf %mul3A_2075, %get3A_2074 : vector<15x384xf32>
      %add3A_2077 = arith.addf %add3A_2059, %mul3A_2076 : vector<15x384xf32>
      %slice3A_2078 = vector.extract_strided_slice %get3A_9 {offsets = [18, 2], sizes = [1, 1], strides = [1, 1]} : vector<32x5xf32> to vector<1x1xf32>
      %get3A_2079 = arith.constant 2 : index
      %get3A_2080 = arith.constant 0 : index
      %get3A_2081 = arith.constant 0 : index
      %get3A_2082 = vector.load %arg5[%get3A_2079, %get3A_2080, %get3A_2081] : memref<5x1x384xf32, #tpu.memory_space<vmem>>, vector<1x1x384xf32>
      %get3A_2083 = vector.shape_cast %get3A_2082 : vector<1x1x384xf32> to vector<1x384xf32>
      %mul3A_2084 = vector.broadcast %slice3A_2078 : vector<1x1xf32> to vector<1x384xf32>
      %mul3A_2085 = arith.mulf %mul3A_2084, %get3A_2083 : vector<1x384xf32>
      %add3A_2086 = arith.addf %add3A_2068, %mul3A_2085 : vector<1x384xf32>
      %slice3A_2087 = vector.extract_strided_slice %get3A_9 {offsets = [18, 3], sizes = [1, 1], strides = [1, 1]} : vector<32x5xf32> to vector<1x1xf32>
      %get3A_2088 = arith.constant 3 : index
      %get3A_2089 = arith.constant 0 : index
      %get3A_2090 = arith.constant 0 : index
      %get3A_2091 = vector.load %arg4[%get3A_2088, %get3A_2089, %get3A_2090] : memref<5x15x384xf32, #tpu.memory_space<vmem>>, vector<1x15x384xf32>
      %get3A_2092 = vector.shape_cast %get3A_2091 : vector<1x15x384xf32> to vector<15x384xf32>
      %mul3A_2093 = vector.broadcast %slice3A_2087 : vector<1x1xf32> to vector<15x384xf32>
      %mul3A_2094 = arith.mulf %mul3A_2093, %get3A_2092 : vector<15x384xf32>
      %add3A_2095 = arith.addf %add3A_2077, %mul3A_2094 : vector<15x384xf32>
      %slice3A_2096 = vector.extract_strided_slice %get3A_9 {offsets = [18, 3], sizes = [1, 1], strides = [1, 1]} : vector<32x5xf32> to vector<1x1xf32>
      %get3A_2097 = arith.constant 3 : index
      %get3A_2098 = arith.constant 0 : index
      %get3A_2099 = arith.constant 0 : index
      %get3A_2100 = vector.load %arg5[%get3A_2097, %get3A_2098, %get3A_2099] : memref<5x1x384xf32, #tpu.memory_space<vmem>>, vector<1x1x384xf32>
      %get3A_2101 = vector.shape_cast %get3A_2100 : vector<1x1x384xf32> to vector<1x384xf32>
      %mul3A_2102 = vector.broadcast %slice3A_2096 : vector<1x1xf32> to vector<1x384xf32>
      %mul3A_2103 = arith.mulf %mul3A_2102, %get3A_2101 : vector<1x384xf32>
      %add3A_2104 = arith.addf %add3A_2086, %mul3A_2103 : vector<1x384xf32>
      %slice3A_2105 = vector.extract_strided_slice %get3A_9 {offsets = [18, 4], sizes = [1, 1], strides = [1, 1]} : vector<32x5xf32> to vector<1x1xf32>
      %get3A_2106 = arith.constant 4 : index
      %get3A_2107 = arith.constant 0 : index
      %get3A_2108 = arith.constant 0 : index
      %get3A_2109 = vector.load %arg4[%get3A_2106, %get3A_2107, %get3A_2108] : memref<5x15x384xf32, #tpu.memory_space<vmem>>, vector<1x15x384xf32>
      %get3A_2110 = vector.shape_cast %get3A_2109 : vector<1x15x384xf32> to vector<15x384xf32>
      %mul3A_2111 = vector.broadcast %slice3A_2105 : vector<1x1xf32> to vector<15x384xf32>
      %mul3A_2112 = arith.mulf %mul3A_2111, %get3A_2110 : vector<15x384xf32>
      %add3A_2113 = arith.addf %add3A_2095, %mul3A_2112 : vector<15x384xf32>
      %slice3A_2114 = vector.extract_strided_slice %get3A_9 {offsets = [18, 4], sizes = [1, 1], strides = [1, 1]} : vector<32x5xf32> to vector<1x1xf32>
      %get3A_2115 = arith.constant 4 : index
      %get3A_2116 = arith.constant 0 : index
      %get3A_2117 = arith.constant 0 : index
      %get3A_2118 = vector.load %arg5[%get3A_2115, %get3A_2116, %get3A_2117] : memref<5x1x384xf32, #tpu.memory_space<vmem>>, vector<1x1x384xf32>
      %get3A_2119 = vector.shape_cast %get3A_2118 : vector<1x1x384xf32> to vector<1x384xf32>
      %mul3A_2120 = vector.broadcast %slice3A_2114 : vector<1x1xf32> to vector<1x384xf32>
      %mul3A_2121 = arith.mulf %mul3A_2120, %get3A_2119 : vector<1x384xf32>
      %add3A_2122 = arith.addf %add3A_2104, %mul3A_2121 : vector<1x384xf32>
      %get3A_2123 = arith.constant 18 : index
      %get3A_2124 = arith.constant 0 : index
      %get3A_2125 = arith.constant 0 : index
      %get3A_2126 = arith.constant 0 : index
      %get3A_2127 = vector.load %arg3[%get3A_2123, %get3A_2124, %get3A_2125, %get3A_2126] : memref<32x10x32x15xf32, #tpu.memory_space<vmem>>, vector<1x10x32x15xf32>
      %get3A_2128 = vector.shape_cast %get3A_2127 : vector<1x10x32x15xf32> to vector<10x32x15xf32>
      %reshape3A_2129 = vector.shape_cast %get3A_2128 : vector<10x32x15xf32> to vector<320x15xf32>
      %dot_general3A_2130 = arith.constant dense<0.000000e+00> : vector<320x384xf32>
      %dot_general3A_2131 = tpu.matmul %reshape3A_2129, %add3A_2113, %dot_general3A_2130 {dimension_numbers = #tpu.dot_dimension_numbers<[1], [0], [0], [1], [0, 0, 1, 1], [], []>, transpose_lhs_hint = false} : vector<320x15xf32>, vector<15x384xf32>, vector<320x384xf32> -> vector<320x384xf32>
      %add3A_2132 = vector.broadcast %add3A_2122 : vector<1x384xf32> to vector<320x384xf32>
      %add3A_2133 = arith.addf %dot_general3A_2131, %add3A_2132 : vector<320x384xf32>
      %max3A_2134 = arith.constant 0.000000e+00 : f32
      %max3A_2135 = vector.broadcast %max3A_2134 : f32 to vector<320x384xf32>
      %max3A_2136 = arith.maximumf %add3A_2133, %max3A_2135 : vector<320x384xf32>
      %reduce_sum3A_2137 = arith.constant dense<0.000000e+00> : vector<384xf32>
      %reduce_sum3A_2138 = vector.multi_reduction <add>, %max3A_2136, %reduce_sum3A_2137 [0] : vector<320x384xf32> to vector<384xf32>
      %div3A_2139 = arith.constant 3.200000e+02 : f32
      %div3A_2140 = vector.broadcast %div3A_2139 : f32 to vector<384xf32>
      %div3A_2141 = arith.divf %reduce_sum3A_2138, %div3A_2140 : vector<384xf32>
      %swap3A_2142 = arith.index_cast %arg0 : i32 to index
      %swap3A_2143 = arith.constant 18 : index
      %swap3A_2144 = arith.constant 0 : index
      %swap3A_2145 = vector.load %arg15[%swap3A_2142, %swap3A_2143, %swap3A_2144] : memref<4x32x384xf32, #tpu.memory_space<vmem>>, vector<1x1x384xf32>
      %swap3A_2146 = vector.shape_cast %swap3A_2145 : vector<1x1x384xf32> to vector<384xf32>
      %swap3A_2147 = vector.shape_cast %div3A_2141 : vector<384xf32> to vector<1x1x384xf32>
      tpu.vector_store %arg15[%swap3A_2142, %swap3A_2143, %swap3A_2144], %swap3A_2147 {strides = array<i32>} : memref<4x32x384xf32, #tpu.memory_space<vmem>>, vector<1x1x384xf32>,
      %slice3A_2148 = vector.extract_strided_slice %get3A_9 {offsets = [19, 0], sizes = [1, 1], strides = [1, 1]} : vector<32x5xf32> to vector<1x1xf32>
      %get3A_2149 = arith.constant 0 : index
      %get3A_2150 = arith.constant 0 : index
      %get3A_2151 = arith.constant 0 : index
      %get3A_2152 = vector.load %arg4[%get3A_2149, %get3A_2150, %get3A_2151] : memref<5x15x384xf32, #tpu.memory_space<vmem>>, vector<1x15x384xf32>
      %get3A_2153 = vector.shape_cast %get3A_2152 : vector<1x15x384xf32> to vector<15x384xf32>
      %mul3A_2154 = vector.broadcast %slice3A_2148 : vector<1x1xf32> to vector<15x384xf32>
      %mul3A_2155 = arith.mulf %mul3A_2154, %get3A_2153 : vector<15x384xf32>
      %slice3A_2156 = vector.extract_strided_slice %get3A_9 {offsets = [19, 0], sizes = [1, 1], strides = [1, 1]} : vector<32x5xf32> to vector<1x1xf32>
      %get3A_2157 = arith.constant 0 : index
      %get3A_2158 = arith.constant 0 : index
      %get3A_2159 = arith.constant 0 : index
      %get3A_2160 = vector.load %arg5[%get3A_2157, %get3A_2158, %get3A_2159] : memref<5x1x384xf32, #tpu.memory_space<vmem>>, vector<1x1x384xf32>
      %get3A_2161 = vector.shape_cast %get3A_2160 : vector<1x1x384xf32> to vector<1x384xf32>
      %mul3A_2162 = vector.broadcast %slice3A_2156 : vector<1x1xf32> to vector<1x384xf32>
      %mul3A_2163 = arith.mulf %mul3A_2162, %get3A_2161 : vector<1x384xf32>
      %slice3A_2164 = vector.extract_strided_slice %get3A_9 {offsets = [19, 1], sizes = [1, 1], strides = [1, 1]} : vector<32x5xf32> to vector<1x1xf32>
      %get3A_2165 = arith.constant 1 : index
      %get3A_2166 = arith.constant 0 : index
      %get3A_2167 = arith.constant 0 : index
      %get3A_2168 = vector.load %arg4[%get3A_2165, %get3A_2166, %get3A_2167] : memref<5x15x384xf32, #tpu.memory_space<vmem>>, vector<1x15x384xf32>
      %get3A_2169 = vector.shape_cast %get3A_2168 : vector<1x15x384xf32> to vector<15x384xf32>
      %mul3A_2170 = vector.broadcast %slice3A_2164 : vector<1x1xf32> to vector<15x384xf32>
      %mul3A_2171 = arith.mulf %mul3A_2170, %get3A_2169 : vector<15x384xf32>
      %add3A_2172 = arith.addf %mul3A_2155, %mul3A_2171 : vector<15x384xf32>
      %slice3A_2173 = vector.extract_strided_slice %get3A_9 {offsets = [19, 1], sizes = [1, 1], strides = [1, 1]} : vector<32x5xf32> to vector<1x1xf32>
      %get3A_2174 = arith.constant 1 : index
      %get3A_2175 = arith.constant 0 : index
      %get3A_2176 = arith.constant 0 : index
      %get3A_2177 = vector.load %arg5[%get3A_2174, %get3A_2175, %get3A_2176] : memref<5x1x384xf32, #tpu.memory_space<vmem>>, vector<1x1x384xf32>
      %get3A_2178 = vector.shape_cast %get3A_2177 : vector<1x1x384xf32> to vector<1x384xf32>
      %mul3A_2179 = vector.broadcast %slice3A_2173 : vector<1x1xf32> to vector<1x384xf32>
      %mul3A_2180 = arith.mulf %mul3A_2179, %get3A_2178 : vector<1x384xf32>
      %add3A_2181 = arith.addf %mul3A_2163, %mul3A_2180 : vector<1x384xf32>
      %slice3A_2182 = vector.extract_strided_slice %get3A_9 {offsets = [19, 2], sizes = [1, 1], strides = [1, 1]} : vector<32x5xf32> to vector<1x1xf32>
      %get3A_2183 = arith.constant 2 : index
      %get3A_2184 = arith.constant 0 : index
      %get3A_2185 = arith.constant 0 : index
      %get3A_2186 = vector.load %arg4[%get3A_2183, %get3A_2184, %get3A_2185] : memref<5x15x384xf32, #tpu.memory_space<vmem>>, vector<1x15x384xf32>
      %get3A_2187 = vector.shape_cast %get3A_2186 : vector<1x15x384xf32> to vector<15x384xf32>
      %mul3A_2188 = vector.broadcast %slice3A_2182 : vector<1x1xf32> to vector<15x384xf32>
      %mul3A_2189 = arith.mulf %mul3A_2188, %get3A_2187 : vector<15x384xf32>
      %add3A_2190 = arith.addf %add3A_2172, %mul3A_2189 : vector<15x384xf32>
      %slice3A_2191 = vector.extract_strided_slice %get3A_9 {offsets = [19, 2], sizes = [1, 1], strides = [1, 1]} : vector<32x5xf32> to vector<1x1xf32>
      %get3A_2192 = arith.constant 2 : index
      %get3A_2193 = arith.constant 0 : index
      %get3A_2194 = arith.constant 0 : index
      %get3A_2195 = vector.load %arg5[%get3A_2192, %get3A_2193, %get3A_2194] : memref<5x1x384xf32, #tpu.memory_space<vmem>>, vector<1x1x384xf32>
      %get3A_2196 = vector.shape_cast %get3A_2195 : vector<1x1x384xf32> to vector<1x384xf32>
      %mul3A_2197 = vector.broadcast %slice3A_2191 : vector<1x1xf32> to vector<1x384xf32>
      %mul3A_2198 = arith.mulf %mul3A_2197, %get3A_2196 : vector<1x384xf32>
      %add3A_2199 = arith.addf %add3A_2181, %mul3A_2198 : vector<1x384xf32>
      %slice3A_2200 = vector.extract_strided_slice %get3A_9 {offsets = [19, 3], sizes = [1, 1], strides = [1, 1]} : vector<32x5xf32> to vector<1x1xf32>
      %get3A_2201 = arith.constant 3 : index
      %get3A_2202 = arith.constant 0 : index
      %get3A_2203 = arith.constant 0 : index
      %get3A_2204 = vector.load %arg4[%get3A_2201, %get3A_2202, %get3A_2203] : memref<5x15x384xf32, #tpu.memory_space<vmem>>, vector<1x15x384xf32>
      %get3A_2205 = vector.shape_cast %get3A_2204 : vector<1x15x384xf32> to vector<15x384xf32>
      %mul3A_2206 = vector.broadcast %slice3A_2200 : vector<1x1xf32> to vector<15x384xf32>
      %mul3A_2207 = arith.mulf %mul3A_2206, %get3A_2205 : vector<15x384xf32>
      %add3A_2208 = arith.addf %add3A_2190, %mul3A_2207 : vector<15x384xf32>
      %slice3A_2209 = vector.extract_strided_slice %get3A_9 {offsets = [19, 3], sizes = [1, 1], strides = [1, 1]} : vector<32x5xf32> to vector<1x1xf32>
      %get3A_2210 = arith.constant 3 : index
      %get3A_2211 = arith.constant 0 : index
      %get3A_2212 = arith.constant 0 : index
      %get3A_2213 = vector.load %arg5[%get3A_2210, %get3A_2211, %get3A_2212] : memref<5x1x384xf32, #tpu.memory_space<vmem>>, vector<1x1x384xf32>
      %get3A_2214 = vector.shape_cast %get3A_2213 : vector<1x1x384xf32> to vector<1x384xf32>
      %mul3A_2215 = vector.broadcast %slice3A_2209 : vector<1x1xf32> to vector<1x384xf32>
      %mul3A_2216 = arith.mulf %mul3A_2215, %get3A_2214 : vector<1x384xf32>
      %add3A_2217 = arith.addf %add3A_2199, %mul3A_2216 : vector<1x384xf32>
      %slice3A_2218 = vector.extract_strided_slice %get3A_9 {offsets = [19, 4], sizes = [1, 1], strides = [1, 1]} : vector<32x5xf32> to vector<1x1xf32>
      %get3A_2219 = arith.constant 4 : index
      %get3A_2220 = arith.constant 0 : index
      %get3A_2221 = arith.constant 0 : index
      %get3A_2222 = vector.load %arg4[%get3A_2219, %get3A_2220, %get3A_2221] : memref<5x15x384xf32, #tpu.memory_space<vmem>>, vector<1x15x384xf32>
      %get3A_2223 = vector.shape_cast %get3A_2222 : vector<1x15x384xf32> to vector<15x384xf32>
      %mul3A_2224 = vector.broadcast %slice3A_2218 : vector<1x1xf32> to vector<15x384xf32>
      %mul3A_2225 = arith.mulf %mul3A_2224, %get3A_2223 : vector<15x384xf32>
      %add3A_2226 = arith.addf %add3A_2208, %mul3A_2225 : vector<15x384xf32>
      %slice3A_2227 = vector.extract_strided_slice %get3A_9 {offsets = [19, 4], sizes = [1, 1], strides = [1, 1]} : vector<32x5xf32> to vector<1x1xf32>
      %get3A_2228 = arith.constant 4 : index
      %get3A_2229 = arith.constant 0 : index
      %get3A_2230 = arith.constant 0 : index
      %get3A_2231 = vector.load %arg5[%get3A_2228, %get3A_2229, %get3A_2230] : memref<5x1x384xf32, #tpu.memory_space<vmem>>, vector<1x1x384xf32>
      %get3A_2232 = vector.shape_cast %get3A_2231 : vector<1x1x384xf32> to vector<1x384xf32>
      %mul3A_2233 = vector.broadcast %slice3A_2227 : vector<1x1xf32> to vector<1x384xf32>
      %mul3A_2234 = arith.mulf %mul3A_2233, %get3A_2232 : vector<1x384xf32>
      %add3A_2235 = arith.addf %add3A_2217, %mul3A_2234 : vector<1x384xf32>
      %get3A_2236 = arith.constant 19 : index
      %get3A_2237 = arith.constant 0 : index
      %get3A_2238 = arith.constant 0 : index
      %get3A_2239 = arith.constant 0 : index
      %get3A_2240 = vector.load %arg3[%get3A_2236, %get3A_2237, %get3A_2238, %get3A_2239] : memref<32x10x32x15xf32, #tpu.memory_space<vmem>>, vector<1x10x32x15xf32>
      %get3A_2241 = vector.shape_cast %get3A_2240 : vector<1x10x32x15xf32> to vector<10x32x15xf32>
      %reshape3A_2242 = vector.shape_cast %get3A_2241 : vector<10x32x15xf32> to vector<320x15xf32>
      %dot_general3A_2243 = arith.constant dense<0.000000e+00> : vector<320x384xf32>
      %dot_general3A_2244 = tpu.matmul %reshape3A_2242, %add3A_2226, %dot_general3A_2243 {dimension_numbers = #tpu.dot_dimension_numbers<[1], [0], [0], [1], [0, 0, 1, 1], [], []>, transpose_lhs_hint = false} : vector<320x15xf32>, vector<15x384xf32>, vector<320x384xf32> -> vector<320x384xf32>
      %add3A_2245 = vector.broadcast %add3A_2235 : vector<1x384xf32> to vector<320x384xf32>
      %add3A_2246 = arith.addf %dot_general3A_2244, %add3A_2245 : vector<320x384xf32>
      %max3A_2247 = arith.constant 0.000000e+00 : f32
      %max3A_2248 = vector.broadcast %max3A_2247 : f32 to vector<320x384xf32>
      %max3A_2249 = arith.maximumf %add3A_2246, %max3A_2248 : vector<320x384xf32>
      %reduce_sum3A_2250 = arith.constant dense<0.000000e+00> : vector<384xf32>
      %reduce_sum3A_2251 = vector.multi_reduction <add>, %max3A_2249, %reduce_sum3A_2250 [0] : vector<320x384xf32> to vector<384xf32>
      %div3A_2252 = arith.constant 3.200000e+02 : f32
      %div3A_2253 = vector.broadcast %div3A_2252 : f32 to vector<384xf32>
      %div3A_2254 = arith.divf %reduce_sum3A_2251, %div3A_2253 : vector<384xf32>
      %swap3A_2255 = arith.index_cast %arg0 : i32 to index
      %swap3A_2256 = arith.constant 19 : index
      %swap3A_2257 = arith.constant 0 : index
      %swap3A_2258 = vector.load %arg15[%swap3A_2255, %swap3A_2256, %swap3A_2257] : memref<4x32x384xf32, #tpu.memory_space<vmem>>, vector<1x1x384xf32>
      %swap3A_2259 = vector.shape_cast %swap3A_2258 : vector<1x1x384xf32> to vector<384xf32>
      %swap3A_2260 = vector.shape_cast %div3A_2254 : vector<384xf32> to vector<1x1x384xf32>
      tpu.vector_store %arg15[%swap3A_2255, %swap3A_2256, %swap3A_2257], %swap3A_2260 {strides = array<i32>} : memref<4x32x384xf32, #tpu.memory_space<vmem>>, vector<1x1x384xf32>,
      %slice3A_2261 = vector.extract_strided_slice %get3A_9 {offsets = [20, 0], sizes = [1, 1], strides = [1, 1]} : vector<32x5xf32> to vector<1x1xf32>
      %get3A_2262 = arith.constant 0 : index
      %get3A_2263 = arith.constant 0 : index
      %get3A_2264 = arith.constant 0 : index
      %get3A_2265 = vector.load %arg4[%get3A_2262, %get3A_2263, %get3A_2264] : memref<5x15x384xf32, #tpu.memory_space<vmem>>, vector<1x15x384xf32>
      %get3A_2266 = vector.shape_cast %get3A_2265 : vector<1x15x384xf32> to vector<15x384xf32>
      %mul3A_2267 = vector.broadcast %slice3A_2261 : vector<1x1xf32> to vector<15x384xf32>
      %mul3A_2268 = arith.mulf %mul3A_2267, %get3A_2266 : vector<15x384xf32>
      %slice3A_2269 = vector.extract_strided_slice %get3A_9 {offsets = [20, 0], sizes = [1, 1], strides = [1, 1]} : vector<32x5xf32> to vector<1x1xf32>
      %get3A_2270 = arith.constant 0 : index
      %get3A_2271 = arith.constant 0 : index
      %get3A_2272 = arith.constant 0 : index
      %get3A_2273 = vector.load %arg5[%get3A_2270, %get3A_2271, %get3A_2272] : memref<5x1x384xf32, #tpu.memory_space<vmem>>, vector<1x1x384xf32>
      %get3A_2274 = vector.shape_cast %get3A_2273 : vector<1x1x384xf32> to vector<1x384xf32>
      %mul3A_2275 = vector.broadcast %slice3A_2269 : vector<1x1xf32> to vector<1x384xf32>
      %mul3A_2276 = arith.mulf %mul3A_2275, %get3A_2274 : vector<1x384xf32>
      %slice3A_2277 = vector.extract_strided_slice %get3A_9 {offsets = [20, 1], sizes = [1, 1], strides = [1, 1]} : vector<32x5xf32> to vector<1x1xf32>
      %get3A_2278 = arith.constant 1 : index
      %get3A_2279 = arith.constant 0 : index
      %get3A_2280 = arith.constant 0 : index
      %get3A_2281 = vector.load %arg4[%get3A_2278, %get3A_2279, %get3A_2280] : memref<5x15x384xf32, #tpu.memory_space<vmem>>, vector<1x15x384xf32>
      %get3A_2282 = vector.shape_cast %get3A_2281 : vector<1x15x384xf32> to vector<15x384xf32>
      %mul3A_2283 = vector.broadcast %slice3A_2277 : vector<1x1xf32> to vector<15x384xf32>
      %mul3A_2284 = arith.mulf %mul3A_2283, %get3A_2282 : vector<15x384xf32>
      %add3A_2285 = arith.addf %mul3A_2268, %mul3A_2284 : vector<15x384xf32>
      %slice3A_2286 = vector.extract_strided_slice %get3A_9 {offsets = [20, 1], sizes = [1, 1], strides = [1, 1]} : vector<32x5xf32> to vector<1x1xf32>
      %get3A_2287 = arith.constant 1 : index
      %get3A_2288 = arith.constant 0 : index
      %get3A_2289 = arith.constant 0 : index
      %get3A_2290 = vector.load %arg5[%get3A_2287, %get3A_2288, %get3A_2289] : memref<5x1x384xf32, #tpu.memory_space<vmem>>, vector<1x1x384xf32>
      %get3A_2291 = vector.shape_cast %get3A_2290 : vector<1x1x384xf32> to vector<1x384xf32>
      %mul3A_2292 = vector.broadcast %slice3A_2286 : vector<1x1xf32> to vector<1x384xf32>
      %mul3A_2293 = arith.mulf %mul3A_2292, %get3A_2291 : vector<1x384xf32>
      %add3A_2294 = arith.addf %mul3A_2276, %mul3A_2293 : vector<1x384xf32>
      %slice3A_2295 = vector.extract_strided_slice %get3A_9 {offsets = [20, 2], sizes = [1, 1], strides = [1, 1]} : vector<32x5xf32> to vector<1x1xf32>
      %get3A_2296 = arith.constant 2 : index
      %get3A_2297 = arith.constant 0 : index
      %get3A_2298 = arith.constant 0 : index
      %get3A_2299 = vector.load %arg4[%get3A_2296, %get3A_2297, %get3A_2298] : memref<5x15x384xf32, #tpu.memory_space<vmem>>, vector<1x15x384xf32>
      %get3A_2300 = vector.shape_cast %get3A_2299 : vector<1x15x384xf32> to vector<15x384xf32>
      %mul3A_2301 = vector.broadcast %slice3A_2295 : vector<1x1xf32> to vector<15x384xf32>
      %mul3A_2302 = arith.mulf %mul3A_2301, %get3A_2300 : vector<15x384xf32>
      %add3A_2303 = arith.addf %add3A_2285, %mul3A_2302 : vector<15x384xf32>
      %slice3A_2304 = vector.extract_strided_slice %get3A_9 {offsets = [20, 2], sizes = [1, 1], strides = [1, 1]} : vector<32x5xf32> to vector<1x1xf32>
      %get3A_2305 = arith.constant 2 : index
      %get3A_2306 = arith.constant 0 : index
      %get3A_2307 = arith.constant 0 : index
      %get3A_2308 = vector.load %arg5[%get3A_2305, %get3A_2306, %get3A_2307] : memref<5x1x384xf32, #tpu.memory_space<vmem>>, vector<1x1x384xf32>
      %get3A_2309 = vector.shape_cast %get3A_2308 : vector<1x1x384xf32> to vector<1x384xf32>
      %mul3A_2310 = vector.broadcast %slice3A_2304 : vector<1x1xf32> to vector<1x384xf32>
      %mul3A_2311 = arith.mulf %mul3A_2310, %get3A_2309 : vector<1x384xf32>
      %add3A_2312 = arith.addf %add3A_2294, %mul3A_2311 : vector<1x384xf32>
      %slice3A_2313 = vector.extract_strided_slice %get3A_9 {offsets = [20, 3], sizes = [1, 1], strides = [1, 1]} : vector<32x5xf32> to vector<1x1xf32>
      %get3A_2314 = arith.constant 3 : index
      %get3A_2315 = arith.constant 0 : index
      %get3A_2316 = arith.constant 0 : index
      %get3A_2317 = vector.load %arg4[%get3A_2314, %get3A_2315, %get3A_2316] : memref<5x15x384xf32, #tpu.memory_space<vmem>>, vector<1x15x384xf32>
      %get3A_2318 = vector.shape_cast %get3A_2317 : vector<1x15x384xf32> to vector<15x384xf32>
      %mul3A_2319 = vector.broadcast %slice3A_2313 : vector<1x1xf32> to vector<15x384xf32>
      %mul3A_2320 = arith.mulf %mul3A_2319, %get3A_2318 : vector<15x384xf32>
      %add3A_2321 = arith.addf %add3A_2303, %mul3A_2320 : vector<15x384xf32>
      %slice3A_2322 = vector.extract_strided_slice %get3A_9 {offsets = [20, 3], sizes = [1, 1], strides = [1, 1]} : vector<32x5xf32> to vector<1x1xf32>
      %get3A_2323 = arith.constant 3 : index
      %get3A_2324 = arith.constant 0 : index
      %get3A_2325 = arith.constant 0 : index
      %get3A_2326 = vector.load %arg5[%get3A_2323, %get3A_2324, %get3A_2325] : memref<5x1x384xf32, #tpu.memory_space<vmem>>, vector<1x1x384xf32>
      %get3A_2327 = vector.shape_cast %get3A_2326 : vector<1x1x384xf32> to vector<1x384xf32>
      %mul3A_2328 = vector.broadcast %slice3A_2322 : vector<1x1xf32> to vector<1x384xf32>
      %mul3A_2329 = arith.mulf %mul3A_2328, %get3A_2327 : vector<1x384xf32>
      %add3A_2330 = arith.addf %add3A_2312, %mul3A_2329 : vector<1x384xf32>
      %slice3A_2331 = vector.extract_strided_slice %get3A_9 {offsets = [20, 4], sizes = [1, 1], strides = [1, 1]} : vector<32x5xf32> to vector<1x1xf32>
      %get3A_2332 = arith.constant 4 : index
      %get3A_2333 = arith.constant 0 : index
      %get3A_2334 = arith.constant 0 : index
      %get3A_2335 = vector.load %arg4[%get3A_2332, %get3A_2333, %get3A_2334] : memref<5x15x384xf32, #tpu.memory_space<vmem>>, vector<1x15x384xf32>
      %get3A_2336 = vector.shape_cast %get3A_2335 : vector<1x15x384xf32> to vector<15x384xf32>
      %mul3A_2337 = vector.broadcast %slice3A_2331 : vector<1x1xf32> to vector<15x384xf32>
      %mul3A_2338 = arith.mulf %mul3A_2337, %get3A_2336 : vector<15x384xf32>
      %add3A_2339 = arith.addf %add3A_2321, %mul3A_2338 : vector<15x384xf32>
      %slice3A_2340 = vector.extract_strided_slice %get3A_9 {offsets = [20, 4], sizes = [1, 1], strides = [1, 1]} : vector<32x5xf32> to vector<1x1xf32>
      %get3A_2341 = arith.constant 4 : index
      %get3A_2342 = arith.constant 0 : index
      %get3A_2343 = arith.constant 0 : index
      %get3A_2344 = vector.load %arg5[%get3A_2341, %get3A_2342, %get3A_2343] : memref<5x1x384xf32, #tpu.memory_space<vmem>>, vector<1x1x384xf32>
      %get3A_2345 = vector.shape_cast %get3A_2344 : vector<1x1x384xf32> to vector<1x384xf32>
      %mul3A_2346 = vector.broadcast %slice3A_2340 : vector<1x1xf32> to vector<1x384xf32>
      %mul3A_2347 = arith.mulf %mul3A_2346, %get3A_2345 : vector<1x384xf32>
      %add3A_2348 = arith.addf %add3A_2330, %mul3A_2347 : vector<1x384xf32>
      %get3A_2349 = arith.constant 20 : index
      %get3A_2350 = arith.constant 0 : index
      %get3A_2351 = arith.constant 0 : index
      %get3A_2352 = arith.constant 0 : index
      %get3A_2353 = vector.load %arg3[%get3A_2349, %get3A_2350, %get3A_2351, %get3A_2352] : memref<32x10x32x15xf32, #tpu.memory_space<vmem>>, vector<1x10x32x15xf32>
      %get3A_2354 = vector.shape_cast %get3A_2353 : vector<1x10x32x15xf32> to vector<10x32x15xf32>
      %reshape3A_2355 = vector.shape_cast %get3A_2354 : vector<10x32x15xf32> to vector<320x15xf32>
      %dot_general3A_2356 = arith.constant dense<0.000000e+00> : vector<320x384xf32>
      %dot_general3A_2357 = tpu.matmul %reshape3A_2355, %add3A_2339, %dot_general3A_2356 {dimension_numbers = #tpu.dot_dimension_numbers<[1], [0], [0], [1], [0, 0, 1, 1], [], []>, transpose_lhs_hint = false} : vector<320x15xf32>, vector<15x384xf32>, vector<320x384xf32> -> vector<320x384xf32>
      %add3A_2358 = vector.broadcast %add3A_2348 : vector<1x384xf32> to vector<320x384xf32>
      %add3A_2359 = arith.addf %dot_general3A_2357, %add3A_2358 : vector<320x384xf32>
      %max3A_2360 = arith.constant 0.000000e+00 : f32
      %max3A_2361 = vector.broadcast %max3A_2360 : f32 to vector<320x384xf32>
      %max3A_2362 = arith.maximumf %add3A_2359, %max3A_2361 : vector<320x384xf32>
      %reduce_sum3A_2363 = arith.constant dense<0.000000e+00> : vector<384xf32>
      %reduce_sum3A_2364 = vector.multi_reduction <add>, %max3A_2362, %reduce_sum3A_2363 [0] : vector<320x384xf32> to vector<384xf32>
      %div3A_2365 = arith.constant 3.200000e+02 : f32
      %div3A_2366 = vector.broadcast %div3A_2365 : f32 to vector<384xf32>
      %div3A_2367 = arith.divf %reduce_sum3A_2364, %div3A_2366 : vector<384xf32>
      %swap3A_2368 = arith.index_cast %arg0 : i32 to index
      %swap3A_2369 = arith.constant 20 : index
      %swap3A_2370 = arith.constant 0 : index
      %swap3A_2371 = vector.load %arg15[%swap3A_2368, %swap3A_2369, %swap3A_2370] : memref<4x32x384xf32, #tpu.memory_space<vmem>>, vector<1x1x384xf32>
      %swap3A_2372 = vector.shape_cast %swap3A_2371 : vector<1x1x384xf32> to vector<384xf32>
      %swap3A_2373 = vector.shape_cast %div3A_2367 : vector<384xf32> to vector<1x1x384xf32>
      tpu.vector_store %arg15[%swap3A_2368, %swap3A_2369, %swap3A_2370], %swap3A_2373 {strides = array<i32>} : memref<4x32x384xf32, #tpu.memory_space<vmem>>, vector<1x1x384xf32>,
      %slice3A_2374 = vector.extract_strided_slice %get3A_9 {offsets = [21, 0], sizes = [1, 1], strides = [1, 1]} : vector<32x5xf32> to vector<1x1xf32>
      %get3A_2375 = arith.constant 0 : index
      %get3A_2376 = arith.constant 0 : index
      %get3A_2377 = arith.constant 0 : index
      %get3A_2378 = vector.load %arg4[%get3A_2375, %get3A_2376, %get3A_2377] : memref<5x15x384xf32, #tpu.memory_space<vmem>>, vector<1x15x384xf32>
      %get3A_2379 = vector.shape_cast %get3A_2378 : vector<1x15x384xf32> to vector<15x384xf32>
      %mul3A_2380 = vector.broadcast %slice3A_2374 : vector<1x1xf32> to vector<15x384xf32>
      %mul3A_2381 = arith.mulf %mul3A_2380, %get3A_2379 : vector<15x384xf32>
      %slice3A_2382 = vector.extract_strided_slice %get3A_9 {offsets = [21, 0], sizes = [1, 1], strides = [1, 1]} : vector<32x5xf32> to vector<1x1xf32>
      %get3A_2383 = arith.constant 0 : index
      %get3A_2384 = arith.constant 0 : index
      %get3A_2385 = arith.constant 0 : index
      %get3A_2386 = vector.load %arg5[%get3A_2383, %get3A_2384, %get3A_2385] : memref<5x1x384xf32, #tpu.memory_space<vmem>>, vector<1x1x384xf32>
      %get3A_2387 = vector.shape_cast %get3A_2386 : vector<1x1x384xf32> to vector<1x384xf32>
      %mul3A_2388 = vector.broadcast %slice3A_2382 : vector<1x1xf32> to vector<1x384xf32>
      %mul3A_2389 = arith.mulf %mul3A_2388, %get3A_2387 : vector<1x384xf32>
      %slice3A_2390 = vector.extract_strided_slice %get3A_9 {offsets = [21, 1], sizes = [1, 1], strides = [1, 1]} : vector<32x5xf32> to vector<1x1xf32>
      %get3A_2391 = arith.constant 1 : index
      %get3A_2392 = arith.constant 0 : index
      %get3A_2393 = arith.constant 0 : index
      %get3A_2394 = vector.load %arg4[%get3A_2391, %get3A_2392, %get3A_2393] : memref<5x15x384xf32, #tpu.memory_space<vmem>>, vector<1x15x384xf32>
      %get3A_2395 = vector.shape_cast %get3A_2394 : vector<1x15x384xf32> to vector<15x384xf32>
      %mul3A_2396 = vector.broadcast %slice3A_2390 : vector<1x1xf32> to vector<15x384xf32>
      %mul3A_2397 = arith.mulf %mul3A_2396, %get3A_2395 : vector<15x384xf32>
      %add3A_2398 = arith.addf %mul3A_2381, %mul3A_2397 : vector<15x384xf32>
      %slice3A_2399 = vector.extract_strided_slice %get3A_9 {offsets = [21, 1], sizes = [1, 1], strides = [1, 1]} : vector<32x5xf32> to vector<1x1xf32>
      %get3A_2400 = arith.constant 1 : index
      %get3A_2401 = arith.constant 0 : index
      %get3A_2402 = arith.constant 0 : index
      %get3A_2403 = vector.load %arg5[%get3A_2400, %get3A_2401, %get3A_2402] : memref<5x1x384xf32, #tpu.memory_space<vmem>>, vector<1x1x384xf32>
      %get3A_2404 = vector.shape_cast %get3A_2403 : vector<1x1x384xf32> to vector<1x384xf32>
      %mul3A_2405 = vector.broadcast %slice3A_2399 : vector<1x1xf32> to vector<1x384xf32>
      %mul3A_2406 = arith.mulf %mul3A_2405, %get3A_2404 : vector<1x384xf32>
      %add3A_2407 = arith.addf %mul3A_2389, %mul3A_2406 : vector<1x384xf32>
      %slice3A_2408 = vector.extract_strided_slice %get3A_9 {offsets = [21, 2], sizes = [1, 1], strides = [1, 1]} : vector<32x5xf32> to vector<1x1xf32>
      %get3A_2409 = arith.constant 2 : index
      %get3A_2410 = arith.constant 0 : index
      %get3A_2411 = arith.constant 0 : index
      %get3A_2412 = vector.load %arg4[%get3A_2409, %get3A_2410, %get3A_2411] : memref<5x15x384xf32, #tpu.memory_space<vmem>>, vector<1x15x384xf32>
      %get3A_2413 = vector.shape_cast %get3A_2412 : vector<1x15x384xf32> to vector<15x384xf32>
      %mul3A_2414 = vector.broadcast %slice3A_2408 : vector<1x1xf32> to vector<15x384xf32>
      %mul3A_2415 = arith.mulf %mul3A_2414, %get3A_2413 : vector<15x384xf32>
      %add3A_2416 = arith.addf %add3A_2398, %mul3A_2415 : vector<15x384xf32>
      %slice3A_2417 = vector.extract_strided_slice %get3A_9 {offsets = [21, 2], sizes = [1, 1], strides = [1, 1]} : vector<32x5xf32> to vector<1x1xf32>
      %get3A_2418 = arith.constant 2 : index
      %get3A_2419 = arith.constant 0 : index
      %get3A_2420 = arith.constant 0 : index
      %get3A_2421 = vector.load %arg5[%get3A_2418, %get3A_2419, %get3A_2420] : memref<5x1x384xf32, #tpu.memory_space<vmem>>, vector<1x1x384xf32>
      %get3A_2422 = vector.shape_cast %get3A_2421 : vector<1x1x384xf32> to vector<1x384xf32>
      %mul3A_2423 = vector.broadcast %slice3A_2417 : vector<1x1xf32> to vector<1x384xf32>
      %mul3A_2424 = arith.mulf %mul3A_2423, %get3A_2422 : vector<1x384xf32>
      %add3A_2425 = arith.addf %add3A_2407, %mul3A_2424 : vector<1x384xf32>
      %slice3A_2426 = vector.extract_strided_slice %get3A_9 {offsets = [21, 3], sizes = [1, 1], strides = [1, 1]} : vector<32x5xf32> to vector<1x1xf32>
      %get3A_2427 = arith.constant 3 : index
      %get3A_2428 = arith.constant 0 : index
      %get3A_2429 = arith.constant 0 : index
      %get3A_2430 = vector.load %arg4[%get3A_2427, %get3A_2428, %get3A_2429] : memref<5x15x384xf32, #tpu.memory_space<vmem>>, vector<1x15x384xf32>
      %get3A_2431 = vector.shape_cast %get3A_2430 : vector<1x15x384xf32> to vector<15x384xf32>
      %mul3A_2432 = vector.broadcast %slice3A_2426 : vector<1x1xf32> to vector<15x384xf32>
      %mul3A_2433 = arith.mulf %mul3A_2432, %get3A_2431 : vector<15x384xf32>
      %add3A_2434 = arith.addf %add3A_2416, %mul3A_2433 : vector<15x384xf32>
      %slice3A_2435 = vector.extract_strided_slice %get3A_9 {offsets = [21, 3], sizes = [1, 1], strides = [1, 1]} : vector<32x5xf32> to vector<1x1xf32>
      %get3A_2436 = arith.constant 3 : index
      %get3A_2437 = arith.constant 0 : index
      %get3A_2438 = arith.constant 0 : index
      %get3A_2439 = vector.load %arg5[%get3A_2436, %get3A_2437, %get3A_2438] : memref<5x1x384xf32, #tpu.memory_space<vmem>>, vector<1x1x384xf32>
      %get3A_2440 = vector.shape_cast %get3A_2439 : vector<1x1x384xf32> to vector<1x384xf32>
      %mul3A_2441 = vector.broadcast %slice3A_2435 : vector<1x1xf32> to vector<1x384xf32>
      %mul3A_2442 = arith.mulf %mul3A_2441, %get3A_2440 : vector<1x384xf32>
      %add3A_2443 = arith.addf %add3A_2425, %mul3A_2442 : vector<1x384xf32>
      %slice3A_2444 = vector.extract_strided_slice %get3A_9 {offsets = [21, 4], sizes = [1, 1], strides = [1, 1]} : vector<32x5xf32> to vector<1x1xf32>
      %get3A_2445 = arith.constant 4 : index
      %get3A_2446 = arith.constant 0 : index
      %get3A_2447 = arith.constant 0 : index
      %get3A_2448 = vector.load %arg4[%get3A_2445, %get3A_2446, %get3A_2447] : memref<5x15x384xf32, #tpu.memory_space<vmem>>, vector<1x15x384xf32>
      %get3A_2449 = vector.shape_cast %get3A_2448 : vector<1x15x384xf32> to vector<15x384xf32>
      %mul3A_2450 = vector.broadcast %slice3A_2444 : vector<1x1xf32> to vector<15x384xf32>
      %mul3A_2451 = arith.mulf %mul3A_2450, %get3A_2449 : vector<15x384xf32>
      %add3A_2452 = arith.addf %add3A_2434, %mul3A_2451 : vector<15x384xf32>
      %slice3A_2453 = vector.extract_strided_slice %get3A_9 {offsets = [21, 4], sizes = [1, 1], strides = [1, 1]} : vector<32x5xf32> to vector<1x1xf32>
      %get3A_2454 = arith.constant 4 : index
      %get3A_2455 = arith.constant 0 : index
      %get3A_2456 = arith.constant 0 : index
      %get3A_2457 = vector.load %arg5[%get3A_2454, %get3A_2455, %get3A_2456] : memref<5x1x384xf32, #tpu.memory_space<vmem>>, vector<1x1x384xf32>
      %get3A_2458 = vector.shape_cast %get3A_2457 : vector<1x1x384xf32> to vector<1x384xf32>
      %mul3A_2459 = vector.broadcast %slice3A_2453 : vector<1x1xf32> to vector<1x384xf32>
      %mul3A_2460 = arith.mulf %mul3A_2459, %get3A_2458 : vector<1x384xf32>
      %add3A_2461 = arith.addf %add3A_2443, %mul3A_2460 : vector<1x384xf32>
      %get3A_2462 = arith.constant 21 : index
      %get3A_2463 = arith.constant 0 : index
      %get3A_2464 = arith.constant 0 : index
      %get3A_2465 = arith.constant 0 : index
      %get3A_2466 = vector.load %arg3[%get3A_2462, %get3A_2463, %get3A_2464, %get3A_2465] : memref<32x10x32x15xf32, #tpu.memory_space<vmem>>, vector<1x10x32x15xf32>
      %get3A_2467 = vector.shape_cast %get3A_2466 : vector<1x10x32x15xf32> to vector<10x32x15xf32>
      %reshape3A_2468 = vector.shape_cast %get3A_2467 : vector<10x32x15xf32> to vector<320x15xf32>
      %dot_general3A_2469 = arith.constant dense<0.000000e+00> : vector<320x384xf32>
      %dot_general3A_2470 = tpu.matmul %reshape3A_2468, %add3A_2452, %dot_general3A_2469 {dimension_numbers = #tpu.dot_dimension_numbers<[1], [0], [0], [1], [0, 0, 1, 1], [], []>, transpose_lhs_hint = false} : vector<320x15xf32>, vector<15x384xf32>, vector<320x384xf32> -> vector<320x384xf32>
      %add3A_2471 = vector.broadcast %add3A_2461 : vector<1x384xf32> to vector<320x384xf32>
      %add3A_2472 = arith.addf %dot_general3A_2470, %add3A_2471 : vector<320x384xf32>
      %max3A_2473 = arith.constant 0.000000e+00 : f32
      %max3A_2474 = vector.broadcast %max3A_2473 : f32 to vector<320x384xf32>
      %max3A_2475 = arith.maximumf %add3A_2472, %max3A_2474 : vector<320x384xf32>
      %reduce_sum3A_2476 = arith.constant dense<0.000000e+00> : vector<384xf32>
      %reduce_sum3A_2477 = vector.multi_reduction <add>, %max3A_2475, %reduce_sum3A_2476 [0] : vector<320x384xf32> to vector<384xf32>
      %div3A_2478 = arith.constant 3.200000e+02 : f32
      %div3A_2479 = vector.broadcast %div3A_2478 : f32 to vector<384xf32>
      %div3A_2480 = arith.divf %reduce_sum3A_2477, %div3A_2479 : vector<384xf32>
      %swap3A_2481 = arith.index_cast %arg0 : i32 to index
      %swap3A_2482 = arith.constant 21 : index
      %swap3A_2483 = arith.constant 0 : index
      %swap3A_2484 = vector.load %arg15[%swap3A_2481, %swap3A_2482, %swap3A_2483] : memref<4x32x384xf32, #tpu.memory_space<vmem>>, vector<1x1x384xf32>
      %swap3A_2485 = vector.shape_cast %swap3A_2484 : vector<1x1x384xf32> to vector<384xf32>
      %swap3A_2486 = vector.shape_cast %div3A_2480 : vector<384xf32> to vector<1x1x384xf32>
      tpu.vector_store %arg15[%swap3A_2481, %swap3A_2482, %swap3A_2483], %swap3A_2486 {strides = array<i32>} : memref<4x32x384xf32, #tpu.memory_space<vmem>>, vector<1x1x384xf32>,
      %slice3A_2487 = vector.extract_strided_slice %get3A_9 {offsets = [22, 0], sizes = [1, 1], strides = [1, 1]} : vector<32x5xf32> to vector<1x1xf32>
      %get3A_2488 = arith.constant 0 : index
      %get3A_2489 = arith.constant 0 : index
      %get3A_2490 = arith.constant 0 : index
      %get3A_2491 = vector.load %arg4[%get3A_2488, %get3A_2489, %get3A_2490] : memref<5x15x384xf32, #tpu.memory_space<vmem>>, vector<1x15x384xf32>
      %get3A_2492 = vector.shape_cast %get3A_2491 : vector<1x15x384xf32> to vector<15x384xf32>
      %mul3A_2493 = vector.broadcast %slice3A_2487 : vector<1x1xf32> to vector<15x384xf32>
      %mul3A_2494 = arith.mulf %mul3A_2493, %get3A_2492 : vector<15x384xf32>
      %slice3A_2495 = vector.extract_strided_slice %get3A_9 {offsets = [22, 0], sizes = [1, 1], strides = [1, 1]} : vector<32x5xf32> to vector<1x1xf32>
      %get3A_2496 = arith.constant 0 : index
      %get3A_2497 = arith.constant 0 : index
      %get3A_2498 = arith.constant 0 : index
      %get3A_2499 = vector.load %arg5[%get3A_2496, %get3A_2497, %get3A_2498] : memref<5x1x384xf32, #tpu.memory_space<vmem>>, vector<1x1x384xf32>
      %get3A_2500 = vector.shape_cast %get3A_2499 : vector<1x1x384xf32> to vector<1x384xf32>
      %mul3A_2501 = vector.broadcast %slice3A_2495 : vector<1x1xf32> to vector<1x384xf32>
      %mul3A_2502 = arith.mulf %mul3A_2501, %get3A_2500 : vector<1x384xf32>
      %slice3A_2503 = vector.extract_strided_slice %get3A_9 {offsets = [22, 1], sizes = [1, 1], strides = [1, 1]} : vector<32x5xf32> to vector<1x1xf32>
      %get3A_2504 = arith.constant 1 : index
      %get3A_2505 = arith.constant 0 : index
      %get3A_2506 = arith.constant 0 : index
      %get3A_2507 = vector.load %arg4[%get3A_2504, %get3A_2505, %get3A_2506] : memref<5x15x384xf32, #tpu.memory_space<vmem>>, vector<1x15x384xf32>
      %get3A_2508 = vector.shape_cast %get3A_2507 : vector<1x15x384xf32> to vector<15x384xf32>
      %mul3A_2509 = vector.broadcast %slice3A_2503 : vector<1x1xf32> to vector<15x384xf32>
      %mul3A_2510 = arith.mulf %mul3A_2509, %get3A_2508 : vector<15x384xf32>
      %add3A_2511 = arith.addf %mul3A_2494, %mul3A_2510 : vector<15x384xf32>
      %slice3A_2512 = vector.extract_strided_slice %get3A_9 {offsets = [22, 1], sizes = [1, 1], strides = [1, 1]} : vector<32x5xf32> to vector<1x1xf32>
      %get3A_2513 = arith.constant 1 : index
      %get3A_2514 = arith.constant 0 : index
      %get3A_2515 = arith.constant 0 : index
      %get3A_2516 = vector.load %arg5[%get3A_2513, %get3A_2514, %get3A_2515] : memref<5x1x384xf32, #tpu.memory_space<vmem>>, vector<1x1x384xf32>
      %get3A_2517 = vector.shape_cast %get3A_2516 : vector<1x1x384xf32> to vector<1x384xf32>
      %mul3A_2518 = vector.broadcast %slice3A_2512 : vector<1x1xf32> to vector<1x384xf32>
      %mul3A_2519 = arith.mulf %mul3A_2518, %get3A_2517 : vector<1x384xf32>
      %add3A_2520 = arith.addf %mul3A_2502, %mul3A_2519 : vector<1x384xf32>
      %slice3A_2521 = vector.extract_strided_slice %get3A_9 {offsets = [22, 2], sizes = [1, 1], strides = [1, 1]} : vector<32x5xf32> to vector<1x1xf32>
      %get3A_2522 = arith.constant 2 : index
      %get3A_2523 = arith.constant 0 : index
      %get3A_2524 = arith.constant 0 : index
      %get3A_2525 = vector.load %arg4[%get3A_2522, %get3A_2523, %get3A_2524] : memref<5x15x384xf32, #tpu.memory_space<vmem>>, vector<1x15x384xf32>
      %get3A_2526 = vector.shape_cast %get3A_2525 : vector<1x15x384xf32> to vector<15x384xf32>
      %mul3A_2527 = vector.broadcast %slice3A_2521 : vector<1x1xf32> to vector<15x384xf32>
      %mul3A_2528 = arith.mulf %mul3A_2527, %get3A_2526 : vector<15x384xf32>
      %add3A_2529 = arith.addf %add3A_2511, %mul3A_2528 : vector<15x384xf32>
      %slice3A_2530 = vector.extract_strided_slice %get3A_9 {offsets = [22, 2], sizes = [1, 1], strides = [1, 1]} : vector<32x5xf32> to vector<1x1xf32>
      %get3A_2531 = arith.constant 2 : index
      %get3A_2532 = arith.constant 0 : index
      %get3A_2533 = arith.constant 0 : index
      %get3A_2534 = vector.load %arg5[%get3A_2531, %get3A_2532, %get3A_2533] : memref<5x1x384xf32, #tpu.memory_space<vmem>>, vector<1x1x384xf32>
      %get3A_2535 = vector.shape_cast %get3A_2534 : vector<1x1x384xf32> to vector<1x384xf32>
      %mul3A_2536 = vector.broadcast %slice3A_2530 : vector<1x1xf32> to vector<1x384xf32>
      %mul3A_2537 = arith.mulf %mul3A_2536, %get3A_2535 : vector<1x384xf32>
      %add3A_2538 = arith.addf %add3A_2520, %mul3A_2537 : vector<1x384xf32>
      %slice3A_2539 = vector.extract_strided_slice %get3A_9 {offsets = [22, 3], sizes = [1, 1], strides = [1, 1]} : vector<32x5xf32> to vector<1x1xf32>
      %get3A_2540 = arith.constant 3 : index
      %get3A_2541 = arith.constant 0 : index
      %get3A_2542 = arith.constant 0 : index
      %get3A_2543 = vector.load %arg4[%get3A_2540, %get3A_2541, %get3A_2542] : memref<5x15x384xf32, #tpu.memory_space<vmem>>, vector<1x15x384xf32>
      %get3A_2544 = vector.shape_cast %get3A_2543 : vector<1x15x384xf32> to vector<15x384xf32>
      %mul3A_2545 = vector.broadcast %slice3A_2539 : vector<1x1xf32> to vector<15x384xf32>
      %mul3A_2546 = arith.mulf %mul3A_2545, %get3A_2544 : vector<15x384xf32>
      %add3A_2547 = arith.addf %add3A_2529, %mul3A_2546 : vector<15x384xf32>
      %slice3A_2548 = vector.extract_strided_slice %get3A_9 {offsets = [22, 3], sizes = [1, 1], strides = [1, 1]} : vector<32x5xf32> to vector<1x1xf32>
      %get3A_2549 = arith.constant 3 : index
      %get3A_2550 = arith.constant 0 : index
      %get3A_2551 = arith.constant 0 : index
      %get3A_2552 = vector.load %arg5[%get3A_2549, %get3A_2550, %get3A_2551] : memref<5x1x384xf32, #tpu.memory_space<vmem>>, vector<1x1x384xf32>
      %get3A_2553 = vector.shape_cast %get3A_2552 : vector<1x1x384xf32> to vector<1x384xf32>
      %mul3A_2554 = vector.broadcast %slice3A_2548 : vector<1x1xf32> to vector<1x384xf32>
      %mul3A_2555 = arith.mulf %mul3A_2554, %get3A_2553 : vector<1x384xf32>
      %add3A_2556 = arith.addf %add3A_2538, %mul3A_2555 : vector<1x384xf32>
      %slice3A_2557 = vector.extract_strided_slice %get3A_9 {offsets = [22, 4], sizes = [1, 1], strides = [1, 1]} : vector<32x5xf32> to vector<1x1xf32>
      %get3A_2558 = arith.constant 4 : index
      %get3A_2559 = arith.constant 0 : index
      %get3A_2560 = arith.constant 0 : index
      %get3A_2561 = vector.load %arg4[%get3A_2558, %get3A_2559, %get3A_2560] : memref<5x15x384xf32, #tpu.memory_space<vmem>>, vector<1x15x384xf32>
      %get3A_2562 = vector.shape_cast %get3A_2561 : vector<1x15x384xf32> to vector<15x384xf32>
      %mul3A_2563 = vector.broadcast %slice3A_2557 : vector<1x1xf32> to vector<15x384xf32>
      %mul3A_2564 = arith.mulf %mul3A_2563, %get3A_2562 : vector<15x384xf32>
      %add3A_2565 = arith.addf %add3A_2547, %mul3A_2564 : vector<15x384xf32>
      %slice3A_2566 = vector.extract_strided_slice %get3A_9 {offsets = [22, 4], sizes = [1, 1], strides = [1, 1]} : vector<32x5xf32> to vector<1x1xf32>
      %get3A_2567 = arith.constant 4 : index
      %get3A_2568 = arith.constant 0 : index
      %get3A_2569 = arith.constant 0 : index
      %get3A_2570 = vector.load %arg5[%get3A_2567, %get3A_2568, %get3A_2569] : memref<5x1x384xf32, #tpu.memory_space<vmem>>, vector<1x1x384xf32>
      %get3A_2571 = vector.shape_cast %get3A_2570 : vector<1x1x384xf32> to vector<1x384xf32>
      %mul3A_2572 = vector.broadcast %slice3A_2566 : vector<1x1xf32> to vector<1x384xf32>
      %mul3A_2573 = arith.mulf %mul3A_2572, %get3A_2571 : vector<1x384xf32>
      %add3A_2574 = arith.addf %add3A_2556, %mul3A_2573 : vector<1x384xf32>
      %get3A_2575 = arith.constant 22 : index
      %get3A_2576 = arith.constant 0 : index
      %get3A_2577 = arith.constant 0 : index
      %get3A_2578 = arith.constant 0 : index
      %get3A_2579 = vector.load %arg3[%get3A_2575, %get3A_2576, %get3A_2577, %get3A_2578] : memref<32x10x32x15xf32, #tpu.memory_space<vmem>>, vector<1x10x32x15xf32>
      %get3A_2580 = vector.shape_cast %get3A_2579 : vector<1x10x32x15xf32> to vector<10x32x15xf32>
      %reshape3A_2581 = vector.shape_cast %get3A_2580 : vector<10x32x15xf32> to vector<320x15xf32>
      %dot_general3A_2582 = arith.constant dense<0.000000e+00> : vector<320x384xf32>
      %dot_general3A_2583 = tpu.matmul %reshape3A_2581, %add3A_2565, %dot_general3A_2582 {dimension_numbers = #tpu.dot_dimension_numbers<[1], [0], [0], [1], [0, 0, 1, 1], [], []>, transpose_lhs_hint = false} : vector<320x15xf32>, vector<15x384xf32>, vector<320x384xf32> -> vector<320x384xf32>
      %add3A_2584 = vector.broadcast %add3A_2574 : vector<1x384xf32> to vector<320x384xf32>
      %add3A_2585 = arith.addf %dot_general3A_2583, %add3A_2584 : vector<320x384xf32>
      %max3A_2586 = arith.constant 0.000000e+00 : f32
      %max3A_2587 = vector.broadcast %max3A_2586 : f32 to vector<320x384xf32>
      %max3A_2588 = arith.maximumf %add3A_2585, %max3A_2587 : vector<320x384xf32>
      %reduce_sum3A_2589 = arith.constant dense<0.000000e+00> : vector<384xf32>
      %reduce_sum3A_2590 = vector.multi_reduction <add>, %max3A_2588, %reduce_sum3A_2589 [0] : vector<320x384xf32> to vector<384xf32>
      %div3A_2591 = arith.constant 3.200000e+02 : f32
      %div3A_2592 = vector.broadcast %div3A_2591 : f32 to vector<384xf32>
      %div3A_2593 = arith.divf %reduce_sum3A_2590, %div3A_2592 : vector<384xf32>
      %swap3A_2594 = arith.index_cast %arg0 : i32 to index
      %swap3A_2595 = arith.constant 22 : index
      %swap3A_2596 = arith.constant 0 : index
      %swap3A_2597 = vector.load %arg15[%swap3A_2594, %swap3A_2595, %swap3A_2596] : memref<4x32x384xf32, #tpu.memory_space<vmem>>, vector<1x1x384xf32>
      %swap3A_2598 = vector.shape_cast %swap3A_2597 : vector<1x1x384xf32> to vector<384xf32>
      %swap3A_2599 = vector.shape_cast %div3A_2593 : vector<384xf32> to vector<1x1x384xf32>
      tpu.vector_store %arg15[%swap3A_2594, %swap3A_2595, %swap3A_2596], %swap3A_2599 {strides = array<i32>} : memref<4x32x384xf32, #tpu.memory_space<vmem>>, vector<1x1x384xf32>,
      %slice3A_2600 = vector.extract_strided_slice %get3A_9 {offsets = [23, 0], sizes = [1, 1], strides = [1, 1]} : vector<32x5xf32> to vector<1x1xf32>
      %get3A_2601 = arith.constant 0 : index
      %get3A_2602 = arith.constant 0 : index
      %get3A_2603 = arith.constant 0 : index
      %get3A_2604 = vector.load %arg4[%get3A_2601, %get3A_2602, %get3A_2603] : memref<5x15x384xf32, #tpu.memory_space<vmem>>, vector<1x15x384xf32>
      %get3A_2605 = vector.shape_cast %get3A_2604 : vector<1x15x384xf32> to vector<15x384xf32>
      %mul3A_2606 = vector.broadcast %slice3A_2600 : vector<1x1xf32> to vector<15x384xf32>
      %mul3A_2607 = arith.mulf %mul3A_2606, %get3A_2605 : vector<15x384xf32>
      %slice3A_2608 = vector.extract_strided_slice %get3A_9 {offsets = [23, 0], sizes = [1, 1], strides = [1, 1]} : vector<32x5xf32> to vector<1x1xf32>
      %get3A_2609 = arith.constant 0 : index
      %get3A_2610 = arith.constant 0 : index
      %get3A_2611 = arith.constant 0 : index
      %get3A_2612 = vector.load %arg5[%get3A_2609, %get3A_2610, %get3A_2611] : memref<5x1x384xf32, #tpu.memory_space<vmem>>, vector<1x1x384xf32>
      %get3A_2613 = vector.shape_cast %get3A_2612 : vector<1x1x384xf32> to vector<1x384xf32>
      %mul3A_2614 = vector.broadcast %slice3A_2608 : vector<1x1xf32> to vector<1x384xf32>
      %mul3A_2615 = arith.mulf %mul3A_2614, %get3A_2613 : vector<1x384xf32>
      %slice3A_2616 = vector.extract_strided_slice %get3A_9 {offsets = [23, 1], sizes = [1, 1], strides = [1, 1]} : vector<32x5xf32> to vector<1x1xf32>
      %get3A_2617 = arith.constant 1 : index
      %get3A_2618 = arith.constant 0 : index
      %get3A_2619 = arith.constant 0 : index
      %get3A_2620 = vector.load %arg4[%get3A_2617, %get3A_2618, %get3A_2619] : memref<5x15x384xf32, #tpu.memory_space<vmem>>, vector<1x15x384xf32>
      %get3A_2621 = vector.shape_cast %get3A_2620 : vector<1x15x384xf32> to vector<15x384xf32>
      %mul3A_2622 = vector.broadcast %slice3A_2616 : vector<1x1xf32> to vector<15x384xf32>
      %mul3A_2623 = arith.mulf %mul3A_2622, %get3A_2621 : vector<15x384xf32>
      %add3A_2624 = arith.addf %mul3A_2607, %mul3A_2623 : vector<15x384xf32>
      %slice3A_2625 = vector.extract_strided_slice %get3A_9 {offsets = [23, 1], sizes = [1, 1], strides = [1, 1]} : vector<32x5xf32> to vector<1x1xf32>
      %get3A_2626 = arith.constant 1 : index
      %get3A_2627 = arith.constant 0 : index
      %get3A_2628 = arith.constant 0 : index
      %get3A_2629 = vector.load %arg5[%get3A_2626, %get3A_2627, %get3A_2628] : memref<5x1x384xf32, #tpu.memory_space<vmem>>, vector<1x1x384xf32>
      %get3A_2630 = vector.shape_cast %get3A_2629 : vector<1x1x384xf32> to vector<1x384xf32>
      %mul3A_2631 = vector.broadcast %slice3A_2625 : vector<1x1xf32> to vector<1x384xf32>
      %mul3A_2632 = arith.mulf %mul3A_2631, %get3A_2630 : vector<1x384xf32>
      %add3A_2633 = arith.addf %mul3A_2615, %mul3A_2632 : vector<1x384xf32>
      %slice3A_2634 = vector.extract_strided_slice %get3A_9 {offsets = [23, 2], sizes = [1, 1], strides = [1, 1]} : vector<32x5xf32> to vector<1x1xf32>
      %get3A_2635 = arith.constant 2 : index
      %get3A_2636 = arith.constant 0 : index
      %get3A_2637 = arith.constant 0 : index
      %get3A_2638 = vector.load %arg4[%get3A_2635, %get3A_2636, %get3A_2637] : memref<5x15x384xf32, #tpu.memory_space<vmem>>, vector<1x15x384xf32>
      %get3A_2639 = vector.shape_cast %get3A_2638 : vector<1x15x384xf32> to vector<15x384xf32>
      %mul3A_2640 = vector.broadcast %slice3A_2634 : vector<1x1xf32> to vector<15x384xf32>
      %mul3A_2641 = arith.mulf %mul3A_2640, %get3A_2639 : vector<15x384xf32>
      %add3A_2642 = arith.addf %add3A_2624, %mul3A_2641 : vector<15x384xf32>
      %slice3A_2643 = vector.extract_strided_slice %get3A_9 {offsets = [23, 2], sizes = [1, 1], strides = [1, 1]} : vector<32x5xf32> to vector<1x1xf32>
      %get3A_2644 = arith.constant 2 : index
      %get3A_2645 = arith.constant 0 : index
      %get3A_2646 = arith.constant 0 : index
      %get3A_2647 = vector.load %arg5[%get3A_2644, %get3A_2645, %get3A_2646] : memref<5x1x384xf32, #tpu.memory_space<vmem>>, vector<1x1x384xf32>
      %get3A_2648 = vector.shape_cast %get3A_2647 : vector<1x1x384xf32> to vector<1x384xf32>
      %mul3A_2649 = vector.broadcast %slice3A_2643 : vector<1x1xf32> to vector<1x384xf32>
      %mul3A_2650 = arith.mulf %mul3A_2649, %get3A_2648 : vector<1x384xf32>
      %add3A_2651 = arith.addf %add3A_2633, %mul3A_2650 : vector<1x384xf32>
      %slice3A_2652 = vector.extract_strided_slice %get3A_9 {offsets = [23, 3], sizes = [1, 1], strides = [1, 1]} : vector<32x5xf32> to vector<1x1xf32>
      %get3A_2653 = arith.constant 3 : index
      %get3A_2654 = arith.constant 0 : index
      %get3A_2655 = arith.constant 0 : index
      %get3A_2656 = vector.load %arg4[%get3A_2653, %get3A_2654, %get3A_2655] : memref<5x15x384xf32, #tpu.memory_space<vmem>>, vector<1x15x384xf32>
      %get3A_2657 = vector.shape_cast %get3A_2656 : vector<1x15x384xf32> to vector<15x384xf32>
      %mul3A_2658 = vector.broadcast %slice3A_2652 : vector<1x1xf32> to vector<15x384xf32>
      %mul3A_2659 = arith.mulf %mul3A_2658, %get3A_2657 : vector<15x384xf32>
      %add3A_2660 = arith.addf %add3A_2642, %mul3A_2659 : vector<15x384xf32>
      %slice3A_2661 = vector.extract_strided_slice %get3A_9 {offsets = [23, 3], sizes = [1, 1], strides = [1, 1]} : vector<32x5xf32> to vector<1x1xf32>
      %get3A_2662 = arith.constant 3 : index
      %get3A_2663 = arith.constant 0 : index
      %get3A_2664 = arith.constant 0 : index
      %get3A_2665 = vector.load %arg5[%get3A_2662, %get3A_2663, %get3A_2664] : memref<5x1x384xf32, #tpu.memory_space<vmem>>, vector<1x1x384xf32>
      %get3A_2666 = vector.shape_cast %get3A_2665 : vector<1x1x384xf32> to vector<1x384xf32>
      %mul3A_2667 = vector.broadcast %slice3A_2661 : vector<1x1xf32> to vector<1x384xf32>
      %mul3A_2668 = arith.mulf %mul3A_2667, %get3A_2666 : vector<1x384xf32>
      %add3A_2669 = arith.addf %add3A_2651, %mul3A_2668 : vector<1x384xf32>
      %slice3A_2670 = vector.extract_strided_slice %get3A_9 {offsets = [23, 4], sizes = [1, 1], strides = [1, 1]} : vector<32x5xf32> to vector<1x1xf32>
      %get3A_2671 = arith.constant 4 : index
      %get3A_2672 = arith.constant 0 : index
      %get3A_2673 = arith.constant 0 : index
      %get3A_2674 = vector.load %arg4[%get3A_2671, %get3A_2672, %get3A_2673] : memref<5x15x384xf32, #tpu.memory_space<vmem>>, vector<1x15x384xf32>
      %get3A_2675 = vector.shape_cast %get3A_2674 : vector<1x15x384xf32> to vector<15x384xf32>
      %mul3A_2676 = vector.broadcast %slice3A_2670 : vector<1x1xf32> to vector<15x384xf32>
      %mul3A_2677 = arith.mulf %mul3A_2676, %get3A_2675 : vector<15x384xf32>
      %add3A_2678 = arith.addf %add3A_2660, %mul3A_2677 : vector<15x384xf32>
      %slice3A_2679 = vector.extract_strided_slice %get3A_9 {offsets = [23, 4], sizes = [1, 1], strides = [1, 1]} : vector<32x5xf32> to vector<1x1xf32>
      %get3A_2680 = arith.constant 4 : index
      %get3A_2681 = arith.constant 0 : index
      %get3A_2682 = arith.constant 0 : index
      %get3A_2683 = vector.load %arg5[%get3A_2680, %get3A_2681, %get3A_2682] : memref<5x1x384xf32, #tpu.memory_space<vmem>>, vector<1x1x384xf32>
      %get3A_2684 = vector.shape_cast %get3A_2683 : vector<1x1x384xf32> to vector<1x384xf32>
      %mul3A_2685 = vector.broadcast %slice3A_2679 : vector<1x1xf32> to vector<1x384xf32>
      %mul3A_2686 = arith.mulf %mul3A_2685, %get3A_2684 : vector<1x384xf32>
      %add3A_2687 = arith.addf %add3A_2669, %mul3A_2686 : vector<1x384xf32>
      %get3A_2688 = arith.constant 23 : index
      %get3A_2689 = arith.constant 0 : index
      %get3A_2690 = arith.constant 0 : index
      %get3A_2691 = arith.constant 0 : index
      %get3A_2692 = vector.load %arg3[%get3A_2688, %get3A_2689, %get3A_2690, %get3A_2691] : memref<32x10x32x15xf32, #tpu.memory_space<vmem>>, vector<1x10x32x15xf32>
      %get3A_2693 = vector.shape_cast %get3A_2692 : vector<1x10x32x15xf32> to vector<10x32x15xf32>
      %reshape3A_2694 = vector.shape_cast %get3A_2693 : vector<10x32x15xf32> to vector<320x15xf32>
      %dot_general3A_2695 = arith.constant dense<0.000000e+00> : vector<320x384xf32>
      %dot_general3A_2696 = tpu.matmul %reshape3A_2694, %add3A_2678, %dot_general3A_2695 {dimension_numbers = #tpu.dot_dimension_numbers<[1], [0], [0], [1], [0, 0, 1, 1], [], []>, transpose_lhs_hint = false} : vector<320x15xf32>, vector<15x384xf32>, vector<320x384xf32> -> vector<320x384xf32>
      %add3A_2697 = vector.broadcast %add3A_2687 : vector<1x384xf32> to vector<320x384xf32>
      %add3A_2698 = arith.addf %dot_general3A_2696, %add3A_2697 : vector<320x384xf32>
      %max3A_2699 = arith.constant 0.000000e+00 : f32
      %max3A_2700 = vector.broadcast %max3A_2699 : f32 to vector<320x384xf32>
      %max3A_2701 = arith.maximumf %add3A_2698, %max3A_2700 : vector<320x384xf32>
      %reduce_sum3A_2702 = arith.constant dense<0.000000e+00> : vector<384xf32>
      %reduce_sum3A_2703 = vector.multi_reduction <add>, %max3A_2701, %reduce_sum3A_2702 [0] : vector<320x384xf32> to vector<384xf32>
      %div3A_2704 = arith.constant 3.200000e+02 : f32
      %div3A_2705 = vector.broadcast %div3A_2704 : f32 to vector<384xf32>
      %div3A_2706 = arith.divf %reduce_sum3A_2703, %div3A_2705 : vector<384xf32>
      %swap3A_2707 = arith.index_cast %arg0 : i32 to index
      %swap3A_2708 = arith.constant 23 : index
      %swap3A_2709 = arith.constant 0 : index
      %swap3A_2710 = vector.load %arg15[%swap3A_2707, %swap3A_2708, %swap3A_2709] : memref<4x32x384xf32, #tpu.memory_space<vmem>>, vector<1x1x384xf32>
      %swap3A_2711 = vector.shape_cast %swap3A_2710 : vector<1x1x384xf32> to vector<384xf32>
      %swap3A_2712 = vector.shape_cast %div3A_2706 : vector<384xf32> to vector<1x1x384xf32>
      tpu.vector_store %arg15[%swap3A_2707, %swap3A_2708, %swap3A_2709], %swap3A_2712 {strides = array<i32>} : memref<4x32x384xf32, #tpu.memory_space<vmem>>, vector<1x1x384xf32>,
      %slice3A_2713 = vector.extract_strided_slice %get3A_9 {offsets = [24, 0], sizes = [1, 1], strides = [1, 1]} : vector<32x5xf32> to vector<1x1xf32>
      %get3A_2714 = arith.constant 0 : index
      %get3A_2715 = arith.constant 0 : index
      %get3A_2716 = arith.constant 0 : index
      %get3A_2717 = vector.load %arg4[%get3A_2714, %get3A_2715, %get3A_2716] : memref<5x15x384xf32, #tpu.memory_space<vmem>>, vector<1x15x384xf32>
      %get3A_2718 = vector.shape_cast %get3A_2717 : vector<1x15x384xf32> to vector<15x384xf32>
      %mul3A_2719 = vector.broadcast %slice3A_2713 : vector<1x1xf32> to vector<15x384xf32>
      %mul3A_2720 = arith.mulf %mul3A_2719, %get3A_2718 : vector<15x384xf32>
      %slice3A_2721 = vector.extract_strided_slice %get3A_9 {offsets = [24, 0], sizes = [1, 1], strides = [1, 1]} : vector<32x5xf32> to vector<1x1xf32>
      %get3A_2722 = arith.constant 0 : index
      %get3A_2723 = arith.constant 0 : index
      %get3A_2724 = arith.constant 0 : index
      %get3A_2725 = vector.load %arg5[%get3A_2722, %get3A_2723, %get3A_2724] : memref<5x1x384xf32, #tpu.memory_space<vmem>>, vector<1x1x384xf32>
      %get3A_2726 = vector.shape_cast %get3A_2725 : vector<1x1x384xf32> to vector<1x384xf32>
      %mul3A_2727 = vector.broadcast %slice3A_2721 : vector<1x1xf32> to vector<1x384xf32>
      %mul3A_2728 = arith.mulf %mul3A_2727, %get3A_2726 : vector<1x384xf32>
      %slice3A_2729 = vector.extract_strided_slice %get3A_9 {offsets = [24, 1], sizes = [1, 1], strides = [1, 1]} : vector<32x5xf32> to vector<1x1xf32>
      %get3A_2730 = arith.constant 1 : index
      %get3A_2731 = arith.constant 0 : index
      %get3A_2732 = arith.constant 0 : index
      %get3A_2733 = vector.load %arg4[%get3A_2730, %get3A_2731, %get3A_2732] : memref<5x15x384xf32, #tpu.memory_space<vmem>>, vector<1x15x384xf32>
      %get3A_2734 = vector.shape_cast %get3A_2733 : vector<1x15x384xf32> to vector<15x384xf32>
      %mul3A_2735 = vector.broadcast %slice3A_2729 : vector<1x1xf32> to vector<15x384xf32>
      %mul3A_2736 = arith.mulf %mul3A_2735, %get3A_2734 : vector<15x384xf32>
      %add3A_2737 = arith.addf %mul3A_2720, %mul3A_2736 : vector<15x384xf32>
      %slice3A_2738 = vector.extract_strided_slice %get3A_9 {offsets = [24, 1], sizes = [1, 1], strides = [1, 1]} : vector<32x5xf32> to vector<1x1xf32>
      %get3A_2739 = arith.constant 1 : index
      %get3A_2740 = arith.constant 0 : index
      %get3A_2741 = arith.constant 0 : index
      %get3A_2742 = vector.load %arg5[%get3A_2739, %get3A_2740, %get3A_2741] : memref<5x1x384xf32, #tpu.memory_space<vmem>>, vector<1x1x384xf32>
      %get3A_2743 = vector.shape_cast %get3A_2742 : vector<1x1x384xf32> to vector<1x384xf32>
      %mul3A_2744 = vector.broadcast %slice3A_2738 : vector<1x1xf32> to vector<1x384xf32>
      %mul3A_2745 = arith.mulf %mul3A_2744, %get3A_2743 : vector<1x384xf32>
      %add3A_2746 = arith.addf %mul3A_2728, %mul3A_2745 : vector<1x384xf32>
      %slice3A_2747 = vector.extract_strided_slice %get3A_9 {offsets = [24, 2], sizes = [1, 1], strides = [1, 1]} : vector<32x5xf32> to vector<1x1xf32>
      %get3A_2748 = arith.constant 2 : index
      %get3A_2749 = arith.constant 0 : index
      %get3A_2750 = arith.constant 0 : index
      %get3A_2751 = vector.load %arg4[%get3A_2748, %get3A_2749, %get3A_2750] : memref<5x15x384xf32, #tpu.memory_space<vmem>>, vector<1x15x384xf32>
      %get3A_2752 = vector.shape_cast %get3A_2751 : vector<1x15x384xf32> to vector<15x384xf32>
      %mul3A_2753 = vector.broadcast %slice3A_2747 : vector<1x1xf32> to vector<15x384xf32>
      %mul3A_2754 = arith.mulf %mul3A_2753, %get3A_2752 : vector<15x384xf32>
      %add3A_2755 = arith.addf %add3A_2737, %mul3A_2754 : vector<15x384xf32>
      %slice3A_2756 = vector.extract_strided_slice %get3A_9 {offsets = [24, 2], sizes = [1, 1], strides = [1, 1]} : vector<32x5xf32> to vector<1x1xf32>
      %get3A_2757 = arith.constant 2 : index
      %get3A_2758 = arith.constant 0 : index
      %get3A_2759 = arith.constant 0 : index
      %get3A_2760 = vector.load %arg5[%get3A_2757, %get3A_2758, %get3A_2759] : memref<5x1x384xf32, #tpu.memory_space<vmem>>, vector<1x1x384xf32>
      %get3A_2761 = vector.shape_cast %get3A_2760 : vector<1x1x384xf32> to vector<1x384xf32>
      %mul3A_2762 = vector.broadcast %slice3A_2756 : vector<1x1xf32> to vector<1x384xf32>
      %mul3A_2763 = arith.mulf %mul3A_2762, %get3A_2761 : vector<1x384xf32>
      %add3A_2764 = arith.addf %add3A_2746, %mul3A_2763 : vector<1x384xf32>
      %slice3A_2765 = vector.extract_strided_slice %get3A_9 {offsets = [24, 3], sizes = [1, 1], strides = [1, 1]} : vector<32x5xf32> to vector<1x1xf32>
      %get3A_2766 = arith.constant 3 : index
      %get3A_2767 = arith.constant 0 : index
      %get3A_2768 = arith.constant 0 : index
      %get3A_2769 = vector.load %arg4[%get3A_2766, %get3A_2767, %get3A_2768] : memref<5x15x384xf32, #tpu.memory_space<vmem>>, vector<1x15x384xf32>
      %get3A_2770 = vector.shape_cast %get3A_2769 : vector<1x15x384xf32> to vector<15x384xf32>
      %mul3A_2771 = vector.broadcast %slice3A_2765 : vector<1x1xf32> to vector<15x384xf32>
      %mul3A_2772 = arith.mulf %mul3A_2771, %get3A_2770 : vector<15x384xf32>
      %add3A_2773 = arith.addf %add3A_2755, %mul3A_2772 : vector<15x384xf32>
      %slice3A_2774 = vector.extract_strided_slice %get3A_9 {offsets = [24, 3], sizes = [1, 1], strides = [1, 1]} : vector<32x5xf32> to vector<1x1xf32>
      %get3A_2775 = arith.constant 3 : index
      %get3A_2776 = arith.constant 0 : index
      %get3A_2777 = arith.constant 0 : index
      %get3A_2778 = vector.load %arg5[%get3A_2775, %get3A_2776, %get3A_2777] : memref<5x1x384xf32, #tpu.memory_space<vmem>>, vector<1x1x384xf32>
      %get3A_2779 = vector.shape_cast %get3A_2778 : vector<1x1x384xf32> to vector<1x384xf32>
      %mul3A_2780 = vector.broadcast %slice3A_2774 : vector<1x1xf32> to vector<1x384xf32>
      %mul3A_2781 = arith.mulf %mul3A_2780, %get3A_2779 : vector<1x384xf32>
      %add3A_2782 = arith.addf %add3A_2764, %mul3A_2781 : vector<1x384xf32>
      %slice3A_2783 = vector.extract_strided_slice %get3A_9 {offsets = [24, 4], sizes = [1, 1], strides = [1, 1]} : vector<32x5xf32> to vector<1x1xf32>
      %get3A_2784 = arith.constant 4 : index
      %get3A_2785 = arith.constant 0 : index
      %get3A_2786 = arith.constant 0 : index
      %get3A_2787 = vector.load %arg4[%get3A_2784, %get3A_2785, %get3A_2786] : memref<5x15x384xf32, #tpu.memory_space<vmem>>, vector<1x15x384xf32>
      %get3A_2788 = vector.shape_cast %get3A_2787 : vector<1x15x384xf32> to vector<15x384xf32>
      %mul3A_2789 = vector.broadcast %slice3A_2783 : vector<1x1xf32> to vector<15x384xf32>
      %mul3A_2790 = arith.mulf %mul3A_2789, %get3A_2788 : vector<15x384xf32>
      %add3A_2791 = arith.addf %add3A_2773, %mul3A_2790 : vector<15x384xf32>
      %slice3A_2792 = vector.extract_strided_slice %get3A_9 {offsets = [24, 4], sizes = [1, 1], strides = [1, 1]} : vector<32x5xf32> to vector<1x1xf32>
      %get3A_2793 = arith.constant 4 : index
      %get3A_2794 = arith.constant 0 : index
      %get3A_2795 = arith.constant 0 : index
      %get3A_2796 = vector.load %arg5[%get3A_2793, %get3A_2794, %get3A_2795] : memref<5x1x384xf32, #tpu.memory_space<vmem>>, vector<1x1x384xf32>
      %get3A_2797 = vector.shape_cast %get3A_2796 : vector<1x1x384xf32> to vector<1x384xf32>
      %mul3A_2798 = vector.broadcast %slice3A_2792 : vector<1x1xf32> to vector<1x384xf32>
      %mul3A_2799 = arith.mulf %mul3A_2798, %get3A_2797 : vector<1x384xf32>
      %add3A_2800 = arith.addf %add3A_2782, %mul3A_2799 : vector<1x384xf32>
      %get3A_2801 = arith.constant 24 : index
      %get3A_2802 = arith.constant 0 : index
      %get3A_2803 = arith.constant 0 : index
      %get3A_2804 = arith.constant 0 : index
      %get3A_2805 = vector.load %arg3[%get3A_2801, %get3A_2802, %get3A_2803, %get3A_2804] : memref<32x10x32x15xf32, #tpu.memory_space<vmem>>, vector<1x10x32x15xf32>
      %get3A_2806 = vector.shape_cast %get3A_2805 : vector<1x10x32x15xf32> to vector<10x32x15xf32>
      %reshape3A_2807 = vector.shape_cast %get3A_2806 : vector<10x32x15xf32> to vector<320x15xf32>
      %dot_general3A_2808 = arith.constant dense<0.000000e+00> : vector<320x384xf32>
      %dot_general3A_2809 = tpu.matmul %reshape3A_2807, %add3A_2791, %dot_general3A_2808 {dimension_numbers = #tpu.dot_dimension_numbers<[1], [0], [0], [1], [0, 0, 1, 1], [], []>, transpose_lhs_hint = false} : vector<320x15xf32>, vector<15x384xf32>, vector<320x384xf32> -> vector<320x384xf32>
      %add3A_2810 = vector.broadcast %add3A_2800 : vector<1x384xf32> to vector<320x384xf32>
      %add3A_2811 = arith.addf %dot_general3A_2809, %add3A_2810 : vector<320x384xf32>
      %max3A_2812 = arith.constant 0.000000e+00 : f32
      %max3A_2813 = vector.broadcast %max3A_2812 : f32 to vector<320x384xf32>
      %max3A_2814 = arith.maximumf %add3A_2811, %max3A_2813 : vector<320x384xf32>
      %reduce_sum3A_2815 = arith.constant dense<0.000000e+00> : vector<384xf32>
      %reduce_sum3A_2816 = vector.multi_reduction <add>, %max3A_2814, %reduce_sum3A_2815 [0] : vector<320x384xf32> to vector<384xf32>
      %div3A_2817 = arith.constant 3.200000e+02 : f32
      %div3A_2818 = vector.broadcast %div3A_2817 : f32 to vector<384xf32>
      %div3A_2819 = arith.divf %reduce_sum3A_2816, %div3A_2818 : vector<384xf32>
      %swap3A_2820 = arith.index_cast %arg0 : i32 to index
      %swap3A_2821 = arith.constant 24 : index
      %swap3A_2822 = arith.constant 0 : index
      %swap3A_2823 = vector.load %arg15[%swap3A_2820, %swap3A_2821, %swap3A_2822] : memref<4x32x384xf32, #tpu.memory_space<vmem>>, vector<1x1x384xf32>
      %swap3A_2824 = vector.shape_cast %swap3A_2823 : vector<1x1x384xf32> to vector<384xf32>
      %swap3A_2825 = vector.shape_cast %div3A_2819 : vector<384xf32> to vector<1x1x384xf32>
      tpu.vector_store %arg15[%swap3A_2820, %swap3A_2821, %swap3A_2822], %swap3A_2825 {strides = array<i32>} : memref<4x32x384xf32, #tpu.memory_space<vmem>>, vector<1x1x384xf32>,
      %slice3A_2826 = vector.extract_strided_slice %get3A_9 {offsets = [25, 0], sizes = [1, 1], strides = [1, 1]} : vector<32x5xf32> to vector<1x1xf32>
      %get3A_2827 = arith.constant 0 : index
      %get3A_2828 = arith.constant 0 : index
      %get3A_2829 = arith.constant 0 : index
      %get3A_2830 = vector.load %arg4[%get3A_2827, %get3A_2828, %get3A_2829] : memref<5x15x384xf32, #tpu.memory_space<vmem>>, vector<1x15x384xf32>
      %get3A_2831 = vector.shape_cast %get3A_2830 : vector<1x15x384xf32> to vector<15x384xf32>
      %mul3A_2832 = vector.broadcast %slice3A_2826 : vector<1x1xf32> to vector<15x384xf32>
      %mul3A_2833 = arith.mulf %mul3A_2832, %get3A_2831 : vector<15x384xf32>
      %slice3A_2834 = vector.extract_strided_slice %get3A_9 {offsets = [25, 0], sizes = [1, 1], strides = [1, 1]} : vector<32x5xf32> to vector<1x1xf32>
      %get3A_2835 = arith.constant 0 : index
      %get3A_2836 = arith.constant 0 : index
      %get3A_2837 = arith.constant 0 : index
      %get3A_2838 = vector.load %arg5[%get3A_2835, %get3A_2836, %get3A_2837] : memref<5x1x384xf32, #tpu.memory_space<vmem>>, vector<1x1x384xf32>
      %get3A_2839 = vector.shape_cast %get3A_2838 : vector<1x1x384xf32> to vector<1x384xf32>
      %mul3A_2840 = vector.broadcast %slice3A_2834 : vector<1x1xf32> to vector<1x384xf32>
      %mul3A_2841 = arith.mulf %mul3A_2840, %get3A_2839 : vector<1x384xf32>
      %slice3A_2842 = vector.extract_strided_slice %get3A_9 {offsets = [25, 1], sizes = [1, 1], strides = [1, 1]} : vector<32x5xf32> to vector<1x1xf32>
      %get3A_2843 = arith.constant 1 : index
      %get3A_2844 = arith.constant 0 : index
      %get3A_2845 = arith.constant 0 : index
      %get3A_2846 = vector.load %arg4[%get3A_2843, %get3A_2844, %get3A_2845] : memref<5x15x384xf32, #tpu.memory_space<vmem>>, vector<1x15x384xf32>
      %get3A_2847 = vector.shape_cast %get3A_2846 : vector<1x15x384xf32> to vector<15x384xf32>
      %mul3A_2848 = vector.broadcast %slice3A_2842 : vector<1x1xf32> to vector<15x384xf32>
      %mul3A_2849 = arith.mulf %mul3A_2848, %get3A_2847 : vector<15x384xf32>
      %add3A_2850 = arith.addf %mul3A_2833, %mul3A_2849 : vector<15x384xf32>
      %slice3A_2851 = vector.extract_strided_slice %get3A_9 {offsets = [25, 1], sizes = [1, 1], strides = [1, 1]} : vector<32x5xf32> to vector<1x1xf32>
      %get3A_2852 = arith.constant 1 : index
      %get3A_2853 = arith.constant 0 : index
      %get3A_2854 = arith.constant 0 : index
      %get3A_2855 = vector.load %arg5[%get3A_2852, %get3A_2853, %get3A_2854] : memref<5x1x384xf32, #tpu.memory_space<vmem>>, vector<1x1x384xf32>
      %get3A_2856 = vector.shape_cast %get3A_2855 : vector<1x1x384xf32> to vector<1x384xf32>
      %mul3A_2857 = vector.broadcast %slice3A_2851 : vector<1x1xf32> to vector<1x384xf32>
      %mul3A_2858 = arith.mulf %mul3A_2857, %get3A_2856 : vector<1x384xf32>
      %add3A_2859 = arith.addf %mul3A_2841, %mul3A_2858 : vector<1x384xf32>
      %slice3A_2860 = vector.extract_strided_slice %get3A_9 {offsets = [25, 2], sizes = [1, 1], strides = [1, 1]} : vector<32x5xf32> to vector<1x1xf32>
      %get3A_2861 = arith.constant 2 : index
      %get3A_2862 = arith.constant 0 : index
      %get3A_2863 = arith.constant 0 : index
      %get3A_2864 = vector.load %arg4[%get3A_2861, %get3A_2862, %get3A_2863] : memref<5x15x384xf32, #tpu.memory_space<vmem>>, vector<1x15x384xf32>
      %get3A_2865 = vector.shape_cast %get3A_2864 : vector<1x15x384xf32> to vector<15x384xf32>
      %mul3A_2866 = vector.broadcast %slice3A_2860 : vector<1x1xf32> to vector<15x384xf32>
      %mul3A_2867 = arith.mulf %mul3A_2866, %get3A_2865 : vector<15x384xf32>
      %add3A_2868 = arith.addf %add3A_2850, %mul3A_2867 : vector<15x384xf32>
      %slice3A_2869 = vector.extract_strided_slice %get3A_9 {offsets = [25, 2], sizes = [1, 1], strides = [1, 1]} : vector<32x5xf32> to vector<1x1xf32>
      %get3A_2870 = arith.constant 2 : index
      %get3A_2871 = arith.constant 0 : index
      %get3A_2872 = arith.constant 0 : index
      %get3A_2873 = vector.load %arg5[%get3A_2870, %get3A_2871, %get3A_2872] : memref<5x1x384xf32, #tpu.memory_space<vmem>>, vector<1x1x384xf32>
      %get3A_2874 = vector.shape_cast %get3A_2873 : vector<1x1x384xf32> to vector<1x384xf32>
      %mul3A_2875 = vector.broadcast %slice3A_2869 : vector<1x1xf32> to vector<1x384xf32>
      %mul3A_2876 = arith.mulf %mul3A_2875, %get3A_2874 : vector<1x384xf32>
      %add3A_2877 = arith.addf %add3A_2859, %mul3A_2876 : vector<1x384xf32>
      %slice3A_2878 = vector.extract_strided_slice %get3A_9 {offsets = [25, 3], sizes = [1, 1], strides = [1, 1]} : vector<32x5xf32> to vector<1x1xf32>
      %get3A_2879 = arith.constant 3 : index
      %get3A_2880 = arith.constant 0 : index
      %get3A_2881 = arith.constant 0 : index
      %get3A_2882 = vector.load %arg4[%get3A_2879, %get3A_2880, %get3A_2881] : memref<5x15x384xf32, #tpu.memory_space<vmem>>, vector<1x15x384xf32>
      %get3A_2883 = vector.shape_cast %get3A_2882 : vector<1x15x384xf32> to vector<15x384xf32>
      %mul3A_2884 = vector.broadcast %slice3A_2878 : vector<1x1xf32> to vector<15x384xf32>
      %mul3A_2885 = arith.mulf %mul3A_2884, %get3A_2883 : vector<15x384xf32>
      %add3A_2886 = arith.addf %add3A_2868, %mul3A_2885 : vector<15x384xf32>
      %slice3A_2887 = vector.extract_strided_slice %get3A_9 {offsets = [25, 3], sizes = [1, 1], strides = [1, 1]} : vector<32x5xf32> to vector<1x1xf32>
      %get3A_2888 = arith.constant 3 : index
      %get3A_2889 = arith.constant 0 : index
      %get3A_2890 = arith.constant 0 : index
      %get3A_2891 = vector.load %arg5[%get3A_2888, %get3A_2889, %get3A_2890] : memref<5x1x384xf32, #tpu.memory_space<vmem>>, vector<1x1x384xf32>
      %get3A_2892 = vector.shape_cast %get3A_2891 : vector<1x1x384xf32> to vector<1x384xf32>
      %mul3A_2893 = vector.broadcast %slice3A_2887 : vector<1x1xf32> to vector<1x384xf32>
      %mul3A_2894 = arith.mulf %mul3A_2893, %get3A_2892 : vector<1x384xf32>
      %add3A_2895 = arith.addf %add3A_2877, %mul3A_2894 : vector<1x384xf32>
      %slice3A_2896 = vector.extract_strided_slice %get3A_9 {offsets = [25, 4], sizes = [1, 1], strides = [1, 1]} : vector<32x5xf32> to vector<1x1xf32>
      %get3A_2897 = arith.constant 4 : index
      %get3A_2898 = arith.constant 0 : index
      %get3A_2899 = arith.constant 0 : index
      %get3A_2900 = vector.load %arg4[%get3A_2897, %get3A_2898, %get3A_2899] : memref<5x15x384xf32, #tpu.memory_space<vmem>>, vector<1x15x384xf32>
      %get3A_2901 = vector.shape_cast %get3A_2900 : vector<1x15x384xf32> to vector<15x384xf32>
      %mul3A_2902 = vector.broadcast %slice3A_2896 : vector<1x1xf32> to vector<15x384xf32>
      %mul3A_2903 = arith.mulf %mul3A_2902, %get3A_2901 : vector<15x384xf32>
      %add3A_2904 = arith.addf %add3A_2886, %mul3A_2903 : vector<15x384xf32>
      %slice3A_2905 = vector.extract_strided_slice %get3A_9 {offsets = [25, 4], sizes = [1, 1], strides = [1, 1]} : vector<32x5xf32> to vector<1x1xf32>
      %get3A_2906 = arith.constant 4 : index
      %get3A_2907 = arith.constant 0 : index
      %get3A_2908 = arith.constant 0 : index
      %get3A_2909 = vector.load %arg5[%get3A_2906, %get3A_2907, %get3A_2908] : memref<5x1x384xf32, #tpu.memory_space<vmem>>, vector<1x1x384xf32>
      %get3A_2910 = vector.shape_cast %get3A_2909 : vector<1x1x384xf32> to vector<1x384xf32>
      %mul3A_2911 = vector.broadcast %slice3A_2905 : vector<1x1xf32> to vector<1x384xf32>
      %mul3A_2912 = arith.mulf %mul3A_2911, %get3A_2910 : vector<1x384xf32>
      %add3A_2913 = arith.addf %add3A_2895, %mul3A_2912 : vector<1x384xf32>
      %get3A_2914 = arith.constant 25 : index
      %get3A_2915 = arith.constant 0 : index
      %get3A_2916 = arith.constant 0 : index
      %get3A_2917 = arith.constant 0 : index
      %get3A_2918 = vector.load %arg3[%get3A_2914, %get3A_2915, %get3A_2916, %get3A_2917] : memref<32x10x32x15xf32, #tpu.memory_space<vmem>>, vector<1x10x32x15xf32>
      %get3A_2919 = vector.shape_cast %get3A_2918 : vector<1x10x32x15xf32> to vector<10x32x15xf32>
      %reshape3A_2920 = vector.shape_cast %get3A_2919 : vector<10x32x15xf32> to vector<320x15xf32>
      %dot_general3A_2921 = arith.constant dense<0.000000e+00> : vector<320x384xf32>
      %dot_general3A_2922 = tpu.matmul %reshape3A_2920, %add3A_2904, %dot_general3A_2921 {dimension_numbers = #tpu.dot_dimension_numbers<[1], [0], [0], [1], [0, 0, 1, 1], [], []>, transpose_lhs_hint = false} : vector<320x15xf32>, vector<15x384xf32>, vector<320x384xf32> -> vector<320x384xf32>
      %add3A_2923 = vector.broadcast %add3A_2913 : vector<1x384xf32> to vector<320x384xf32>
      %add3A_2924 = arith.addf %dot_general3A_2922, %add3A_2923 : vector<320x384xf32>
      %max3A_2925 = arith.constant 0.000000e+00 : f32
      %max3A_2926 = vector.broadcast %max3A_2925 : f32 to vector<320x384xf32>
      %max3A_2927 = arith.maximumf %add3A_2924, %max3A_2926 : vector<320x384xf32>
      %reduce_sum3A_2928 = arith.constant dense<0.000000e+00> : vector<384xf32>
      %reduce_sum3A_2929 = vector.multi_reduction <add>, %max3A_2927, %reduce_sum3A_2928 [0] : vector<320x384xf32> to vector<384xf32>
      %div3A_2930 = arith.constant 3.200000e+02 : f32
      %div3A_2931 = vector.broadcast %div3A_2930 : f32 to vector<384xf32>
      %div3A_2932 = arith.divf %reduce_sum3A_2929, %div3A_2931 : vector<384xf32>
      %swap3A_2933 = arith.index_cast %arg0 : i32 to index
      %swap3A_2934 = arith.constant 25 : index
      %swap3A_2935 = arith.constant 0 : index
      %swap3A_2936 = vector.load %arg15[%swap3A_2933, %swap3A_2934, %swap3A_2935] : memref<4x32x384xf32, #tpu.memory_space<vmem>>, vector<1x1x384xf32>
      %swap3A_2937 = vector.shape_cast %swap3A_2936 : vector<1x1x384xf32> to vector<384xf32>
      %swap3A_2938 = vector.shape_cast %div3A_2932 : vector<384xf32> to vector<1x1x384xf32>
      tpu.vector_store %arg15[%swap3A_2933, %swap3A_2934, %swap3A_2935], %swap3A_2938 {strides = array<i32>} : memref<4x32x384xf32, #tpu.memory_space<vmem>>, vector<1x1x384xf32>,
      %slice3A_2939 = vector.extract_strided_slice %get3A_9 {offsets = [26, 0], sizes = [1, 1], strides = [1, 1]} : vector<32x5xf32> to vector<1x1xf32>
      %get3A_2940 = arith.constant 0 : index
      %get3A_2941 = arith.constant 0 : index
      %get3A_2942 = arith.constant 0 : index
      %get3A_2943 = vector.load %arg4[%get3A_2940, %get3A_2941, %get3A_2942] : memref<5x15x384xf32, #tpu.memory_space<vmem>>, vector<1x15x384xf32>
      %get3A_2944 = vector.shape_cast %get3A_2943 : vector<1x15x384xf32> to vector<15x384xf32>
      %mul3A_2945 = vector.broadcast %slice3A_2939 : vector<1x1xf32> to vector<15x384xf32>
      %mul3A_2946 = arith.mulf %mul3A_2945, %get3A_2944 : vector<15x384xf32>
      %slice3A_2947 = vector.extract_strided_slice %get3A_9 {offsets = [26, 0], sizes = [1, 1], strides = [1, 1]} : vector<32x5xf32> to vector<1x1xf32>
      %get3A_2948 = arith.constant 0 : index
      %get3A_2949 = arith.constant 0 : index
      %get3A_2950 = arith.constant 0 : index
      %get3A_2951 = vector.load %arg5[%get3A_2948, %get3A_2949, %get3A_2950] : memref<5x1x384xf32, #tpu.memory_space<vmem>>, vector<1x1x384xf32>
      %get3A_2952 = vector.shape_cast %get3A_2951 : vector<1x1x384xf32> to vector<1x384xf32>
      %mul3A_2953 = vector.broadcast %slice3A_2947 : vector<1x1xf32> to vector<1x384xf32>
      %mul3A_2954 = arith.mulf %mul3A_2953, %get3A_2952 : vector<1x384xf32>
      %slice3A_2955 = vector.extract_strided_slice %get3A_9 {offsets = [26, 1], sizes = [1, 1], strides = [1, 1]} : vector<32x5xf32> to vector<1x1xf32>
      %get3A_2956 = arith.constant 1 : index
      %get3A_2957 = arith.constant 0 : index
      %get3A_2958 = arith.constant 0 : index
      %get3A_2959 = vector.load %arg4[%get3A_2956, %get3A_2957, %get3A_2958] : memref<5x15x384xf32, #tpu.memory_space<vmem>>, vector<1x15x384xf32>
      %get3A_2960 = vector.shape_cast %get3A_2959 : vector<1x15x384xf32> to vector<15x384xf32>
      %mul3A_2961 = vector.broadcast %slice3A_2955 : vector<1x1xf32> to vector<15x384xf32>
      %mul3A_2962 = arith.mulf %mul3A_2961, %get3A_2960 : vector<15x384xf32>
      %add3A_2963 = arith.addf %mul3A_2946, %mul3A_2962 : vector<15x384xf32>
      %slice3A_2964 = vector.extract_strided_slice %get3A_9 {offsets = [26, 1], sizes = [1, 1], strides = [1, 1]} : vector<32x5xf32> to vector<1x1xf32>
      %get3A_2965 = arith.constant 1 : index
      %get3A_2966 = arith.constant 0 : index
      %get3A_2967 = arith.constant 0 : index
      %get3A_2968 = vector.load %arg5[%get3A_2965, %get3A_2966, %get3A_2967] : memref<5x1x384xf32, #tpu.memory_space<vmem>>, vector<1x1x384xf32>
      %get3A_2969 = vector.shape_cast %get3A_2968 : vector<1x1x384xf32> to vector<1x384xf32>
      %mul3A_2970 = vector.broadcast %slice3A_2964 : vector<1x1xf32> to vector<1x384xf32>
      %mul3A_2971 = arith.mulf %mul3A_2970, %get3A_2969 : vector<1x384xf32>
      %add3A_2972 = arith.addf %mul3A_2954, %mul3A_2971 : vector<1x384xf32>
      %slice3A_2973 = vector.extract_strided_slice %get3A_9 {offsets = [26, 2], sizes = [1, 1], strides = [1, 1]} : vector<32x5xf32> to vector<1x1xf32>
      %get3A_2974 = arith.constant 2 : index
      %get3A_2975 = arith.constant 0 : index
      %get3A_2976 = arith.constant 0 : index
      %get3A_2977 = vector.load %arg4[%get3A_2974, %get3A_2975, %get3A_2976] : memref<5x15x384xf32, #tpu.memory_space<vmem>>, vector<1x15x384xf32>
      %get3A_2978 = vector.shape_cast %get3A_2977 : vector<1x15x384xf32> to vector<15x384xf32>
      %mul3A_2979 = vector.broadcast %slice3A_2973 : vector<1x1xf32> to vector<15x384xf32>
      %mul3A_2980 = arith.mulf %mul3A_2979, %get3A_2978 : vector<15x384xf32>
      %add3A_2981 = arith.addf %add3A_2963, %mul3A_2980 : vector<15x384xf32>
      %slice3A_2982 = vector.extract_strided_slice %get3A_9 {offsets = [26, 2], sizes = [1, 1], strides = [1, 1]} : vector<32x5xf32> to vector<1x1xf32>
      %get3A_2983 = arith.constant 2 : index
      %get3A_2984 = arith.constant 0 : index
      %get3A_2985 = arith.constant 0 : index
      %get3A_2986 = vector.load %arg5[%get3A_2983, %get3A_2984, %get3A_2985] : memref<5x1x384xf32, #tpu.memory_space<vmem>>, vector<1x1x384xf32>
      %get3A_2987 = vector.shape_cast %get3A_2986 : vector<1x1x384xf32> to vector<1x384xf32>
      %mul3A_2988 = vector.broadcast %slice3A_2982 : vector<1x1xf32> to vector<1x384xf32>
      %mul3A_2989 = arith.mulf %mul3A_2988, %get3A_2987 : vector<1x384xf32>
      %add3A_2990 = arith.addf %add3A_2972, %mul3A_2989 : vector<1x384xf32>
      %slice3A_2991 = vector.extract_strided_slice %get3A_9 {offsets = [26, 3], sizes = [1, 1], strides = [1, 1]} : vector<32x5xf32> to vector<1x1xf32>
      %get3A_2992 = arith.constant 3 : index
      %get3A_2993 = arith.constant 0 : index
      %get3A_2994 = arith.constant 0 : index
      %get3A_2995 = vector.load %arg4[%get3A_2992, %get3A_2993, %get3A_2994] : memref<5x15x384xf32, #tpu.memory_space<vmem>>, vector<1x15x384xf32>
      %get3A_2996 = vector.shape_cast %get3A_2995 : vector<1x15x384xf32> to vector<15x384xf32>
      %mul3A_2997 = vector.broadcast %slice3A_2991 : vector<1x1xf32> to vector<15x384xf32>
      %mul3A_2998 = arith.mulf %mul3A_2997, %get3A_2996 : vector<15x384xf32>
      %add3A_2999 = arith.addf %add3A_2981, %mul3A_2998 : vector<15x384xf32>
      %slice3A_3000 = vector.extract_strided_slice %get3A_9 {offsets = [26, 3], sizes = [1, 1], strides = [1, 1]} : vector<32x5xf32> to vector<1x1xf32>
      %get3A_3001 = arith.constant 3 : index
      %get3A_3002 = arith.constant 0 : index
      %get3A_3003 = arith.constant 0 : index
      %get3A_3004 = vector.load %arg5[%get3A_3001, %get3A_3002, %get3A_3003] : memref<5x1x384xf32, #tpu.memory_space<vmem>>, vector<1x1x384xf32>
      %get3A_3005 = vector.shape_cast %get3A_3004 : vector<1x1x384xf32> to vector<1x384xf32>
      %mul3A_3006 = vector.broadcast %slice3A_3000 : vector<1x1xf32> to vector<1x384xf32>
      %mul3A_3007 = arith.mulf %mul3A_3006, %get3A_3005 : vector<1x384xf32>
      %add3A_3008 = arith.addf %add3A_2990, %mul3A_3007 : vector<1x384xf32>
      %slice3A_3009 = vector.extract_strided_slice %get3A_9 {offsets = [26, 4], sizes = [1, 1], strides = [1, 1]} : vector<32x5xf32> to vector<1x1xf32>
      %get3A_3010 = arith.constant 4 : index
      %get3A_3011 = arith.constant 0 : index
      %get3A_3012 = arith.constant 0 : index
      %get3A_3013 = vector.load %arg4[%get3A_3010, %get3A_3011, %get3A_3012] : memref<5x15x384xf32, #tpu.memory_space<vmem>>, vector<1x15x384xf32>
      %get3A_3014 = vector.shape_cast %get3A_3013 : vector<1x15x384xf32> to vector<15x384xf32>
      %mul3A_3015 = vector.broadcast %slice3A_3009 : vector<1x1xf32> to vector<15x384xf32>
      %mul3A_3016 = arith.mulf %mul3A_3015, %get3A_3014 : vector<15x384xf32>
      %add3A_3017 = arith.addf %add3A_2999, %mul3A_3016 : vector<15x384xf32>
      %slice3A_3018 = vector.extract_strided_slice %get3A_9 {offsets = [26, 4], sizes = [1, 1], strides = [1, 1]} : vector<32x5xf32> to vector<1x1xf32>
      %get3A_3019 = arith.constant 4 : index
      %get3A_3020 = arith.constant 0 : index
      %get3A_3021 = arith.constant 0 : index
      %get3A_3022 = vector.load %arg5[%get3A_3019, %get3A_3020, %get3A_3021] : memref<5x1x384xf32, #tpu.memory_space<vmem>>, vector<1x1x384xf32>
      %get3A_3023 = vector.shape_cast %get3A_3022 : vector<1x1x384xf32> to vector<1x384xf32>
      %mul3A_3024 = vector.broadcast %slice3A_3018 : vector<1x1xf32> to vector<1x384xf32>
      %mul3A_3025 = arith.mulf %mul3A_3024, %get3A_3023 : vector<1x384xf32>
      %add3A_3026 = arith.addf %add3A_3008, %mul3A_3025 : vector<1x384xf32>
      %get3A_3027 = arith.constant 26 : index
      %get3A_3028 = arith.constant 0 : index
      %get3A_3029 = arith.constant 0 : index
      %get3A_3030 = arith.constant 0 : index
      %get3A_3031 = vector.load %arg3[%get3A_3027, %get3A_3028, %get3A_3029, %get3A_3030] : memref<32x10x32x15xf32, #tpu.memory_space<vmem>>, vector<1x10x32x15xf32>
      %get3A_3032 = vector.shape_cast %get3A_3031 : vector<1x10x32x15xf32> to vector<10x32x15xf32>
      %reshape3A_3033 = vector.shape_cast %get3A_3032 : vector<10x32x15xf32> to vector<320x15xf32>
      %dot_general3A_3034 = arith.constant dense<0.000000e+00> : vector<320x384xf32>
      %dot_general3A_3035 = tpu.matmul %reshape3A_3033, %add3A_3017, %dot_general3A_3034 {dimension_numbers = #tpu.dot_dimension_numbers<[1], [0], [0], [1], [0, 0, 1, 1], [], []>, transpose_lhs_hint = false} : vector<320x15xf32>, vector<15x384xf32>, vector<320x384xf32> -> vector<320x384xf32>
      %add3A_3036 = vector.broadcast %add3A_3026 : vector<1x384xf32> to vector<320x384xf32>
      %add3A_3037 = arith.addf %dot_general3A_3035, %add3A_3036 : vector<320x384xf32>
      %max3A_3038 = arith.constant 0.000000e+00 : f32
      %max3A_3039 = vector.broadcast %max3A_3038 : f32 to vector<320x384xf32>
      %max3A_3040 = arith.maximumf %add3A_3037, %max3A_3039 : vector<320x384xf32>
      %reduce_sum3A_3041 = arith.constant dense<0.000000e+00> : vector<384xf32>
      %reduce_sum3A_3042 = vector.multi_reduction <add>, %max3A_3040, %reduce_sum3A_3041 [0] : vector<320x384xf32> to vector<384xf32>
      %div3A_3043 = arith.constant 3.200000e+02 : f32
      %div3A_3044 = vector.broadcast %div3A_3043 : f32 to vector<384xf32>
      %div3A_3045 = arith.divf %reduce_sum3A_3042, %div3A_3044 : vector<384xf32>
      %swap3A_3046 = arith.index_cast %arg0 : i32 to index
      %swap3A_3047 = arith.constant 26 : index
      %swap3A_3048 = arith.constant 0 : index
      %swap3A_3049 = vector.load %arg15[%swap3A_3046, %swap3A_3047, %swap3A_3048] : memref<4x32x384xf32, #tpu.memory_space<vmem>>, vector<1x1x384xf32>
      %swap3A_3050 = vector.shape_cast %swap3A_3049 : vector<1x1x384xf32> to vector<384xf32>
      %swap3A_3051 = vector.shape_cast %div3A_3045 : vector<384xf32> to vector<1x1x384xf32>
      tpu.vector_store %arg15[%swap3A_3046, %swap3A_3047, %swap3A_3048], %swap3A_3051 {strides = array<i32>} : memref<4x32x384xf32, #tpu.memory_space<vmem>>, vector<1x1x384xf32>,
      %slice3A_3052 = vector.extract_strided_slice %get3A_9 {offsets = [27, 0], sizes = [1, 1], strides = [1, 1]} : vector<32x5xf32> to vector<1x1xf32>
      %get3A_3053 = arith.constant 0 : index
      %get3A_3054 = arith.constant 0 : index
      %get3A_3055 = arith.constant 0 : index
      %get3A_3056 = vector.load %arg4[%get3A_3053, %get3A_3054, %get3A_3055] : memref<5x15x384xf32, #tpu.memory_space<vmem>>, vector<1x15x384xf32>
      %get3A_3057 = vector.shape_cast %get3A_3056 : vector<1x15x384xf32> to vector<15x384xf32>
      %mul3A_3058 = vector.broadcast %slice3A_3052 : vector<1x1xf32> to vector<15x384xf32>
      %mul3A_3059 = arith.mulf %mul3A_3058, %get3A_3057 : vector<15x384xf32>
      %slice3A_3060 = vector.extract_strided_slice %get3A_9 {offsets = [27, 0], sizes = [1, 1], strides = [1, 1]} : vector<32x5xf32> to vector<1x1xf32>
      %get3A_3061 = arith.constant 0 : index
      %get3A_3062 = arith.constant 0 : index
      %get3A_3063 = arith.constant 0 : index
      %get3A_3064 = vector.load %arg5[%get3A_3061, %get3A_3062, %get3A_3063] : memref<5x1x384xf32, #tpu.memory_space<vmem>>, vector<1x1x384xf32>
      %get3A_3065 = vector.shape_cast %get3A_3064 : vector<1x1x384xf32> to vector<1x384xf32>
      %mul3A_3066 = vector.broadcast %slice3A_3060 : vector<1x1xf32> to vector<1x384xf32>
      %mul3A_3067 = arith.mulf %mul3A_3066, %get3A_3065 : vector<1x384xf32>
      %slice3A_3068 = vector.extract_strided_slice %get3A_9 {offsets = [27, 1], sizes = [1, 1], strides = [1, 1]} : vector<32x5xf32> to vector<1x1xf32>
      %get3A_3069 = arith.constant 1 : index
      %get3A_3070 = arith.constant 0 : index
      %get3A_3071 = arith.constant 0 : index
      %get3A_3072 = vector.load %arg4[%get3A_3069, %get3A_3070, %get3A_3071] : memref<5x15x384xf32, #tpu.memory_space<vmem>>, vector<1x15x384xf32>
      %get3A_3073 = vector.shape_cast %get3A_3072 : vector<1x15x384xf32> to vector<15x384xf32>
      %mul3A_3074 = vector.broadcast %slice3A_3068 : vector<1x1xf32> to vector<15x384xf32>
      %mul3A_3075 = arith.mulf %mul3A_3074, %get3A_3073 : vector<15x384xf32>
      %add3A_3076 = arith.addf %mul3A_3059, %mul3A_3075 : vector<15x384xf32>
      %slice3A_3077 = vector.extract_strided_slice %get3A_9 {offsets = [27, 1], sizes = [1, 1], strides = [1, 1]} : vector<32x5xf32> to vector<1x1xf32>
      %get3A_3078 = arith.constant 1 : index
      %get3A_3079 = arith.constant 0 : index
      %get3A_3080 = arith.constant 0 : index
      %get3A_3081 = vector.load %arg5[%get3A_3078, %get3A_3079, %get3A_3080] : memref<5x1x384xf32, #tpu.memory_space<vmem>>, vector<1x1x384xf32>
      %get3A_3082 = vector.shape_cast %get3A_3081 : vector<1x1x384xf32> to vector<1x384xf32>
      %mul3A_3083 = vector.broadcast %slice3A_3077 : vector<1x1xf32> to vector<1x384xf32>
      %mul3A_3084 = arith.mulf %mul3A_3083, %get3A_3082 : vector<1x384xf32>
      %add3A_3085 = arith.addf %mul3A_3067, %mul3A_3084 : vector<1x384xf32>
      %slice3A_3086 = vector.extract_strided_slice %get3A_9 {offsets = [27, 2], sizes = [1, 1], strides = [1, 1]} : vector<32x5xf32> to vector<1x1xf32>
      %get3A_3087 = arith.constant 2 : index
      %get3A_3088 = arith.constant 0 : index
      %get3A_3089 = arith.constant 0 : index
      %get3A_3090 = vector.load %arg4[%get3A_3087, %get3A_3088, %get3A_3089] : memref<5x15x384xf32, #tpu.memory_space<vmem>>, vector<1x15x384xf32>
      %get3A_3091 = vector.shape_cast %get3A_3090 : vector<1x15x384xf32> to vector<15x384xf32>
      %mul3A_3092 = vector.broadcast %slice3A_3086 : vector<1x1xf32> to vector<15x384xf32>
      %mul3A_3093 = arith.mulf %mul3A_3092, %get3A_3091 : vector<15x384xf32>
      %add3A_3094 = arith.addf %add3A_3076, %mul3A_3093 : vector<15x384xf32>
      %slice3A_3095 = vector.extract_strided_slice %get3A_9 {offsets = [27, 2], sizes = [1, 1], strides = [1, 1]} : vector<32x5xf32> to vector<1x1xf32>
      %get3A_3096 = arith.constant 2 : index
      %get3A_3097 = arith.constant 0 : index
      %get3A_3098 = arith.constant 0 : index
      %get3A_3099 = vector.load %arg5[%get3A_3096, %get3A_3097, %get3A_3098] : memref<5x1x384xf32, #tpu.memory_space<vmem>>, vector<1x1x384xf32>
      %get3A_3100 = vector.shape_cast %get3A_3099 : vector<1x1x384xf32> to vector<1x384xf32>
      %mul3A_3101 = vector.broadcast %slice3A_3095 : vector<1x1xf32> to vector<1x384xf32>
      %mul3A_3102 = arith.mulf %mul3A_3101, %get3A_3100 : vector<1x384xf32>
      %add3A_3103 = arith.addf %add3A_3085, %mul3A_3102 : vector<1x384xf32>
      %slice3A_3104 = vector.extract_strided_slice %get3A_9 {offsets = [27, 3], sizes = [1, 1], strides = [1, 1]} : vector<32x5xf32> to vector<1x1xf32>
      %get3A_3105 = arith.constant 3 : index
      %get3A_3106 = arith.constant 0 : index
      %get3A_3107 = arith.constant 0 : index
      %get3A_3108 = vector.load %arg4[%get3A_3105, %get3A_3106, %get3A_3107] : memref<5x15x384xf32, #tpu.memory_space<vmem>>, vector<1x15x384xf32>
      %get3A_3109 = vector.shape_cast %get3A_3108 : vector<1x15x384xf32> to vector<15x384xf32>
      %mul3A_3110 = vector.broadcast %slice3A_3104 : vector<1x1xf32> to vector<15x384xf32>
      %mul3A_3111 = arith.mulf %mul3A_3110, %get3A_3109 : vector<15x384xf32>
      %add3A_3112 = arith.addf %add3A_3094, %mul3A_3111 : vector<15x384xf32>
      %slice3A_3113 = vector.extract_strided_slice %get3A_9 {offsets = [27, 3], sizes = [1, 1], strides = [1, 1]} : vector<32x5xf32> to vector<1x1xf32>
      %get3A_3114 = arith.constant 3 : index
      %get3A_3115 = arith.constant 0 : index
      %get3A_3116 = arith.constant 0 : index
      %get3A_3117 = vector.load %arg5[%get3A_3114, %get3A_3115, %get3A_3116] : memref<5x1x384xf32, #tpu.memory_space<vmem>>, vector<1x1x384xf32>
      %get3A_3118 = vector.shape_cast %get3A_3117 : vector<1x1x384xf32> to vector<1x384xf32>
      %mul3A_3119 = vector.broadcast %slice3A_3113 : vector<1x1xf32> to vector<1x384xf32>
      %mul3A_3120 = arith.mulf %mul3A_3119, %get3A_3118 : vector<1x384xf32>
      %add3A_3121 = arith.addf %add3A_3103, %mul3A_3120 : vector<1x384xf32>
      %slice3A_3122 = vector.extract_strided_slice %get3A_9 {offsets = [27, 4], sizes = [1, 1], strides = [1, 1]} : vector<32x5xf32> to vector<1x1xf32>
      %get3A_3123 = arith.constant 4 : index
      %get3A_3124 = arith.constant 0 : index
      %get3A_3125 = arith.constant 0 : index
      %get3A_3126 = vector.load %arg4[%get3A_3123, %get3A_3124, %get3A_3125] : memref<5x15x384xf32, #tpu.memory_space<vmem>>, vector<1x15x384xf32>
      %get3A_3127 = vector.shape_cast %get3A_3126 : vector<1x15x384xf32> to vector<15x384xf32>
      %mul3A_3128 = vector.broadcast %slice3A_3122 : vector<1x1xf32> to vector<15x384xf32>
      %mul3A_3129 = arith.mulf %mul3A_3128, %get3A_3127 : vector<15x384xf32>
      %add3A_3130 = arith.addf %add3A_3112, %mul3A_3129 : vector<15x384xf32>
      %slice3A_3131 = vector.extract_strided_slice %get3A_9 {offsets = [27, 4], sizes = [1, 1], strides = [1, 1]} : vector<32x5xf32> to vector<1x1xf32>
      %get3A_3132 = arith.constant 4 : index
      %get3A_3133 = arith.constant 0 : index
      %get3A_3134 = arith.constant 0 : index
      %get3A_3135 = vector.load %arg5[%get3A_3132, %get3A_3133, %get3A_3134] : memref<5x1x384xf32, #tpu.memory_space<vmem>>, vector<1x1x384xf32>
      %get3A_3136 = vector.shape_cast %get3A_3135 : vector<1x1x384xf32> to vector<1x384xf32>
      %mul3A_3137 = vector.broadcast %slice3A_3131 : vector<1x1xf32> to vector<1x384xf32>
      %mul3A_3138 = arith.mulf %mul3A_3137, %get3A_3136 : vector<1x384xf32>
      %add3A_3139 = arith.addf %add3A_3121, %mul3A_3138 : vector<1x384xf32>
      %get3A_3140 = arith.constant 27 : index
      %get3A_3141 = arith.constant 0 : index
      %get3A_3142 = arith.constant 0 : index
      %get3A_3143 = arith.constant 0 : index
      %get3A_3144 = vector.load %arg3[%get3A_3140, %get3A_3141, %get3A_3142, %get3A_3143] : memref<32x10x32x15xf32, #tpu.memory_space<vmem>>, vector<1x10x32x15xf32>
      %get3A_3145 = vector.shape_cast %get3A_3144 : vector<1x10x32x15xf32> to vector<10x32x15xf32>
      %reshape3A_3146 = vector.shape_cast %get3A_3145 : vector<10x32x15xf32> to vector<320x15xf32>
      %dot_general3A_3147 = arith.constant dense<0.000000e+00> : vector<320x384xf32>
      %dot_general3A_3148 = tpu.matmul %reshape3A_3146, %add3A_3130, %dot_general3A_3147 {dimension_numbers = #tpu.dot_dimension_numbers<[1], [0], [0], [1], [0, 0, 1, 1], [], []>, transpose_lhs_hint = false} : vector<320x15xf32>, vector<15x384xf32>, vector<320x384xf32> -> vector<320x384xf32>
      %add3A_3149 = vector.broadcast %add3A_3139 : vector<1x384xf32> to vector<320x384xf32>
      %add3A_3150 = arith.addf %dot_general3A_3148, %add3A_3149 : vector<320x384xf32>
      %max3A_3151 = arith.constant 0.000000e+00 : f32
      %max3A_3152 = vector.broadcast %max3A_3151 : f32 to vector<320x384xf32>
      %max3A_3153 = arith.maximumf %add3A_3150, %max3A_3152 : vector<320x384xf32>
      %reduce_sum3A_3154 = arith.constant dense<0.000000e+00> : vector<384xf32>
      %reduce_sum3A_3155 = vector.multi_reduction <add>, %max3A_3153, %reduce_sum3A_3154 [0] : vector<320x384xf32> to vector<384xf32>
      %div3A_3156 = arith.constant 3.200000e+02 : f32
      %div3A_3157 = vector.broadcast %div3A_3156 : f32 to vector<384xf32>
      %div3A_3158 = arith.divf %reduce_sum3A_3155, %div3A_3157 : vector<384xf32>
      %swap3A_3159 = arith.index_cast %arg0 : i32 to index
      %swap3A_3160 = arith.constant 27 : index
      %swap3A_3161 = arith.constant 0 : index
      %swap3A_3162 = vector.load %arg15[%swap3A_3159, %swap3A_3160, %swap3A_3161] : memref<4x32x384xf32, #tpu.memory_space<vmem>>, vector<1x1x384xf32>
      %swap3A_3163 = vector.shape_cast %swap3A_3162 : vector<1x1x384xf32> to vector<384xf32>
      %swap3A_3164 = vector.shape_cast %div3A_3158 : vector<384xf32> to vector<1x1x384xf32>
      tpu.vector_store %arg15[%swap3A_3159, %swap3A_3160, %swap3A_3161], %swap3A_3164 {strides = array<i32>} : memref<4x32x384xf32, #tpu.memory_space<vmem>>, vector<1x1x384xf32>,
      %slice3A_3165 = vector.extract_strided_slice %get3A_9 {offsets = [28, 0], sizes = [1, 1], strides = [1, 1]} : vector<32x5xf32> to vector<1x1xf32>
      %get3A_3166 = arith.constant 0 : index
      %get3A_3167 = arith.constant 0 : index
      %get3A_3168 = arith.constant 0 : index
      %get3A_3169 = vector.load %arg4[%get3A_3166, %get3A_3167, %get3A_3168] : memref<5x15x384xf32, #tpu.memory_space<vmem>>, vector<1x15x384xf32>
      %get3A_3170 = vector.shape_cast %get3A_3169 : vector<1x15x384xf32> to vector<15x384xf32>
      %mul3A_3171 = vector.broadcast %slice3A_3165 : vector<1x1xf32> to vector<15x384xf32>
      %mul3A_3172 = arith.mulf %mul3A_3171, %get3A_3170 : vector<15x384xf32>
      %slice3A_3173 = vector.extract_strided_slice %get3A_9 {offsets = [28, 0], sizes = [1, 1], strides = [1, 1]} : vector<32x5xf32> to vector<1x1xf32>
      %get3A_3174 = arith.constant 0 : index
      %get3A_3175 = arith.constant 0 : index
      %get3A_3176 = arith.constant 0 : index
      %get3A_3177 = vector.load %arg5[%get3A_3174, %get3A_3175, %get3A_3176] : memref<5x1x384xf32, #tpu.memory_space<vmem>>, vector<1x1x384xf32>
      %get3A_3178 = vector.shape_cast %get3A_3177 : vector<1x1x384xf32> to vector<1x384xf32>
      %mul3A_3179 = vector.broadcast %slice3A_3173 : vector<1x1xf32> to vector<1x384xf32>
      %mul3A_3180 = arith.mulf %mul3A_3179, %get3A_3178 : vector<1x384xf32>
      %slice3A_3181 = vector.extract_strided_slice %get3A_9 {offsets = [28, 1], sizes = [1, 1], strides = [1, 1]} : vector<32x5xf32> to vector<1x1xf32>
      %get3A_3182 = arith.constant 1 : index
      %get3A_3183 = arith.constant 0 : index
      %get3A_3184 = arith.constant 0 : index
      %get3A_3185 = vector.load %arg4[%get3A_3182, %get3A_3183, %get3A_3184] : memref<5x15x384xf32, #tpu.memory_space<vmem>>, vector<1x15x384xf32>
      %get3A_3186 = vector.shape_cast %get3A_3185 : vector<1x15x384xf32> to vector<15x384xf32>
      %mul3A_3187 = vector.broadcast %slice3A_3181 : vector<1x1xf32> to vector<15x384xf32>
      %mul3A_3188 = arith.mulf %mul3A_3187, %get3A_3186 : vector<15x384xf32>
      %add3A_3189 = arith.addf %mul3A_3172, %mul3A_3188 : vector<15x384xf32>
      %slice3A_3190 = vector.extract_strided_slice %get3A_9 {offsets = [28, 1], sizes = [1, 1], strides = [1, 1]} : vector<32x5xf32> to vector<1x1xf32>
      %get3A_3191 = arith.constant 1 : index
      %get3A_3192 = arith.constant 0 : index
      %get3A_3193 = arith.constant 0 : index
      %get3A_3194 = vector.load %arg5[%get3A_3191, %get3A_3192, %get3A_3193] : memref<5x1x384xf32, #tpu.memory_space<vmem>>, vector<1x1x384xf32>
      %get3A_3195 = vector.shape_cast %get3A_3194 : vector<1x1x384xf32> to vector<1x384xf32>
      %mul3A_3196 = vector.broadcast %slice3A_3190 : vector<1x1xf32> to vector<1x384xf32>
      %mul3A_3197 = arith.mulf %mul3A_3196, %get3A_3195 : vector<1x384xf32>
      %add3A_3198 = arith.addf %mul3A_3180, %mul3A_3197 : vector<1x384xf32>
      %slice3A_3199 = vector.extract_strided_slice %get3A_9 {offsets = [28, 2], sizes = [1, 1], strides = [1, 1]} : vector<32x5xf32> to vector<1x1xf32>
      %get3A_3200 = arith.constant 2 : index
      %get3A_3201 = arith.constant 0 : index
      %get3A_3202 = arith.constant 0 : index
      %get3A_3203 = vector.load %arg4[%get3A_3200, %get3A_3201, %get3A_3202] : memref<5x15x384xf32, #tpu.memory_space<vmem>>, vector<1x15x384xf32>
      %get3A_3204 = vector.shape_cast %get3A_3203 : vector<1x15x384xf32> to vector<15x384xf32>
      %mul3A_3205 = vector.broadcast %slice3A_3199 : vector<1x1xf32> to vector<15x384xf32>
      %mul3A_3206 = arith.mulf %mul3A_3205, %get3A_3204 : vector<15x384xf32>
      %add3A_3207 = arith.addf %add3A_3189, %mul3A_3206 : vector<15x384xf32>
      %slice3A_3208 = vector.extract_strided_slice %get3A_9 {offsets = [28, 2], sizes = [1, 1], strides = [1, 1]} : vector<32x5xf32> to vector<1x1xf32>
      %get3A_3209 = arith.constant 2 : index
      %get3A_3210 = arith.constant 0 : index
      %get3A_3211 = arith.constant 0 : index
      %get3A_3212 = vector.load %arg5[%get3A_3209, %get3A_3210, %get3A_3211] : memref<5x1x384xf32, #tpu.memory_space<vmem>>, vector<1x1x384xf32>
      %get3A_3213 = vector.shape_cast %get3A_3212 : vector<1x1x384xf32> to vector<1x384xf32>
      %mul3A_3214 = vector.broadcast %slice3A_3208 : vector<1x1xf32> to vector<1x384xf32>
      %mul3A_3215 = arith.mulf %mul3A_3214, %get3A_3213 : vector<1x384xf32>
      %add3A_3216 = arith.addf %add3A_3198, %mul3A_3215 : vector<1x384xf32>
      %slice3A_3217 = vector.extract_strided_slice %get3A_9 {offsets = [28, 3], sizes = [1, 1], strides = [1, 1]} : vector<32x5xf32> to vector<1x1xf32>
      %get3A_3218 = arith.constant 3 : index
      %get3A_3219 = arith.constant 0 : index
      %get3A_3220 = arith.constant 0 : index
      %get3A_3221 = vector.load %arg4[%get3A_3218, %get3A_3219, %get3A_3220] : memref<5x15x384xf32, #tpu.memory_space<vmem>>, vector<1x15x384xf32>
      %get3A_3222 = vector.shape_cast %get3A_3221 : vector<1x15x384xf32> to vector<15x384xf32>
      %mul3A_3223 = vector.broadcast %slice3A_3217 : vector<1x1xf32> to vector<15x384xf32>
      %mul3A_3224 = arith.mulf %mul3A_3223, %get3A_3222 : vector<15x384xf32>
      %add3A_3225 = arith.addf %add3A_3207, %mul3A_3224 : vector<15x384xf32>
      %slice3A_3226 = vector.extract_strided_slice %get3A_9 {offsets = [28, 3], sizes = [1, 1], strides = [1, 1]} : vector<32x5xf32> to vector<1x1xf32>
      %get3A_3227 = arith.constant 3 : index
      %get3A_3228 = arith.constant 0 : index
      %get3A_3229 = arith.constant 0 : index
      %get3A_3230 = vector.load %arg5[%get3A_3227, %get3A_3228, %get3A_3229] : memref<5x1x384xf32, #tpu.memory_space<vmem>>, vector<1x1x384xf32>
      %get3A_3231 = vector.shape_cast %get3A_3230 : vector<1x1x384xf32> to vector<1x384xf32>
      %mul3A_3232 = vector.broadcast %slice3A_3226 : vector<1x1xf32> to vector<1x384xf32>
      %mul3A_3233 = arith.mulf %mul3A_3232, %get3A_3231 : vector<1x384xf32>
      %add3A_3234 = arith.addf %add3A_3216, %mul3A_3233 : vector<1x384xf32>
      %slice3A_3235 = vector.extract_strided_slice %get3A_9 {offsets = [28, 4], sizes = [1, 1], strides = [1, 1]} : vector<32x5xf32> to vector<1x1xf32>
      %get3A_3236 = arith.constant 4 : index
      %get3A_3237 = arith.constant 0 : index
      %get3A_3238 = arith.constant 0 : index
      %get3A_3239 = vector.load %arg4[%get3A_3236, %get3A_3237, %get3A_3238] : memref<5x15x384xf32, #tpu.memory_space<vmem>>, vector<1x15x384xf32>
      %get3A_3240 = vector.shape_cast %get3A_3239 : vector<1x15x384xf32> to vector<15x384xf32>
      %mul3A_3241 = vector.broadcast %slice3A_3235 : vector<1x1xf32> to vector<15x384xf32>
      %mul3A_3242 = arith.mulf %mul3A_3241, %get3A_3240 : vector<15x384xf32>
      %add3A_3243 = arith.addf %add3A_3225, %mul3A_3242 : vector<15x384xf32>
      %slice3A_3244 = vector.extract_strided_slice %get3A_9 {offsets = [28, 4], sizes = [1, 1], strides = [1, 1]} : vector<32x5xf32> to vector<1x1xf32>
      %get3A_3245 = arith.constant 4 : index
      %get3A_3246 = arith.constant 0 : index
      %get3A_3247 = arith.constant 0 : index
      %get3A_3248 = vector.load %arg5[%get3A_3245, %get3A_3246, %get3A_3247] : memref<5x1x384xf32, #tpu.memory_space<vmem>>, vector<1x1x384xf32>
      %get3A_3249 = vector.shape_cast %get3A_3248 : vector<1x1x384xf32> to vector<1x384xf32>
      %mul3A_3250 = vector.broadcast %slice3A_3244 : vector<1x1xf32> to vector<1x384xf32>
      %mul3A_3251 = arith.mulf %mul3A_3250, %get3A_3249 : vector<1x384xf32>
      %add3A_3252 = arith.addf %add3A_3234, %mul3A_3251 : vector<1x384xf32>
      %get3A_3253 = arith.constant 28 : index
      %get3A_3254 = arith.constant 0 : index
      %get3A_3255 = arith.constant 0 : index
      %get3A_3256 = arith.constant 0 : index
      %get3A_3257 = vector.load %arg3[%get3A_3253, %get3A_3254, %get3A_3255, %get3A_3256] : memref<32x10x32x15xf32, #tpu.memory_space<vmem>>, vector<1x10x32x15xf32>
      %get3A_3258 = vector.shape_cast %get3A_3257 : vector<1x10x32x15xf32> to vector<10x32x15xf32>
      %reshape3A_3259 = vector.shape_cast %get3A_3258 : vector<10x32x15xf32> to vector<320x15xf32>
      %dot_general3A_3260 = arith.constant dense<0.000000e+00> : vector<320x384xf32>
      %dot_general3A_3261 = tpu.matmul %reshape3A_3259, %add3A_3243, %dot_general3A_3260 {dimension_numbers = #tpu.dot_dimension_numbers<[1], [0], [0], [1], [0, 0, 1, 1], [], []>, transpose_lhs_hint = false} : vector<320x15xf32>, vector<15x384xf32>, vector<320x384xf32> -> vector<320x384xf32>
      %add3A_3262 = vector.broadcast %add3A_3252 : vector<1x384xf32> to vector<320x384xf32>
      %add3A_3263 = arith.addf %dot_general3A_3261, %add3A_3262 : vector<320x384xf32>
      %max3A_3264 = arith.constant 0.000000e+00 : f32
      %max3A_3265 = vector.broadcast %max3A_3264 : f32 to vector<320x384xf32>
      %max3A_3266 = arith.maximumf %add3A_3263, %max3A_3265 : vector<320x384xf32>
      %reduce_sum3A_3267 = arith.constant dense<0.000000e+00> : vector<384xf32>
      %reduce_sum3A_3268 = vector.multi_reduction <add>, %max3A_3266, %reduce_sum3A_3267 [0] : vector<320x384xf32> to vector<384xf32>
      %div3A_3269 = arith.constant 3.200000e+02 : f32
      %div3A_3270 = vector.broadcast %div3A_3269 : f32 to vector<384xf32>
      %div3A_3271 = arith.divf %reduce_sum3A_3268, %div3A_3270 : vector<384xf32>
      %swap3A_3272 = arith.index_cast %arg0 : i32 to index
      %swap3A_3273 = arith.constant 28 : index
      %swap3A_3274 = arith.constant 0 : index
      %swap3A_3275 = vector.load %arg15[%swap3A_3272, %swap3A_3273, %swap3A_3274] : memref<4x32x384xf32, #tpu.memory_space<vmem>>, vector<1x1x384xf32>
      %swap3A_3276 = vector.shape_cast %swap3A_3275 : vector<1x1x384xf32> to vector<384xf32>
      %swap3A_3277 = vector.shape_cast %div3A_3271 : vector<384xf32> to vector<1x1x384xf32>
      tpu.vector_store %arg15[%swap3A_3272, %swap3A_3273, %swap3A_3274], %swap3A_3277 {strides = array<i32>} : memref<4x32x384xf32, #tpu.memory_space<vmem>>, vector<1x1x384xf32>,
      %slice3A_3278 = vector.extract_strided_slice %get3A_9 {offsets = [29, 0], sizes = [1, 1], strides = [1, 1]} : vector<32x5xf32> to vector<1x1xf32>
      %get3A_3279 = arith.constant 0 : index
      %get3A_3280 = arith.constant 0 : index
      %get3A_3281 = arith.constant 0 : index
      %get3A_3282 = vector.load %arg4[%get3A_3279, %get3A_3280, %get3A_3281] : memref<5x15x384xf32, #tpu.memory_space<vmem>>, vector<1x15x384xf32>
      %get3A_3283 = vector.shape_cast %get3A_3282 : vector<1x15x384xf32> to vector<15x384xf32>
      %mul3A_3284 = vector.broadcast %slice3A_3278 : vector<1x1xf32> to vector<15x384xf32>
      %mul3A_3285 = arith.mulf %mul3A_3284, %get3A_3283 : vector<15x384xf32>
      %slice3A_3286 = vector.extract_strided_slice %get3A_9 {offsets = [29, 0], sizes = [1, 1], strides = [1, 1]} : vector<32x5xf32> to vector<1x1xf32>
      %get3A_3287 = arith.constant 0 : index
      %get3A_3288 = arith.constant 0 : index
      %get3A_3289 = arith.constant 0 : index
      %get3A_3290 = vector.load %arg5[%get3A_3287, %get3A_3288, %get3A_3289] : memref<5x1x384xf32, #tpu.memory_space<vmem>>, vector<1x1x384xf32>
      %get3A_3291 = vector.shape_cast %get3A_3290 : vector<1x1x384xf32> to vector<1x384xf32>
      %mul3A_3292 = vector.broadcast %slice3A_3286 : vector<1x1xf32> to vector<1x384xf32>
      %mul3A_3293 = arith.mulf %mul3A_3292, %get3A_3291 : vector<1x384xf32>
      %slice3A_3294 = vector.extract_strided_slice %get3A_9 {offsets = [29, 1], sizes = [1, 1], strides = [1, 1]} : vector<32x5xf32> to vector<1x1xf32>
      %get3A_3295 = arith.constant 1 : index
      %get3A_3296 = arith.constant 0 : index
      %get3A_3297 = arith.constant 0 : index
      %get3A_3298 = vector.load %arg4[%get3A_3295, %get3A_3296, %get3A_3297] : memref<5x15x384xf32, #tpu.memory_space<vmem>>, vector<1x15x384xf32>
      %get3A_3299 = vector.shape_cast %get3A_3298 : vector<1x15x384xf32> to vector<15x384xf32>
      %mul3A_3300 = vector.broadcast %slice3A_3294 : vector<1x1xf32> to vector<15x384xf32>
      %mul3A_3301 = arith.mulf %mul3A_3300, %get3A_3299 : vector<15x384xf32>
      %add3A_3302 = arith.addf %mul3A_3285, %mul3A_3301 : vector<15x384xf32>
      %slice3A_3303 = vector.extract_strided_slice %get3A_9 {offsets = [29, 1], sizes = [1, 1], strides = [1, 1]} : vector<32x5xf32> to vector<1x1xf32>
      %get3A_3304 = arith.constant 1 : index
      %get3A_3305 = arith.constant 0 : index
      %get3A_3306 = arith.constant 0 : index
      %get3A_3307 = vector.load %arg5[%get3A_3304, %get3A_3305, %get3A_3306] : memref<5x1x384xf32, #tpu.memory_space<vmem>>, vector<1x1x384xf32>
      %get3A_3308 = vector.shape_cast %get3A_3307 : vector<1x1x384xf32> to vector<1x384xf32>
      %mul3A_3309 = vector.broadcast %slice3A_3303 : vector<1x1xf32> to vector<1x384xf32>
      %mul3A_3310 = arith.mulf %mul3A_3309, %get3A_3308 : vector<1x384xf32>
      %add3A_3311 = arith.addf %mul3A_3293, %mul3A_3310 : vector<1x384xf32>
      %slice3A_3312 = vector.extract_strided_slice %get3A_9 {offsets = [29, 2], sizes = [1, 1], strides = [1, 1]} : vector<32x5xf32> to vector<1x1xf32>
      %get3A_3313 = arith.constant 2 : index
      %get3A_3314 = arith.constant 0 : index
      %get3A_3315 = arith.constant 0 : index
      %get3A_3316 = vector.load %arg4[%get3A_3313, %get3A_3314, %get3A_3315] : memref<5x15x384xf32, #tpu.memory_space<vmem>>, vector<1x15x384xf32>
      %get3A_3317 = vector.shape_cast %get3A_3316 : vector<1x15x384xf32> to vector<15x384xf32>
      %mul3A_3318 = vector.broadcast %slice3A_3312 : vector<1x1xf32> to vector<15x384xf32>
      %mul3A_3319 = arith.mulf %mul3A_3318, %get3A_3317 : vector<15x384xf32>
      %add3A_3320 = arith.addf %add3A_3302, %mul3A_3319 : vector<15x384xf32>
      %slice3A_3321 = vector.extract_strided_slice %get3A_9 {offsets = [29, 2], sizes = [1, 1], strides = [1, 1]} : vector<32x5xf32> to vector<1x1xf32>
      %get3A_3322 = arith.constant 2 : index
      %get3A_3323 = arith.constant 0 : index
      %get3A_3324 = arith.constant 0 : index
      %get3A_3325 = vector.load %arg5[%get3A_3322, %get3A_3323, %get3A_3324] : memref<5x1x384xf32, #tpu.memory_space<vmem>>, vector<1x1x384xf32>
      %get3A_3326 = vector.shape_cast %get3A_3325 : vector<1x1x384xf32> to vector<1x384xf32>
      %mul3A_3327 = vector.broadcast %slice3A_3321 : vector<1x1xf32> to vector<1x384xf32>
      %mul3A_3328 = arith.mulf %mul3A_3327, %get3A_3326 : vector<1x384xf32>
      %add3A_3329 = arith.addf %add3A_3311, %mul3A_3328 : vector<1x384xf32>
      %slice3A_3330 = vector.extract_strided_slice %get3A_9 {offsets = [29, 3], sizes = [1, 1], strides = [1, 1]} : vector<32x5xf32> to vector<1x1xf32>
      %get3A_3331 = arith.constant 3 : index
      %get3A_3332 = arith.constant 0 : index
      %get3A_3333 = arith.constant 0 : index
      %get3A_3334 = vector.load %arg4[%get3A_3331, %get3A_3332, %get3A_3333] : memref<5x15x384xf32, #tpu.memory_space<vmem>>, vector<1x15x384xf32>
      %get3A_3335 = vector.shape_cast %get3A_3334 : vector<1x15x384xf32> to vector<15x384xf32>
      %mul3A_3336 = vector.broadcast %slice3A_3330 : vector<1x1xf32> to vector<15x384xf32>
      %mul3A_3337 = arith.mulf %mul3A_3336, %get3A_3335 : vector<15x384xf32>
      %add3A_3338 = arith.addf %add3A_3320, %mul3A_3337 : vector<15x384xf32>
      %slice3A_3339 = vector.extract_strided_slice %get3A_9 {offsets = [29, 3], sizes = [1, 1], strides = [1, 1]} : vector<32x5xf32> to vector<1x1xf32>
      %get3A_3340 = arith.constant 3 : index
      %get3A_3341 = arith.constant 0 : index
      %get3A_3342 = arith.constant 0 : index
      %get3A_3343 = vector.load %arg5[%get3A_3340, %get3A_3341, %get3A_3342] : memref<5x1x384xf32, #tpu.memory_space<vmem>>, vector<1x1x384xf32>
      %get3A_3344 = vector.shape_cast %get3A_3343 : vector<1x1x384xf32> to vector<1x384xf32>
      %mul3A_3345 = vector.broadcast %slice3A_3339 : vector<1x1xf32> to vector<1x384xf32>
      %mul3A_3346 = arith.mulf %mul3A_3345, %get3A_3344 : vector<1x384xf32>
      %add3A_3347 = arith.addf %add3A_3329, %mul3A_3346 : vector<1x384xf32>
      %slice3A_3348 = vector.extract_strided_slice %get3A_9 {offsets = [29, 4], sizes = [1, 1], strides = [1, 1]} : vector<32x5xf32> to vector<1x1xf32>
      %get3A_3349 = arith.constant 4 : index
      %get3A_3350 = arith.constant 0 : index
      %get3A_3351 = arith.constant 0 : index
      %get3A_3352 = vector.load %arg4[%get3A_3349, %get3A_3350, %get3A_3351] : memref<5x15x384xf32, #tpu.memory_space<vmem>>, vector<1x15x384xf32>
      %get3A_3353 = vector.shape_cast %get3A_3352 : vector<1x15x384xf32> to vector<15x384xf32>
      %mul3A_3354 = vector.broadcast %slice3A_3348 : vector<1x1xf32> to vector<15x384xf32>
      %mul3A_3355 = arith.mulf %mul3A_3354, %get3A_3353 : vector<15x384xf32>
      %add3A_3356 = arith.addf %add3A_3338, %mul3A_3355 : vector<15x384xf32>
      %slice3A_3357 = vector.extract_strided_slice %get3A_9 {offsets = [29, 4], sizes = [1, 1], strides = [1, 1]} : vector<32x5xf32> to vector<1x1xf32>
      %get3A_3358 = arith.constant 4 : index
      %get3A_3359 = arith.constant 0 : index
      %get3A_3360 = arith.constant 0 : index
      %get3A_3361 = vector.load %arg5[%get3A_3358, %get3A_3359, %get3A_3360] : memref<5x1x384xf32, #tpu.memory_space<vmem>>, vector<1x1x384xf32>
      %get3A_3362 = vector.shape_cast %get3A_3361 : vector<1x1x384xf32> to vector<1x384xf32>
      %mul3A_3363 = vector.broadcast %slice3A_3357 : vector<1x1xf32> to vector<1x384xf32>
      %mul3A_3364 = arith.mulf %mul3A_3363, %get3A_3362 : vector<1x384xf32>
      %add3A_3365 = arith.addf %add3A_3347, %mul3A_3364 : vector<1x384xf32>
      %get3A_3366 = arith.constant 29 : index
      %get3A_3367 = arith.constant 0 : index
      %get3A_3368 = arith.constant 0 : index
      %get3A_3369 = arith.constant 0 : index
      %get3A_3370 = vector.load %arg3[%get3A_3366, %get3A_3367, %get3A_3368, %get3A_3369] : memref<32x10x32x15xf32, #tpu.memory_space<vmem>>, vector<1x10x32x15xf32>
      %get3A_3371 = vector.shape_cast %get3A_3370 : vector<1x10x32x15xf32> to vector<10x32x15xf32>
      %reshape3A_3372 = vector.shape_cast %get3A_3371 : vector<10x32x15xf32> to vector<320x15xf32>
      %dot_general3A_3373 = arith.constant dense<0.000000e+00> : vector<320x384xf32>
      %dot_general3A_3374 = tpu.matmul %reshape3A_3372, %add3A_3356, %dot_general3A_3373 {dimension_numbers = #tpu.dot_dimension_numbers<[1], [0], [0], [1], [0, 0, 1, 1], [], []>, transpose_lhs_hint = false} : vector<320x15xf32>, vector<15x384xf32>, vector<320x384xf32> -> vector<320x384xf32>
      %add3A_3375 = vector.broadcast %add3A_3365 : vector<1x384xf32> to vector<320x384xf32>
      %add3A_3376 = arith.addf %dot_general3A_3374, %add3A_3375 : vector<320x384xf32>
      %max3A_3377 = arith.constant 0.000000e+00 : f32
      %max3A_3378 = vector.broadcast %max3A_3377 : f32 to vector<320x384xf32>
      %max3A_3379 = arith.maximumf %add3A_3376, %max3A_3378 : vector<320x384xf32>
      %reduce_sum3A_3380 = arith.constant dense<0.000000e+00> : vector<384xf32>
      %reduce_sum3A_3381 = vector.multi_reduction <add>, %max3A_3379, %reduce_sum3A_3380 [0] : vector<320x384xf32> to vector<384xf32>
      %div3A_3382 = arith.constant 3.200000e+02 : f32
      %div3A_3383 = vector.broadcast %div3A_3382 : f32 to vector<384xf32>
      %div3A_3384 = arith.divf %reduce_sum3A_3381, %div3A_3383 : vector<384xf32>
      %swap3A_3385 = arith.index_cast %arg0 : i32 to index
      %swap3A_3386 = arith.constant 29 : index
      %swap3A_3387 = arith.constant 0 : index
      %swap3A_3388 = vector.load %arg15[%swap3A_3385, %swap3A_3386, %swap3A_3387] : memref<4x32x384xf32, #tpu.memory_space<vmem>>, vector<1x1x384xf32>
      %swap3A_3389 = vector.shape_cast %swap3A_3388 : vector<1x1x384xf32> to vector<384xf32>
      %swap3A_3390 = vector.shape_cast %div3A_3384 : vector<384xf32> to vector<1x1x384xf32>
      tpu.vector_store %arg15[%swap3A_3385, %swap3A_3386, %swap3A_3387], %swap3A_3390 {strides = array<i32>} : memref<4x32x384xf32, #tpu.memory_space<vmem>>, vector<1x1x384xf32>,
      %slice3A_3391 = vector.extract_strided_slice %get3A_9 {offsets = [30, 0], sizes = [1, 1], strides = [1, 1]} : vector<32x5xf32> to vector<1x1xf32>
      %get3A_3392 = arith.constant 0 : index
      %get3A_3393 = arith.constant 0 : index
      %get3A_3394 = arith.constant 0 : index
      %get3A_3395 = vector.load %arg4[%get3A_3392, %get3A_3393, %get3A_3394] : memref<5x15x384xf32, #tpu.memory_space<vmem>>, vector<1x15x384xf32>
      %get3A_3396 = vector.shape_cast %get3A_3395 : vector<1x15x384xf32> to vector<15x384xf32>
      %mul3A_3397 = vector.broadcast %slice3A_3391 : vector<1x1xf32> to vector<15x384xf32>
      %mul3A_3398 = arith.mulf %mul3A_3397, %get3A_3396 : vector<15x384xf32>
      %slice3A_3399 = vector.extract_strided_slice %get3A_9 {offsets = [30, 0], sizes = [1, 1], strides = [1, 1]} : vector<32x5xf32> to vector<1x1xf32>
      %get3A_3400 = arith.constant 0 : index
      %get3A_3401 = arith.constant 0 : index
      %get3A_3402 = arith.constant 0 : index
      %get3A_3403 = vector.load %arg5[%get3A_3400, %get3A_3401, %get3A_3402] : memref<5x1x384xf32, #tpu.memory_space<vmem>>, vector<1x1x384xf32>
      %get3A_3404 = vector.shape_cast %get3A_3403 : vector<1x1x384xf32> to vector<1x384xf32>
      %mul3A_3405 = vector.broadcast %slice3A_3399 : vector<1x1xf32> to vector<1x384xf32>
      %mul3A_3406 = arith.mulf %mul3A_3405, %get3A_3404 : vector<1x384xf32>
      %slice3A_3407 = vector.extract_strided_slice %get3A_9 {offsets = [30, 1], sizes = [1, 1], strides = [1, 1]} : vector<32x5xf32> to vector<1x1xf32>
      %get3A_3408 = arith.constant 1 : index
      %get3A_3409 = arith.constant 0 : index
      %get3A_3410 = arith.constant 0 : index
      %get3A_3411 = vector.load %arg4[%get3A_3408, %get3A_3409, %get3A_3410] : memref<5x15x384xf32, #tpu.memory_space<vmem>>, vector<1x15x384xf32>
      %get3A_3412 = vector.shape_cast %get3A_3411 : vector<1x15x384xf32> to vector<15x384xf32>
      %mul3A_3413 = vector.broadcast %slice3A_3407 : vector<1x1xf32> to vector<15x384xf32>
      %mul3A_3414 = arith.mulf %mul3A_3413, %get3A_3412 : vector<15x384xf32>
      %add3A_3415 = arith.addf %mul3A_3398, %mul3A_3414 : vector<15x384xf32>
      %slice3A_3416 = vector.extract_strided_slice %get3A_9 {offsets = [30, 1], sizes = [1, 1], strides = [1, 1]} : vector<32x5xf32> to vector<1x1xf32>
      %get3A_3417 = arith.constant 1 : index
      %get3A_3418 = arith.constant 0 : index
      %get3A_3419 = arith.constant 0 : index
      %get3A_3420 = vector.load %arg5[%get3A_3417, %get3A_3418, %get3A_3419] : memref<5x1x384xf32, #tpu.memory_space<vmem>>, vector<1x1x384xf32>
      %get3A_3421 = vector.shape_cast %get3A_3420 : vector<1x1x384xf32> to vector<1x384xf32>
      %mul3A_3422 = vector.broadcast %slice3A_3416 : vector<1x1xf32> to vector<1x384xf32>
      %mul3A_3423 = arith.mulf %mul3A_3422, %get3A_3421 : vector<1x384xf32>
      %add3A_3424 = arith.addf %mul3A_3406, %mul3A_3423 : vector<1x384xf32>
      %slice3A_3425 = vector.extract_strided_slice %get3A_9 {offsets = [30, 2], sizes = [1, 1], strides = [1, 1]} : vector<32x5xf32> to vector<1x1xf32>
      %get3A_3426 = arith.constant 2 : index
      %get3A_3427 = arith.constant 0 : index
      %get3A_3428 = arith.constant 0 : index
      %get3A_3429 = vector.load %arg4[%get3A_3426, %get3A_3427, %get3A_3428] : memref<5x15x384xf32, #tpu.memory_space<vmem>>, vector<1x15x384xf32>
      %get3A_3430 = vector.shape_cast %get3A_3429 : vector<1x15x384xf32> to vector<15x384xf32>
      %mul3A_3431 = vector.broadcast %slice3A_3425 : vector<1x1xf32> to vector<15x384xf32>
      %mul3A_3432 = arith.mulf %mul3A_3431, %get3A_3430 : vector<15x384xf32>
      %add3A_3433 = arith.addf %add3A_3415, %mul3A_3432 : vector<15x384xf32>
      %slice3A_3434 = vector.extract_strided_slice %get3A_9 {offsets = [30, 2], sizes = [1, 1], strides = [1, 1]} : vector<32x5xf32> to vector<1x1xf32>
      %get3A_3435 = arith.constant 2 : index
      %get3A_3436 = arith.constant 0 : index
      %get3A_3437 = arith.constant 0 : index
      %get3A_3438 = vector.load %arg5[%get3A_3435, %get3A_3436, %get3A_3437] : memref<5x1x384xf32, #tpu.memory_space<vmem>>, vector<1x1x384xf32>
      %get3A_3439 = vector.shape_cast %get3A_3438 : vector<1x1x384xf32> to vector<1x384xf32>
      %mul3A_3440 = vector.broadcast %slice3A_3434 : vector<1x1xf32> to vector<1x384xf32>
      %mul3A_3441 = arith.mulf %mul3A_3440, %get3A_3439 : vector<1x384xf32>
      %add3A_3442 = arith.addf %add3A_3424, %mul3A_3441 : vector<1x384xf32>
      %slice3A_3443 = vector.extract_strided_slice %get3A_9 {offsets = [30, 3], sizes = [1, 1], strides = [1, 1]} : vector<32x5xf32> to vector<1x1xf32>
      %get3A_3444 = arith.constant 3 : index
      %get3A_3445 = arith.constant 0 : index
      %get3A_3446 = arith.constant 0 : index
      %get3A_3447 = vector.load %arg4[%get3A_3444, %get3A_3445, %get3A_3446] : memref<5x15x384xf32, #tpu.memory_space<vmem>>, vector<1x15x384xf32>
      %get3A_3448 = vector.shape_cast %get3A_3447 : vector<1x15x384xf32> to vector<15x384xf32>
      %mul3A_3449 = vector.broadcast %slice3A_3443 : vector<1x1xf32> to vector<15x384xf32>
      %mul3A_3450 = arith.mulf %mul3A_3449, %get3A_3448 : vector<15x384xf32>
      %add3A_3451 = arith.addf %add3A_3433, %mul3A_3450 : vector<15x384xf32>
      %slice3A_3452 = vector.extract_strided_slice %get3A_9 {offsets = [30, 3], sizes = [1, 1], strides = [1, 1]} : vector<32x5xf32> to vector<1x1xf32>
      %get3A_3453 = arith.constant 3 : index
      %get3A_3454 = arith.constant 0 : index
      %get3A_3455 = arith.constant 0 : index
      %get3A_3456 = vector.load %arg5[%get3A_3453, %get3A_3454, %get3A_3455] : memref<5x1x384xf32, #tpu.memory_space<vmem>>, vector<1x1x384xf32>
      %get3A_3457 = vector.shape_cast %get3A_3456 : vector<1x1x384xf32> to vector<1x384xf32>
      %mul3A_3458 = vector.broadcast %slice3A_3452 : vector<1x1xf32> to vector<1x384xf32>
      %mul3A_3459 = arith.mulf %mul3A_3458, %get3A_3457 : vector<1x384xf32>
      %add3A_3460 = arith.addf %add3A_3442, %mul3A_3459 : vector<1x384xf32>
      %slice3A_3461 = vector.extract_strided_slice %get3A_9 {offsets = [30, 4], sizes = [1, 1], strides = [1, 1]} : vector<32x5xf32> to vector<1x1xf32>
      %get3A_3462 = arith.constant 4 : index
      %get3A_3463 = arith.constant 0 : index
      %get3A_3464 = arith.constant 0 : index
      %get3A_3465 = vector.load %arg4[%get3A_3462, %get3A_3463, %get3A_3464] : memref<5x15x384xf32, #tpu.memory_space<vmem>>, vector<1x15x384xf32>
      %get3A_3466 = vector.shape_cast %get3A_3465 : vector<1x15x384xf32> to vector<15x384xf32>
      %mul3A_3467 = vector.broadcast %slice3A_3461 : vector<1x1xf32> to vector<15x384xf32>
      %mul3A_3468 = arith.mulf %mul3A_3467, %get3A_3466 : vector<15x384xf32>
      %add3A_3469 = arith.addf %add3A_3451, %mul3A_3468 : vector<15x384xf32>
      %slice3A_3470 = vector.extract_strided_slice %get3A_9 {offsets = [30, 4], sizes = [1, 1], strides = [1, 1]} : vector<32x5xf32> to vector<1x1xf32>
      %get3A_3471 = arith.constant 4 : index
      %get3A_3472 = arith.constant 0 : index
      %get3A_3473 = arith.constant 0 : index
      %get3A_3474 = vector.load %arg5[%get3A_3471, %get3A_3472, %get3A_3473] : memref<5x1x384xf32, #tpu.memory_space<vmem>>, vector<1x1x384xf32>
      %get3A_3475 = vector.shape_cast %get3A_3474 : vector<1x1x384xf32> to vector<1x384xf32>
      %mul3A_3476 = vector.broadcast %slice3A_3470 : vector<1x1xf32> to vector<1x384xf32>
      %mul3A_3477 = arith.mulf %mul3A_3476, %get3A_3475 : vector<1x384xf32>
      %add3A_3478 = arith.addf %add3A_3460, %mul3A_3477 : vector<1x384xf32>
      %get3A_3479 = arith.constant 30 : index
      %get3A_3480 = arith.constant 0 : index
      %get3A_3481 = arith.constant 0 : index
      %get3A_3482 = arith.constant 0 : index
      %get3A_3483 = vector.load %arg3[%get3A_3479, %get3A_3480, %get3A_3481, %get3A_3482] : memref<32x10x32x15xf32, #tpu.memory_space<vmem>>, vector<1x10x32x15xf32>
      %get3A_3484 = vector.shape_cast %get3A_3483 : vector<1x10x32x15xf32> to vector<10x32x15xf32>
      %reshape3A_3485 = vector.shape_cast %get3A_3484 : vector<10x32x15xf32> to vector<320x15xf32>
      %dot_general3A_3486 = arith.constant dense<0.000000e+00> : vector<320x384xf32>
      %dot_general3A_3487 = tpu.matmul %reshape3A_3485, %add3A_3469, %dot_general3A_3486 {dimension_numbers = #tpu.dot_dimension_numbers<[1], [0], [0], [1], [0, 0, 1, 1], [], []>, transpose_lhs_hint = false} : vector<320x15xf32>, vector<15x384xf32>, vector<320x384xf32> -> vector<320x384xf32>
      %add3A_3488 = vector.broadcast %add3A_3478 : vector<1x384xf32> to vector<320x384xf32>
      %add3A_3489 = arith.addf %dot_general3A_3487, %add3A_3488 : vector<320x384xf32>
      %max3A_3490 = arith.constant 0.000000e+00 : f32
      %max3A_3491 = vector.broadcast %max3A_3490 : f32 to vector<320x384xf32>
      %max3A_3492 = arith.maximumf %add3A_3489, %max3A_3491 : vector<320x384xf32>
      %reduce_sum3A_3493 = arith.constant dense<0.000000e+00> : vector<384xf32>
      %reduce_sum3A_3494 = vector.multi_reduction <add>, %max3A_3492, %reduce_sum3A_3493 [0] : vector<320x384xf32> to vector<384xf32>
      %div3A_3495 = arith.constant 3.200000e+02 : f32
      %div3A_3496 = vector.broadcast %div3A_3495 : f32 to vector<384xf32>
      %div3A_3497 = arith.divf %reduce_sum3A_3494, %div3A_3496 : vector<384xf32>
      %swap3A_3498 = arith.index_cast %arg0 : i32 to index
      %swap3A_3499 = arith.constant 30 : index
      %swap3A_3500 = arith.constant 0 : index
      %swap3A_3501 = vector.load %arg15[%swap3A_3498, %swap3A_3499, %swap3A_3500] : memref<4x32x384xf32, #tpu.memory_space<vmem>>, vector<1x1x384xf32>
      %swap3A_3502 = vector.shape_cast %swap3A_3501 : vector<1x1x384xf32> to vector<384xf32>
      %swap3A_3503 = vector.shape_cast %div3A_3497 : vector<384xf32> to vector<1x1x384xf32>
      tpu.vector_store %arg15[%swap3A_3498, %swap3A_3499, %swap3A_3500], %swap3A_3503 {strides = array<i32>} : memref<4x32x384xf32, #tpu.memory_space<vmem>>, vector<1x1x384xf32>,
      %slice3A_3504 = vector.extract_strided_slice %get3A_9 {offsets = [31, 0], sizes = [1, 1], strides = [1, 1]} : vector<32x5xf32> to vector<1x1xf32>
      %get3A_3505 = arith.constant 0 : index
      %get3A_3506 = arith.constant 0 : index
      %get3A_3507 = arith.constant 0 : index
      %get3A_3508 = vector.load %arg4[%get3A_3505, %get3A_3506, %get3A_3507] : memref<5x15x384xf32, #tpu.memory_space<vmem>>, vector<1x15x384xf32>
      %get3A_3509 = vector.shape_cast %get3A_3508 : vector<1x15x384xf32> to vector<15x384xf32>
      %mul3A_3510 = vector.broadcast %slice3A_3504 : vector<1x1xf32> to vector<15x384xf32>
      %mul3A_3511 = arith.mulf %mul3A_3510, %get3A_3509 : vector<15x384xf32>
      %slice3A_3512 = vector.extract_strided_slice %get3A_9 {offsets = [31, 0], sizes = [1, 1], strides = [1, 1]} : vector<32x5xf32> to vector<1x1xf32>
      %get3A_3513 = arith.constant 0 : index
      %get3A_3514 = arith.constant 0 : index
      %get3A_3515 = arith.constant 0 : index
      %get3A_3516 = vector.load %arg5[%get3A_3513, %get3A_3514, %get3A_3515] : memref<5x1x384xf32, #tpu.memory_space<vmem>>, vector<1x1x384xf32>
      %get3A_3517 = vector.shape_cast %get3A_3516 : vector<1x1x384xf32> to vector<1x384xf32>
      %mul3A_3518 = vector.broadcast %slice3A_3512 : vector<1x1xf32> to vector<1x384xf32>
      %mul3A_3519 = arith.mulf %mul3A_3518, %get3A_3517 : vector<1x384xf32>
      %slice3A_3520 = vector.extract_strided_slice %get3A_9 {offsets = [31, 1], sizes = [1, 1], strides = [1, 1]} : vector<32x5xf32> to vector<1x1xf32>
      %get3A_3521 = arith.constant 1 : index
      %get3A_3522 = arith.constant 0 : index
      %get3A_3523 = arith.constant 0 : index
      %get3A_3524 = vector.load %arg4[%get3A_3521, %get3A_3522, %get3A_3523] : memref<5x15x384xf32, #tpu.memory_space<vmem>>, vector<1x15x384xf32>
      %get3A_3525 = vector.shape_cast %get3A_3524 : vector<1x15x384xf32> to vector<15x384xf32>
      %mul3A_3526 = vector.broadcast %slice3A_3520 : vector<1x1xf32> to vector<15x384xf32>
      %mul3A_3527 = arith.mulf %mul3A_3526, %get3A_3525 : vector<15x384xf32>
      %add3A_3528 = arith.addf %mul3A_3511, %mul3A_3527 : vector<15x384xf32>
      %slice3A_3529 = vector.extract_strided_slice %get3A_9 {offsets = [31, 1], sizes = [1, 1], strides = [1, 1]} : vector<32x5xf32> to vector<1x1xf32>
      %get3A_3530 = arith.constant 1 : index
      %get3A_3531 = arith.constant 0 : index
      %get3A_3532 = arith.constant 0 : index
      %get3A_3533 = vector.load %arg5[%get3A_3530, %get3A_3531, %get3A_3532] : memref<5x1x384xf32, #tpu.memory_space<vmem>>, vector<1x1x384xf32>
      %get3A_3534 = vector.shape_cast %get3A_3533 : vector<1x1x384xf32> to vector<1x384xf32>
      %mul3A_3535 = vector.broadcast %slice3A_3529 : vector<1x1xf32> to vector<1x384xf32>
      %mul3A_3536 = arith.mulf %mul3A_3535, %get3A_3534 : vector<1x384xf32>
      %add3A_3537 = arith.addf %mul3A_3519, %mul3A_3536 : vector<1x384xf32>
      %slice3A_3538 = vector.extract_strided_slice %get3A_9 {offsets = [31, 2], sizes = [1, 1], strides = [1, 1]} : vector<32x5xf32> to vector<1x1xf32>
      %get3A_3539 = arith.constant 2 : index
      %get3A_3540 = arith.constant 0 : index
      %get3A_3541 = arith.constant 0 : index
      %get3A_3542 = vector.load %arg4[%get3A_3539, %get3A_3540, %get3A_3541] : memref<5x15x384xf32, #tpu.memory_space<vmem>>, vector<1x15x384xf32>
      %get3A_3543 = vector.shape_cast %get3A_3542 : vector<1x15x384xf32> to vector<15x384xf32>
      %mul3A_3544 = vector.broadcast %slice3A_3538 : vector<1x1xf32> to vector<15x384xf32>
      %mul3A_3545 = arith.mulf %mul3A_3544, %get3A_3543 : vector<15x384xf32>
      %add3A_3546 = arith.addf %add3A_3528, %mul3A_3545 : vector<15x384xf32>
      %slice3A_3547 = vector.extract_strided_slice %get3A_9 {offsets = [31, 2], sizes = [1, 1], strides = [1, 1]} : vector<32x5xf32> to vector<1x1xf32>
      %get3A_3548 = arith.constant 2 : index
      %get3A_3549 = arith.constant 0 : index
      %get3A_3550 = arith.constant 0 : index
      %get3A_3551 = vector.load %arg5[%get3A_3548, %get3A_3549, %get3A_3550] : memref<5x1x384xf32, #tpu.memory_space<vmem>>, vector<1x1x384xf32>
      %get3A_3552 = vector.shape_cast %get3A_3551 : vector<1x1x384xf32> to vector<1x384xf32>
      %mul3A_3553 = vector.broadcast %slice3A_3547 : vector<1x1xf32> to vector<1x384xf32>
      %mul3A_3554 = arith.mulf %mul3A_3553, %get3A_3552 : vector<1x384xf32>
      %add3A_3555 = arith.addf %add3A_3537, %mul3A_3554 : vector<1x384xf32>
      %slice3A_3556 = vector.extract_strided_slice %get3A_9 {offsets = [31, 3], sizes = [1, 1], strides = [1, 1]} : vector<32x5xf32> to vector<1x1xf32>
      %get3A_3557 = arith.constant 3 : index
      %get3A_3558 = arith.constant 0 : index
      %get3A_3559 = arith.constant 0 : index
      %get3A_3560 = vector.load %arg4[%get3A_3557, %get3A_3558, %get3A_3559] : memref<5x15x384xf32, #tpu.memory_space<vmem>>, vector<1x15x384xf32>
      %get3A_3561 = vector.shape_cast %get3A_3560 : vector<1x15x384xf32> to vector<15x384xf32>
      %mul3A_3562 = vector.broadcast %slice3A_3556 : vector<1x1xf32> to vector<15x384xf32>
      %mul3A_3563 = arith.mulf %mul3A_3562, %get3A_3561 : vector<15x384xf32>
      %add3A_3564 = arith.addf %add3A_3546, %mul3A_3563 : vector<15x384xf32>
      %slice3A_3565 = vector.extract_strided_slice %get3A_9 {offsets = [31, 3], sizes = [1, 1], strides = [1, 1]} : vector<32x5xf32> to vector<1x1xf32>
      %get3A_3566 = arith.constant 3 : index
      %get3A_3567 = arith.constant 0 : index
      %get3A_3568 = arith.constant 0 : index
      %get3A_3569 = vector.load %arg5[%get3A_3566, %get3A_3567, %get3A_3568] : memref<5x1x384xf32, #tpu.memory_space<vmem>>, vector<1x1x384xf32>
      %get3A_3570 = vector.shape_cast %get3A_3569 : vector<1x1x384xf32> to vector<1x384xf32>
      %mul3A_3571 = vector.broadcast %slice3A_3565 : vector<1x1xf32> to vector<1x384xf32>
      %mul3A_3572 = arith.mulf %mul3A_3571, %get3A_3570 : vector<1x384xf32>
      %add3A_3573 = arith.addf %add3A_3555, %mul3A_3572 : vector<1x384xf32>
      %slice3A_3574 = vector.extract_strided_slice %get3A_9 {offsets = [31, 4], sizes = [1, 1], strides = [1, 1]} : vector<32x5xf32> to vector<1x1xf32>
      %get3A_3575 = arith.constant 4 : index
      %get3A_3576 = arith.constant 0 : index
      %get3A_3577 = arith.constant 0 : index
      %get3A_3578 = vector.load %arg4[%get3A_3575, %get3A_3576, %get3A_3577] : memref<5x15x384xf32, #tpu.memory_space<vmem>>, vector<1x15x384xf32>
      %get3A_3579 = vector.shape_cast %get3A_3578 : vector<1x15x384xf32> to vector<15x384xf32>
      %mul3A_3580 = vector.broadcast %slice3A_3574 : vector<1x1xf32> to vector<15x384xf32>
      %mul3A_3581 = arith.mulf %mul3A_3580, %get3A_3579 : vector<15x384xf32>
      %add3A_3582 = arith.addf %add3A_3564, %mul3A_3581 : vector<15x384xf32>
      %slice3A_3583 = vector.extract_strided_slice %get3A_9 {offsets = [31, 4], sizes = [1, 1], strides = [1, 1]} : vector<32x5xf32> to vector<1x1xf32>
      %get3A_3584 = arith.constant 4 : index
      %get3A_3585 = arith.constant 0 : index
      %get3A_3586 = arith.constant 0 : index
      %get3A_3587 = vector.load %arg5[%get3A_3584, %get3A_3585, %get3A_3586] : memref<5x1x384xf32, #tpu.memory_space<vmem>>, vector<1x1x384xf32>
      %get3A_3588 = vector.shape_cast %get3A_3587 : vector<1x1x384xf32> to vector<1x384xf32>
      %mul3A_3589 = vector.broadcast %slice3A_3583 : vector<1x1xf32> to vector<1x384xf32>
      %mul3A_3590 = arith.mulf %mul3A_3589, %get3A_3588 : vector<1x384xf32>
      %add3A_3591 = arith.addf %add3A_3573, %mul3A_3590 : vector<1x384xf32>
      %get3A_3592 = arith.constant 31 : index
      %get3A_3593 = arith.constant 0 : index
      %get3A_3594 = arith.constant 0 : index
      %get3A_3595 = arith.constant 0 : index
      %get3A_3596 = vector.load %arg3[%get3A_3592, %get3A_3593, %get3A_3594, %get3A_3595] : memref<32x10x32x15xf32, #tpu.memory_space<vmem>>, vector<1x10x32x15xf32>
      %get3A_3597 = vector.shape_cast %get3A_3596 : vector<1x10x32x15xf32> to vector<10x32x15xf32>
      %reshape3A_3598 = vector.shape_cast %get3A_3597 : vector<10x32x15xf32> to vector<320x15xf32>
      %dot_general3A_3599 = arith.constant dense<0.000000e+00> : vector<320x384xf32>
      %dot_general3A_3600 = tpu.matmul %reshape3A_3598, %add3A_3582, %dot_general3A_3599 {dimension_numbers = #tpu.dot_dimension_numbers<[1], [0], [0], [1], [0, 0, 1, 1], [], []>, transpose_lhs_hint = false} : vector<320x15xf32>, vector<15x384xf32>, vector<320x384xf32> -> vector<320x384xf32>
      %add3A_3601 = vector.broadcast %add3A_3591 : vector<1x384xf32> to vector<320x384xf32>
      %add3A_3602 = arith.addf %dot_general3A_3600, %add3A_3601 : vector<320x384xf32>
      %max3A_3603 = arith.constant 0.000000e+00 : f32
      %max3A_3604 = vector.broadcast %max3A_3603 : f32 to vector<320x384xf32>
      %max3A_3605 = arith.maximumf %add3A_3602, %max3A_3604 : vector<320x384xf32>
      %reduce_sum3A_3606 = arith.constant dense<0.000000e+00> : vector<384xf32>
      %reduce_sum3A_3607 = vector.multi_reduction <add>, %max3A_3605, %reduce_sum3A_3606 [0] : vector<320x384xf32> to vector<384xf32>
      %div3A_3608 = arith.constant 3.200000e+02 : f32
      %div3A_3609 = vector.broadcast %div3A_3608 : f32 to vector<384xf32>
      %div3A_3610 = arith.divf %reduce_sum3A_3607, %div3A_3609 : vector<384xf32>
      %swap3A_3611 = arith.index_cast %arg0 : i32 to index
      %swap3A_3612 = arith.constant 31 : index
      %swap3A_3613 = arith.constant 0 : index
      %swap3A_3614 = vector.load %arg15[%swap3A_3611, %swap3A_3612, %swap3A_3613] : memref<4x32x384xf32, #tpu.memory_space<vmem>>, vector<1x1x384xf32>
      %swap3A_3615 = vector.shape_cast %swap3A_3614 : vector<1x1x384xf32> to vector<384xf32>
      %swap3A_3616 = vector.shape_cast %div3A_3610 : vector<384xf32> to vector<1x1x384xf32>
      tpu.vector_store %arg15[%swap3A_3611, %swap3A_3612, %swap3A_3613], %swap3A_3616 {strides = array<i32>} : memref<4x32x384xf32, #tpu.memory_space<vmem>>, vector<1x1x384xf32>,
    } else {
    }
    %eq3A = arith.constant 4 : i32
    %eq3A_2 = arith.cmpi eq, %arg0, %eq3A : i32
    %convert_element_type3A_3 = arith.extui %eq3A_2 : i1 to i32
    %cond3A_4 = arith.constant 0 : i32
    %cond3A_5 = arith.cmpi ne, %convert_element_type3A_3, %cond3A_4 : i32
    scf.if %cond3A_5 {
      %get3A = arith.constant 0 : index
      %get3A_6 = arith.constant 0 : index
      %get3A_7 = arith.constant 0 : index
      %get3A_8 = vector.load %arg15[%get3A, %get3A_6, %get3A_7] : memref<4x32x384xf32, #tpu.memory_space<vmem>>, vector<4x32x384xf32>
      %reshape3A = vector.shape_cast %get3A_8 : vector<4x32x384xf32> to vector<128x384xf32>
      %get3A_9 = arith.constant 0 : index
      %get3A_10 = arith.constant 0 : index
      %get3A_11 = vector.load %arg2[%get3A_9, %get3A_10] : memref<128x5xf32, #tpu.memory_space<vmem>>, vector<128x5xf32>
      %get3A_12 = arith.constant 0 : index
      %get3A_13 = arith.constant 0 : index
      %get3A_14 = vector.load %arg7[%get3A_12, %get3A_13] : memref<5x384xf32, #tpu.memory_space<vmem>>, vector<5x384xf32>
      %dot_general3A = arith.constant dense<0.000000e+00> : vector<128x384xf32>
      %dot_general3A_15 = tpu.matmul %get3A_11, %get3A_14, %dot_general3A {dimension_numbers = #tpu.dot_dimension_numbers<[1], [0], [0], [1], [0, 0, 1, 1], [], []>, transpose_lhs_hint = false} : vector<128x5xf32>, vector<5x384xf32>, vector<128x384xf32> -> vector<128x384xf32>
      %slice3A = vector.extract_strided_slice %get3A_11 {offsets = [0, 0], sizes = [128, 1], strides = [1, 1]} : vector<128x5xf32> to vector<128x1xf32>
      %mul3A = vector.broadcast %slice3A : vector<128x1xf32> to vector<128x384xf32>
      %mul3A_16 = arith.mulf %reshape3A, %mul3A : vector<128x384xf32>
      %get3A_17 = arith.constant 0 : index
      %get3A_18 = arith.constant 0 : index
      %get3A_19 = arith.constant 0 : index
      %get3A_20 = vector.load %arg6[%get3A_17, %get3A_18, %get3A_19] : memref<5x384x384xf32, #tpu.memory_space<vmem>>, vector<1x384x384xf32>
      %get3A_21 = vector.shape_cast %get3A_20 : vector<1x384x384xf32> to vector<384x384xf32>
      %dot_general3A_22 = arith.constant dense<0.000000e+00> : vector<128x384xf32>
      %dot_general3A_23 = tpu.matmul %mul3A_16, %get3A_21, %dot_general3A_22 {dimension_numbers = #tpu.dot_dimension_numbers<[1], [0], [0], [1], [0, 0, 1, 1], [], []>, transpose_lhs_hint = false} : vector<128x384xf32>, vector<384x384xf32>, vector<128x384xf32> -> vector<128x384xf32>
      %add3A = arith.addf %dot_general3A_15, %dot_general3A_23 : vector<128x384xf32>
      %slice3A_24 = vector.extract_strided_slice %get3A_11 {offsets = [0, 1], sizes = [128, 1], strides = [1, 1]} : vector<128x5xf32> to vector<128x1xf32>
      %mul3A_25 = vector.broadcast %slice3A_24 : vector<128x1xf32> to vector<128x384xf32>
      %mul3A_26 = arith.mulf %reshape3A, %mul3A_25 : vector<128x384xf32>
      %get3A_27 = arith.constant 1 : index
      %get3A_28 = arith.constant 0 : index
      %get3A_29 = arith.constant 0 : index
      %get3A_30 = vector.load %arg6[%get3A_27, %get3A_28, %get3A_29] : memref<5x384x384xf32, #tpu.memory_space<vmem>>, vector<1x384x384xf32>
      %get3A_31 = vector.shape_cast %get3A_30 : vector<1x384x384xf32> to vector<384x384xf32>
      %dot_general3A_32 = arith.constant dense<0.000000e+00> : vector<128x384xf32>
      %dot_general3A_33 = tpu.matmul %mul3A_26, %get3A_31, %dot_general3A_32 {dimension_numbers = #tpu.dot_dimension_numbers<[1], [0], [0], [1], [0, 0, 1, 1], [], []>, transpose_lhs_hint = false} : vector<128x384xf32>, vector<384x384xf32>, vector<128x384xf32> -> vector<128x384xf32>
      %add3A_34 = arith.addf %add3A, %dot_general3A_33 : vector<128x384xf32>
      %slice3A_35 = vector.extract_strided_slice %get3A_11 {offsets = [0, 2], sizes = [128, 1], strides = [1, 1]} : vector<128x5xf32> to vector<128x1xf32>
      %mul3A_36 = vector.broadcast %slice3A_35 : vector<128x1xf32> to vector<128x384xf32>
      %mul3A_37 = arith.mulf %reshape3A, %mul3A_36 : vector<128x384xf32>
      %get3A_38 = arith.constant 2 : index
      %get3A_39 = arith.constant 0 : index
      %get3A_40 = arith.constant 0 : index
      %get3A_41 = vector.load %arg6[%get3A_38, %get3A_39, %get3A_40] : memref<5x384x384xf32, #tpu.memory_space<vmem>>, vector<1x384x384xf32>
      %get3A_42 = vector.shape_cast %get3A_41 : vector<1x384x384xf32> to vector<384x384xf32>
      %dot_general3A_43 = arith.constant dense<0.000000e+00> : vector<128x384xf32>
      %dot_general3A_44 = tpu.matmul %mul3A_37, %get3A_42, %dot_general3A_43 {dimension_numbers = #tpu.dot_dimension_numbers<[1], [0], [0], [1], [0, 0, 1, 1], [], []>, transpose_lhs_hint = false} : vector<128x384xf32>, vector<384x384xf32>, vector<128x384xf32> -> vector<128x384xf32>
      %add3A_45 = arith.addf %add3A_34, %dot_general3A_44 : vector<128x384xf32>
      %slice3A_46 = vector.extract_strided_slice %get3A_11 {offsets = [0, 3], sizes = [128, 1], strides = [1, 1]} : vector<128x5xf32> to vector<128x1xf32>
      %mul3A_47 = vector.broadcast %slice3A_46 : vector<128x1xf32> to vector<128x384xf32>
      %mul3A_48 = arith.mulf %reshape3A, %mul3A_47 : vector<128x384xf32>
      %get3A_49 = arith.constant 3 : index
      %get3A_50 = arith.constant 0 : index
      %get3A_51 = arith.constant 0 : index
      %get3A_52 = vector.load %arg6[%get3A_49, %get3A_50, %get3A_51] : memref<5x384x384xf32, #tpu.memory_space<vmem>>, vector<1x384x384xf32>
      %get3A_53 = vector.shape_cast %get3A_52 : vector<1x384x384xf32> to vector<384x384xf32>
      %dot_general3A_54 = arith.constant dense<0.000000e+00> : vector<128x384xf32>
      %dot_general3A_55 = tpu.matmul %mul3A_48, %get3A_53, %dot_general3A_54 {dimension_numbers = #tpu.dot_dimension_numbers<[1], [0], [0], [1], [0, 0, 1, 1], [], []>, transpose_lhs_hint = false} : vector<128x384xf32>, vector<384x384xf32>, vector<128x384xf32> -> vector<128x384xf32>
      %add3A_56 = arith.addf %add3A_45, %dot_general3A_55 : vector<128x384xf32>
      %slice3A_57 = vector.extract_strided_slice %get3A_11 {offsets = [0, 4], sizes = [128, 1], strides = [1, 1]} : vector<128x5xf32> to vector<128x1xf32>
      %mul3A_58 = vector.broadcast %slice3A_57 : vector<128x1xf32> to vector<128x384xf32>
      %mul3A_59 = arith.mulf %reshape3A, %mul3A_58 : vector<128x384xf32>
      %get3A_60 = arith.constant 4 : index
      %get3A_61 = arith.constant 0 : index
      %get3A_62 = arith.constant 0 : index
      %get3A_63 = vector.load %arg6[%get3A_60, %get3A_61, %get3A_62] : memref<5x384x384xf32, #tpu.memory_space<vmem>>, vector<1x384x384xf32>
      %get3A_64 = vector.shape_cast %get3A_63 : vector<1x384x384xf32> to vector<384x384xf32>
      %dot_general3A_65 = arith.constant dense<0.000000e+00> : vector<128x384xf32>
      %dot_general3A_66 = tpu.matmul %mul3A_59, %get3A_64, %dot_general3A_65 {dimension_numbers = #tpu.dot_dimension_numbers<[1], [0], [0], [1], [0, 0, 1, 1], [], []>, transpose_lhs_hint = false} : vector<128x384xf32>, vector<384x384xf32>, vector<128x384xf32> -> vector<128x384xf32>
      %add3A_67 = arith.addf %add3A_56, %dot_general3A_66 : vector<128x384xf32>
      %get3A_68 = arith.constant 0 : index
      %get3A_69 = arith.constant 0 : index
      %get3A_70 = vector.load %arg8[%get3A_68, %get3A_69] : memref<384x192xf32, #tpu.memory_space<vmem>>, vector<384x192xf32>
      %dot_general3A_71 = arith.constant dense<0.000000e+00> : vector<128x192xf32>
      %dot_general3A_72 = tpu.matmul %add3A_67, %get3A_70, %dot_general3A_71 {dimension_numbers = #tpu.dot_dimension_numbers<[1], [0], [0], [1], [0, 0, 1, 1], [], []>, transpose_lhs_hint = false} : vector<128x384xf32>, vector<384x192xf32>, vector<128x192xf32> -> vector<128x192xf32>
      %get3A_73 = arith.constant 0 : index
      %get3A_74 = vector.load %arg9[%get3A_73] : memref<192xf32, #tpu.memory_space<vmem>>, vector<192xf32>
      %broadcast_in_dim3A = vector.shape_cast %get3A_74 : vector<192xf32> to vector<1x192xf32>
      %add3A_75 = vector.broadcast %broadcast_in_dim3A : vector<1x192xf32> to vector<128x192xf32>
      %add3A_76 = arith.addf %dot_general3A_72, %add3A_75 : vector<128x192xf32>
      %get3A_77 = arith.constant 0 : index
      %get3A_78 = vector.load %arg10[%get3A_77] : memref<192xf32, #tpu.memory_space<vmem>>, vector<192xf32>
      %get3A_79 = arith.constant 0 : index
      %get3A_80 = vector.load %arg11[%get3A_79] : memref<192xf32, #tpu.memory_space<vmem>>, vector<192xf32>
      %reduce_sum3A = arith.constant dense<0.000000e+00> : vector<128xf32>
      %reduce_sum3A_81 = vector.multi_reduction <add>, %add3A_76, %reduce_sum3A [1] : vector<128x192xf32> to vector<128xf32>
      %broadcast_in_dim3A_82 = vector.shape_cast %reduce_sum3A_81 : vector<128xf32> to vector<128x1xf32>
      %div3A = arith.constant 1.920000e+02 : f32
      %div3A_83 = vector.broadcast %div3A : f32 to vector<128x1xf32>
      %div3A_84 = arith.divf %broadcast_in_dim3A_82, %div3A_83 : vector<128x1xf32>
      %jit3A = arith.constant 0 : i32
      %reduce_sum3A_85 = arith.constant dense<0.000000e+00> : vector<128xf32>
      %reduce_sum3A_86 = vector.multi_reduction <add>, %add3A_76, %reduce_sum3A_85 [1] : vector<128x192xf32> to vector<128xf32>
      %broadcast_in_dim3A_87 = vector.shape_cast %reduce_sum3A_86 : vector<128xf32> to vector<128x1xf32>
      %div3A_88 = arith.constant 1.920000e+02 : f32
      %div3A_89 = vector.broadcast %div3A_88 : f32 to vector<128x1xf32>
      %div3A_90 = arith.divf %broadcast_in_dim3A_87, %div3A_89 : vector<128x1xf32>
      %sub3A = vector.broadcast %div3A_90 : vector<128x1xf32> to vector<128x192xf32>
      %sub3A_91 = arith.subf %add3A_76, %sub3A : vector<128x192xf32>
      %square3A = arith.mulf %sub3A_91, %sub3A_91 : vector<128x192xf32>
      %convert_element_type3A_92 = arith.sitofp %jit3A : i32 to f32
      %sub3A_93 = arith.constant 1.920000e+02 : f32
      %sub3A_94 = arith.subf %sub3A_93, %convert_element_type3A_92 : f32
      %reduce_sum3A_95 = arith.constant dense<0.000000e+00> : vector<128xf32>
      %reduce_sum3A_96 = vector.multi_reduction <add>, %square3A, %reduce_sum3A_95 [1] : vector<128x192xf32> to vector<128xf32>
      %broadcast_in_dim3A_97 = vector.shape_cast %reduce_sum3A_96 : vector<128xf32> to vector<128x1xf32>
      %div3A_98 = vector.broadcast %sub3A_94 : f32 to vector<128x1xf32>
      %div3A_99 = arith.divf %broadcast_in_dim3A_97, %div3A_98 : vector<128x1xf32>
      %gt3A = arith.constant 0.000000e+00 : f32
      %gt3A_100 = arith.cmpf ogt, %sub3A_94, %gt3A : f32
      %jit3A_101 = arith.constant 0x7FC00000 : f32
      %broadcast_in_dim3A_102 = vector.broadcast %jit3A_101 : f32 to vector<128x1xf32>
      %select_n3A = arith.select %gt3A_100, %div3A_99, %broadcast_in_dim3A_102 : vector<128x1xf32>
      %sub3A_103 = vector.broadcast %div3A_84 : vector<128x1xf32> to vector<128x192xf32>
      %sub3A_104 = arith.subf %add3A_76, %sub3A_103 : vector<128x192xf32>
      %add3A_105 = arith.constant 9.99999974E-6 : f32
      %add3A_106 = vector.broadcast %add3A_105 : f32 to vector<128x1xf32>
      %add3A_107 = arith.addf %select_n3A, %add3A_106 : vector<128x1xf32>
      %sqrt3A = math.sqrt %add3A_107 : vector<128x1xf32>
      %div3A_108 = vector.broadcast %sqrt3A : vector<128x1xf32> to vector<128x192xf32>
      %div3A_109 = arith.divf %sub3A_104, %div3A_108 : vector<128x192xf32>
      %broadcast_in_dim3A_110 = vector.shape_cast %get3A_78 : vector<192xf32> to vector<1x192xf32>
      %mul3A_111 = vector.broadcast %broadcast_in_dim3A_110 : vector<1x192xf32> to vector<128x192xf32>
      %mul3A_112 = arith.mulf %div3A_109, %mul3A_111 : vector<128x192xf32>
      %broadcast_in_dim3A_113 = vector.shape_cast %get3A_80 : vector<192xf32> to vector<1x192xf32>
      %add3A_114 = vector.broadcast %broadcast_in_dim3A_113 : vector<1x192xf32> to vector<128x192xf32>
      %add3A_115 = arith.addf %mul3A_112, %add3A_114 : vector<128x192xf32>
      %max3A = arith.constant 0.000000e+00 : f32
      %max3A_116 = vector.broadcast %max3A : f32 to vector<128x192xf32>
      %max3A_117 = arith.maximumf %add3A_115, %max3A_116 : vector<128x192xf32>
      %get3A_118 = arith.constant 0 : index
      %get3A_119 = arith.constant 0 : index
      %get3A_120 = vector.load %arg12[%get3A_118, %get3A_119] : memref<192x256xf32, #tpu.memory_space<vmem>>, vector<192x256xf32>
      %dot_general3A_121 = arith.constant dense<0.000000e+00> : vector<128x256xf32>
      %dot_general3A_122 = tpu.matmul %max3A_117, %get3A_120, %dot_general3A_121 {dimension_numbers = #tpu.dot_dimension_numbers<[1], [0], [0], [1], [0, 0, 1, 1], [], []>, transpose_lhs_hint = false} : vector<128x192xf32>, vector<192x256xf32>, vector<128x256xf32> -> vector<128x256xf32>
      %get3A_123 = arith.constant 0 : index
      %get3A_124 = vector.load %arg13[%get3A_123] : memref<256xf32, #tpu.memory_space<vmem>>, vector<256xf32>
      %broadcast_in_dim3A_125 = vector.shape_cast %get3A_124 : vector<256xf32> to vector<1x256xf32>
      %add3A_126 = vector.broadcast %broadcast_in_dim3A_125 : vector<1x256xf32> to vector<128x256xf32>
      %add3A_127 = arith.addf %dot_general3A_122, %add3A_126 : vector<128x256xf32>
      %swap3A = arith.constant 0 : index
      %swap3A_128 = arith.constant 0 : index
      %swap3A_129 = vector.load %arg14[%swap3A, %swap3A_128] : memref<128x256xf32, #tpu.memory_space<vmem>>, vector<128x256xf32>
      tpu.vector_store %arg14[%swap3A, %swap3A_128], %add3A_127 {strides = array<i32>} : memref<128x256xf32, #tpu.memory_space<vmem>>, vector<128x256xf32>,
    } else {
    }
    return
  }
  func.func @transform_0(%arg0: i32) -> (i32, i32, i32) {
    %jit3A = arith.constant 0 : i32
    %jit3A_0 = arith.constant 3 : i32
    %max3A = arith.maxsi %jit3A, %arg0 : i32
    %min3A = arith.minsi %jit3A_0, %max3A : i32
    %c0_i32 = arith.constant 0 : i32
    %c0_i32_1 = arith.constant 0 : i32
    %c0_i32_2 = arith.constant 0 : i32
    return %min3A, %c0_i32, %c0_i32_1 : i32, i32, i32
  }
  func.func @transform_1(%arg0: i32) -> (i32, i32) {
    %c0_i32 = arith.constant 0 : i32
    %c0_i32_0 = arith.constant 0 : i32
    %c0_i32_1 = arith.constant 0 : i32
    return %c0_i32, %c0_i32_0 : i32, i32
  }
  func.func @transform_2(%arg0: i32) -> (i32, i32, i32, i32) {
    %jit3A = arith.constant 0 : i32
    %jit3A_0 = arith.constant 3 : i32
    %max3A = arith.maxsi %jit3A, %arg0 : i32
    %min3A = arith.minsi %jit3A_0, %max3A : i32
    %c0_i32 = arith.constant 0 : i32
    %c0_i32_1 = arith.constant 0 : i32
    %c0_i32_2 = arith.constant 0 : i32
    %c0_i32_3 = arith.constant 0 : i32
    return %min3A, %c0_i32, %c0_i32_1, %c0_i32_2 : i32, i32, i32, i32
  }
  func.func @transform_3(%arg0: i32) -> (i32, i32, i32) {
    %c0_i32 = arith.constant 0 : i32
    %c0_i32_0 = arith.constant 0 : i32
    %c0_i32_1 = arith.constant 0 : i32
    %c0_i32_2 = arith.constant 0 : i32
    return %c0_i32, %c0_i32_0, %c0_i32_1 : i32, i32, i32
  }
  func.func @transform_4(%arg0: i32) -> (i32, i32, i32) {
    %c0_i32 = arith.constant 0 : i32
    %c0_i32_0 = arith.constant 0 : i32
    %c0_i32_1 = arith.constant 0 : i32
    %c0_i32_2 = arith.constant 0 : i32
    return %c0_i32, %c0_i32_0, %c0_i32_1 : i32, i32, i32
  }
  func.func @transform_5(%arg0: i32) -> (i32, i32, i32) {
    %c0_i32 = arith.constant 0 : i32
    %c0_i32_0 = arith.constant 0 : i32
    %c0_i32_1 = arith.constant 0 : i32
    %c0_i32_2 = arith.constant 0 : i32
    return %c0_i32, %c0_i32_0, %c0_i32_1 : i32, i32, i32
  }
  func.func @transform_6(%arg0: i32) -> (i32, i32) {
    %c0_i32 = arith.constant 0 : i32
    %c0_i32_0 = arith.constant 0 : i32
    %c0_i32_1 = arith.constant 0 : i32
    return %c0_i32, %c0_i32_0 : i32, i32
  }
  func.func @transform_7(%arg0: i32) -> (i32, i32) {
    %c0_i32 = arith.constant 0 : i32
    %c0_i32_0 = arith.constant 0 : i32
    %c0_i32_1 = arith.constant 0 : i32
    return %c0_i32, %c0_i32_0 : i32, i32
  }
  func.func @transform_8(%arg0: i32) -> i32 {
    %c0_i32 = arith.constant 0 : i32
    %c0_i32_0 = arith.constant 0 : i32
    return %c0_i32 : i32
  }
  func.func @transform_9(%arg0: i32) -> i32 {
    %c0_i32 = arith.constant 0 : i32
    %c0_i32_0 = arith.constant 0 : i32
    return %c0_i32 : i32
  }
  func.func @transform_10(%arg0: i32) -> i32 {
    %c0_i32 = arith.constant 0 : i32
    %c0_i32_0 = arith.constant 0 : i32
    return %c0_i32 : i32
  }
  func.func @transform_11(%arg0: i32) -> (i32, i32) {
    %c0_i32 = arith.constant 0 : i32
    %c0_i32_0 = arith.constant 0 : i32
    %c0_i32_1 = arith.constant 0 : i32
    return %c0_i32, %c0_i32_0 : i32, i32
  }
  func.func @transform_12(%arg0: i32) -> i32 {
    %c0_i32 = arith.constant 0 : i32
    %c0_i32_0 = arith.constant 0 : i32
    return %c0_i32 : i32
  }
  func.func @transform_13(%arg0: i32) -> (i32, i32) {
    %c0_i32 = arith.constant 0 : i32
    %c0_i32_0 = arith.constant 0 : i32
    %c0_i32_1 = arith.constant 0 : i32
    return %c0_i32, %c0_i32_0 : i32, i32
  }
}

</mosaic_0001>

<sc_bundles>
// kernel: kernel.5.cloned.1.call-start
scs
__scs_entry_jumppad:
0x0: {  	(pc) =	sbr.rel $0x88, $3  }
0x1: {  	(tag) =	ssettag $0x0;
	lr =	simm.s32 $0x1  }
0x2: {  	[smem:$0x3F8B] =	sst lr;
	_ =	strace $0xD0000000  }
0x3: {  	_ = 	snop  }
0x4: {  	_ = 	snop  }
0x5: {  	_ = 	snop  }
0x6: {  	_ = 	snop  }
0x7: {  	_ = 	snop  }
__scs_overlays_trampoline_lowered:
0x8: {  	[smem:$0x3F9A] =	sst s0  }
0x9: {  	[smem:$0x3F9B] =	sst s1  }
0xa: {  	[smem:$0x3F9C] =	sst s2  }
0xb: {  	[smem:$0x3F9D] =	sst s3  }
0xc: {  	[smem:$0x3F9E] =	sst s4  }
0xd: {  	[smem:$0x3F9F] =	sst s5  }
0xe: {  	[smem:$0x3FA0] =	sst s6  }
0xf: {  	[smem:$0x3FA1] =	sst s7  }
0x10: {  	[smem:$0x3FA2] =	sst s8  }
0x11: {  	[smem:$0x3FA3] =	sst s9;
	s0 =	simm.s32 @!p0 $0x0  }
0x12: {  	s1 =	sld [smem:$0x3F89];
	s0 =	simm.s32 @p0 $0x1  }
0x13: {  	[smem:$0x3FA4] =	sst s0;
	s0 =	simm.s32 @!p1 $0x0  }
0x14: {  	s2 =	sld [smem:$0x3F88];
	s0 =	simm.s32 @p1 $0x1  }
0x15: {  	[smem:$0x3FA5] =	sst s0;
	s0 =	simm.s32 @!p2 $0x0  }
0x16: {  	s3 =	sld [smem:$0x3FDB];
	s0 =	simm.s32 @p2 $0x1  }
0x17: {  	s4 =	simm.s32 $0x1BF5;
	[smem:$0x3FA7] =	sst s0  }
0x18: {  	s0 =	sld [smem:$0x3F8A];
	_ =	swait.ge [sflag:s4], $0x0  }
0x19: {  	s7 =	sld [smem:$0x3F8B]  }
0x1a: {  	s8 =	sadd.s32 $0xFFFFE003, lr  }
0x1b: {  	s9 =	sadd.s32 $0xFFFFFEF7, lr;
	s5 =	simm.s32 $0xFFFFFFFF;
	p2 =	slt.u32 s8, $0xFFFFF086  }
0x1c: {  	p1 =	slt.u32 s9, $0xF7A;
	s5 =	simm.s32 @!p2 $0x0  }
0x1d: {  	s5 =	simm.s32 @p1 $0x1;
	p0 =	seq.s32 s7, s2  }
0x1e: {  	s7 =	smul.u32 @!p0 $0xF7A, s2;
	p2 =	seq.s32 @!p0 s5, $0x0  }
0x1f: {  	s9 =	smul.u32 $0xF7A, s1;
	s8 =	simm.s32 @!p0 $0x1BF5;
	p2 =	por !p2, p0  }
0x20: {  	[sflag:s8] =	ssyncset.s32 @!p0 $0xFFFFF086;
	s6 =	sadd.s32 @!p0 s3, s7;
	s7 =	simm.s32 @!p0 $0x108  }
0x21: {  	s3 =	sadd.s32 s3, s9;
	s6 =	sadd.s32 @!p0 $0x88, s6;
	s7 =	simm.s32 @p2 $0x1082  }
0x22: {  	[simem:s7], [sflag:s8] =	dma.local @!p0 [hbm:s6], $0xF7A  }
0x23: {  	s9 =	sor.u32 $0xD0000000, s2;
	s6 =	simm.s32 $0x108;
	_ =	swait.ge @!p0 [sflag:s8], $0x0  }
0x24: {  	s3 =	sadd.s32 $0x88, s3;
	s6 =	simm.s32 @!p1 $0x1082;
	[sflag:s4] =	ssyncset.s32 $0xFFFFF086  }
0x25: {  	[simem:s6], [sflag:s4] =	dma.local [hbm:s3], $0xF7A  }
0x26: {  	[smem:$0x3F8B] =	sst s1;
	(tag) =	ssettag s2;
	_ =	strace s9  }
0x27: {  	s1 =	sld [smem:$0x3F9B]  }
0x28: {  	s2 =	sld [smem:$0x3F9C]  }
0x29: {  	s4 =	sld [smem:$0x3F9E]  }
0x2a: {  	p0 =	seq.s32 s5, $0x0;
	s5 =	sld [smem:$0x3F9F]  }
0x2b: {  	s6 =	sld [smem:$0x3FA0]  }
0x2c: {  	s7 =	sld [smem:$0x3FA1]  }
0x2d: {  	s3 =	simm.s32 $0x108;
	s8 =	sld [smem:$0x3FA2]  }
0x2e: {  	s3 =	simm.s32 @!p0 $0x1082;
	s9 =	sld [smem:$0x3FA3]  }
0x2f: {  	lr =	sadd.s32 s0, s3;
	s0 =	sld [smem:$0x3F9A]  }
0x30: {  	s3 =	sld [smem:$0x3F9D]  }
0x31: {  	[smem:$0x3FA6] =	sst s10  }
0x32: {  	s10 =	sld [smem:$0x3FA4];
	_ =	sdelay $0x3  }
0x33: {  	p0 =	seq.s32 s10, $0x1;
	s10 =	sld [smem:$0x3FA6];
	_ =	sdelay $0x3  }
0x34: {  	[smem:$0x3FA6] =	sst s10  }
0x35: {  	s10 =	sld [smem:$0x3FA5];
	_ =	sdelay $0x3  }
0x36: {  	p1 =	seq.s32 s10, $0x1;
	s10 =	sld [smem:$0x3FA6];
	_ =	sdelay $0x3  }
0x37: {  	[smem:$0x3FA6] =	sst s10  }
0x38: {  	s10 =	sld [smem:$0x3FA7]  }
0x39: {  	_ = 	snop;
	(pc) =	sbr.ind lr, $3  }
0x3a: {  	_ = 	snop  }
0x3b: {  	_ = 	snop  }
0x3c: {  	p2 =	seq.s32 s10, $0x1;
	s10 =	sld [smem:$0x3FA6]  }
0x3d: {  	_ =	shalt  }
0x3e: {  	_ =	shalt  }
0x3f: {  	_ =	shalt  }
0x40: {  	_ =	shalt  }
0x41: {  	_ =	shalt  }
0x42: {  	_ =	shalt  }
0x43: {  	_ =	shalt  }
0x44: {  	_ =	shalt  }
0x45: {  	_ =	shalt  }
0x46: {  	_ =	shalt  }
0x47: {  	_ =	shalt  }
0x48: {  	_ =	shalt  }
0x49: {  	_ =	shalt  }
0x4a: {  	_ =	shalt  }
0x4b: {  	_ =	shalt  }
0x4c: {  	_ =	shalt  }
0x4d: {  	_ =	shalt  }
0x4e: {  	_ =	shalt  }
0x4f: {  	_ =	shalt  }
0x50: {  	_ =	shalt  }
0x51: {  	_ =	shalt  }
0x52: {  	_ =	shalt  }
0x53: {  	_ =	shalt  }
0x54: {  	_ =	shalt  }
0x55: {  	_ =	shalt  }
0x56: {  	_ =	shalt  }
0x57: {  	_ =	shalt  }
0x58: {  	_ =	shalt  }
0x59: {  	_ =	shalt  }
0x5a: {  	_ =	shalt  }
0x5b: {  	_ =	shalt  }
0x5c: {  	_ =	shalt  }
0x5d: {  	_ =	shalt  }
0x5e: {  	_ =	shalt  }
0x5f: {  	_ =	shalt  }
0x60: {  	_ =	shalt  }
0x61: {  	_ =	shalt  }
0x62: {  	_ =	shalt  }
0x63: {  	_ =	shalt  }
0x64: {  	_ =	shalt  }
0x65: {  	_ =	shalt  }
0x66: {  	_ =	shalt  }
0x67: {  	_ =	shalt  }
0x68: {  	_ =	shalt  }
0x69: {  	_ =	shalt  }
0x6a: {  	_ =	shalt  }
0x6b: {  	_ =	shalt  }
0x6c: {  	_ =	shalt  }
0x6d: {  	_ =	shalt  }
0x6e: {  	_ =	shalt  }
0x6f: {  	_ =	shalt  }
0x70: {  	_ =	shalt  }
0x71: {  	_ =	shalt  }
0x72: {  	_ =	shalt  }
0x73: {  	_ =	shalt  }
0x74: {  	_ =	shalt  }
0x75: {  	_ =	shalt  }
0x76: {  	_ =	shalt  }
0x77: {  	_ =	shalt  }
0x78: {  	_ =	shalt  }
0x79: {  	_ =	shalt  }
0x7a: {  	_ =	shalt  }
0x7b: {  	_ =	shalt  }
0x7c: {  	_ =	shalt  }
0x7d: {  	_ =	shalt  }
0x7e: {  	_ =	shalt  }
0x7f: {  	_ =	shalt  }
0x80: {  	_ =	shalt  }
0x81: {  	_ =	shalt  }
0x82: {  	_ =	shalt  }
0x83: {  	_ =	shalt  }
0x84: {  	_ =	shalt  }
0x85: {  	_ =	shalt  }
0x86: {  	_ =	shalt  }
0x87: {  	_ =	shalt  }
.Lfunc_end0:
.L_simem_size_0:
called_computation_lowered:
.L_overlay_start_0:
0x88: {  	s2 =	sld [smem:$0x3FD9]  }
0x89: {  	s3 =	sld [smem:$0x3FFE];
	_ =	sdelay $0x1  }
0x8a: {  	s1 =	srdreg.scid  }
0x8b: {  	s0 =	sand.u32 $0x1, s1  }
0x8c: {  	s15 =	sshll.u32 s0, $0xA;
	s2 =	sadd.s32 s3, s2  }
0x8d: {  	s2 =	sadd.s32 s2, s15  }
0x8e: {  	[smem:$0x3FB2] =	sst s2  }
0x8f: {  	_ = 	snop  }
0x90: {  	s2 =	sld [smem:$0x3FD0];
	_ =	sdelay $0x2  }
0x91: {  	s16 =	simm.s32 $0xA;
	s4 =	simm.s32 $0x10  }
0x92: {  	[smem:s4], [sflag:s16] =	dma.local [hbm:s2], $0x1  }
0x93: {  	_ =	swait.eq [sflag:s16], $0x1  }
0x94: {  	s17 =	sld [smem:$0x10];
	[sflag:s16] =	ssyncset.done $0x0  }
0x95: {  	s18 =	sld [smem:$0x11];
	[sflag:s16] =	ssyncadd.s32 $0xFFFFFFFF  }
0x96: {  	s19 =	sld [smem:$0x12];
	(tm) =	ssettm $0x1  }
0x97: {  	s5 =	sld [smem:$0x3FFB];
	_ =	sdelay $0x3  }
0x98: {  	_ =	strace s5  }
0x99: {  	s5 =	sld [smem:$0x3FFC];
	_ =	sdelay $0x3  }
0x9a: {  	_ =	strace s5  }
0x9b: {  	s5 =	sld [smem:$0x3FFD];
	_ =	sdelay $0x3  }
0x9c: {  	_ =	strace s5  }
0x9d: {  	_ =	strace $0x8FFFFFFF  }
0x9e: {  	s20 =	sld [smem:$0x3FDB];
	_ =	sdelay $0x1  }
0x9f: {  	s6 =	simm.s32 $_scs_section_size  }
0xa0: {  	s7 =	simm.s32 $_size__tile_overlayer_lowered;
	s8 =	simm.s32 $_tile_overlayer_lowered  }
0xa1: {  	s23 =	simm.s32 $0x1BFF;
	s22 =	sshll.u32 s8, $0x1;
	s5 =	sadd.s32 s6, s20  }
0xa2: {  	s9 =	simm.s32 $0x0;
	s21 =	sshll.u32 s7, $0x1;
	s7 =	sadd.s32 s22, s5  }
0xa3: {  	[timem:s9], [sflag:s23] =	dma.local [hbm:s7], s21  }
0xa4: {  	_ =	swait.ge [sflag:s23], s21  }
0xa5: {  	s6 =	ssub.s32 $0x0, s21;
	[sflag:s23] =	ssyncset.done $0x0  }
0xa6: {  	[sflag:s23] =	ssyncadd.s32 s6;
	_ =	sdelay $0x1  }
0xa7: {  	s24 =	simm.s32 $0x1B8B  }
0xa8: {  	_ =	swait.ge [sflag:s24], $0x1  }
0xa9: {  	[sflag:s24] =	ssyncset.done $0x0  }
0xaa: {  	s25 =	simm.s32 $0x1B8E;
	[sflag:s24] =	ssyncadd.s32 $0xFFFFFFFF  }
0xab: {  	s26 =	simm.s32 $execute0_lowered;
	[smem:$0x3FD2] =	sst s25  }
0xac: {  	s6 =	sshll.u32 s26, $0x1;
	_ =	strace $0x80000046;
	[dreg:$0x1] =	wrdreg $0xFFFFFFFF  }
0xad: {  	s28 =	simm.s32 $_size_execute0_lowered;
	s5 =	sadd.s32 s5, s6;
	[dreg:$0x0] =	wrdreg $0x0  }
0xae: {  	s6 =	sshll.u32 s28, $0x1;
	[dreg:$0x2] =	wrdreg s5  }
0xaf: {  	[dreg:$0x3] =	wrdreg s6  }
0xb0: {  	[dreg:$0x4] =	wrdreg $0xC0  }
0xb1: {  	_ =	task [dreg:s9], $0x5FFFF  }
0xb2: {  	[dreg:$0x1] =	wrdreg $0xFFFFFFFF  }
0xb3: {  	[dreg:$0x0] =	wrdreg $0x60  }
0xb4: {  	[dreg:$0x2] =	wrdreg s17  }
0xb5: {  	[dreg:$0x3] =	wrdreg s19  }
0xb6: {  	[dreg:$0x4] =	wrdreg s18  }
0xb7: {  	[dreg:$0x5] =	wrdreg $0x9  }
0xb8: {  	_ =	task.clear_ibuf [dreg:s9], $0x6FFFF;
	_ =	strace $0x90000046  }
0xb9: {  	s29 =	simm.s32 $0x9;
	_ =	strace $0x80000048  }
0xba: {  	_ =	swait.ge [sflag:s29], $0x1  }
0xbb: {  	[sflag:s29] =	ssyncadd.s32 $0xFFFFFFFF  }
0xbc: {  	_ =	strace $0x90000048  }
0xbd: {  	_ =	sfence  }
0xbe: {  	s30 =	sld [smem:$0x0];
	_ =	sdelay $0x2  }
0xbf: {  	s31 =	sshll.u32 s1, $0xD;
	s1 =	sshrl.u32 s1, $0x2  }
0xc0: {  	s3 =	sand.u32 $0x4000, s31;
	s1 =	sadd.s32 s1, s30  }
0xc1: {  	s0 =	sor.u32 s3, s0;
	s1 =	sshll.u32 s1, $0x11  }
0xc2: {  	s0 =	sor.u32 s1, s0  }
0xc3: {  	s0 =	sadd.s32 $0x8F2B, s0  }
0xc4: {  	[sflag:s0] =	ssyncadd.remote.s32 $0x1  }
0xc5: {  	_ =	sfence.sel $0xFFFF  }
0xc6: {  	[dreg:$0x0] =	wrdreg $0xFFFFFFFF;
	(pc) =	sbr.abs _section_cstart, $3  }
0xc7: {  	[dreg:$0x1] =	wrdreg $0xFFFFFFFF  }
0xc8: {  	_ =	task.clear_ibuf [dreg:s9], $0x2FFFF;
	_ =	strace $0x9FFFFFFF  }
0xc9: {  	(tm) =	ssettm $0x7FFFFFFF  }
tec
execute0_lowered:
.L_overlay_start_1:
0x0: {  	(tag) =	ssettag $0x1  }
0x1: {  	s1 =	stileid.u32  }
0x2: {  	p0 =	sgt.u32 s1, $0x3  }
.Ltmp0:
0x3: {  	s11 =	rddreg [dreg:$0x0];
	(pc) =	sbr.rel @p0 .LBB2_4-.Ltmp0, $4  }
0x4: {  	s13 =	rddreg [dreg:$0x1]  }
0x5: {  	s23 =	rddreg [dreg:$0x2];
	s2 =	simm.s32 $0x0  }
0x6: {  	[smem:$0x7FF] =	sst s2  }
0x7: {  	s0 =	rddreg [dreg:$0x3];
	_ =	strace $0x80000047  }
0x8: {  	s3 =	srdreg.scid  }
0x9: {  	s20 =	sand.u32 $0x1, s3  }
0xa: {  	s31 =	sshll.u32 s1, $0x2;
	s4 =	sshll.u32 s20, $0x1  }
0xb: {  	s15 =	sor.u32 s4, s31  }
0xc: {  	s3 =	simm.s32 $0x1;
	s4 =	sadd.s32 s11, s15  }
0xd: {  	[tilespmem:s2], [sflag:$0x1] =	stream.linear.gather [hbm4b:s4+s2], $0x10, $0x38;
	[tilespmem:$0x880] =	vst v63  }
0xe: {  	_ =	swait.ge [sflag:s3], $0x10  }
0xf: {  	s17 =	sor.u32 $0x10, s15;
	[sflag:s3] =	ssyncset.done $0x0  }
0x10: {  	s6 =	simm.s32 $0x80;
	s5 =	sadd.s32 s11, s17;
	[sflag:s3] =	ssyncadd.s32 $0xFFFFFFF0  }
0x11: {  	[tilespmem:s6], [sflag:$0x1] =	stream.linear.gather [hbm4b:s5+s2], $0x10, $0x38;
	[tilespmem:$0x880] =	vst v63  }
0x12: {  	_ =	swait.ge [sflag:s3], $0x10  }
0x13: {  	s19 =	sor.u32 $0x20, s15;
	[sflag:s3] =	ssyncset.done $0x0  }
0x14: {  	s8 =	simm.s32 $0x100;
	s7 =	sadd.s32 s11, s19;
	[sflag:s3] =	ssyncadd.s32 $0xFFFFFFF0  }
0x15: {  	[tilespmem:s8], [sflag:$0x1] =	stream.linear.gather [hbm4b:s7+s2], $0x10, $0x38;
	[tilespmem:$0x880] =	vst v63  }
0x16: {  	_ =	swait.ge [sflag:s3], $0x10  }
0x17: {  	s21 =	sor.u32 $0x30, s15;
	[sflag:s3] =	ssyncset.done $0x0  }
0x18: {  	s10 =	simm.s32 $0x180;
	s9 =	sadd.s32 s11, s21;
	[sflag:s3] =	ssyncadd.s32 $0xFFFFFFF0  }
0x19: {  	[tilespmem:s10], [sflag:$0x1] =	stream.linear.gather [hbm4b:s9+s2], $0x10, $0x38;
	[tilespmem:$0x880] =	vst v63  }
0x1a: {  	_ =	swait.ge [sflag:s3], $0x10  }
0x1b: {  	s24 =	sor.u32 $0x40, s15;
	[sflag:s3] =	ssyncset.done $0x0  }
0x1c: {  	s12 =	simm.s32 $0x200;
	s11 =	sadd.s32 s11, s24;
	[sflag:s3] =	ssyncadd.s32 $0xFFFFFFF0  }
0x1d: {  	[tilespmem:s12], [sflag:$0x1] =	stream.linear.gather [hbm4b:s11+s2], $0x10, $0x38;
	[tilespmem:$0x880] =	vst v63  }
0x1e: {  	_ =	swait.ge [sflag:s3], $0x10  }
0x1f: {  	[sflag:s3] =	ssyncset.done $0x0  }
0x20: {  	[sflag:s3] =	ssyncadd.s32 $0xFFFFFFF0  }
0x21: {  	v0 =	vld [tilespmem:$0x0]  }
0x22: {  	v1 =	vld [tilespmem:$0x80];
	_ =	sdelay $0x1  }
0x23: {  	v2 =	vld [tilespmem:$0x100];
	_ =	sdelay $0x1  }
0x24: {  	v3 =	vld [tilespmem:$0x180]  }
0x25: {  	vm0 =	vgt.f32 v1, v0  }
0x26: {  	v0 =	vsel vm0, v1, v0;
	v1 =	vld [tilespmem:$0x200]  }
0x27: {  	vm1 =	vgt.f32 v2, v0  }
0x28: {  	v2 =	vsel vm1, v2, v0  }
0x29: {  	v0 =	vimm.s32 $0x0;
	vm2 =	vgt.f32 v3, v2  }
0x2a: {  	v4 =	vsel vm0, $0x1, v0;
	v2 =	vsel vm2, v3, v2  }
0x2b: {  	v3 =	vsel vm1, $0x2, v4;
	vm13 =	vgt.f32 v1, v2  }
0x2c: {  	v2 =	vsel vm2, $0x3, v3;
	vm0 =	vmneg vm13  }
0x2d: {  	v1 =	vimm.f32 $1.000000000e+00;
	v3 =	vnsel vm0, $0x4, v2  }
0x2e: {  	v2 =	vimm.f32 $0.0e+00;
	v62 =	vsel vm0, $0x0, v1;
	[tilespmem:$0x800] =	vst v3;
	vm14 =	veq.s32 v3, $0x2  }
0x2f: {  	vm3 =	veq.s32 v3, $0x0;
	[tilespmem:$0x600] =	vst v62;
	v5 =	vsel vm14, $0x3F800000, v2  }
0x30: {  	vm15 =	veq.s32 v3, $0x1;
	v3 =	vsel vm3, $0x3F800000, v2;
	[tilespmem:$0x500] =	vst v5  }
0x31: {  	vm0 =	vmand vm2, vm0;
	v63 =	vsel vm15, $0x3F800000, v2;
	[tilespmem:$0x400] =	vst v3  }
0x32: {  	v3 =	vsel vm0, $0x3F800000, v2;
	[tilespmem:$0x480] =	vst v63  }
0x33: {  	s14 =	simm.s32 $0x800;
	s13 =	sadd.s32 s13, s15;
	[tilespmem:$0x580] =	vst v3  }
0x34: {  	[hbm4b:s13+s2] =	stream.linear.scatter [tilespmem:s14], [sflag:$0x1], $0x10, $0x38;
	[tilespmem:$0x880] =	vst v63  }
0x35: {  	_ =	swait.ge [sflag:s3], $0x10  }
0x36: {  	[sflag:s3] =	ssyncset.done $0x0  }
0x37: {  	s16 =	simm.s32 $0x400;
	s15 =	sadd.s32 s23, s15;
	[sflag:s3] =	ssyncadd.s32 $0xFFFFFFF0  }
0x38: {  	[hbm4b:s15+s2] =	stream.linear.scatter [tilespmem:s16], [sflag:$0x1], $0x10, $0x38;
	[tilespmem:$0x880] =	vst v63  }
0x39: {  	_ =	swait.ge [sflag:s3], $0x10  }
0x3a: {  	s18 =	simm.s32 $0x480;
	[sflag:s3] =	ssyncset.done $0x0  }
0x3b: {  	s22 =	ssub.s32 $0x2, s20;
	s17 =	sadd.s32 s23, s17;
	[sflag:s3] =	ssyncadd.s32 $0xFFFFFFF0  }
0x3c: {  	[hbm4b:s17+s2] =	stream.linear.scatter [tilespmem:s18], [sflag:$0x1], $0x10, $0x38;
	[tilespmem:$0x880] =	vst v63  }
0x3d: {  	s25 =	sshrl.u32 s22, $0x1;
	_ =	swait.ge [sflag:s3], $0x10  }
0x3e: {  	s20 =	simm.s32 $0x500;
	s22 =	ssub.s32 s22, s25;
	[sflag:s3] =	ssyncset.done $0x0  }
0x3f: {  	s19 =	sadd.s32 s23, s19;
	s25 =	smax.u32 s22, $0x1;
	[sflag:s3] =	ssyncadd.s32 $0xFFFFFFF0  }
0x40: {  	[hbm4b:s19+s2] =	stream.linear.scatter [tilespmem:s20], [sflag:$0x1], $0x10, $0x38;
	[tilespmem:$0x880] =	vst v63  }
0x41: {  	p0 =	sne.s32 s25, $0x1;
	_ =	swait.ge [sflag:s3], $0x10  }
.Ltmp1:
0x42: {  	[sflag:s3] =	ssyncset.done $0x0;
	(pc) =	sbr.rel @!p0 .LBB2_3-.Ltmp1, $4  }
0x43: {  	s21 =	sadd.s32 s23, s21;
	s22 =	simm.s32 $0x580;
	[sflag:s3] =	ssyncadd.s32 $0xFFFFFFF0  }
0x44: {  	[hbm4b:s21+s2] =	stream.linear.scatter [tilespmem:s22], [sflag:$0x1], $0x10, $0x38;
	[tilespmem:$0x880] =	vst v63  }
0x45: {  	s23 =	sadd.s32 s23, s24;
	_ =	swait.ge [sflag:s3], $0x10  }
0x46: {  	s24 =	simm.s32 $0x600;
	s25 =	sadd.s32 $0xFFFFFFFF, s25;
	[sflag:s3] =	ssyncset.done $0x0  }
.LBB2_2:
0x47: {  	p0 =	sne.s32 s25, $0x1;
	s25 =	sadd.s32 $0xFFFFFFFF, s25;
	[sflag:s3] =	ssyncadd.s32 $0xFFFFFFF0  }
0x48: {  	[hbm4b:s23+s2] =	stream.linear.scatter [tilespmem:s24], [sflag:$0x1], $0x10, $0x38;
	[tilespmem:$0x880] =	vst v63  }
0x49: {  	_ =	swait.ge [sflag:s3], $0x10  }
0x4a: {  	[sflag:s3] =	ssyncset.done $0x0  }
0x4b: {  	[sflag:s3] =	ssyncadd.s32 $0xFFFFFFF0  }
0x4c: {  	[tilespmem:s2], [sflag:$0x1] =	stream.linear.gather [hbm4b:s4+s2], $0x10, $0x38;
	[tilespmem:$0x880] =	vst v63  }
0x4d: {  	_ =	swait.ge [sflag:s3], $0x10  }
0x4e: {  	[sflag:s3] =	ssyncset.done $0x0  }
0x4f: {  	[sflag:s3] =	ssyncadd.s32 $0xFFFFFFF0  }
0x50: {  	[tilespmem:s6], [sflag:$0x1] =	stream.linear.gather [hbm4b:s5+s2], $0x10, $0x38;
	[tilespmem:$0x880] =	vst v63  }
0x51: {  	_ =	swait.ge [sflag:s3], $0x10  }
0x52: {  	[sflag:s3] =	ssyncset.done $0x0  }
0x53: {  	[sflag:s3] =	ssyncadd.s32 $0xFFFFFFF0  }
0x54: {  	[tilespmem:s8], [sflag:$0x1] =	stream.linear.gather [hbm4b:s7+s2], $0x10, $0x38;
	[tilespmem:$0x880] =	vst v63  }
0x55: {  	_ =	swait.ge [sflag:s3], $0x10  }
0x56: {  	[sflag:s3] =	ssyncset.done $0x0  }
0x57: {  	[sflag:s3] =	ssyncadd.s32 $0xFFFFFFF0  }
0x58: {  	[tilespmem:s10], [sflag:$0x1] =	stream.linear.gather [hbm4b:s9+s2], $0x10, $0x38;
	[tilespmem:$0x880] =	vst v63  }
0x59: {  	_ =	swait.ge [sflag:s3], $0x10  }
0x5a: {  	[sflag:s3] =	ssyncset.done $0x0  }
0x5b: {  	[sflag:s3] =	ssyncadd.s32 $0xFFFFFFF0  }
0x5c: {  	[tilespmem:s12], [sflag:$0x1] =	stream.linear.gather [hbm4b:s11+s2], $0x10, $0x38;
	[tilespmem:$0x880] =	vst v63  }
0x5d: {  	_ =	swait.ge [sflag:s3], $0x10  }
0x5e: {  	[sflag:s3] =	ssyncset.done $0x0  }
0x5f: {  	[sflag:s3] =	ssyncadd.s32 $0xFFFFFFF0  }
0x60: {  	v3 =	vld [tilespmem:$0x0]  }
0x61: {  	v4 =	vld [tilespmem:$0x80];
	_ =	sdelay $0x1  }
0x62: {  	v5 =	vld [tilespmem:$0x100];
	_ =	sdelay $0x1  }
0x63: {  	v6 =	vld [tilespmem:$0x180]  }
0x64: {  	vm0 =	vgt.f32 v4, v3  }
0x65: {  	v3 =	vsel vm0, v4, v3;
	v4 =	vld [tilespmem:$0x200]  }
0x66: {  	vm1 =	vgt.f32 v5, v3  }
0x67: {  	v3 =	vsel vm1, v5, v3  }
0x68: {  	v5 =	vsel vm0, $0x1, v0;
	vm0 =	vgt.f32 v6, v3  }
0x69: {  	v5 =	vsel vm1, $0x2, v5;
	v3 =	vsel vm0, v6, v3  }
0x6a: {  	v5 =	vsel vm0, $0x3, v5;
	vm1 =	vgt.f32 v4, v3  }
0x6b: {  	vm1 =	vmneg vm1  }
0x6c: {  	v3 =	vnsel vm1, $0x4, v5;
	vm0 =	vmand vm0, vm1;
	v4 =	vsel vm1, $0x0, v1  }
0x6d: {  	[tilespmem:$0x800] =	vst v3;
	vm1 =	veq.s32 v3, $0x0;
	vm2 =	veq.s32 v3, $0x1;
	vm3 =	veq.s32 v3, $0x2  }
0x6e: {  	v3 =	vsel vm1, $0x3F800000, v2;
	v5 =	vsel vm2, $0x3F800000, v2;
	v6 =	vsel vm3, $0x3F800000, v2;
	[tilespmem:$0x600] =	vst v4  }
0x6f: {  	v4 =	vsel vm0, $0x3F800000, v2;
	[tilespmem:$0x500] =	vst v6  }
0x70: {  	[tilespmem:$0x400] =	vst v3  }
0x71: {  	[tilespmem:$0x480] =	vst v5  }
0x72: {  	[tilespmem:$0x580] =	vst v4  }
0x73: {  	[hbm4b:s13+s2] =	stream.linear.scatter [tilespmem:s14], [sflag:$0x1], $0x10, $0x38;
	[tilespmem:$0x880] =	vst v63  }
0x74: {  	_ =	swait.ge [sflag:s3], $0x10  }
0x75: {  	[sflag:s3] =	ssyncset.done $0x0  }
0x76: {  	[sflag:s3] =	ssyncadd.s32 $0xFFFFFFF0  }
0x77: {  	[hbm4b:s15+s2] =	stream.linear.scatter [tilespmem:s16], [sflag:$0x1], $0x10, $0x38;
	[tilespmem:$0x880] =	vst v63  }
0x78: {  	_ =	swait.ge [sflag:s3], $0x10  }
0x79: {  	[sflag:s3] =	ssyncset.done $0x0  }
0x7a: {  	[sflag:s3] =	ssyncadd.s32 $0xFFFFFFF0  }
0x7b: {  	[hbm4b:s17+s2] =	stream.linear.scatter [tilespmem:s18], [sflag:$0x1], $0x10, $0x38;
	[tilespmem:$0x880] =	vst v63  }
0x7c: {  	_ =	swait.ge [sflag:s3], $0x10  }
0x7d: {  	[sflag:s3] =	ssyncset.done $0x0  }
0x7e: {  	[sflag:s3] =	ssyncadd.s32 $0xFFFFFFF0  }
0x7f: {  	[hbm4b:s19+s2] =	stream.linear.scatter [tilespmem:s20], [sflag:$0x1], $0x10, $0x38;
	[tilespmem:$0x880] =	vst v63  }
0x80: {  	_ =	swait.ge [sflag:s3], $0x10  }
.Ltmp2:
0x81: {  	[sflag:s3] =	ssyncset.done $0x0;
	(pc) =	sbr.rel @p0 .LBB2_2-.Ltmp2, $4  }
0x82: {  	[sflag:s3] =	ssyncadd.s32 $0xFFFFFFF0  }
0x83: {  	[hbm4b:s21+s2] =	stream.linear.scatter [tilespmem:s22], [sflag:$0x1], $0x10, $0x38;
	[tilespmem:$0x880] =	vst v63  }
0x84: {  	_ =	swait.ge [sflag:s3], $0x10  }
0x85: {  	[sflag:s3] =	ssyncset.done $0x0  }
.LBB2_3:
0x86: {  	[sflag:s3] =	ssyncadd.s32 $0xFFFFFFF0  }
0x87: {  	[hbm4b:s23+s2] =	stream.linear.scatter [tilespmem:s24], [sflag:$0x1], $0x10, $0x38;
	[tilespmem:$0x880] =	vst v63  }
0x88: {  	_ =	swait.ge [sflag:s3], $0x10  }
0x89: {  	[sflag:s3] =	ssyncset.done $0x0  }
0x8a: {  	[sflag:s3] =	ssyncadd.s32 $0xFFFFFFF0  }
.LBB2_4:
0x8b: {  	_ =	sfence.sel $0x180000  }
0x8c: {  	[bflag:$0x0] =	sbarrier.arrive $0xFFFF  }
0x8d: {  	p0 =	sne.s32 s1, $0x0;
	_ =	strace $0x90000047  }
0x8e: {  	s0 =	sadd.s32 @!p0 $0x100000, s0;
	[bflag:$0x2] =	sbarrier.arrive $0xFFFF  }
0x8f: {  	[sflag:s0] =	ssyncadd.tile.s32 @!p0 $0x1;
	_ =	shalt  }
.Lfunc_end2:
_tile_overlayer_lowered:
.L_overlay_start_2:
0x90: {  	(tag) =	ssettag $0x2  }
0x91: {  	s0 =	rddreg [dreg:$0x0];
	s2 =	stileid.u32  }
0x92: {  	s1 =	rddreg [dreg:$0x1];
	p0 =	sne.s32 s2, $0x0  }
0x93: {  	s3 =	rddreg [dreg:$0x2];
	[bflag:$0x3] =	sbarrier.arrive $0xFFFF;
	s2 =	simm.s32 @!p0 $0x1C01  }
0x94: {  	[timem:s3], [sflag:s2] =	dma.local @!p0 [hbm:s0], s1  }
0x95: {  	s0 =	simm.s32 @!p0 $0x1  }
0x96: {  	_ =	swait.ge @!p0 [sflag:s0], s1  }
0x97: {  	s1 =	ssub.s32 @!p0 $0x0, s1;
	[sflag:s0] =	ssyncset.done @!p0 $0x0  }
0x98: {  	[sflag:s0] =	ssyncadd.s32 @!p0 s1  }
0x99: {  	[bflag:$0x3] =	sbarrier.arrive $0xFFFF  }
0x9a: {  	_ =	shalt  }

</sc_bundles>
